<compile_context>
chip_gen: v7x
topology: tpu7x:2x2x1
jax: 0.10.2.dev20260603
libtpu: 0.0.44.dev20260713+nightly
codegen_flags: <defaults>
</compile_context>

<pallas_src>
import functools

import jax
import jax.numpy as jnp
from jax import lax
from jax.experimental import pallas as pl
from jax.experimental.pallas import tpu as pltpu
from jax.experimental.pallas import tpu_sc as plsc

N = 10000
E = 320000
D = 128
DE = 16
NF = 64

NC = 2
NS = 16
NW = NC * NS
EPW = E // NW
CH = 125
NCH = EPW // CH
NPAD = 10112
RPT = NPAD // NS
EW = 32
CHE = 80
NCHE = EPW // CHE

def _sc_spmm_body(src_hbm, dst_hbm, hm_hbm, zer_hbm, out_hbm,
                  src_v, dst_v, gb0, gb1,
                  is0, is1, is2, is3, gs0, gs1, as0, as1, agg_sh):
    c = lax.axis_index("c")
    s = lax.axis_index("s")
    wid = s * NC + c
    pltpu.sync_copy(zer_hbm, agg_sh.at[pl.ds(s * RPT, RPT)])
    pltpu.sync_copy(dst_hbm.at[wid], dst_v)
    pltpu.sync_copy(src_hbm.at[wid, pl.ds(0, 3)], src_v.at[pl.ds(0, 3)])
    plsc.subcore_barrier()

    gbufs = [gb0, gb1]
    gsems = [gs0, gs1]
    asems = [as0, as1]
    isems = [is0, is1, is2, is3]

    pltpu.async_copy(hm_hbm.at[src_v.at[0]], gbufs[0], gsems[0])

    def rnd(r, carry):
        i0 = r * 4
        for b in range(4):
            ch = i0 + b
            b2 = b % 2
            pltpu.make_async_copy(hm_hbm.at[src_v.at[b]], gbufs[b2],
                                  gsems[b2]).wait()
            pltpu.async_copy(gbufs[b2], agg_sh.at[dst_v.at[ch]],
                             asems[b2], add=True)

            @pl.when(ch + 3 < NCH)
            def _():
                pltpu.async_copy(src_hbm.at[wid].at[ch + 3],
                                 src_v.at[(b + 3) % 4], isems[(b + 3) % 4])

            @pl.when(ch + 1 < NCH)
            def _():
                @pl.when(ch >= 1)
                def _():
                    pltpu.make_async_copy(
                        gbufs[1 - b2], agg_sh.at[dst_v.at[0]],
                        asems[1 - b2]).wait()

                @pl.when(ch + 1 >= 3)
                def _():
                    pltpu.make_async_copy(
                        src_hbm.at[wid].at[0], src_v.at[(b + 1) % 4],
                        isems[(b + 1) % 4]).wait()
                pltpu.async_copy(hm_hbm.at[src_v.at[(b + 1) % 4]],
                                 gbufs[1 - b2], gsems[1 - b2])
        return carry

    lax.fori_loop(0, NCH // 4, rnd, 0, unroll=False)
    for b2 in range(2):
        pltpu.make_async_copy(gbufs[b2], agg_sh.at[dst_v.at[0]],
                              asems[b2]).wait()
    plsc.subcore_barrier()
    pltpu.sync_copy(agg_sh.at[pl.ds(s * RPT, RPT)],
                    out_hbm.at[c].at[pl.ds(s * RPT, RPT)])


def _sc_eagg_body(dst_hbm, ea_hbm, zer_hbm, out_hbm,
                  dst_v, pbuf0, pbuf1, sem0, sem1, agg_sh):
    c = lax.axis_index("c")
    s = lax.axis_index("s")
    wid = s * NC + c
    pltpu.sync_copy(zer_hbm, agg_sh.at[pl.ds(s * RPT, RPT)])
    pltpu.sync_copy(dst_hbm.at[wid], dst_v)
    plsc.subcore_barrier()

    pltpu.async_copy(ea_hbm.at[wid].at[pl.ds(0, CHE)], pbuf0, sem0)
    npair = (NCHE - 1) // 2

    def pair(i, carry):
        a = 2 * i
        pltpu.async_copy(ea_hbm.at[wid].at[pl.ds((a + 1) * CHE, CHE)],
                         pbuf1, sem1)
        pltpu.make_async_copy(ea_hbm.at[wid].at[pl.ds(a * CHE, CHE)],
                              pbuf0, sem0).wait()
        pltpu.sync_copy(pbuf0, agg_sh.at[dst_v.at[a]], add=True)

        pltpu.async_copy(ea_hbm.at[wid].at[pl.ds((a + 2) * CHE, CHE)],
                         pbuf0, sem0)

        pltpu.make_async_copy(ea_hbm.at[wid].at[pl.ds((a + 1) * CHE, CHE)],
                              pbuf1, sem1).wait()
        pltpu.sync_copy(pbuf1, agg_sh.at[dst_v.at[a + 1]], add=True)
        return carry

    lax.fori_loop(0, npair, pair, 0, unroll=False)
    pltpu.make_async_copy(ea_hbm.at[wid].at[pl.ds((NCHE - 1) * CHE, CHE)],
                          pbuf0, sem0).wait()
    pltpu.sync_copy(pbuf0, agg_sh.at[dst_v.at[NCHE - 1]], add=True)
    plsc.subcore_barrier()
    pltpu.sync_copy(agg_sh.at[pl.ds(s * RPT, RPT)],
                    out_hbm.at[c].at[pl.ds(s * RPT, RPT)])


@functools.lru_cache(maxsize=None)
def _sc_kernels():
    mesh = plsc.VectorSubcoreMesh(core_axis_name="c", subcore_axis_name="s")
    spmm = pl.kernel(
        _sc_spmm_body,
        out_type=jax.ShapeDtypeStruct((NC, NPAD, D), jnp.float32),
        mesh=mesh,
        scratch_types=[
            pltpu.VMEM((4, CH), jnp.int32),
            pltpu.VMEM((NCH, CH), jnp.int32),
            pltpu.VMEM((CH, D), jnp.float32),
            pltpu.VMEM((CH, D), jnp.float32),
            pltpu.SemaphoreType.DMA,
            pltpu.SemaphoreType.DMA,
            pltpu.SemaphoreType.DMA,
            pltpu.SemaphoreType.DMA,
            pltpu.SemaphoreType.DMA,
            pltpu.SemaphoreType.DMA,
            pltpu.SemaphoreType.DMA,
            pltpu.SemaphoreType.DMA,
            pltpu.VMEM_SHARED((NPAD, D), jnp.float32),
        ],
    )
    eagg = pl.kernel(
        _sc_eagg_body,
        out_type=jax.ShapeDtypeStruct((NC, NPAD, EW), jnp.float32),
        mesh=mesh,
        scratch_types=[
            pltpu.VMEM((NCHE, CHE), jnp.int32),
            pltpu.VMEM((CHE, EW), jnp.float32),
            pltpu.VMEM((CHE, EW), jnp.float32),
            pltpu.SemaphoreType.DMA,
            pltpu.SemaphoreType.DMA,
            pltpu.VMEM_SHARED((NPAD, EW), jnp.float32),
        ],
    )
    return spmm, eagg


def _sc_spmm(src_r, dst_r, hm, zer_d):
    return _sc_kernels()[0](src_r, dst_r, hm, zer_d)


def _sc_eagg(dst_e, ea_ext, zer_e):
    return _sc_kernels()[1](dst_e, ea_ext, zer_e)


def _pad_body(x_ref, o_ref):
    x = x_ref[...]
    o_ref[...] = jnp.concatenate(
        [x,
         jnp.ones(x.shape[:-1] + (1,), jnp.float32),
         jnp.zeros(x.shape[:-1] + (EW - DE - 1,), jnp.float32)], axis=-1)


def _tc_pad(ea):
    return pl.pallas_call(
        _pad_body,
        grid=(NW,),
        in_specs=[pl.BlockSpec((1, EPW, DE), lambda i: (i, 0, 0))],
        out_specs=pl.BlockSpec((1, EPW, EW), lambda i: (i, 0, 0)),
        out_shape=jax.ShapeDtypeStruct((NW, EPW, EW), jnp.float32),
    )(ea)



RB = 1000
NB = N // RB


def _mm_body(x_ref, w_ref, o_ref):
    o_ref[...] = jnp.dot(x_ref[...], w_ref[...],
                         preferred_element_type=jnp.float32)


def _tc_matmul(x, w):
    m, k = x.shape
    _, n = w.shape
    return pl.pallas_call(
        _mm_body,
        grid=(m // RB,),
        in_specs=[
            pl.BlockSpec((RB, k), lambda i: (i, 0)),
            pl.BlockSpec((k, n), lambda i: (0, 0)),
        ],
        out_specs=pl.BlockSpec((RB, n), lambda i: (i, 0)),
        out_shape=jax.ShapeDtypeStruct((m, n), jnp.float32),
    )(x, w)


def _gru_body(with_next, h_ref, spm_ref, eagg_ref, wext_ref, wih_ref, whh_ref,
              bih_ref, bhh_ref, wnext_ref, hout_ref, hmout_ref):
    h = h_ref[...]
    agg = (spm_ref[0] + spm_ref[1]
           + jnp.dot(eagg_ref[0] + eagg_ref[1], wext_ref[...],
                     preferred_element_type=jnp.float32))
    gi = jnp.dot(agg, wih_ref[...], preferred_element_type=jnp.float32) \
        + bih_ref[...]
    gh = jnp.dot(h, whh_ref[...], preferred_element_type=jnp.float32) \
        + bhh_ref[...]
    r = jax.nn.sigmoid(gi[:, :D] + gh[:, :D])
    z = jax.nn.sigmoid(gi[:, D:2 * D] + gh[:, D:2 * D])
    n = jnp.tanh(gi[:, 2 * D:] + r * gh[:, 2 * D:])
    hn = (1.0 - z) * n + z * h
    hout_ref[...] = hn
    if with_next:
        hmout_ref[...] = jnp.dot(hn, wnext_ref[...],
                                 preferred_element_type=jnp.float32)


def _tc_gru(h, spm, eagg, wext, wih, whh, bih, bhh, wnext):
    with_next = wnext is not None
    if not with_next:
        wnext = jnp.zeros((D, D), jnp.float32)
    out_shapes = [jax.ShapeDtypeStruct((N, D), jnp.float32),
                  jax.ShapeDtypeStruct((N, D), jnp.float32)]
    outs = pl.pallas_call(
        functools.partial(_gru_body, with_next),
        grid=(NB,),
        in_specs=[
            pl.BlockSpec((RB, D), lambda i: (i, 0)),
            pl.BlockSpec((NC, RB, D), lambda i: (0, i, 0)),
            pl.BlockSpec((NC, RB, EW), lambda i: (0, i, 0)),
            pl.BlockSpec((EW, D), lambda i: (0, 0)),
            pl.BlockSpec((D, 3 * D), lambda i: (0, 0)),
            pl.BlockSpec((D, 3 * D), lambda i: (0, 0)),
            pl.BlockSpec((1, 3 * D), lambda i: (0, 0)),
            pl.BlockSpec((1, 3 * D), lambda i: (0, 0)),
            pl.BlockSpec((D, D), lambda i: (0, 0)),
        ],
        out_specs=[pl.BlockSpec((RB, D), lambda i: (i, 0)),
                   pl.BlockSpec((RB, D), lambda i: (i, 0))],
        out_shape=out_shapes,
    )(h, spm, eagg, wext, wih, whh, bih, bhh, wnext)
    return outs


def _readout_body(h_ref, wg_ref, bg_ref, wp_ref, bp_ref, lat_ref,
                  fc1_ref, fc1b_ref, fc2_ref, fc2b_ref, out_ref, acc_ref):
    i = pl.program_id(0)
    h = h_ref[...]
    gate = jax.nn.sigmoid(
        jnp.dot(h, wg_ref[...], preferred_element_type=jnp.float32)
        + bg_ref[...])
    proj = jnp.tanh(
        jnp.dot(h, wp_ref[...], preferred_element_type=jnp.float32)
        + bp_ref[...])
    part = jnp.sum(gate * proj, axis=0, keepdims=True)

    @pl.when(i == 0)
    def _():
        acc_ref[...] = part

    @pl.when(i > 0)
    def _():
        acc_ref[...] += part

    @pl.when(i == pl.num_programs(0) - 1)
    def _():
        cat = jnp.concatenate([acc_ref[...], lat_ref[...]], axis=1)
        hid = jax.nn.relu(
            jnp.dot(cat, fc1_ref[...], preferred_element_type=jnp.float32)
            + fc1b_ref[...])
        logits = jnp.dot(hid, fc2_ref[...],
                         preferred_element_type=jnp.float32) + fc2b_ref[...]
        out_ref[...] = jax.nn.softmax(logits, axis=-1)


def _tc_readout(h, wg, bg, wp, bp, lat, fc1w, fc1b, fc2w, fc2b):
    return pl.pallas_call(
        _readout_body,
        grid=(NB,),
        in_specs=[
            pl.BlockSpec((RB, D), lambda i: (i, 0)),
            pl.BlockSpec((D, D), lambda i: (0, 0)),
            pl.BlockSpec((1, D), lambda i: (0, 0)),
            pl.BlockSpec((D, D), lambda i: (0, 0)),
            pl.BlockSpec((1, D), lambda i: (0, 0)),
            pl.BlockSpec((1, D), lambda i: (0, 0)),
            pl.BlockSpec((2 * D, D), lambda i: (0, 0)),
            pl.BlockSpec((1, D), lambda i: (0, 0)),
            pl.BlockSpec((D, NF), lambda i: (0, 0)),
            pl.BlockSpec((1, NF), lambda i: (0, 0)),
        ],
        out_specs=pl.BlockSpec((1, NF), lambda i: (0, 0)),
        out_shape=jax.ShapeDtypeStruct((1, NF), jnp.float32),
        scratch_shapes=[pltpu.VMEM((1, D), jnp.float32)],
    )(h, wg, bg, wp, bp, lat, fc1w, fc1b, fc2w, fc2b)


def kernel(x, edge_index, edge_attr, latent_vector, Wm, bm, Wih, Whh, bih,
           bhh, gWm, gbm, gWih, gWhh, gbih, gbhh, Wg, bg, Wp, bp, fc1_W,
           fc1_b, fc2_W, fc2_b):
    src_r = edge_index[0].reshape(NW, NCH, CH)
    dst_r = edge_index[1].reshape(NW, NCH, CH)
    dst_e = edge_index[1].reshape(NW, NCHE, CHE)
    ea_w = edge_attr.reshape(NW, EPW, DE)
    zer_d = jnp.zeros((RPT, D), jnp.float32)
    zer_e = jnp.zeros((RPT, EW), jnp.float32)

    WmA = [Wm[0, :D], Wm[1, :D], gWm[0, :D], gWm[1, :D]]
    pad = jnp.zeros((EW - DE - 1, D), jnp.float32)
    Wext = [jnp.concatenate([Wm[0, D:], bm[0][None], pad], 0),
            jnp.concatenate([Wm[1, D:], bm[1][None], pad], 0),
            jnp.concatenate([gWm[0, D:], gbm[0][None], pad], 0),
            jnp.concatenate([gWm[1, D:], gbm[1][None], pad], 0)]
    WihL = [Wih[0], Wih[1], gWih[0], gWih[1]]
    WhhL = [Whh[0], Whh[1], gWhh[0], gWhh[1]]
    bihL = [bih[0][None], bih[1][None], gbih[0][None], gbih[1][None]]
    bhhL = [bhh[0][None], bhh[1][None], gbhh[0][None], gbhh[1][None]]

    ea_ext = jnp.concatenate(
        [ea_w, jnp.ones((NW, EPW, 1), jnp.float32),
         jnp.zeros((NW, EPW, EW - DE - 1), jnp.float32)], axis=2)
    eagg = _sc_eagg(dst_e, ea_ext, zer_e)

    h = x
    hm = _tc_matmul(x, WmA[0])
    for l in range(4):
        spm = _sc_spmm(src_r, dst_r, hm, zer_d)
        wnext = WmA[l + 1] if l < 3 else None
        h, hm = _tc_gru(h, spm, eagg, Wext[l], WihL[l], WhhL[l],
                        bihL[l], bhhL[l], wnext)

    return _tc_readout(h, Wg, bg[None], Wp, bp[None], latent_vector,
                       fc1_W, fc1_b[None], fc2_W, fc2_b[None])

# --- scband reference (transcript-rebuilt; emitter-appended) ---
"""Pipeline reference for scband-add-node-5884105196031 (READ-ONLY COPY).

The authoritative reference and input builder live on the scoring server;
editing this copy changes nothing except your own understanding.
"""

import jax, jax.numpy as jnp
import numpy as np

N = 10000
E = 320000
D = 128
DE = 16
NF = 64
L = 2


def setup_inputs(seed: int = 0):
    key = jax.random.key(seed)
    ks = [jax.random.fold_in(key, i) for i in range(20)]
    s = 0.05
    inp = {}
    inp['x'] = jax.random.normal(ks[0], (N, D), dtype=jnp.float32)
    inp['edge_index'] = jax.random.randint(ks[1], (2, E), 0, N, dtype=jnp.int32)
    inp['edge_attr'] = jax.random.normal(ks[2], (E, DE), dtype=jnp.float32)
    inp['latent_vector'] = jax.random.normal(ks[3], (1, D), dtype=jnp.float32)
    inp['Wm'] = jax.random.normal(ks[4], (L, D + DE, D), dtype=jnp.float32) * s
    inp['bm'] = jnp.zeros((L, D), dtype=jnp.float32)
    inp['Wih'] = jax.random.normal(ks[5], (L, D, 3 * D), dtype=jnp.float32) * s
    inp['Whh'] = jax.random.normal(ks[6], (L, D, 3 * D), dtype=jnp.float32) * s
    inp['bih'] = jnp.zeros((L, 3 * D), dtype=jnp.float32)
    inp['bhh'] = jnp.zeros((L, 3 * D), dtype=jnp.float32)
    inp['gWm'] = jax.random.normal(ks[7], (L, D + DE, D), dtype=jnp.float32) * s
    inp['gbm'] = jnp.zeros((L, D), dtype=jnp.float32)
    inp['gWih'] = jax.random.normal(ks[8], (L, D, 3 * D), dtype=jnp.float32) * s
    inp['gWhh'] = jax.random.normal(ks[9], (L, D, 3 * D), dtype=jnp.float32) * s
    inp['gbih'] = jnp.zeros((L, 3 * D), dtype=jnp.float32)
    inp['gbhh'] = jnp.zeros((L, 3 * D), dtype=jnp.float32)
    inp['Wg'] = jax.random.normal(ks[10], (D, D), dtype=jnp.float32) * s
    inp['bg'] = jnp.zeros((D,), dtype=jnp.float32)
    inp['Wp'] = jax.random.normal(ks[11], (D, D), dtype=jnp.float32) * s
    inp['bp'] = jnp.zeros((D,), dtype=jnp.float32)
    inp['fc1_W'] = jax.random.normal(ks[12], (2 * D, D), dtype=jnp.float32) * s
    inp['fc1_b'] = jnp.zeros((D,), dtype=jnp.float32)
    inp['fc2_W'] = jax.random.normal(ks[13], (D, NF), dtype=jnp.float32) * s
    inp['fc2_b'] = jnp.zeros((NF,), dtype=jnp.float32)
    return inp


def _ggnn_layer(h, edge_attr, src, dst, Wm, bm, Wih, Whh, bih, bhh):
    m_in = jnp.concatenate([h[src], edge_attr], axis=-1)
    m = m_in @ Wm + bm
    agg = jax.ops.segment_sum(m, dst, num_segments=h.shape[0])
    gi = agg @ Wih + bih
    gh = h @ Whh + bhh
    i_r, i_z, i_n = jnp.split(gi, 3, axis=-1)
    h_r, h_z, h_n = jnp.split(gh, 3, axis=-1)
    r = jax.nn.sigmoid(i_r + h_r)
    z = jax.nn.sigmoid(i_z + h_z)
    n = jnp.tanh(i_n + r * h_n)
    return (1.0 - z) * n + z * h


def reference(x, edge_index, edge_attr, latent_vector, Wm, bm, Wih, Whh, bih, bhh, gWm, gbm, gWih, gWhh, gbih, gbhh, Wg, bg, Wp, bp, fc1_W, fc1_b, fc2_W, fc2_b):
    src = edge_index[0]
    dst = edge_index[1]
    h = x
    for l in range(L):
        h = _ggnn_layer(h, edge_attr, src, dst, Wm[l], bm[l], Wih[l], Whh[l], bih[l], bhh[l])
    hg = h
    for l in range(L):
        hg = _ggnn_layer(hg, edge_attr, src, dst, gWm[l], gbm[l], gWih[l], gWhh[l], gbih[l], gbhh[l])
    gate = jax.nn.sigmoid(hg @ Wg + bg)
    proj = jnp.tanh(hg @ Wp + bp)
    graph_vector = jnp.sum(gate * proj, axis=0, keepdims=True)
    cat = jnp.concatenate([graph_vector, latent_vector], axis=-1)
    hid = jax.nn.relu(cat @ fc1_W + fc1_b)
    new_node = hid @ fc2_W + fc2_b
    return jax.nn.softmax(new_node, axis=-1)

if __name__ == "__main__":
    import jax
    _d = setup_inputs()
    print(jax.jit(kernel)(*tuple(_d.values())))

</pallas_src>

<mosaic_0001>
#map = affine_map<(d0, d1) -> (0, 0, 0)>
#map1 = affine_map<(d0, d1) -> (0, 0)>
module attributes {stable_mosaic.version = 14 : i64} {
  func.func @_sc_spmm_body(%arg0: i32, %arg1: i32, %arg2: memref<32x80x125xi32, #tpu.memory_space<hbm>>, %arg3: memref<32x80x125xi32, #tpu.memory_space<hbm>>, %arg4: memref<10000x128xf32, #tpu.memory_space<hbm>>, %arg5: memref<632x128xf32, #tpu.memory_space<hbm>>, %arg6: memref<2x10112x128xf32, #tpu.memory_space<hbm>>, %arg7: memref<4x125xi32, #tpu.memory_space<vmem>>, %arg8: memref<80x125xi32, #tpu.memory_space<vmem>>, %arg9: memref<125x128xf32, #tpu.memory_space<vmem>>, %arg10: memref<125x128xf32, #tpu.memory_space<vmem>>, %arg11: memref<!tpu.dma_semaphore, #tpu.memory_space<semaphore_mem>>, %arg12: memref<!tpu.dma_semaphore, #tpu.memory_space<semaphore_mem>>, %arg13: memref<!tpu.dma_semaphore, #tpu.memory_space<semaphore_mem>>, %arg14: memref<!tpu.dma_semaphore, #tpu.memory_space<semaphore_mem>>, %arg15: memref<!tpu.dma_semaphore, #tpu.memory_space<semaphore_mem>>, %arg16: memref<!tpu.dma_semaphore, #tpu.memory_space<semaphore_mem>>, %arg17: memref<!tpu.dma_semaphore, #tpu.memory_space<semaphore_mem>>, %arg18: memref<!tpu.dma_semaphore, #tpu.memory_space<semaphore_mem>>, %arg19: memref<10112x128xf32, #tpu.memory_space<vmem_shared>>) attributes {dimension_semantics = [#tpu.dimension_semantics<core_parallel>, #tpu.dimension_semantics<subcore_parallel>], iteration_bounds = array<i64: 2, 16>, scalar_prefetch = 0 : i64, scratch_operands = 13 : i64, tpu.core_type = #tpu.core_type<sc_vector_subcore>, window_params = [{transform_indices = #map}, {transform_indices = #map}, {transform_indices = #map1}, {transform_indices = #map1}, {transform_indices = #map}]} {
    %mul3A = arith.constant 2 : i32
    %mul3A_0 = arith.muli %arg1, %mul3A : i32
    %add3A = arith.addi %mul3A_0, %arg0 : i32
    %mul3A_1 = arith.constant 632 : i32
    %mul3A_2 = arith.muli %arg1, %mul3A_1 : i32
    "tpu.region"() ({
      %run_scoped3A = tpu.sem_alloc : memref<!tpu.dma_semaphore, #tpu.memory_space<semaphore_mem>>
      %dma_start3A_32 = arith.constant 0 : i32
      %dma_start3A_33 = tpu.memref_slice %arg19[%mul3A_2, %dma_start3A_32] : memref<10112x128xf32, #tpu.memory_space<vmem_shared>> -> memref<632x128xf32, #tpu.memory_space<vmem_shared>>
      tpu.enqueue_dma source(%arg5 : memref<632x128xf32, #tpu.memory_space<hbm>>) target(%dma_start3A_33 : memref<632x128xf32, #tpu.memory_space<vmem_shared>>) target_semaphore(%run_scoped3A : memref<!tpu.dma_semaphore, #tpu.memory_space<semaphore_mem>>)
      %dma_wait3A_34 = arith.constant 0 : i32
      %dma_wait3A_35 = tpu.memref_slice %arg19[%mul3A_2, %dma_wait3A_34] : memref<10112x128xf32, #tpu.memory_space<vmem_shared>> -> memref<632x128xf32, #tpu.memory_space<vmem_shared>>
      tpu.wait_dma2 semaphore(%run_scoped3A : memref<!tpu.dma_semaphore, #tpu.memory_space<semaphore_mem>>) src(%arg5 : memref<632x128xf32, #tpu.memory_space<hbm>>) dst(%dma_wait3A_35 : memref<632x128xf32, #tpu.memory_space<vmem_shared>>)
      tpu.yield
    }) : () -> ()
    "tpu.region"() ({
      %run_scoped3A = tpu.sem_alloc : memref<!tpu.dma_semaphore, #tpu.memory_space<semaphore_mem>>
      %dma_start3A_32 = arith.constant 0 : i32
      %dma_start3A_33 = arith.constant 0 : i32
      %dma_start3A_34 = tpu.memref_slice %arg3[%add3A, %dma_start3A_32, %dma_start3A_33] : memref<32x80x125xi32, #tpu.memory_space<hbm>> -> memref<1x80x125xi32, #tpu.memory_space<hbm>>
      %dma_start3A_35 = tpu.memref_squeeze %dma_start3A_34 : memref<1x80x125xi32, #tpu.memory_space<hbm>> -> memref<80x125xi32, #tpu.memory_space<hbm>>
      %dma_start3A_36 = arith.constant 0 : i32
      %dma_start3A_37 = arith.constant 0 : i32
      %dma_start3A_38 = tpu.memref_slice %arg3[%add3A, %dma_start3A_36, %dma_start3A_37] : memref<32x80x125xi32, #tpu.memory_space<hbm>> -> memref<1x80x125xi32, #tpu.memory_space<hbm>>
      %dma_start3A_39 = tpu.memref_squeeze %dma_start3A_38 : memref<1x80x125xi32, #tpu.memory_space<hbm>> -> memref<80x125xi32, #tpu.memory_space<hbm>>
      tpu.enqueue_dma source(%dma_start3A_39 : memref<80x125xi32, #tpu.memory_space<hbm>>) target(%arg8 : memref<80x125xi32, #tpu.memory_space<vmem>>) target_semaphore(%run_scoped3A : memref<!tpu.dma_semaphore, #tpu.memory_space<semaphore_mem>>)
      %dma_wait3A_40 = arith.constant 0 : i32
      %dma_wait3A_41 = arith.constant 0 : i32
      %dma_wait3A_42 = tpu.memref_slice %arg3[%add3A, %dma_wait3A_40, %dma_wait3A_41] : memref<32x80x125xi32, #tpu.memory_space<hbm>> -> memref<1x80x125xi32, #tpu.memory_space<hbm>>
      %dma_wait3A_43 = tpu.memref_squeeze %dma_wait3A_42 : memref<1x80x125xi32, #tpu.memory_space<hbm>> -> memref<80x125xi32, #tpu.memory_space<hbm>>
      %dma_wait3A_44 = arith.constant 0 : i32
      %dma_wait3A_45 = arith.constant 0 : i32
      %dma_wait3A_46 = tpu.memref_slice %arg3[%add3A, %dma_wait3A_44, %dma_wait3A_45] : memref<32x80x125xi32, #tpu.memory_space<hbm>> -> memref<1x80x125xi32, #tpu.memory_space<hbm>>
      %dma_wait3A_47 = tpu.memref_squeeze %dma_wait3A_46 : memref<1x80x125xi32, #tpu.memory_space<hbm>> -> memref<80x125xi32, #tpu.memory_space<hbm>>
      tpu.wait_dma2 semaphore(%run_scoped3A : memref<!tpu.dma_semaphore, #tpu.memory_space<semaphore_mem>>) src(%dma_wait3A_47 : memref<80x125xi32, #tpu.memory_space<hbm>>) dst(%arg8 : memref<80x125xi32, #tpu.memory_space<vmem>>)
      tpu.yield
    }) : () -> ()
    "tpu.region"() ({
      %run_scoped3A = tpu.sem_alloc : memref<!tpu.dma_semaphore, #tpu.memory_space<semaphore_mem>>
      %dma_start3A_32 = arith.constant 0 : i32
      %dma_start3A_33 = arith.constant 0 : i32
      %dma_start3A_34 = tpu.memref_slice %arg7[%dma_start3A_32, %dma_start3A_33] : memref<4x125xi32, #tpu.memory_space<vmem>> -> memref<3x125xi32, #tpu.memory_space<vmem>>
      %dma_start3A_35 = arith.constant 0 : i32
      %dma_start3A_36 = arith.constant 0 : i32
      %dma_start3A_37 = tpu.memref_slice %arg2[%add3A, %dma_start3A_35, %dma_start3A_36] : memref<32x80x125xi32, #tpu.memory_space<hbm>> -> memref<1x3x125xi32, #tpu.memory_space<hbm>>
      %dma_start3A_38 = tpu.memref_squeeze %dma_start3A_37 : memref<1x3x125xi32, #tpu.memory_space<hbm>> -> memref<3x125xi32, #tpu.memory_space<hbm>>
      %dma_start3A_39 = arith.constant 0 : i32
      %dma_start3A_40 = arith.constant 0 : i32
      %dma_start3A_41 = tpu.memref_slice %arg7[%dma_start3A_39, %dma_start3A_40] : memref<4x125xi32, #tpu.memory_space<vmem>> -> memref<3x125xi32, #tpu.memory_space<vmem>>
      %dma_start3A_42 = arith.constant 0 : i32
      %dma_start3A_43 = arith.constant 0 : i32
      %dma_start3A_44 = tpu.memref_slice %arg2[%add3A, %dma_start3A_42, %dma_start3A_43] : memref<32x80x125xi32, #tpu.memory_space<hbm>> -> memref<1x3x125xi32, #tpu.memory_space<hbm>>
      %dma_start3A_45 = tpu.memref_squeeze %dma_start3A_44 : memref<1x3x125xi32, #tpu.memory_space<hbm>> -> memref<3x125xi32, #tpu.memory_space<hbm>>
      tpu.enqueue_dma source(%dma_start3A_45 : memref<3x125xi32, #tpu.memory_space<hbm>>) target(%dma_start3A_41 : memref<3x125xi32, #tpu.memory_space<vmem>>) target_semaphore(%run_scoped3A : memref<!tpu.dma_semaphore, #tpu.memory_space<semaphore_mem>>)
      %dma_wait3A_46 = arith.constant 0 : i32
      %dma_wait3A_47 = arith.constant 0 : i32
      %dma_wait3A_48 = tpu.memref_slice %arg7[%dma_wait3A_46, %dma_wait3A_47] : memref<4x125xi32, #tpu.memory_space<vmem>> -> memref<3x125xi32, #tpu.memory_space<vmem>>
      %dma_wait3A_49 = arith.constant 0 : i32
      %dma_wait3A_50 = arith.constant 0 : i32
      %dma_wait3A_51 = tpu.memref_slice %arg2[%add3A, %dma_wait3A_49, %dma_wait3A_50] : memref<32x80x125xi32, #tpu.memory_space<hbm>> -> memref<1x3x125xi32, #tpu.memory_space<hbm>>
      %dma_wait3A_52 = tpu.memref_squeeze %dma_wait3A_51 : memref<1x3x125xi32, #tpu.memory_space<hbm>> -> memref<3x125xi32, #tpu.memory_space<hbm>>
      %dma_wait3A_53 = arith.constant 0 : i32
      %dma_wait3A_54 = arith.constant 0 : i32
      %dma_wait3A_55 = tpu.memref_slice %arg7[%dma_wait3A_53, %dma_wait3A_54] : memref<4x125xi32, #tpu.memory_space<vmem>> -> memref<3x125xi32, #tpu.memory_space<vmem>>
      %dma_wait3A_56 = arith.constant 0 : i32
      %dma_wait3A_57 = arith.constant 0 : i32
      %dma_wait3A_58 = tpu.memref_slice %arg2[%add3A, %dma_wait3A_56, %dma_wait3A_57] : memref<32x80x125xi32, #tpu.memory_space<hbm>> -> memref<1x3x125xi32, #tpu.memory_space<hbm>>
      %dma_wait3A_59 = tpu.memref_squeeze %dma_wait3A_58 : memref<1x3x125xi32, #tpu.memory_space<hbm>> -> memref<3x125xi32, #tpu.memory_space<hbm>>
      tpu.wait_dma2 semaphore(%run_scoped3A : memref<!tpu.dma_semaphore, #tpu.memory_space<semaphore_mem>>) src(%dma_wait3A_59 : memref<3x125xi32, #tpu.memory_space<hbm>>) dst(%dma_wait3A_55 : memref<3x125xi32, #tpu.memory_space<vmem>>)
      tpu.yield
    }) : () -> ()
    %barrier3A = arith.constant 0 : index
    tpu.barrier barrier_id(%barrier3A)
    %dma_start3A = arith.constant 0 : i32
    %dma_start3A_3 = arith.constant 0 : i32
    %dma_start3A_4 = tpu.memref_slice %arg7[%dma_start3A, %dma_start3A_3] : memref<4x125xi32, #tpu.memory_space<vmem>> -> memref<1x125xi32, #tpu.memory_space<vmem>>
    %dma_start3A_5 = tpu.memref_squeeze %dma_start3A_4 : memref<1x125xi32, #tpu.memory_space<vmem>> -> memref<125xi32, #tpu.memory_space<vmem>>
    %dma_start3A_6 = arith.constant 0 : i32
    %dma_start3A_7 = arith.constant 0 : i32
    %dma_start3A_8 = tpu.memref_slice %arg4[%dma_start3A_6, %dma_start3A_7] : memref<10000x128xf32, #tpu.memory_space<hbm>> -> memref<10000x128xf32, #tpu.memory_space<hbm>>
    tpu.enqueue_indirect_dma source(%dma_start3A_8 : memref<10000x128xf32, #tpu.memory_space<hbm>>) target(%arg9 : memref<125x128xf32, #tpu.memory_space<vmem>>) offsets(%dma_start3A_5 : memref<125xi32, #tpu.memory_space<vmem>>) semaphore(%arg15 : memref<!tpu.dma_semaphore, #tpu.memory_space<semaphore_mem>>)
    %scan3A = arith.constant 0 : i32
    %scan3A_9 = arith.constant 0 : i32
    %scan3A_10 = arith.constant 20 : i32
    %scan3A_11 = arith.addi %scan3A_9, %scan3A_10 : i32
    %scan3A_12 = arith.constant 1 : i32
    scf.for %scan3A_32 = %scan3A_9 to %scan3A_11 step %scan3A_12  : i32 {
      %mul3A_33 = arith.constant 4 : i32
      %mul3A_34 = arith.muli %scan3A_32, %mul3A_33 : i32
      %add3A_35 = arith.constant 0 : i32
      %add3A_36 = arith.addi %mul3A_34, %add3A_35 : i32
      %dma_wait3A_37 = arith.constant 0 : i32
      %dma_wait3A_38 = arith.constant 0 : i32
      %dma_wait3A_39 = tpu.memref_slice %arg7[%dma_wait3A_37, %dma_wait3A_38] : memref<4x125xi32, #tpu.memory_space<vmem>> -> memref<1x125xi32, #tpu.memory_space<vmem>>
      %dma_wait3A_40 = tpu.memref_squeeze %dma_wait3A_39 : memref<1x125xi32, #tpu.memory_space<vmem>> -> memref<125xi32, #tpu.memory_space<vmem>>
      %dma_wait3A_41 = arith.constant 0 : i32
      %dma_wait3A_42 = arith.constant 0 : i32
      %dma_wait3A_43 = tpu.memref_slice %arg4[%dma_wait3A_41, %dma_wait3A_42] : memref<10000x128xf32, #tpu.memory_space<hbm>> -> memref<10000x128xf32, #tpu.memory_space<hbm>>
      tpu.wait_indirect_dma semaphore(%arg15 : memref<!tpu.dma_semaphore, #tpu.memory_space<semaphore_mem>>) src(%dma_wait3A_43 : memref<10000x128xf32, #tpu.memory_space<hbm>>) dst(%arg9 : memref<125x128xf32, #tpu.memory_space<vmem>>)
      %dma_start3A_44 = arith.constant 0 : i32
      %dma_start3A_45 = tpu.memref_slice %arg8[%add3A_36, %dma_start3A_44] : memref<80x125xi32, #tpu.memory_space<vmem>> -> memref<1x125xi32, #tpu.memory_space<vmem>>
      %dma_start3A_46 = tpu.memref_squeeze %dma_start3A_45 : memref<1x125xi32, #tpu.memory_space<vmem>> -> memref<125xi32, #tpu.memory_space<vmem>>
      %dma_start3A_47 = arith.constant 0 : i32
      %dma_start3A_48 = arith.constant 0 : i32
      %dma_start3A_49 = tpu.memref_slice %arg19[%dma_start3A_47, %dma_start3A_48] : memref<10112x128xf32, #tpu.memory_space<vmem_shared>> -> memref<10112x128xf32, #tpu.memory_space<vmem_shared>>
      tpu.enqueue_indirect_dma source(%arg9 : memref<125x128xf32, #tpu.memory_space<vmem>>) target(%dma_start3A_49 : memref<10112x128xf32, #tpu.memory_space<vmem_shared>>) offsets(%dma_start3A_46 : memref<125xi32, #tpu.memory_space<vmem>>) semaphore(%arg17 : memref<!tpu.dma_semaphore, #tpu.memory_space<semaphore_mem>>) {add = true}
      %add3A_50 = arith.constant 3 : i32
      %add3A_51 = arith.addi %add3A_36, %add3A_50 : i32
      %lt3A = arith.constant 80 : i32
      %lt3A_52 = arith.cmpi slt, %add3A_51, %lt3A : i32
      %convert_element_type3A = arith.extui %lt3A_52 : i1 to i32
      %cond3A = arith.constant 0 : i32
      %cond3A_53 = arith.cmpi ne, %convert_element_type3A, %cond3A : i32
      scf.if %cond3A_53 {
        %add3A_148 = arith.constant 3 : i32
        %add3A_149 = arith.addi %add3A_36, %add3A_148 : i32
        %dma_start3A_150 = arith.constant 3 : i32
        %dma_start3A_151 = arith.constant 0 : i32
        %dma_start3A_152 = tpu.memref_slice %arg7[%dma_start3A_150, %dma_start3A_151] : memref<4x125xi32, #tpu.memory_space<vmem>> -> memref<1x125xi32, #tpu.memory_space<vmem>>
        %dma_start3A_153 = tpu.memref_squeeze %dma_start3A_152 : memref<1x125xi32, #tpu.memory_space<vmem>> -> memref<125xi32, #tpu.memory_space<vmem>>
        %dma_start3A_154 = arith.constant 0 : i32
        %dma_start3A_155 = arith.constant 0 : i32
        %dma_start3A_156 = tpu.memref_slice %arg2[%add3A, %dma_start3A_154, %dma_start3A_155] : memref<32x80x125xi32, #tpu.memory_space<hbm>> -> memref<1x80x125xi32, #tpu.memory_space<hbm>>
        %dma_start3A_157 = tpu.memref_squeeze %dma_start3A_156 : memref<1x80x125xi32, #tpu.memory_space<hbm>> -> memref<80x125xi32, #tpu.memory_space<hbm>>
        %dma_start3A_158 = arith.constant 0 : i32
        %dma_start3A_159 = tpu.memref_slice %dma_start3A_157[%add3A_149, %dma_start3A_158] : memref<80x125xi32, #tpu.memory_space<hbm>> -> memref<1x125xi32, #tpu.memory_space<hbm>>
        %dma_start3A_160 = tpu.memref_squeeze %dma_start3A_159 : memref<1x125xi32, #tpu.memory_space<hbm>> -> memref<125xi32, #tpu.memory_space<hbm>>
        %dma_start3A_161 = arith.constant 0 : i32
        %dma_start3A_162 = tpu.memref_slice %arg7[%dma_start3A_150, %dma_start3A_161] : memref<4x125xi32, #tpu.memory_space<vmem>> -> memref<1x125xi32, #tpu.memory_space<vmem>>
        %dma_start3A_163 = tpu.memref_squeeze %dma_start3A_162 : memref<1x125xi32, #tpu.memory_space<vmem>> -> memref<125xi32, #tpu.memory_space<vmem>>
        %dma_start3A_164 = arith.constant 0 : i32
        %dma_start3A_165 = arith.constant 0 : i32
        %dma_start3A_166 = tpu.memref_slice %arg2[%add3A, %dma_start3A_164, %dma_start3A_165] : memref<32x80x125xi32, #tpu.memory_space<hbm>> -> memref<1x80x125xi32, #tpu.memory_space<hbm>>
        %dma_start3A_167 = tpu.memref_squeeze %dma_start3A_166 : memref<1x80x125xi32, #tpu.memory_space<hbm>> -> memref<80x125xi32, #tpu.memory_space<hbm>>
        %dma_start3A_168 = arith.constant 0 : i32
        %dma_start3A_169 = tpu.memref_slice %dma_start3A_167[%add3A_149, %dma_start3A_168] : memref<80x125xi32, #tpu.memory_space<hbm>> -> memref<1x125xi32, #tpu.memory_space<hbm>>
        %dma_start3A_170 = tpu.memref_squeeze %dma_start3A_169 : memref<1x125xi32, #tpu.memory_space<hbm>> -> memref<125xi32, #tpu.memory_space<hbm>>
        tpu.enqueue_dma source(%dma_start3A_170 : memref<125xi32, #tpu.memory_space<hbm>>) target(%dma_start3A_163 : memref<125xi32, #tpu.memory_space<vmem>>) target_semaphore(%arg14 : memref<!tpu.dma_semaphore, #tpu.memory_space<semaphore_mem>>)
      } else {
      }
      %add3A_54 = arith.constant 1 : i32
      %add3A_55 = arith.addi %add3A_36, %add3A_54 : i32
      %lt3A_56 = arith.constant 80 : i32
      %lt3A_57 = arith.cmpi slt, %add3A_55, %lt3A_56 : i32
      %convert_element_type3A_58 = arith.extui %lt3A_57 : i1 to i32
      %cond3A_59 = arith.constant 0 : i32
      %cond3A_60 = arith.cmpi ne, %convert_element_type3A_58, %cond3A_59 : i32
      scf.if %cond3A_60 {
        %ge3A = arith.constant 1 : i32
        %ge3A_148 = arith.cmpi sge, %add3A_36, %ge3A : i32
        %convert_element_type3A_149 = arith.extui %ge3A_148 : i1 to i32
        %cond3A_150 = arith.constant 0 : i32
        %cond3A_151 = arith.cmpi ne, %convert_element_type3A_149, %cond3A_150 : i32
        scf.if %cond3A_151 {
          %dma_wait3A_166 = arith.constant 0 : i32
          %dma_wait3A_167 = arith.constant 0 : i32
          %dma_wait3A_168 = tpu.memref_slice %arg8[%dma_wait3A_166, %dma_wait3A_167] : memref<80x125xi32, #tpu.memory_space<vmem>> -> memref<1x125xi32, #tpu.memory_space<vmem>>
          %dma_wait3A_169 = tpu.memref_squeeze %dma_wait3A_168 : memref<1x125xi32, #tpu.memory_space<vmem>> -> memref<125xi32, #tpu.memory_space<vmem>>
          %dma_wait3A_170 = arith.constant 0 : i32
          %dma_wait3A_171 = arith.constant 0 : i32
          %dma_wait3A_172 = tpu.memref_slice %arg19[%dma_wait3A_170, %dma_wait3A_171] : memref<10112x128xf32, #tpu.memory_space<vmem_shared>> -> memref<10112x128xf32, #tpu.memory_space<vmem_shared>>
          tpu.wait_indirect_dma semaphore(%arg18 : memref<!tpu.dma_semaphore, #tpu.memory_space<semaphore_mem>>) src(%arg10 : memref<125x128xf32, #tpu.memory_space<vmem>>) dst(%dma_wait3A_172 : memref<10112x128xf32, #tpu.memory_space<vmem_shared>>)
        } else {
        }
        %add3A_152 = arith.constant 1 : i32
        %add3A_153 = arith.addi %add3A_36, %add3A_152 : i32
        %ge3A_154 = arith.constant 3 : i32
        %ge3A_155 = arith.cmpi sge, %add3A_153, %ge3A_154 : i32
        %convert_element_type3A_156 = arith.extui %ge3A_155 : i1 to i32
        %cond3A_157 = arith.constant 0 : i32
        %cond3A_158 = arith.cmpi ne, %convert_element_type3A_156, %cond3A_157 : i32
        scf.if %cond3A_158 {
          %dma_wait3A_166 = arith.constant 0 : i32
          %dma_wait3A_167 = arith.constant 1 : i32
          %dma_wait3A_168 = arith.constant 0 : i32
          %dma_wait3A_169 = tpu.memref_slice %arg7[%dma_wait3A_167, %dma_wait3A_168] : memref<4x125xi32, #tpu.memory_space<vmem>> -> memref<1x125xi32, #tpu.memory_space<vmem>>
          %dma_wait3A_170 = tpu.memref_squeeze %dma_wait3A_169 : memref<1x125xi32, #tpu.memory_space<vmem>> -> memref<125xi32, #tpu.memory_space<vmem>>
          %dma_wait3A_171 = arith.constant 0 : i32
          %dma_wait3A_172 = arith.constant 0 : i32
          %dma_wait3A_173 = tpu.memref_slice %arg2[%add3A, %dma_wait3A_171, %dma_wait3A_172] : memref<32x80x125xi32, #tpu.memory_space<hbm>> -> memref<1x80x125xi32, #tpu.memory_space<hbm>>
          %dma_wait3A_174 = tpu.memref_squeeze %dma_wait3A_173 : memref<1x80x125xi32, #tpu.memory_space<hbm>> -> memref<80x125xi32, #tpu.memory_space<hbm>>
          %dma_wait3A_175 = arith.constant 0 : i32
          %dma_wait3A_176 = tpu.memref_slice %dma_wait3A_174[%dma_wait3A_166, %dma_wait3A_175] : memref<80x125xi32, #tpu.memory_space<hbm>> -> memref<1x125xi32, #tpu.memory_space<hbm>>
          %dma_wait3A_177 = tpu.memref_squeeze %dma_wait3A_176 : memref<1x125xi32, #tpu.memory_space<hbm>> -> memref<125xi32, #tpu.memory_space<hbm>>
          %dma_wait3A_178 = arith.constant 0 : i32
          %dma_wait3A_179 = tpu.memref_slice %arg7[%dma_wait3A_167, %dma_wait3A_178] : memref<4x125xi32, #tpu.memory_space<vmem>> -> memref<1x125xi32, #tpu.memory_space<vmem>>
          %dma_wait3A_180 = tpu.memref_squeeze %dma_wait3A_179 : memref<1x125xi32, #tpu.memory_space<vmem>> -> memref<125xi32, #tpu.memory_space<vmem>>
          %dma_wait3A_181 = arith.constant 0 : i32
          %dma_wait3A_182 = arith.constant 0 : i32
          %dma_wait3A_183 = tpu.memref_slice %arg2[%add3A, %dma_wait3A_181, %dma_wait3A_182] : memref<32x80x125xi32, #tpu.memory_space<hbm>> -> memref<1x80x125xi32, #tpu.memory_space<hbm>>
          %dma_wait3A_184 = tpu.memref_squeeze %dma_wait3A_183 : memref<1x80x125xi32, #tpu.memory_space<hbm>> -> memref<80x125xi32, #tpu.memory_space<hbm>>
          %dma_wait3A_185 = arith.constant 0 : i32
          %dma_wait3A_186 = tpu.memref_slice %dma_wait3A_184[%dma_wait3A_166, %dma_wait3A_185] : memref<80x125xi32, #tpu.memory_space<hbm>> -> memref<1x125xi32, #tpu.memory_space<hbm>>
          %dma_wait3A_187 = tpu.memref_squeeze %dma_wait3A_186 : memref<1x125xi32, #tpu.memory_space<hbm>> -> memref<125xi32, #tpu.memory_space<hbm>>
          tpu.wait_dma2 semaphore(%arg12 : memref<!tpu.dma_semaphore, #tpu.memory_space<semaphore_mem>>) src(%dma_wait3A_187 : memref<125xi32, #tpu.memory_space<hbm>>) dst(%dma_wait3A_180 : memref<125xi32, #tpu.memory_space<vmem>>)
        } else {
        }
        %dma_start3A_159 = arith.constant 1 : i32
        %dma_start3A_160 = arith.constant 0 : i32
        %dma_start3A_161 = tpu.memref_slice %arg7[%dma_start3A_159, %dma_start3A_160] : memref<4x125xi32, #tpu.memory_space<vmem>> -> memref<1x125xi32, #tpu.memory_space<vmem>>
        %dma_start3A_162 = tpu.memref_squeeze %dma_start3A_161 : memref<1x125xi32, #tpu.memory_space<vmem>> -> memref<125xi32, #tpu.memory_space<vmem>>
        %dma_start3A_163 = arith.constant 0 : i32
        %dma_start3A_164 = arith.constant 0 : i32
        %dma_start3A_165 = tpu.memref_slice %arg4[%dma_start3A_163, %dma_start3A_164] : memref<10000x128xf32, #tpu.memory_space<hbm>> -> memref<10000x128xf32, #tpu.memory_space<hbm>>
        tpu.enqueue_indirect_dma source(%dma_start3A_165 : memref<10000x128xf32, #tpu.memory_space<hbm>>) target(%arg10 : memref<125x128xf32, #tpu.memory_space<vmem>>) offsets(%dma_start3A_162 : memref<125xi32, #tpu.memory_space<vmem>>) semaphore(%arg16 : memref<!tpu.dma_semaphore, #tpu.memory_space<semaphore_mem>>)
      } else {
      }
      %add3A_61 = arith.constant 1 : i32
      %add3A_62 = arith.addi %mul3A_34, %add3A_61 : i32
      %dma_wait3A_63 = arith.constant 1 : i32
      %dma_wait3A_64 = arith.constant 0 : i32
      %dma_wait3A_65 = tpu.memref_slice %arg7[%dma_wait3A_63, %dma_wait3A_64] : memref<4x125xi32, #tpu.memory_space<vmem>> -> memref<1x125xi32, #tpu.memory_space<vmem>>
      %dma_wait3A_66 = tpu.memref_squeeze %dma_wait3A_65 : memref<1x125xi32, #tpu.memory_space<vmem>> -> memref<125xi32, #tpu.memory_space<vmem>>
      %dma_wait3A_67 = arith.constant 0 : i32
      %dma_wait3A_68 = arith.constant 0 : i32
      %dma_wait3A_69 = tpu.memref_slice %arg4[%dma_wait3A_67, %dma_wait3A_68] : memref<10000x128xf32, #tpu.memory_space<hbm>> -> memref<10000x128xf32, #tpu.memory_space<hbm>>
      tpu.wait_indirect_dma semaphore(%arg16 : memref<!tpu.dma_semaphore, #tpu.memory_space<semaphore_mem>>) src(%dma_wait3A_69 : memref<10000x128xf32, #tpu.memory_space<hbm>>) dst(%arg10 : memref<125x128xf32, #tpu.memory_space<vmem>>)
      %dma_start3A_70 = arith.constant 0 : i32
      %dma_start3A_71 = tpu.memref_slice %arg8[%add3A_62, %dma_start3A_70] : memref<80x125xi32, #tpu.memory_space<vmem>> -> memref<1x125xi32, #tpu.memory_space<vmem>>
      %dma_start3A_72 = tpu.memref_squeeze %dma_start3A_71 : memref<1x125xi32, #tpu.memory_space<vmem>> -> memref<125xi32, #tpu.memory_space<vmem>>
      %dma_start3A_73 = arith.constant 0 : i32
      %dma_start3A_74 = arith.constant 0 : i32
      %dma_start3A_75 = tpu.memref_slice %arg19[%dma_start3A_73, %dma_start3A_74] : memref<10112x128xf32, #tpu.memory_space<vmem_shared>> -> memref<10112x128xf32, #tpu.memory_space<vmem_shared>>
      tpu.enqueue_indirect_dma source(%arg10 : memref<125x128xf32, #tpu.memory_space<vmem>>) target(%dma_start3A_75 : memref<10112x128xf32, #tpu.memory_space<vmem_shared>>) offsets(%dma_start3A_72 : memref<125xi32, #tpu.memory_space<vmem>>) semaphore(%arg18 : memref<!tpu.dma_semaphore, #tpu.memory_space<semaphore_mem>>) {add = true}
      %add3A_76 = arith.constant 3 : i32
      %add3A_77 = arith.addi %add3A_62, %add3A_76 : i32
      %lt3A_78 = arith.constant 80 : i32
      %lt3A_79 = arith.cmpi slt, %add3A_77, %lt3A_78 : i32
      %convert_element_type3A_80 = arith.extui %lt3A_79 : i1 to i32
      %cond3A_81 = arith.constant 0 : i32
      %cond3A_82 = arith.cmpi ne, %convert_element_type3A_80, %cond3A_81 : i32
      scf.if %cond3A_82 {
        %add3A_148 = arith.constant 3 : i32
        %add3A_149 = arith.addi %add3A_62, %add3A_148 : i32
        %dma_start3A_150 = arith.constant 0 : i32
        %dma_start3A_151 = arith.constant 0 : i32
        %dma_start3A_152 = tpu.memref_slice %arg7[%dma_start3A_150, %dma_start3A_151] : memref<4x125xi32, #tpu.memory_space<vmem>> -> memref<1x125xi32, #tpu.memory_space<vmem>>
        %dma_start3A_153 = tpu.memref_squeeze %dma_start3A_152 : memref<1x125xi32, #tpu.memory_space<vmem>> -> memref<125xi32, #tpu.memory_space<vmem>>
        %dma_start3A_154 = arith.constant 0 : i32
        %dma_start3A_155 = arith.constant 0 : i32
        %dma_start3A_156 = tpu.memref_slice %arg2[%add3A, %dma_start3A_154, %dma_start3A_155] : memref<32x80x125xi32, #tpu.memory_space<hbm>> -> memref<1x80x125xi32, #tpu.memory_space<hbm>>
        %dma_start3A_157 = tpu.memref_squeeze %dma_start3A_156 : memref<1x80x125xi32, #tpu.memory_space<hbm>> -> memref<80x125xi32, #tpu.memory_space<hbm>>
        %dma_start3A_158 = arith.constant 0 : i32
        %dma_start3A_159 = tpu.memref_slice %dma_start3A_157[%add3A_149, %dma_start3A_158] : memref<80x125xi32, #tpu.memory_space<hbm>> -> memref<1x125xi32, #tpu.memory_space<hbm>>
        %dma_start3A_160 = tpu.memref_squeeze %dma_start3A_159 : memref<1x125xi32, #tpu.memory_space<hbm>> -> memref<125xi32, #tpu.memory_space<hbm>>
        %dma_start3A_161 = arith.constant 0 : i32
        %dma_start3A_162 = tpu.memref_slice %arg7[%dma_start3A_150, %dma_start3A_161] : memref<4x125xi32, #tpu.memory_space<vmem>> -> memref<1x125xi32, #tpu.memory_space<vmem>>
        %dma_start3A_163 = tpu.memref_squeeze %dma_start3A_162 : memref<1x125xi32, #tpu.memory_space<vmem>> -> memref<125xi32, #tpu.memory_space<vmem>>
        %dma_start3A_164 = arith.constant 0 : i32
        %dma_start3A_165 = arith.constant 0 : i32
        %dma_start3A_166 = tpu.memref_slice %arg2[%add3A, %dma_start3A_164, %dma_start3A_165] : memref<32x80x125xi32, #tpu.memory_space<hbm>> -> memref<1x80x125xi32, #tpu.memory_space<hbm>>
        %dma_start3A_167 = tpu.memref_squeeze %dma_start3A_166 : memref<1x80x125xi32, #tpu.memory_space<hbm>> -> memref<80x125xi32, #tpu.memory_space<hbm>>
        %dma_start3A_168 = arith.constant 0 : i32
        %dma_start3A_169 = tpu.memref_slice %dma_start3A_167[%add3A_149, %dma_start3A_168] : memref<80x125xi32, #tpu.memory_space<hbm>> -> memref<1x125xi32, #tpu.memory_space<hbm>>
        %dma_start3A_170 = tpu.memref_squeeze %dma_start3A_169 : memref<1x125xi32, #tpu.memory_space<hbm>> -> memref<125xi32, #tpu.memory_space<hbm>>
        tpu.enqueue_dma source(%dma_start3A_170 : memref<125xi32, #tpu.memory_space<hbm>>) target(%dma_start3A_163 : memref<125xi32, #tpu.memory_space<vmem>>) target_semaphore(%arg11 : memref<!tpu.dma_semaphore, #tpu.memory_space<semaphore_mem>>)
      } else {
      }
      %add3A_83 = arith.constant 1 : i32
      %add3A_84 = arith.addi %add3A_62, %add3A_83 : i32
      %lt3A_85 = arith.constant 80 : i32
      %lt3A_86 = arith.cmpi slt, %add3A_84, %lt3A_85 : i32
      %convert_element_type3A_87 = arith.extui %lt3A_86 : i1 to i32
      %cond3A_88 = arith.constant 0 : i32
      %cond3A_89 = arith.cmpi ne, %convert_element_type3A_87, %cond3A_88 : i32
      scf.if %cond3A_89 {
        %ge3A = arith.constant 1 : i32
        %ge3A_148 = arith.cmpi sge, %add3A_62, %ge3A : i32
        %convert_element_type3A_149 = arith.extui %ge3A_148 : i1 to i32
        %cond3A_150 = arith.constant 0 : i32
        %cond3A_151 = arith.cmpi ne, %convert_element_type3A_149, %cond3A_150 : i32
        scf.if %cond3A_151 {
          %dma_wait3A_166 = arith.constant 0 : i32
          %dma_wait3A_167 = arith.constant 0 : i32
          %dma_wait3A_168 = tpu.memref_slice %arg8[%dma_wait3A_166, %dma_wait3A_167] : memref<80x125xi32, #tpu.memory_space<vmem>> -> memref<1x125xi32, #tpu.memory_space<vmem>>
          %dma_wait3A_169 = tpu.memref_squeeze %dma_wait3A_168 : memref<1x125xi32, #tpu.memory_space<vmem>> -> memref<125xi32, #tpu.memory_space<vmem>>
          %dma_wait3A_170 = arith.constant 0 : i32
          %dma_wait3A_171 = arith.constant 0 : i32
          %dma_wait3A_172 = tpu.memref_slice %arg19[%dma_wait3A_170, %dma_wait3A_171] : memref<10112x128xf32, #tpu.memory_space<vmem_shared>> -> memref<10112x128xf32, #tpu.memory_space<vmem_shared>>
          tpu.wait_indirect_dma semaphore(%arg17 : memref<!tpu.dma_semaphore, #tpu.memory_space<semaphore_mem>>) src(%arg9 : memref<125x128xf32, #tpu.memory_space<vmem>>) dst(%dma_wait3A_172 : memref<10112x128xf32, #tpu.memory_space<vmem_shared>>)
        } else {
        }
        %add3A_152 = arith.constant 1 : i32
        %add3A_153 = arith.addi %add3A_62, %add3A_152 : i32
        %ge3A_154 = arith.constant 3 : i32
        %ge3A_155 = arith.cmpi sge, %add3A_153, %ge3A_154 : i32
        %convert_element_type3A_156 = arith.extui %ge3A_155 : i1 to i32
        %cond3A_157 = arith.constant 0 : i32
        %cond3A_158 = arith.cmpi ne, %convert_element_type3A_156, %cond3A_157 : i32
        scf.if %cond3A_158 {
          %dma_wait3A_166 = arith.constant 0 : i32
          %dma_wait3A_167 = arith.constant 2 : i32
          %dma_wait3A_168 = arith.constant 0 : i32
          %dma_wait3A_169 = tpu.memref_slice %arg7[%dma_wait3A_167, %dma_wait3A_168] : memref<4x125xi32, #tpu.memory_space<vmem>> -> memref<1x125xi32, #tpu.memory_space<vmem>>
          %dma_wait3A_170 = tpu.memref_squeeze %dma_wait3A_169 : memref<1x125xi32, #tpu.memory_space<vmem>> -> memref<125xi32, #tpu.memory_space<vmem>>
          %dma_wait3A_171 = arith.constant 0 : i32
          %dma_wait3A_172 = arith.constant 0 : i32
          %dma_wait3A_173 = tpu.memref_slice %arg2[%add3A, %dma_wait3A_171, %dma_wait3A_172] : memref<32x80x125xi32, #tpu.memory_space<hbm>> -> memref<1x80x125xi32, #tpu.memory_space<hbm>>
          %dma_wait3A_174 = tpu.memref_squeeze %dma_wait3A_173 : memref<1x80x125xi32, #tpu.memory_space<hbm>> -> memref<80x125xi32, #tpu.memory_space<hbm>>
          %dma_wait3A_175 = arith.constant 0 : i32
          %dma_wait3A_176 = tpu.memref_slice %dma_wait3A_174[%dma_wait3A_166, %dma_wait3A_175] : memref<80x125xi32, #tpu.memory_space<hbm>> -> memref<1x125xi32, #tpu.memory_space<hbm>>
          %dma_wait3A_177 = tpu.memref_squeeze %dma_wait3A_176 : memref<1x125xi32, #tpu.memory_space<hbm>> -> memref<125xi32, #tpu.memory_space<hbm>>
          %dma_wait3A_178 = arith.constant 0 : i32
          %dma_wait3A_179 = tpu.memref_slice %arg7[%dma_wait3A_167, %dma_wait3A_178] : memref<4x125xi32, #tpu.memory_space<vmem>> -> memref<1x125xi32, #tpu.memory_space<vmem>>
          %dma_wait3A_180 = tpu.memref_squeeze %dma_wait3A_179 : memref<1x125xi32, #tpu.memory_space<vmem>> -> memref<125xi32, #tpu.memory_space<vmem>>
          %dma_wait3A_181 = arith.constant 0 : i32
          %dma_wait3A_182 = arith.constant 0 : i32
          %dma_wait3A_183 = tpu.memref_slice %arg2[%add3A, %dma_wait3A_181, %dma_wait3A_182] : memref<32x80x125xi32, #tpu.memory_space<hbm>> -> memref<1x80x125xi32, #tpu.memory_space<hbm>>
          %dma_wait3A_184 = tpu.memref_squeeze %dma_wait3A_183 : memref<1x80x125xi32, #tpu.memory_space<hbm>> -> memref<80x125xi32, #tpu.memory_space<hbm>>
          %dma_wait3A_185 = arith.constant 0 : i32
          %dma_wait3A_186 = tpu.memref_slice %dma_wait3A_184[%dma_wait3A_166, %dma_wait3A_185] : memref<80x125xi32, #tpu.memory_space<hbm>> -> memref<1x125xi32, #tpu.memory_space<hbm>>
          %dma_wait3A_187 = tpu.memref_squeeze %dma_wait3A_186 : memref<1x125xi32, #tpu.memory_space<hbm>> -> memref<125xi32, #tpu.memory_space<hbm>>
          tpu.wait_dma2 semaphore(%arg13 : memref<!tpu.dma_semaphore, #tpu.memory_space<semaphore_mem>>) src(%dma_wait3A_187 : memref<125xi32, #tpu.memory_space<hbm>>) dst(%dma_wait3A_180 : memref<125xi32, #tpu.memory_space<vmem>>)
        } else {
        }
        %dma_start3A_159 = arith.constant 2 : i32
        %dma_start3A_160 = arith.constant 0 : i32
        %dma_start3A_161 = tpu.memref_slice %arg7[%dma_start3A_159, %dma_start3A_160] : memref<4x125xi32, #tpu.memory_space<vmem>> -> memref<1x125xi32, #tpu.memory_space<vmem>>
        %dma_start3A_162 = tpu.memref_squeeze %dma_start3A_161 : memref<1x125xi32, #tpu.memory_space<vmem>> -> memref<125xi32, #tpu.memory_space<vmem>>
        %dma_start3A_163 = arith.constant 0 : i32
        %dma_start3A_164 = arith.constant 0 : i32
        %dma_start3A_165 = tpu.memref_slice %arg4[%dma_start3A_163, %dma_start3A_164] : memref<10000x128xf32, #tpu.memory_space<hbm>> -> memref<10000x128xf32, #tpu.memory_space<hbm>>
        tpu.enqueue_indirect_dma source(%dma_start3A_165 : memref<10000x128xf32, #tpu.memory_space<hbm>>) target(%arg9 : memref<125x128xf32, #tpu.memory_space<vmem>>) offsets(%dma_start3A_162 : memref<125xi32, #tpu.memory_space<vmem>>) semaphore(%arg15 : memref<!tpu.dma_semaphore, #tpu.memory_space<semaphore_mem>>)
      } else {
      }
      %add3A_90 = arith.constant 2 : i32
      %add3A_91 = arith.addi %mul3A_34, %add3A_90 : i32
      %dma_wait3A_92 = arith.constant 2 : i32
      %dma_wait3A_93 = arith.constant 0 : i32
      %dma_wait3A_94 = tpu.memref_slice %arg7[%dma_wait3A_92, %dma_wait3A_93] : memref<4x125xi32, #tpu.memory_space<vmem>> -> memref<1x125xi32, #tpu.memory_space<vmem>>
      %dma_wait3A_95 = tpu.memref_squeeze %dma_wait3A_94 : memref<1x125xi32, #tpu.memory_space<vmem>> -> memref<125xi32, #tpu.memory_space<vmem>>
      %dma_wait3A_96 = arith.constant 0 : i32
      %dma_wait3A_97 = arith.constant 0 : i32
      %dma_wait3A_98 = tpu.memref_slice %arg4[%dma_wait3A_96, %dma_wait3A_97] : memref<10000x128xf32, #tpu.memory_space<hbm>> -> memref<10000x128xf32, #tpu.memory_space<hbm>>
      tpu.wait_indirect_dma semaphore(%arg15 : memref<!tpu.dma_semaphore, #tpu.memory_space<semaphore_mem>>) src(%dma_wait3A_98 : memref<10000x128xf32, #tpu.memory_space<hbm>>) dst(%arg9 : memref<125x128xf32, #tpu.memory_space<vmem>>)
      %dma_start3A_99 = arith.constant 0 : i32
      %dma_start3A_100 = tpu.memref_slice %arg8[%add3A_91, %dma_start3A_99] : memref<80x125xi32, #tpu.memory_space<vmem>> -> memref<1x125xi32, #tpu.memory_space<vmem>>
      %dma_start3A_101 = tpu.memref_squeeze %dma_start3A_100 : memref<1x125xi32, #tpu.memory_space<vmem>> -> memref<125xi32, #tpu.memory_space<vmem>>
      %dma_start3A_102 = arith.constant 0 : i32
      %dma_start3A_103 = arith.constant 0 : i32
      %dma_start3A_104 = tpu.memref_slice %arg19[%dma_start3A_102, %dma_start3A_103] : memref<10112x128xf32, #tpu.memory_space<vmem_shared>> -> memref<10112x128xf32, #tpu.memory_space<vmem_shared>>
      tpu.enqueue_indirect_dma source(%arg9 : memref<125x128xf32, #tpu.memory_space<vmem>>) target(%dma_start3A_104 : memref<10112x128xf32, #tpu.memory_space<vmem_shared>>) offsets(%dma_start3A_101 : memref<125xi32, #tpu.memory_space<vmem>>) semaphore(%arg17 : memref<!tpu.dma_semaphore, #tpu.memory_space<semaphore_mem>>) {add = true}
      %add3A_105 = arith.constant 3 : i32
      %add3A_106 = arith.addi %add3A_91, %add3A_105 : i32
      %lt3A_107 = arith.constant 80 : i32
      %lt3A_108 = arith.cmpi slt, %add3A_106, %lt3A_107 : i32
      %convert_element_type3A_109 = arith.extui %lt3A_108 : i1 to i32
      %cond3A_110 = arith.constant 0 : i32
      %cond3A_111 = arith.cmpi ne, %convert_element_type3A_109, %cond3A_110 : i32
      scf.if %cond3A_111 {
        %add3A_148 = arith.constant 3 : i32
        %add3A_149 = arith.addi %add3A_91, %add3A_148 : i32
        %dma_start3A_150 = arith.constant 1 : i32
        %dma_start3A_151 = arith.constant 0 : i32
        %dma_start3A_152 = tpu.memref_slice %arg7[%dma_start3A_150, %dma_start3A_151] : memref<4x125xi32, #tpu.memory_space<vmem>> -> memref<1x125xi32, #tpu.memory_space<vmem>>
        %dma_start3A_153 = tpu.memref_squeeze %dma_start3A_152 : memref<1x125xi32, #tpu.memory_space<vmem>> -> memref<125xi32, #tpu.memory_space<vmem>>
        %dma_start3A_154 = arith.constant 0 : i32
        %dma_start3A_155 = arith.constant 0 : i32
        %dma_start3A_156 = tpu.memref_slice %arg2[%add3A, %dma_start3A_154, %dma_start3A_155] : memref<32x80x125xi32, #tpu.memory_space<hbm>> -> memref<1x80x125xi32, #tpu.memory_space<hbm>>
        %dma_start3A_157 = tpu.memref_squeeze %dma_start3A_156 : memref<1x80x125xi32, #tpu.memory_space<hbm>> -> memref<80x125xi32, #tpu.memory_space<hbm>>
        %dma_start3A_158 = arith.constant 0 : i32
        %dma_start3A_159 = tpu.memref_slice %dma_start3A_157[%add3A_149, %dma_start3A_158] : memref<80x125xi32, #tpu.memory_space<hbm>> -> memref<1x125xi32, #tpu.memory_space<hbm>>
        %dma_start3A_160 = tpu.memref_squeeze %dma_start3A_159 : memref<1x125xi32, #tpu.memory_space<hbm>> -> memref<125xi32, #tpu.memory_space<hbm>>
        %dma_start3A_161 = arith.constant 0 : i32
        %dma_start3A_162 = tpu.memref_slice %arg7[%dma_start3A_150, %dma_start3A_161] : memref<4x125xi32, #tpu.memory_space<vmem>> -> memref<1x125xi32, #tpu.memory_space<vmem>>
        %dma_start3A_163 = tpu.memref_squeeze %dma_start3A_162 : memref<1x125xi32, #tpu.memory_space<vmem>> -> memref<125xi32, #tpu.memory_space<vmem>>
        %dma_start3A_164 = arith.constant 0 : i32
        %dma_start3A_165 = arith.constant 0 : i32
        %dma_start3A_166 = tpu.memref_slice %arg2[%add3A, %dma_start3A_164, %dma_start3A_165] : memref<32x80x125xi32, #tpu.memory_space<hbm>> -> memref<1x80x125xi32, #tpu.memory_space<hbm>>
        %dma_start3A_167 = tpu.memref_squeeze %dma_start3A_166 : memref<1x80x125xi32, #tpu.memory_space<hbm>> -> memref<80x125xi32, #tpu.memory_space<hbm>>
        %dma_start3A_168 = arith.constant 0 : i32
        %dma_start3A_169 = tpu.memref_slice %dma_start3A_167[%add3A_149, %dma_start3A_168] : memref<80x125xi32, #tpu.memory_space<hbm>> -> memref<1x125xi32, #tpu.memory_space<hbm>>
        %dma_start3A_170 = tpu.memref_squeeze %dma_start3A_169 : memref<1x125xi32, #tpu.memory_space<hbm>> -> memref<125xi32, #tpu.memory_space<hbm>>
        tpu.enqueue_dma source(%dma_start3A_170 : memref<125xi32, #tpu.memory_space<hbm>>) target(%dma_start3A_163 : memref<125xi32, #tpu.memory_space<vmem>>) target_semaphore(%arg12 : memref<!tpu.dma_semaphore, #tpu.memory_space<semaphore_mem>>)
      } else {
      }
      %add3A_112 = arith.constant 1 : i32
      %add3A_113 = arith.addi %add3A_91, %add3A_112 : i32
      %lt3A_114 = arith.constant 80 : i32
      %lt3A_115 = arith.cmpi slt, %add3A_113, %lt3A_114 : i32
      %convert_element_type3A_116 = arith.extui %lt3A_115 : i1 to i32
      %cond3A_117 = arith.constant 0 : i32
      %cond3A_118 = arith.cmpi ne, %convert_element_type3A_116, %cond3A_117 : i32
      scf.if %cond3A_118 {
        %ge3A = arith.constant 1 : i32
        %ge3A_148 = arith.cmpi sge, %add3A_91, %ge3A : i32
        %convert_element_type3A_149 = arith.extui %ge3A_148 : i1 to i32
        %cond3A_150 = arith.constant 0 : i32
        %cond3A_151 = arith.cmpi ne, %convert_element_type3A_149, %cond3A_150 : i32
        scf.if %cond3A_151 {
          %dma_wait3A_166 = arith.constant 0 : i32
          %dma_wait3A_167 = arith.constant 0 : i32
          %dma_wait3A_168 = tpu.memref_slice %arg8[%dma_wait3A_166, %dma_wait3A_167] : memref<80x125xi32, #tpu.memory_space<vmem>> -> memref<1x125xi32, #tpu.memory_space<vmem>>
          %dma_wait3A_169 = tpu.memref_squeeze %dma_wait3A_168 : memref<1x125xi32, #tpu.memory_space<vmem>> -> memref<125xi32, #tpu.memory_space<vmem>>
          %dma_wait3A_170 = arith.constant 0 : i32
          %dma_wait3A_171 = arith.constant 0 : i32
          %dma_wait3A_172 = tpu.memref_slice %arg19[%dma_wait3A_170, %dma_wait3A_171] : memref<10112x128xf32, #tpu.memory_space<vmem_shared>> -> memref<10112x128xf32, #tpu.memory_space<vmem_shared>>
          tpu.wait_indirect_dma semaphore(%arg18 : memref<!tpu.dma_semaphore, #tpu.memory_space<semaphore_mem>>) src(%arg10 : memref<125x128xf32, #tpu.memory_space<vmem>>) dst(%dma_wait3A_172 : memref<10112x128xf32, #tpu.memory_space<vmem_shared>>)
        } else {
        }
        %add3A_152 = arith.constant 1 : i32
        %add3A_153 = arith.addi %add3A_91, %add3A_152 : i32
        %ge3A_154 = arith.constant 3 : i32
        %ge3A_155 = arith.cmpi sge, %add3A_153, %ge3A_154 : i32
        %convert_element_type3A_156 = arith.extui %ge3A_155 : i1 to i32
        %cond3A_157 = arith.constant 0 : i32
        %cond3A_158 = arith.cmpi ne, %convert_element_type3A_156, %cond3A_157 : i32
        scf.if %cond3A_158 {
          %dma_wait3A_166 = arith.constant 0 : i32
          %dma_wait3A_167 = arith.constant 3 : i32
          %dma_wait3A_168 = arith.constant 0 : i32
          %dma_wait3A_169 = tpu.memref_slice %arg7[%dma_wait3A_167, %dma_wait3A_168] : memref<4x125xi32, #tpu.memory_space<vmem>> -> memref<1x125xi32, #tpu.memory_space<vmem>>
          %dma_wait3A_170 = tpu.memref_squeeze %dma_wait3A_169 : memref<1x125xi32, #tpu.memory_space<vmem>> -> memref<125xi32, #tpu.memory_space<vmem>>
          %dma_wait3A_171 = arith.constant 0 : i32
          %dma_wait3A_172 = arith.constant 0 : i32
          %dma_wait3A_173 = tpu.memref_slice %arg2[%add3A, %dma_wait3A_171, %dma_wait3A_172] : memref<32x80x125xi32, #tpu.memory_space<hbm>> -> memref<1x80x125xi32, #tpu.memory_space<hbm>>
          %dma_wait3A_174 = tpu.memref_squeeze %dma_wait3A_173 : memref<1x80x125xi32, #tpu.memory_space<hbm>> -> memref<80x125xi32, #tpu.memory_space<hbm>>
          %dma_wait3A_175 = arith.constant 0 : i32
          %dma_wait3A_176 = tpu.memref_slice %dma_wait3A_174[%dma_wait3A_166, %dma_wait3A_175] : memref<80x125xi32, #tpu.memory_space<hbm>> -> memref<1x125xi32, #tpu.memory_space<hbm>>
          %dma_wait3A_177 = tpu.memref_squeeze %dma_wait3A_176 : memref<1x125xi32, #tpu.memory_space<hbm>> -> memref<125xi32, #tpu.memory_space<hbm>>
          %dma_wait3A_178 = arith.constant 0 : i32
          %dma_wait3A_179 = tpu.memref_slice %arg7[%dma_wait3A_167, %dma_wait3A_178] : memref<4x125xi32, #tpu.memory_space<vmem>> -> memref<1x125xi32, #tpu.memory_space<vmem>>
          %dma_wait3A_180 = tpu.memref_squeeze %dma_wait3A_179 : memref<1x125xi32, #tpu.memory_space<vmem>> -> memref<125xi32, #tpu.memory_space<vmem>>
          %dma_wait3A_181 = arith.constant 0 : i32
          %dma_wait3A_182 = arith.constant 0 : i32
          %dma_wait3A_183 = tpu.memref_slice %arg2[%add3A, %dma_wait3A_181, %dma_wait3A_182] : memref<32x80x125xi32, #tpu.memory_space<hbm>> -> memref<1x80x125xi32, #tpu.memory_space<hbm>>
          %dma_wait3A_184 = tpu.memref_squeeze %dma_wait3A_183 : memref<1x80x125xi32, #tpu.memory_space<hbm>> -> memref<80x125xi32, #tpu.memory_space<hbm>>
          %dma_wait3A_185 = arith.constant 0 : i32
          %dma_wait3A_186 = tpu.memref_slice %dma_wait3A_184[%dma_wait3A_166, %dma_wait3A_185] : memref<80x125xi32, #tpu.memory_space<hbm>> -> memref<1x125xi32, #tpu.memory_space<hbm>>
          %dma_wait3A_187 = tpu.memref_squeeze %dma_wait3A_186 : memref<1x125xi32, #tpu.memory_space<hbm>> -> memref<125xi32, #tpu.memory_space<hbm>>
          tpu.wait_dma2 semaphore(%arg14 : memref<!tpu.dma_semaphore, #tpu.memory_space<semaphore_mem>>) src(%dma_wait3A_187 : memref<125xi32, #tpu.memory_space<hbm>>) dst(%dma_wait3A_180 : memref<125xi32, #tpu.memory_space<vmem>>)
        } else {
        }
        %dma_start3A_159 = arith.constant 3 : i32
        %dma_start3A_160 = arith.constant 0 : i32
        %dma_start3A_161 = tpu.memref_slice %arg7[%dma_start3A_159, %dma_start3A_160] : memref<4x125xi32, #tpu.memory_space<vmem>> -> memref<1x125xi32, #tpu.memory_space<vmem>>
        %dma_start3A_162 = tpu.memref_squeeze %dma_start3A_161 : memref<1x125xi32, #tpu.memory_space<vmem>> -> memref<125xi32, #tpu.memory_space<vmem>>
        %dma_start3A_163 = arith.constant 0 : i32
        %dma_start3A_164 = arith.constant 0 : i32
        %dma_start3A_165 = tpu.memref_slice %arg4[%dma_start3A_163, %dma_start3A_164] : memref<10000x128xf32, #tpu.memory_space<hbm>> -> memref<10000x128xf32, #tpu.memory_space<hbm>>
        tpu.enqueue_indirect_dma source(%dma_start3A_165 : memref<10000x128xf32, #tpu.memory_space<hbm>>) target(%arg10 : memref<125x128xf32, #tpu.memory_space<vmem>>) offsets(%dma_start3A_162 : memref<125xi32, #tpu.memory_space<vmem>>) semaphore(%arg16 : memref<!tpu.dma_semaphore, #tpu.memory_space<semaphore_mem>>)
      } else {
      }
      %add3A_119 = arith.constant 3 : i32
      %add3A_120 = arith.addi %mul3A_34, %add3A_119 : i32
      %dma_wait3A_121 = arith.constant 3 : i32
      %dma_wait3A_122 = arith.constant 0 : i32
      %dma_wait3A_123 = tpu.memref_slice %arg7[%dma_wait3A_121, %dma_wait3A_122] : memref<4x125xi32, #tpu.memory_space<vmem>> -> memref<1x125xi32, #tpu.memory_space<vmem>>
      %dma_wait3A_124 = tpu.memref_squeeze %dma_wait3A_123 : memref<1x125xi32, #tpu.memory_space<vmem>> -> memref<125xi32, #tpu.memory_space<vmem>>
      %dma_wait3A_125 = arith.constant 0 : i32
      %dma_wait3A_126 = arith.constant 0 : i32
      %dma_wait3A_127 = tpu.memref_slice %arg4[%dma_wait3A_125, %dma_wait3A_126] : memref<10000x128xf32, #tpu.memory_space<hbm>> -> memref<10000x128xf32, #tpu.memory_space<hbm>>
      tpu.wait_indirect_dma semaphore(%arg16 : memref<!tpu.dma_semaphore, #tpu.memory_space<semaphore_mem>>) src(%dma_wait3A_127 : memref<10000x128xf32, #tpu.memory_space<hbm>>) dst(%arg10 : memref<125x128xf32, #tpu.memory_space<vmem>>)
      %dma_start3A_128 = arith.constant 0 : i32
      %dma_start3A_129 = tpu.memref_slice %arg8[%add3A_120, %dma_start3A_128] : memref<80x125xi32, #tpu.memory_space<vmem>> -> memref<1x125xi32, #tpu.memory_space<vmem>>
      %dma_start3A_130 = tpu.memref_squeeze %dma_start3A_129 : memref<1x125xi32, #tpu.memory_space<vmem>> -> memref<125xi32, #tpu.memory_space<vmem>>
      %dma_start3A_131 = arith.constant 0 : i32
      %dma_start3A_132 = arith.constant 0 : i32
      %dma_start3A_133 = tpu.memref_slice %arg19[%dma_start3A_131, %dma_start3A_132] : memref<10112x128xf32, #tpu.memory_space<vmem_shared>> -> memref<10112x128xf32, #tpu.memory_space<vmem_shared>>
      tpu.enqueue_indirect_dma source(%arg10 : memref<125x128xf32, #tpu.memory_space<vmem>>) target(%dma_start3A_133 : memref<10112x128xf32, #tpu.memory_space<vmem_shared>>) offsets(%dma_start3A_130 : memref<125xi32, #tpu.memory_space<vmem>>) semaphore(%arg18 : memref<!tpu.dma_semaphore, #tpu.memory_space<semaphore_mem>>) {add = true}
      %add3A_134 = arith.constant 3 : i32
      %add3A_135 = arith.addi %add3A_120, %add3A_134 : i32
      %lt3A_136 = arith.constant 80 : i32
      %lt3A_137 = arith.cmpi slt, %add3A_135, %lt3A_136 : i32
      %convert_element_type3A_138 = arith.extui %lt3A_137 : i1 to i32
      %cond3A_139 = arith.constant 0 : i32
      %cond3A_140 = arith.cmpi ne, %convert_element_type3A_138, %cond3A_139 : i32
      scf.if %cond3A_140 {
        %add3A_148 = arith.constant 3 : i32
        %add3A_149 = arith.addi %add3A_120, %add3A_148 : i32
        %dma_start3A_150 = arith.constant 2 : i32
        %dma_start3A_151 = arith.constant 0 : i32
        %dma_start3A_152 = tpu.memref_slice %arg7[%dma_start3A_150, %dma_start3A_151] : memref<4x125xi32, #tpu.memory_space<vmem>> -> memref<1x125xi32, #tpu.memory_space<vmem>>
        %dma_start3A_153 = tpu.memref_squeeze %dma_start3A_152 : memref<1x125xi32, #tpu.memory_space<vmem>> -> memref<125xi32, #tpu.memory_space<vmem>>
        %dma_start3A_154 = arith.constant 0 : i32
        %dma_start3A_155 = arith.constant 0 : i32
        %dma_start3A_156 = tpu.memref_slice %arg2[%add3A, %dma_start3A_154, %dma_start3A_155] : memref<32x80x125xi32, #tpu.memory_space<hbm>> -> memref<1x80x125xi32, #tpu.memory_space<hbm>>
        %dma_start3A_157 = tpu.memref_squeeze %dma_start3A_156 : memref<1x80x125xi32, #tpu.memory_space<hbm>> -> memref<80x125xi32, #tpu.memory_space<hbm>>
        %dma_start3A_158 = arith.constant 0 : i32
        %dma_start3A_159 = tpu.memref_slice %dma_start3A_157[%add3A_149, %dma_start3A_158] : memref<80x125xi32, #tpu.memory_space<hbm>> -> memref<1x125xi32, #tpu.memory_space<hbm>>
        %dma_start3A_160 = tpu.memref_squeeze %dma_start3A_159 : memref<1x125xi32, #tpu.memory_space<hbm>> -> memref<125xi32, #tpu.memory_space<hbm>>
        %dma_start3A_161 = arith.constant 0 : i32
        %dma_start3A_162 = tpu.memref_slice %arg7[%dma_start3A_150, %dma_start3A_161] : memref<4x125xi32, #tpu.memory_space<vmem>> -> memref<1x125xi32, #tpu.memory_space<vmem>>
        %dma_start3A_163 = tpu.memref_squeeze %dma_start3A_162 : memref<1x125xi32, #tpu.memory_space<vmem>> -> memref<125xi32, #tpu.memory_space<vmem>>
        %dma_start3A_164 = arith.constant 0 : i32
        %dma_start3A_165 = arith.constant 0 : i32
        %dma_start3A_166 = tpu.memref_slice %arg2[%add3A, %dma_start3A_164, %dma_start3A_165] : memref<32x80x125xi32, #tpu.memory_space<hbm>> -> memref<1x80x125xi32, #tpu.memory_space<hbm>>
        %dma_start3A_167 = tpu.memref_squeeze %dma_start3A_166 : memref<1x80x125xi32, #tpu.memory_space<hbm>> -> memref<80x125xi32, #tpu.memory_space<hbm>>
        %dma_start3A_168 = arith.constant 0 : i32
        %dma_start3A_169 = tpu.memref_slice %dma_start3A_167[%add3A_149, %dma_start3A_168] : memref<80x125xi32, #tpu.memory_space<hbm>> -> memref<1x125xi32, #tpu.memory_space<hbm>>
        %dma_start3A_170 = tpu.memref_squeeze %dma_start3A_169 : memref<1x125xi32, #tpu.memory_space<hbm>> -> memref<125xi32, #tpu.memory_space<hbm>>
        tpu.enqueue_dma source(%dma_start3A_170 : memref<125xi32, #tpu.memory_space<hbm>>) target(%dma_start3A_163 : memref<125xi32, #tpu.memory_space<vmem>>) target_semaphore(%arg13 : memref<!tpu.dma_semaphore, #tpu.memory_space<semaphore_mem>>)
      } else {
      }
      %add3A_141 = arith.constant 1 : i32
      %add3A_142 = arith.addi %add3A_120, %add3A_141 : i32
      %lt3A_143 = arith.constant 80 : i32
      %lt3A_144 = arith.cmpi slt, %add3A_142, %lt3A_143 : i32
      %convert_element_type3A_145 = arith.extui %lt3A_144 : i1 to i32
      %cond3A_146 = arith.constant 0 : i32
      %cond3A_147 = arith.cmpi ne, %convert_element_type3A_145, %cond3A_146 : i32
      scf.if %cond3A_147 {
        %ge3A = arith.constant 1 : i32
        %ge3A_148 = arith.cmpi sge, %add3A_120, %ge3A : i32
        %convert_element_type3A_149 = arith.extui %ge3A_148 : i1 to i32
        %cond3A_150 = arith.constant 0 : i32
        %cond3A_151 = arith.cmpi ne, %convert_element_type3A_149, %cond3A_150 : i32
        scf.if %cond3A_151 {
          %dma_wait3A_166 = arith.constant 0 : i32
          %dma_wait3A_167 = arith.constant 0 : i32
          %dma_wait3A_168 = tpu.memref_slice %arg8[%dma_wait3A_166, %dma_wait3A_167] : memref<80x125xi32, #tpu.memory_space<vmem>> -> memref<1x125xi32, #tpu.memory_space<vmem>>
          %dma_wait3A_169 = tpu.memref_squeeze %dma_wait3A_168 : memref<1x125xi32, #tpu.memory_space<vmem>> -> memref<125xi32, #tpu.memory_space<vmem>>
          %dma_wait3A_170 = arith.constant 0 : i32
          %dma_wait3A_171 = arith.constant 0 : i32
          %dma_wait3A_172 = tpu.memref_slice %arg19[%dma_wait3A_170, %dma_wait3A_171] : memref<10112x128xf32, #tpu.memory_space<vmem_shared>> -> memref<10112x128xf32, #tpu.memory_space<vmem_shared>>
          tpu.wait_indirect_dma semaphore(%arg17 : memref<!tpu.dma_semaphore, #tpu.memory_space<semaphore_mem>>) src(%arg9 : memref<125x128xf32, #tpu.memory_space<vmem>>) dst(%dma_wait3A_172 : memref<10112x128xf32, #tpu.memory_space<vmem_shared>>)
        } else {
        }
        %add3A_152 = arith.constant 1 : i32
        %add3A_153 = arith.addi %add3A_120, %add3A_152 : i32
        %ge3A_154 = arith.constant 3 : i32
        %ge3A_155 = arith.cmpi sge, %add3A_153, %ge3A_154 : i32
        %convert_element_type3A_156 = arith.extui %ge3A_155 : i1 to i32
        %cond3A_157 = arith.constant 0 : i32
        %cond3A_158 = arith.cmpi ne, %convert_element_type3A_156, %cond3A_157 : i32
        scf.if %cond3A_158 {
          %dma_wait3A_166 = arith.constant 0 : i32
          %dma_wait3A_167 = arith.constant 0 : i32
          %dma_wait3A_168 = arith.constant 0 : i32
          %dma_wait3A_169 = tpu.memref_slice %arg7[%dma_wait3A_167, %dma_wait3A_168] : memref<4x125xi32, #tpu.memory_space<vmem>> -> memref<1x125xi32, #tpu.memory_space<vmem>>
          %dma_wait3A_170 = tpu.memref_squeeze %dma_wait3A_169 : memref<1x125xi32, #tpu.memory_space<vmem>> -> memref<125xi32, #tpu.memory_space<vmem>>
          %dma_wait3A_171 = arith.constant 0 : i32
          %dma_wait3A_172 = arith.constant 0 : i32
          %dma_wait3A_173 = tpu.memref_slice %arg2[%add3A, %dma_wait3A_171, %dma_wait3A_172] : memref<32x80x125xi32, #tpu.memory_space<hbm>> -> memref<1x80x125xi32, #tpu.memory_space<hbm>>
          %dma_wait3A_174 = tpu.memref_squeeze %dma_wait3A_173 : memref<1x80x125xi32, #tpu.memory_space<hbm>> -> memref<80x125xi32, #tpu.memory_space<hbm>>
          %dma_wait3A_175 = arith.constant 0 : i32
          %dma_wait3A_176 = tpu.memref_slice %dma_wait3A_174[%dma_wait3A_166, %dma_wait3A_175] : memref<80x125xi32, #tpu.memory_space<hbm>> -> memref<1x125xi32, #tpu.memory_space<hbm>>
          %dma_wait3A_177 = tpu.memref_squeeze %dma_wait3A_176 : memref<1x125xi32, #tpu.memory_space<hbm>> -> memref<125xi32, #tpu.memory_space<hbm>>
          %dma_wait3A_178 = arith.constant 0 : i32
          %dma_wait3A_179 = tpu.memref_slice %arg7[%dma_wait3A_167, %dma_wait3A_178] : memref<4x125xi32, #tpu.memory_space<vmem>> -> memref<1x125xi32, #tpu.memory_space<vmem>>
          %dma_wait3A_180 = tpu.memref_squeeze %dma_wait3A_179 : memref<1x125xi32, #tpu.memory_space<vmem>> -> memref<125xi32, #tpu.memory_space<vmem>>
          %dma_wait3A_181 = arith.constant 0 : i32
          %dma_wait3A_182 = arith.constant 0 : i32
          %dma_wait3A_183 = tpu.memref_slice %arg2[%add3A, %dma_wait3A_181, %dma_wait3A_182] : memref<32x80x125xi32, #tpu.memory_space<hbm>> -> memref<1x80x125xi32, #tpu.memory_space<hbm>>
          %dma_wait3A_184 = tpu.memref_squeeze %dma_wait3A_183 : memref<1x80x125xi32, #tpu.memory_space<hbm>> -> memref<80x125xi32, #tpu.memory_space<hbm>>
          %dma_wait3A_185 = arith.constant 0 : i32
          %dma_wait3A_186 = tpu.memref_slice %dma_wait3A_184[%dma_wait3A_166, %dma_wait3A_185] : memref<80x125xi32, #tpu.memory_space<hbm>> -> memref<1x125xi32, #tpu.memory_space<hbm>>
          %dma_wait3A_187 = tpu.memref_squeeze %dma_wait3A_186 : memref<1x125xi32, #tpu.memory_space<hbm>> -> memref<125xi32, #tpu.memory_space<hbm>>
          tpu.wait_dma2 semaphore(%arg11 : memref<!tpu.dma_semaphore, #tpu.memory_space<semaphore_mem>>) src(%dma_wait3A_187 : memref<125xi32, #tpu.memory_space<hbm>>) dst(%dma_wait3A_180 : memref<125xi32, #tpu.memory_space<vmem>>)
        } else {
        }
        %dma_start3A_159 = arith.constant 0 : i32
        %dma_start3A_160 = arith.constant 0 : i32
        %dma_start3A_161 = tpu.memref_slice %arg7[%dma_start3A_159, %dma_start3A_160] : memref<4x125xi32, #tpu.memory_space<vmem>> -> memref<1x125xi32, #tpu.memory_space<vmem>>
        %dma_start3A_162 = tpu.memref_squeeze %dma_start3A_161 : memref<1x125xi32, #tpu.memory_space<vmem>> -> memref<125xi32, #tpu.memory_space<vmem>>
        %dma_start3A_163 = arith.constant 0 : i32
        %dma_start3A_164 = arith.constant 0 : i32
        %dma_start3A_165 = tpu.memref_slice %arg4[%dma_start3A_163, %dma_start3A_164] : memref<10000x128xf32, #tpu.memory_space<hbm>> -> memref<10000x128xf32, #tpu.memory_space<hbm>>
        tpu.enqueue_indirect_dma source(%dma_start3A_165 : memref<10000x128xf32, #tpu.memory_space<hbm>>) target(%arg9 : memref<125x128xf32, #tpu.memory_space<vmem>>) offsets(%dma_start3A_162 : memref<125xi32, #tpu.memory_space<vmem>>) semaphore(%arg15 : memref<!tpu.dma_semaphore, #tpu.memory_space<semaphore_mem>>)
      } else {
      }
    }
    %scan3A_13 = arith.constant 20 : i32
    %dma_wait3A = arith.constant 0 : i32
    %dma_wait3A_14 = arith.constant 0 : i32
    %dma_wait3A_15 = tpu.memref_slice %arg8[%dma_wait3A, %dma_wait3A_14] : memref<80x125xi32, #tpu.memory_space<vmem>> -> memref<1x125xi32, #tpu.memory_space<vmem>>
    %dma_wait3A_16 = tpu.memref_squeeze %dma_wait3A_15 : memref<1x125xi32, #tpu.memory_space<vmem>> -> memref<125xi32, #tpu.memory_space<vmem>>
    %dma_wait3A_17 = arith.constant 0 : i32
    %dma_wait3A_18 = arith.constant 0 : i32
    %dma_wait3A_19 = tpu.memref_slice %arg19[%dma_wait3A_17, %dma_wait3A_18] : memref<10112x128xf32, #tpu.memory_space<vmem_shared>> -> memref<10112x128xf32, #tpu.memory_space<vmem_shared>>
    tpu.wait_indirect_dma semaphore(%arg17 : memref<!tpu.dma_semaphore, #tpu.memory_space<semaphore_mem>>) src(%arg9 : memref<125x128xf32, #tpu.memory_space<vmem>>) dst(%dma_wait3A_19 : memref<10112x128xf32, #tpu.memory_space<vmem_shared>>)
    %dma_wait3A_20 = arith.constant 0 : i32
    %dma_wait3A_21 = arith.constant 0 : i32
    %dma_wait3A_22 = tpu.memref_slice %arg8[%dma_wait3A_20, %dma_wait3A_21] : memref<80x125xi32, #tpu.memory_space<vmem>> -> memref<1x125xi32, #tpu.memory_space<vmem>>
    %dma_wait3A_23 = tpu.memref_squeeze %dma_wait3A_22 : memref<1x125xi32, #tpu.memory_space<vmem>> -> memref<125xi32, #tpu.memory_space<vmem>>
    %dma_wait3A_24 = arith.constant 0 : i32
    %dma_wait3A_25 = arith.constant 0 : i32
    %dma_wait3A_26 = tpu.memref_slice %arg19[%dma_wait3A_24, %dma_wait3A_25] : memref<10112x128xf32, #tpu.memory_space<vmem_shared>> -> memref<10112x128xf32, #tpu.memory_space<vmem_shared>>
    tpu.wait_indirect_dma semaphore(%arg18 : memref<!tpu.dma_semaphore, #tpu.memory_space<semaphore_mem>>) src(%arg10 : memref<125x128xf32, #tpu.memory_space<vmem>>) dst(%dma_wait3A_26 : memref<10112x128xf32, #tpu.memory_space<vmem_shared>>)
    %barrier3A_27 = arith.constant 0 : index
    tpu.barrier barrier_id(%barrier3A_27)
    %mul3A_28 = arith.constant 632 : i32
    %mul3A_29 = arith.muli %arg1, %mul3A_28 : i32
    %mul3A_30 = arith.constant 632 : i32
    %mul3A_31 = arith.muli %arg1, %mul3A_30 : i32
    "tpu.region"() ({
      %run_scoped3A = tpu.sem_alloc : memref<!tpu.dma_semaphore, #tpu.memory_space<semaphore_mem>>
      %dma_start3A_32 = arith.constant 0 : i32
      %dma_start3A_33 = arith.constant 0 : i32
      %dma_start3A_34 = tpu.memref_slice %arg6[%arg0, %dma_start3A_32, %dma_start3A_33] : memref<2x10112x128xf32, #tpu.memory_space<hbm>> -> memref<1x10112x128xf32, #tpu.memory_space<hbm>>
      %dma_start3A_35 = tpu.memref_squeeze %dma_start3A_34 : memref<1x10112x128xf32, #tpu.memory_space<hbm>> -> memref<10112x128xf32, #tpu.memory_space<hbm>>
      %dma_start3A_36 = arith.constant 0 : i32
      %dma_start3A_37 = tpu.memref_slice %dma_start3A_35[%mul3A_31, %dma_start3A_36] : memref<10112x128xf32, #tpu.memory_space<hbm>> -> memref<632x128xf32, #tpu.memory_space<hbm>>
      %dma_start3A_38 = arith.constant 0 : i32
      %dma_start3A_39 = tpu.memref_slice %arg19[%mul3A_29, %dma_start3A_38] : memref<10112x128xf32, #tpu.memory_space<vmem_shared>> -> memref<632x128xf32, #tpu.memory_space<vmem_shared>>
      tpu.enqueue_dma source(%dma_start3A_39 : memref<632x128xf32, #tpu.memory_space<vmem_shared>>) target(%dma_start3A_37 : memref<632x128xf32, #tpu.memory_space<hbm>>) target_semaphore(%run_scoped3A : memref<!tpu.dma_semaphore, #tpu.memory_space<semaphore_mem>>)
      %dma_wait3A_40 = arith.constant 0 : i32
      %dma_wait3A_41 = arith.constant 0 : i32
      %dma_wait3A_42 = tpu.memref_slice %arg6[%arg0, %dma_wait3A_40, %dma_wait3A_41] : memref<2x10112x128xf32, #tpu.memory_space<hbm>> -> memref<1x10112x128xf32, #tpu.memory_space<hbm>>
      %dma_wait3A_43 = tpu.memref_squeeze %dma_wait3A_42 : memref<1x10112x128xf32, #tpu.memory_space<hbm>> -> memref<10112x128xf32, #tpu.memory_space<hbm>>
      %dma_wait3A_44 = arith.constant 0 : i32
      %dma_wait3A_45 = tpu.memref_slice %dma_wait3A_43[%mul3A_31, %dma_wait3A_44] : memref<10112x128xf32, #tpu.memory_space<hbm>> -> memref<632x128xf32, #tpu.memory_space<hbm>>
      %dma_wait3A_46 = arith.constant 0 : i32
      %dma_wait3A_47 = tpu.memref_slice %arg19[%mul3A_29, %dma_wait3A_46] : memref<10112x128xf32, #tpu.memory_space<vmem_shared>> -> memref<632x128xf32, #tpu.memory_space<vmem_shared>>
      tpu.wait_dma2 semaphore(%run_scoped3A : memref<!tpu.dma_semaphore, #tpu.memory_space<semaphore_mem>>) src(%dma_wait3A_47 : memref<632x128xf32, #tpu.memory_space<vmem_shared>>) dst(%dma_wait3A_45 : memref<632x128xf32, #tpu.memory_space<hbm>>)
      tpu.yield
    }) : () -> ()
    return
  }
}

#map = affine_map<(d0, d1) -> (0, 0, 0)>
#map1 = affine_map<(d0, d1) -> (0, 0)>
module attributes {stable_mosaic.version = 14 : i64} {
  func.func @_sc_eagg_body(%arg0: i32, %arg1: i32, %arg2: memref<32x125x80xi32, #tpu.memory_space<hbm>>, %arg3: memref<32x10000x32xf32, #tpu.memory_space<hbm>>, %arg4: memref<632x32xf32, #tpu.memory_space<hbm>>, %arg5: memref<2x10112x32xf32, #tpu.memory_space<hbm>>, %arg6: memref<125x80xi32, #tpu.memory_space<vmem>>, %arg7: memref<80x32xf32, #tpu.memory_space<vmem>>, %arg8: memref<80x32xf32, #tpu.memory_space<vmem>>, %arg9: memref<!tpu.dma_semaphore, #tpu.memory_space<semaphore_mem>>, %arg10: memref<!tpu.dma_semaphore, #tpu.memory_space<semaphore_mem>>, %arg11: memref<10112x32xf32, #tpu.memory_space<vmem_shared>>) attributes {dimension_semantics = [#tpu.dimension_semantics<core_parallel>, #tpu.dimension_semantics<subcore_parallel>], iteration_bounds = array<i64: 2, 16>, scalar_prefetch = 0 : i64, scratch_operands = 6 : i64, tpu.core_type = #tpu.core_type<sc_vector_subcore>, window_params = [{transform_indices = #map}, {transform_indices = #map}, {transform_indices = #map1}, {transform_indices = #map}]} {
    %mul3A = arith.constant 2 : i32
    %mul3A_0 = arith.muli %arg1, %mul3A : i32
    %add3A = arith.addi %mul3A_0, %arg0 : i32
    %mul3A_1 = arith.constant 632 : i32
    %mul3A_2 = arith.muli %arg1, %mul3A_1 : i32
    "tpu.region"() ({
      %run_scoped3A_39 = tpu.sem_alloc : memref<!tpu.dma_semaphore, #tpu.memory_space<semaphore_mem>>
      %dma_start3A_40 = arith.constant 0 : i32
      %dma_start3A_41 = tpu.memref_slice %arg11[%mul3A_2, %dma_start3A_40] : memref<10112x32xf32, #tpu.memory_space<vmem_shared>> -> memref<632x32xf32, #tpu.memory_space<vmem_shared>>
      tpu.enqueue_dma source(%arg4 : memref<632x32xf32, #tpu.memory_space<hbm>>) target(%dma_start3A_41 : memref<632x32xf32, #tpu.memory_space<vmem_shared>>) target_semaphore(%run_scoped3A_39 : memref<!tpu.dma_semaphore, #tpu.memory_space<semaphore_mem>>)
      %dma_wait3A_42 = arith.constant 0 : i32
      %dma_wait3A_43 = tpu.memref_slice %arg11[%mul3A_2, %dma_wait3A_42] : memref<10112x32xf32, #tpu.memory_space<vmem_shared>> -> memref<632x32xf32, #tpu.memory_space<vmem_shared>>
      tpu.wait_dma2 semaphore(%run_scoped3A_39 : memref<!tpu.dma_semaphore, #tpu.memory_space<semaphore_mem>>) src(%arg4 : memref<632x32xf32, #tpu.memory_space<hbm>>) dst(%dma_wait3A_43 : memref<632x32xf32, #tpu.memory_space<vmem_shared>>)
      tpu.yield
    }) : () -> ()
    "tpu.region"() ({
      %run_scoped3A_39 = tpu.sem_alloc : memref<!tpu.dma_semaphore, #tpu.memory_space<semaphore_mem>>
      %dma_start3A_40 = arith.constant 0 : i32
      %dma_start3A_41 = arith.constant 0 : i32
      %dma_start3A_42 = tpu.memref_slice %arg2[%add3A, %dma_start3A_40, %dma_start3A_41] : memref<32x125x80xi32, #tpu.memory_space<hbm>> -> memref<1x125x80xi32, #tpu.memory_space<hbm>>
      %dma_start3A_43 = tpu.memref_squeeze %dma_start3A_42 : memref<1x125x80xi32, #tpu.memory_space<hbm>> -> memref<125x80xi32, #tpu.memory_space<hbm>>
      %dma_start3A_44 = arith.constant 0 : i32
      %dma_start3A_45 = arith.constant 0 : i32
      %dma_start3A_46 = tpu.memref_slice %arg2[%add3A, %dma_start3A_44, %dma_start3A_45] : memref<32x125x80xi32, #tpu.memory_space<hbm>> -> memref<1x125x80xi32, #tpu.memory_space<hbm>>
      %dma_start3A_47 = tpu.memref_squeeze %dma_start3A_46 : memref<1x125x80xi32, #tpu.memory_space<hbm>> -> memref<125x80xi32, #tpu.memory_space<hbm>>
      tpu.enqueue_dma source(%dma_start3A_47 : memref<125x80xi32, #tpu.memory_space<hbm>>) target(%arg6 : memref<125x80xi32, #tpu.memory_space<vmem>>) target_semaphore(%run_scoped3A_39 : memref<!tpu.dma_semaphore, #tpu.memory_space<semaphore_mem>>)
      %dma_wait3A_48 = arith.constant 0 : i32
      %dma_wait3A_49 = arith.constant 0 : i32
      %dma_wait3A_50 = tpu.memref_slice %arg2[%add3A, %dma_wait3A_48, %dma_wait3A_49] : memref<32x125x80xi32, #tpu.memory_space<hbm>> -> memref<1x125x80xi32, #tpu.memory_space<hbm>>
      %dma_wait3A_51 = tpu.memref_squeeze %dma_wait3A_50 : memref<1x125x80xi32, #tpu.memory_space<hbm>> -> memref<125x80xi32, #tpu.memory_space<hbm>>
      %dma_wait3A_52 = arith.constant 0 : i32
      %dma_wait3A_53 = arith.constant 0 : i32
      %dma_wait3A_54 = tpu.memref_slice %arg2[%add3A, %dma_wait3A_52, %dma_wait3A_53] : memref<32x125x80xi32, #tpu.memory_space<hbm>> -> memref<1x125x80xi32, #tpu.memory_space<hbm>>
      %dma_wait3A_55 = tpu.memref_squeeze %dma_wait3A_54 : memref<1x125x80xi32, #tpu.memory_space<hbm>> -> memref<125x80xi32, #tpu.memory_space<hbm>>
      tpu.wait_dma2 semaphore(%run_scoped3A_39 : memref<!tpu.dma_semaphore, #tpu.memory_space<semaphore_mem>>) src(%dma_wait3A_55 : memref<125x80xi32, #tpu.memory_space<hbm>>) dst(%arg6 : memref<125x80xi32, #tpu.memory_space<vmem>>)
      tpu.yield
    }) : () -> ()
    %barrier3A = arith.constant 0 : index
    tpu.barrier barrier_id(%barrier3A)
    %dma_start3A = arith.constant 0 : i32
    %dma_start3A_3 = arith.constant 0 : i32
    %dma_start3A_4 = tpu.memref_slice %arg3[%add3A, %dma_start3A, %dma_start3A_3] : memref<32x10000x32xf32, #tpu.memory_space<hbm>> -> memref<1x10000x32xf32, #tpu.memory_space<hbm>>
    %dma_start3A_5 = tpu.memref_squeeze %dma_start3A_4 : memref<1x10000x32xf32, #tpu.memory_space<hbm>> -> memref<10000x32xf32, #tpu.memory_space<hbm>>
    %dma_start3A_6 = arith.constant 0 : i32
    %dma_start3A_7 = arith.constant 0 : i32
    %dma_start3A_8 = tpu.memref_slice %dma_start3A_5[%dma_start3A_6, %dma_start3A_7] : memref<10000x32xf32, #tpu.memory_space<hbm>> -> memref<80x32xf32, #tpu.memory_space<hbm>>
    %dma_start3A_9 = arith.constant 0 : i32
    %dma_start3A_10 = arith.constant 0 : i32
    %dma_start3A_11 = tpu.memref_slice %arg3[%add3A, %dma_start3A_9, %dma_start3A_10] : memref<32x10000x32xf32, #tpu.memory_space<hbm>> -> memref<1x10000x32xf32, #tpu.memory_space<hbm>>
    %dma_start3A_12 = tpu.memref_squeeze %dma_start3A_11 : memref<1x10000x32xf32, #tpu.memory_space<hbm>> -> memref<10000x32xf32, #tpu.memory_space<hbm>>
    %dma_start3A_13 = arith.constant 0 : i32
    %dma_start3A_14 = arith.constant 0 : i32
    %dma_start3A_15 = tpu.memref_slice %dma_start3A_12[%dma_start3A_13, %dma_start3A_14] : memref<10000x32xf32, #tpu.memory_space<hbm>> -> memref<80x32xf32, #tpu.memory_space<hbm>>
    tpu.enqueue_dma source(%dma_start3A_15 : memref<80x32xf32, #tpu.memory_space<hbm>>) target(%arg7 : memref<80x32xf32, #tpu.memory_space<vmem>>) target_semaphore(%arg9 : memref<!tpu.dma_semaphore, #tpu.memory_space<semaphore_mem>>)
    %scan3A = arith.constant 0 : i32
    %scan3A_16 = arith.constant 0 : i32
    %scan3A_17 = arith.constant 62 : i32
    %scan3A_18 = arith.addi %scan3A_16, %scan3A_17 : i32
    %scan3A_19 = arith.constant 1 : i32
    scf.for %scan3A_39 = %scan3A_16 to %scan3A_18 step %scan3A_19  : i32 {
      %mul3A_40 = arith.constant 2 : i32
      %mul3A_41 = arith.muli %mul3A_40, %scan3A_39 : i32
      %add3A_42 = arith.constant 1 : i32
      %add3A_43 = arith.addi %mul3A_41, %add3A_42 : i32
      %mul3A_44 = arith.constant 80 : i32
      %mul3A_45 = arith.muli %add3A_43, %mul3A_44 : i32
      %dma_start3A_46 = arith.constant 0 : i32
      %dma_start3A_47 = arith.constant 0 : i32
      %dma_start3A_48 = tpu.memref_slice %arg3[%add3A, %dma_start3A_46, %dma_start3A_47] : memref<32x10000x32xf32, #tpu.memory_space<hbm>> -> memref<1x10000x32xf32, #tpu.memory_space<hbm>>
      %dma_start3A_49 = tpu.memref_squeeze %dma_start3A_48 : memref<1x10000x32xf32, #tpu.memory_space<hbm>> -> memref<10000x32xf32, #tpu.memory_space<hbm>>
      %dma_start3A_50 = arith.constant 0 : i32
      %dma_start3A_51 = tpu.memref_slice %dma_start3A_49[%mul3A_45, %dma_start3A_50] : memref<10000x32xf32, #tpu.memory_space<hbm>> -> memref<80x32xf32, #tpu.memory_space<hbm>>
      %dma_start3A_52 = arith.constant 0 : i32
      %dma_start3A_53 = arith.constant 0 : i32
      %dma_start3A_54 = tpu.memref_slice %arg3[%add3A, %dma_start3A_52, %dma_start3A_53] : memref<32x10000x32xf32, #tpu.memory_space<hbm>> -> memref<1x10000x32xf32, #tpu.memory_space<hbm>>
      %dma_start3A_55 = tpu.memref_squeeze %dma_start3A_54 : memref<1x10000x32xf32, #tpu.memory_space<hbm>> -> memref<10000x32xf32, #tpu.memory_space<hbm>>
      %dma_start3A_56 = arith.constant 0 : i32
      %dma_start3A_57 = tpu.memref_slice %dma_start3A_55[%mul3A_45, %dma_start3A_56] : memref<10000x32xf32, #tpu.memory_space<hbm>> -> memref<80x32xf32, #tpu.memory_space<hbm>>
      tpu.enqueue_dma source(%dma_start3A_57 : memref<80x32xf32, #tpu.memory_space<hbm>>) target(%arg8 : memref<80x32xf32, #tpu.memory_space<vmem>>) target_semaphore(%arg10 : memref<!tpu.dma_semaphore, #tpu.memory_space<semaphore_mem>>)
      %mul3A_58 = arith.constant 80 : i32
      %mul3A_59 = arith.muli %mul3A_41, %mul3A_58 : i32
      %dma_wait3A_60 = arith.constant 0 : i32
      %dma_wait3A_61 = arith.constant 0 : i32
      %dma_wait3A_62 = tpu.memref_slice %arg3[%add3A, %dma_wait3A_60, %dma_wait3A_61] : memref<32x10000x32xf32, #tpu.memory_space<hbm>> -> memref<1x10000x32xf32, #tpu.memory_space<hbm>>
      %dma_wait3A_63 = tpu.memref_squeeze %dma_wait3A_62 : memref<1x10000x32xf32, #tpu.memory_space<hbm>> -> memref<10000x32xf32, #tpu.memory_space<hbm>>
      %dma_wait3A_64 = arith.constant 0 : i32
      %dma_wait3A_65 = tpu.memref_slice %dma_wait3A_63[%mul3A_59, %dma_wait3A_64] : memref<10000x32xf32, #tpu.memory_space<hbm>> -> memref<80x32xf32, #tpu.memory_space<hbm>>
      %dma_wait3A_66 = arith.constant 0 : i32
      %dma_wait3A_67 = arith.constant 0 : i32
      %dma_wait3A_68 = tpu.memref_slice %arg3[%add3A, %dma_wait3A_66, %dma_wait3A_67] : memref<32x10000x32xf32, #tpu.memory_space<hbm>> -> memref<1x10000x32xf32, #tpu.memory_space<hbm>>
      %dma_wait3A_69 = tpu.memref_squeeze %dma_wait3A_68 : memref<1x10000x32xf32, #tpu.memory_space<hbm>> -> memref<10000x32xf32, #tpu.memory_space<hbm>>
      %dma_wait3A_70 = arith.constant 0 : i32
      %dma_wait3A_71 = tpu.memref_slice %dma_wait3A_69[%mul3A_59, %dma_wait3A_70] : memref<10000x32xf32, #tpu.memory_space<hbm>> -> memref<80x32xf32, #tpu.memory_space<hbm>>
      tpu.wait_dma2 semaphore(%arg9 : memref<!tpu.dma_semaphore, #tpu.memory_space<semaphore_mem>>) src(%dma_wait3A_71 : memref<80x32xf32, #tpu.memory_space<hbm>>) dst(%arg7 : memref<80x32xf32, #tpu.memory_space<vmem>>)
      "tpu.region"() ({
        %run_scoped3A_106 = tpu.sem_alloc : memref<!tpu.dma_semaphore, #tpu.memory_space<semaphore_mem>>
        %dma_start3A_107 = arith.constant 0 : i32
        %dma_start3A_108 = tpu.memref_slice %arg6[%mul3A_41, %dma_start3A_107] : memref<125x80xi32, #tpu.memory_space<vmem>> -> memref<1x80xi32, #tpu.memory_space<vmem>>
        %dma_start3A_109 = tpu.memref_squeeze %dma_start3A_108 : memref<1x80xi32, #tpu.memory_space<vmem>> -> memref<80xi32, #tpu.memory_space<vmem>>
        %dma_start3A_110 = arith.constant 0 : i32
        %dma_start3A_111 = arith.constant 0 : i32
        %dma_start3A_112 = tpu.memref_slice %arg11[%dma_start3A_110, %dma_start3A_111] : memref<10112x32xf32, #tpu.memory_space<vmem_shared>> -> memref<10112x32xf32, #tpu.memory_space<vmem_shared>>
        tpu.enqueue_indirect_dma source(%arg7 : memref<80x32xf32, #tpu.memory_space<vmem>>) target(%dma_start3A_112 : memref<10112x32xf32, #tpu.memory_space<vmem_shared>>) offsets(%dma_start3A_109 : memref<80xi32, #tpu.memory_space<vmem>>) semaphore(%run_scoped3A_106 : memref<!tpu.dma_semaphore, #tpu.memory_space<semaphore_mem>>) {add = true}
        %dma_wait3A_113 = arith.constant 0 : i32
        %dma_wait3A_114 = tpu.memref_slice %arg6[%mul3A_41, %dma_wait3A_113] : memref<125x80xi32, #tpu.memory_space<vmem>> -> memref<1x80xi32, #tpu.memory_space<vmem>>
        %dma_wait3A_115 = tpu.memref_squeeze %dma_wait3A_114 : memref<1x80xi32, #tpu.memory_space<vmem>> -> memref<80xi32, #tpu.memory_space<vmem>>
        %dma_wait3A_116 = arith.constant 0 : i32
        %dma_wait3A_117 = arith.constant 0 : i32
        %dma_wait3A_118 = tpu.memref_slice %arg11[%dma_wait3A_116, %dma_wait3A_117] : memref<10112x32xf32, #tpu.memory_space<vmem_shared>> -> memref<10112x32xf32, #tpu.memory_space<vmem_shared>>
        tpu.wait_indirect_dma semaphore(%run_scoped3A_106 : memref<!tpu.dma_semaphore, #tpu.memory_space<semaphore_mem>>) src(%arg7 : memref<80x32xf32, #tpu.memory_space<vmem>>) dst(%dma_wait3A_118 : memref<10112x32xf32, #tpu.memory_space<vmem_shared>>)
        tpu.yield
      }) : () -> ()
      %add3A_72 = arith.constant 2 : i32
      %add3A_73 = arith.addi %mul3A_41, %add3A_72 : i32
      %mul3A_74 = arith.constant 80 : i32
      %mul3A_75 = arith.muli %add3A_73, %mul3A_74 : i32
      %dma_start3A_76 = arith.constant 0 : i32
      %dma_start3A_77 = arith.constant 0 : i32
      %dma_start3A_78 = tpu.memref_slice %arg3[%add3A, %dma_start3A_76, %dma_start3A_77] : memref<32x10000x32xf32, #tpu.memory_space<hbm>> -> memref<1x10000x32xf32, #tpu.memory_space<hbm>>
      %dma_start3A_79 = tpu.memref_squeeze %dma_start3A_78 : memref<1x10000x32xf32, #tpu.memory_space<hbm>> -> memref<10000x32xf32, #tpu.memory_space<hbm>>
      %dma_start3A_80 = arith.constant 0 : i32
      %dma_start3A_81 = tpu.memref_slice %dma_start3A_79[%mul3A_75, %dma_start3A_80] : memref<10000x32xf32, #tpu.memory_space<hbm>> -> memref<80x32xf32, #tpu.memory_space<hbm>>
      %dma_start3A_82 = arith.constant 0 : i32
      %dma_start3A_83 = arith.constant 0 : i32
      %dma_start3A_84 = tpu.memref_slice %arg3[%add3A, %dma_start3A_82, %dma_start3A_83] : memref<32x10000x32xf32, #tpu.memory_space<hbm>> -> memref<1x10000x32xf32, #tpu.memory_space<hbm>>
      %dma_start3A_85 = tpu.memref_squeeze %dma_start3A_84 : memref<1x10000x32xf32, #tpu.memory_space<hbm>> -> memref<10000x32xf32, #tpu.memory_space<hbm>>
      %dma_start3A_86 = arith.constant 0 : i32
      %dma_start3A_87 = tpu.memref_slice %dma_start3A_85[%mul3A_75, %dma_start3A_86] : memref<10000x32xf32, #tpu.memory_space<hbm>> -> memref<80x32xf32, #tpu.memory_space<hbm>>
      tpu.enqueue_dma source(%dma_start3A_87 : memref<80x32xf32, #tpu.memory_space<hbm>>) target(%arg7 : memref<80x32xf32, #tpu.memory_space<vmem>>) target_semaphore(%arg9 : memref<!tpu.dma_semaphore, #tpu.memory_space<semaphore_mem>>)
      %add3A_88 = arith.constant 1 : i32
      %add3A_89 = arith.addi %mul3A_41, %add3A_88 : i32
      %mul3A_90 = arith.constant 80 : i32
      %mul3A_91 = arith.muli %add3A_89, %mul3A_90 : i32
      %dma_wait3A_92 = arith.constant 0 : i32
      %dma_wait3A_93 = arith.constant 0 : i32
      %dma_wait3A_94 = tpu.memref_slice %arg3[%add3A, %dma_wait3A_92, %dma_wait3A_93] : memref<32x10000x32xf32, #tpu.memory_space<hbm>> -> memref<1x10000x32xf32, #tpu.memory_space<hbm>>
      %dma_wait3A_95 = tpu.memref_squeeze %dma_wait3A_94 : memref<1x10000x32xf32, #tpu.memory_space<hbm>> -> memref<10000x32xf32, #tpu.memory_space<hbm>>
      %dma_wait3A_96 = arith.constant 0 : i32
      %dma_wait3A_97 = tpu.memref_slice %dma_wait3A_95[%mul3A_91, %dma_wait3A_96] : memref<10000x32xf32, #tpu.memory_space<hbm>> -> memref<80x32xf32, #tpu.memory_space<hbm>>
      %dma_wait3A_98 = arith.constant 0 : i32
      %dma_wait3A_99 = arith.constant 0 : i32
      %dma_wait3A_100 = tpu.memref_slice %arg3[%add3A, %dma_wait3A_98, %dma_wait3A_99] : memref<32x10000x32xf32, #tpu.memory_space<hbm>> -> memref<1x10000x32xf32, #tpu.memory_space<hbm>>
      %dma_wait3A_101 = tpu.memref_squeeze %dma_wait3A_100 : memref<1x10000x32xf32, #tpu.memory_space<hbm>> -> memref<10000x32xf32, #tpu.memory_space<hbm>>
      %dma_wait3A_102 = arith.constant 0 : i32
      %dma_wait3A_103 = tpu.memref_slice %dma_wait3A_101[%mul3A_91, %dma_wait3A_102] : memref<10000x32xf32, #tpu.memory_space<hbm>> -> memref<80x32xf32, #tpu.memory_space<hbm>>
      tpu.wait_dma2 semaphore(%arg10 : memref<!tpu.dma_semaphore, #tpu.memory_space<semaphore_mem>>) src(%dma_wait3A_103 : memref<80x32xf32, #tpu.memory_space<hbm>>) dst(%arg8 : memref<80x32xf32, #tpu.memory_space<vmem>>)
      %add3A_104 = arith.constant 1 : i32
      %add3A_105 = arith.addi %mul3A_41, %add3A_104 : i32
      "tpu.region"() ({
        %run_scoped3A_106 = tpu.sem_alloc : memref<!tpu.dma_semaphore, #tpu.memory_space<semaphore_mem>>
        %dma_start3A_107 = arith.constant 0 : i32
        %dma_start3A_108 = tpu.memref_slice %arg6[%add3A_105, %dma_start3A_107] : memref<125x80xi32, #tpu.memory_space<vmem>> -> memref<1x80xi32, #tpu.memory_space<vmem>>
        %dma_start3A_109 = tpu.memref_squeeze %dma_start3A_108 : memref<1x80xi32, #tpu.memory_space<vmem>> -> memref<80xi32, #tpu.memory_space<vmem>>
        %dma_start3A_110 = arith.constant 0 : i32
        %dma_start3A_111 = arith.constant 0 : i32
        %dma_start3A_112 = tpu.memref_slice %arg11[%dma_start3A_110, %dma_start3A_111] : memref<10112x32xf32, #tpu.memory_space<vmem_shared>> -> memref<10112x32xf32, #tpu.memory_space<vmem_shared>>
        tpu.enqueue_indirect_dma source(%arg8 : memref<80x32xf32, #tpu.memory_space<vmem>>) target(%dma_start3A_112 : memref<10112x32xf32, #tpu.memory_space<vmem_shared>>) offsets(%dma_start3A_109 : memref<80xi32, #tpu.memory_space<vmem>>) semaphore(%run_scoped3A_106 : memref<!tpu.dma_semaphore, #tpu.memory_space<semaphore_mem>>) {add = true}
        %dma_wait3A_113 = arith.constant 0 : i32
        %dma_wait3A_114 = tpu.memref_slice %arg6[%add3A_105, %dma_wait3A_113] : memref<125x80xi32, #tpu.memory_space<vmem>> -> memref<1x80xi32, #tpu.memory_space<vmem>>
        %dma_wait3A_115 = tpu.memref_squeeze %dma_wait3A_114 : memref<1x80xi32, #tpu.memory_space<vmem>> -> memref<80xi32, #tpu.memory_space<vmem>>
        %dma_wait3A_116 = arith.constant 0 : i32
        %dma_wait3A_117 = arith.constant 0 : i32
        %dma_wait3A_118 = tpu.memref_slice %arg11[%dma_wait3A_116, %dma_wait3A_117] : memref<10112x32xf32, #tpu.memory_space<vmem_shared>> -> memref<10112x32xf32, #tpu.memory_space<vmem_shared>>
        tpu.wait_indirect_dma semaphore(%run_scoped3A_106 : memref<!tpu.dma_semaphore, #tpu.memory_space<semaphore_mem>>) src(%arg8 : memref<80x32xf32, #tpu.memory_space<vmem>>) dst(%dma_wait3A_118 : memref<10112x32xf32, #tpu.memory_space<vmem_shared>>)
        tpu.yield
      }) : () -> ()
    }
    %scan3A_20 = arith.constant 62 : i32
    %dma_wait3A = arith.constant 0 : i32
    %dma_wait3A_21 = arith.constant 0 : i32
    %dma_wait3A_22 = tpu.memref_slice %arg3[%add3A, %dma_wait3A, %dma_wait3A_21] : memref<32x10000x32xf32, #tpu.memory_space<hbm>> -> memref<1x10000x32xf32, #tpu.memory_space<hbm>>
    %dma_wait3A_23 = tpu.memref_squeeze %dma_wait3A_22 : memref<1x10000x32xf32, #tpu.memory_space<hbm>> -> memref<10000x32xf32, #tpu.memory_space<hbm>>
    %dma_wait3A_24 = arith.constant 9920 : i32
    %dma_wait3A_25 = arith.constant 0 : i32
    %dma_wait3A_26 = tpu.memref_slice %dma_wait3A_23[%dma_wait3A_24, %dma_wait3A_25] : memref<10000x32xf32, #tpu.memory_space<hbm>> -> memref<80x32xf32, #tpu.memory_space<hbm>>
    %dma_wait3A_27 = arith.constant 0 : i32
    %dma_wait3A_28 = arith.constant 0 : i32
    %dma_wait3A_29 = tpu.memref_slice %arg3[%add3A, %dma_wait3A_27, %dma_wait3A_28] : memref<32x10000x32xf32, #tpu.memory_space<hbm>> -> memref<1x10000x32xf32, #tpu.memory_space<hbm>>
    %dma_wait3A_30 = tpu.memref_squeeze %dma_wait3A_29 : memref<1x10000x32xf32, #tpu.memory_space<hbm>> -> memref<10000x32xf32, #tpu.memory_space<hbm>>
    %dma_wait3A_31 = arith.constant 9920 : i32
    %dma_wait3A_32 = arith.constant 0 : i32
    %dma_wait3A_33 = tpu.memref_slice %dma_wait3A_30[%dma_wait3A_31, %dma_wait3A_32] : memref<10000x32xf32, #tpu.memory_space<hbm>> -> memref<80x32xf32, #tpu.memory_space<hbm>>
    tpu.wait_dma2 semaphore(%arg9 : memref<!tpu.dma_semaphore, #tpu.memory_space<semaphore_mem>>) src(%dma_wait3A_33 : memref<80x32xf32, #tpu.memory_space<hbm>>) dst(%arg7 : memref<80x32xf32, #tpu.memory_space<vmem>>)
    %run_scoped3A = arith.constant 124 : i32
    "tpu.region"() ({
      %run_scoped3A_39 = tpu.sem_alloc : memref<!tpu.dma_semaphore, #tpu.memory_space<semaphore_mem>>
      %dma_start3A_40 = arith.constant 0 : i32
      %dma_start3A_41 = tpu.memref_slice %arg6[%run_scoped3A, %dma_start3A_40] : memref<125x80xi32, #tpu.memory_space<vmem>> -> memref<1x80xi32, #tpu.memory_space<vmem>>
      %dma_start3A_42 = tpu.memref_squeeze %dma_start3A_41 : memref<1x80xi32, #tpu.memory_space<vmem>> -> memref<80xi32, #tpu.memory_space<vmem>>
      %dma_start3A_43 = arith.constant 0 : i32
      %dma_start3A_44 = arith.constant 0 : i32
      %dma_start3A_45 = tpu.memref_slice %arg11[%dma_start3A_43, %dma_start3A_44] : memref<10112x32xf32, #tpu.memory_space<vmem_shared>> -> memref<10112x32xf32, #tpu.memory_space<vmem_shared>>
      tpu.enqueue_indirect_dma source(%arg7 : memref<80x32xf32, #tpu.memory_space<vmem>>) target(%dma_start3A_45 : memref<10112x32xf32, #tpu.memory_space<vmem_shared>>) offsets(%dma_start3A_42 : memref<80xi32, #tpu.memory_space<vmem>>) semaphore(%run_scoped3A_39 : memref<!tpu.dma_semaphore, #tpu.memory_space<semaphore_mem>>) {add = true}
      %dma_wait3A_46 = arith.constant 0 : i32
      %dma_wait3A_47 = tpu.memref_slice %arg6[%run_scoped3A, %dma_wait3A_46] : memref<125x80xi32, #tpu.memory_space<vmem>> -> memref<1x80xi32, #tpu.memory_space<vmem>>
      %dma_wait3A_48 = tpu.memref_squeeze %dma_wait3A_47 : memref<1x80xi32, #tpu.memory_space<vmem>> -> memref<80xi32, #tpu.memory_space<vmem>>
      %dma_wait3A_49 = arith.constant 0 : i32
      %dma_wait3A_50 = arith.constant 0 : i32
      %dma_wait3A_51 = tpu.memref_slice %arg11[%dma_wait3A_49, %dma_wait3A_50] : memref<10112x32xf32, #tpu.memory_space<vmem_shared>> -> memref<10112x32xf32, #tpu.memory_space<vmem_shared>>
      tpu.wait_indirect_dma semaphore(%run_scoped3A_39 : memref<!tpu.dma_semaphore, #tpu.memory_space<semaphore_mem>>) src(%arg7 : memref<80x32xf32, #tpu.memory_space<vmem>>) dst(%dma_wait3A_51 : memref<10112x32xf32, #tpu.memory_space<vmem_shared>>)
      tpu.yield
    }) : () -> ()
    %barrier3A_34 = arith.constant 0 : index
    tpu.barrier barrier_id(%barrier3A_34)
    %mul3A_35 = arith.constant 632 : i32
    %mul3A_36 = arith.muli %arg1, %mul3A_35 : i32
    %mul3A_37 = arith.constant 632 : i32
    %mul3A_38 = arith.muli %arg1, %mul3A_37 : i32
    "tpu.region"() ({
      %run_scoped3A_39 = tpu.sem_alloc : memref<!tpu.dma_semaphore, #tpu.memory_space<semaphore_mem>>
      %dma_start3A_40 = arith.constant 0 : i32
      %dma_start3A_41 = arith.constant 0 : i32
      %dma_start3A_42 = tpu.memref_slice %arg5[%arg0, %dma_start3A_40, %dma_start3A_41] : memref<2x10112x32xf32, #tpu.memory_space<hbm>> -> memref<1x10112x32xf32, #tpu.memory_space<hbm>>
      %dma_start3A_43 = tpu.memref_squeeze %dma_start3A_42 : memref<1x10112x32xf32, #tpu.memory_space<hbm>> -> memref<10112x32xf32, #tpu.memory_space<hbm>>
      %dma_start3A_44 = arith.constant 0 : i32
      %dma_start3A_45 = tpu.memref_slice %dma_start3A_43[%mul3A_38, %dma_start3A_44] : memref<10112x32xf32, #tpu.memory_space<hbm>> -> memref<632x32xf32, #tpu.memory_space<hbm>>
      %dma_start3A_46 = arith.constant 0 : i32
      %dma_start3A_47 = tpu.memref_slice %arg11[%mul3A_36, %dma_start3A_46] : memref<10112x32xf32, #tpu.memory_space<vmem_shared>> -> memref<632x32xf32, #tpu.memory_space<vmem_shared>>
      tpu.enqueue_dma source(%dma_start3A_47 : memref<632x32xf32, #tpu.memory_space<vmem_shared>>) target(%dma_start3A_45 : memref<632x32xf32, #tpu.memory_space<hbm>>) target_semaphore(%run_scoped3A_39 : memref<!tpu.dma_semaphore, #tpu.memory_space<semaphore_mem>>)
      %dma_wait3A_48 = arith.constant 0 : i32
      %dma_wait3A_49 = arith.constant 0 : i32
      %dma_wait3A_50 = tpu.memref_slice %arg5[%arg0, %dma_wait3A_48, %dma_wait3A_49] : memref<2x10112x32xf32, #tpu.memory_space<hbm>> -> memref<1x10112x32xf32, #tpu.memory_space<hbm>>
      %dma_wait3A_51 = tpu.memref_squeeze %dma_wait3A_50 : memref<1x10112x32xf32, #tpu.memory_space<hbm>> -> memref<10112x32xf32, #tpu.memory_space<hbm>>
      %dma_wait3A_52 = arith.constant 0 : i32
      %dma_wait3A_53 = tpu.memref_slice %dma_wait3A_51[%mul3A_38, %dma_wait3A_52] : memref<10112x32xf32, #tpu.memory_space<hbm>> -> memref<632x32xf32, #tpu.memory_space<hbm>>
      %dma_wait3A_54 = arith.constant 0 : i32
      %dma_wait3A_55 = tpu.memref_slice %arg11[%mul3A_36, %dma_wait3A_54] : memref<10112x32xf32, #tpu.memory_space<vmem_shared>> -> memref<632x32xf32, #tpu.memory_space<vmem_shared>>
      tpu.wait_dma2 semaphore(%run_scoped3A_39 : memref<!tpu.dma_semaphore, #tpu.memory_space<semaphore_mem>>) src(%dma_wait3A_55 : memref<632x32xf32, #tpu.memory_space<vmem_shared>>) dst(%dma_wait3A_53 : memref<632x32xf32, #tpu.memory_space<hbm>>)
      tpu.yield
    }) : () -> ()
    return
  }
}

#map = affine_map<(d0, d1) -> (0, 0, 0)>
#map1 = affine_map<(d0, d1) -> (0, 0)>
module attributes {stable_mosaic.version = 14 : i64} {
  func.func @_sc_spmm_body(%arg0: i32, %arg1: i32, %arg2: memref<32x80x125xi32, #tpu.memory_space<hbm>>, %arg3: memref<32x80x125xi32, #tpu.memory_space<hbm>>, %arg4: memref<10000x128xf32, #tpu.memory_space<hbm>>, %arg5: memref<632x128xf32, #tpu.memory_space<hbm>>, %arg6: memref<2x10112x128xf32, #tpu.memory_space<hbm>>, %arg7: memref<4x125xi32, #tpu.memory_space<vmem>>, %arg8: memref<80x125xi32, #tpu.memory_space<vmem>>, %arg9: memref<125x128xf32, #tpu.memory_space<vmem>>, %arg10: memref<125x128xf32, #tpu.memory_space<vmem>>, %arg11: memref<!tpu.dma_semaphore, #tpu.memory_space<semaphore_mem>>, %arg12: memref<!tpu.dma_semaphore, #tpu.memory_space<semaphore_mem>>, %arg13: memref<!tpu.dma_semaphore, #tpu.memory_space<semaphore_mem>>, %arg14: memref<!tpu.dma_semaphore, #tpu.memory_space<semaphore_mem>>, %arg15: memref<!tpu.dma_semaphore, #tpu.memory_space<semaphore_mem>>, %arg16: memref<!tpu.dma_semaphore, #tpu.memory_space<semaphore_mem>>, %arg17: memref<!tpu.dma_semaphore, #tpu.memory_space<semaphore_mem>>, %arg18: memref<!tpu.dma_semaphore, #tpu.memory_space<semaphore_mem>>, %arg19: memref<10112x128xf32, #tpu.memory_space<vmem_shared>>) attributes {dimension_semantics = [#tpu.dimension_semantics<core_parallel>, #tpu.dimension_semantics<subcore_parallel>], iteration_bounds = array<i64: 2, 16>, scalar_prefetch = 0 : i64, scratch_operands = 13 : i64, tpu.core_type = #tpu.core_type<sc_vector_subcore>, window_params = [{transform_indices = #map}, {transform_indices = #map}, {transform_indices = #map1}, {transform_indices = #map1}, {transform_indices = #map}]} {
    %mul3A = arith.constant 2 : i32
    %mul3A_0 = arith.muli %arg1, %mul3A : i32
    %add3A = arith.addi %mul3A_0, %arg0 : i32
    %mul3A_1 = arith.constant 632 : i32
    %mul3A_2 = arith.muli %arg1, %mul3A_1 : i32
    "tpu.region"() ({
      %run_scoped3A = tpu.sem_alloc : memref<!tpu.dma_semaphore, #tpu.memory_space<semaphore_mem>>
      %dma_start3A_32 = arith.constant 0 : i32
      %dma_start3A_33 = tpu.memref_slice %arg19[%mul3A_2, %dma_start3A_32] : memref<10112x128xf32, #tpu.memory_space<vmem_shared>> -> memref<632x128xf32, #tpu.memory_space<vmem_shared>>
      tpu.enqueue_dma source(%arg5 : memref<632x128xf32, #tpu.memory_space<hbm>>) target(%dma_start3A_33 : memref<632x128xf32, #tpu.memory_space<vmem_shared>>) target_semaphore(%run_scoped3A : memref<!tpu.dma_semaphore, #tpu.memory_space<semaphore_mem>>)
      %dma_wait3A_34 = arith.constant 0 : i32
      %dma_wait3A_35 = tpu.memref_slice %arg19[%mul3A_2, %dma_wait3A_34] : memref<10112x128xf32, #tpu.memory_space<vmem_shared>> -> memref<632x128xf32, #tpu.memory_space<vmem_shared>>
      tpu.wait_dma2 semaphore(%run_scoped3A : memref<!tpu.dma_semaphore, #tpu.memory_space<semaphore_mem>>) src(%arg5 : memref<632x128xf32, #tpu.memory_space<hbm>>) dst(%dma_wait3A_35 : memref<632x128xf32, #tpu.memory_space<vmem_shared>>)
      tpu.yield
    }) : () -> ()
    "tpu.region"() ({
      %run_scoped3A = tpu.sem_alloc : memref<!tpu.dma_semaphore, #tpu.memory_space<semaphore_mem>>
      %dma_start3A_32 = arith.constant 0 : i32
      %dma_start3A_33 = arith.constant 0 : i32
      %dma_start3A_34 = tpu.memref_slice %arg3[%add3A, %dma_start3A_32, %dma_start3A_33] : memref<32x80x125xi32, #tpu.memory_space<hbm>> -> memref<1x80x125xi32, #tpu.memory_space<hbm>>
      %dma_start3A_35 = tpu.memref_squeeze %dma_start3A_34 : memref<1x80x125xi32, #tpu.memory_space<hbm>> -> memref<80x125xi32, #tpu.memory_space<hbm>>
      %dma_start3A_36 = arith.constant 0 : i32
      %dma_start3A_37 = arith.constant 0 : i32
      %dma_start3A_38 = tpu.memref_slice %arg3[%add3A, %dma_start3A_36, %dma_start3A_37] : memref<32x80x125xi32, #tpu.memory_space<hbm>> -> memref<1x80x125xi32, #tpu.memory_space<hbm>>
      %dma_start3A_39 = tpu.memref_squeeze %dma_start3A_38 : memref<1x80x125xi32, #tpu.memory_space<hbm>> -> memref<80x125xi32, #tpu.memory_space<hbm>>
      tpu.enqueue_dma source(%dma_start3A_39 : memref<80x125xi32, #tpu.memory_space<hbm>>) target(%arg8 : memref<80x125xi32, #tpu.memory_space<vmem>>) target_semaphore(%run_scoped3A : memref<!tpu.dma_semaphore, #tpu.memory_space<semaphore_mem>>)
      %dma_wait3A_40 = arith.constant 0 : i32
      %dma_wait3A_41 = arith.constant 0 : i32
      %dma_wait3A_42 = tpu.memref_slice %arg3[%add3A, %dma_wait3A_40, %dma_wait3A_41] : memref<32x80x125xi32, #tpu.memory_space<hbm>> -> memref<1x80x125xi32, #tpu.memory_space<hbm>>
      %dma_wait3A_43 = tpu.memref_squeeze %dma_wait3A_42 : memref<1x80x125xi32, #tpu.memory_space<hbm>> -> memref<80x125xi32, #tpu.memory_space<hbm>>
      %dma_wait3A_44 = arith.constant 0 : i32
      %dma_wait3A_45 = arith.constant 0 : i32
      %dma_wait3A_46 = tpu.memref_slice %arg3[%add3A, %dma_wait3A_44, %dma_wait3A_45] : memref<32x80x125xi32, #tpu.memory_space<hbm>> -> memref<1x80x125xi32, #tpu.memory_space<hbm>>
      %dma_wait3A_47 = tpu.memref_squeeze %dma_wait3A_46 : memref<1x80x125xi32, #tpu.memory_space<hbm>> -> memref<80x125xi32, #tpu.memory_space<hbm>>
      tpu.wait_dma2 semaphore(%run_scoped3A : memref<!tpu.dma_semaphore, #tpu.memory_space<semaphore_mem>>) src(%dma_wait3A_47 : memref<80x125xi32, #tpu.memory_space<hbm>>) dst(%arg8 : memref<80x125xi32, #tpu.memory_space<vmem>>)
      tpu.yield
    }) : () -> ()
    "tpu.region"() ({
      %run_scoped3A = tpu.sem_alloc : memref<!tpu.dma_semaphore, #tpu.memory_space<semaphore_mem>>
      %dma_start3A_32 = arith.constant 0 : i32
      %dma_start3A_33 = arith.constant 0 : i32
      %dma_start3A_34 = tpu.memref_slice %arg7[%dma_start3A_32, %dma_start3A_33] : memref<4x125xi32, #tpu.memory_space<vmem>> -> memref<3x125xi32, #tpu.memory_space<vmem>>
      %dma_start3A_35 = arith.constant 0 : i32
      %dma_start3A_36 = arith.constant 0 : i32
      %dma_start3A_37 = tpu.memref_slice %arg2[%add3A, %dma_start3A_35, %dma_start3A_36] : memref<32x80x125xi32, #tpu.memory_space<hbm>> -> memref<1x3x125xi32, #tpu.memory_space<hbm>>
      %dma_start3A_38 = tpu.memref_squeeze %dma_start3A_37 : memref<1x3x125xi32, #tpu.memory_space<hbm>> -> memref<3x125xi32, #tpu.memory_space<hbm>>
      %dma_start3A_39 = arith.constant 0 : i32
      %dma_start3A_40 = arith.constant 0 : i32
      %dma_start3A_41 = tpu.memref_slice %arg7[%dma_start3A_39, %dma_start3A_40] : memref<4x125xi32, #tpu.memory_space<vmem>> -> memref<3x125xi32, #tpu.memory_space<vmem>>
      %dma_start3A_42 = arith.constant 0 : i32
      %dma_start3A_43 = arith.constant 0 : i32
      %dma_start3A_44 = tpu.memref_slice %arg2[%add3A, %dma_start3A_42, %dma_start3A_43] : memref<32x80x125xi32, #tpu.memory_space<hbm>> -> memref<1x3x125xi32, #tpu.memory_space<hbm>>
      %dma_start3A_45 = tpu.memref_squeeze %dma_start3A_44 : memref<1x3x125xi32, #tpu.memory_space<hbm>> -> memref<3x125xi32, #tpu.memory_space<hbm>>
      tpu.enqueue_dma source(%dma_start3A_45 : memref<3x125xi32, #tpu.memory_space<hbm>>) target(%dma_start3A_41 : memref<3x125xi32, #tpu.memory_space<vmem>>) target_semaphore(%run_scoped3A : memref<!tpu.dma_semaphore, #tpu.memory_space<semaphore_mem>>)
      %dma_wait3A_46 = arith.constant 0 : i32
      %dma_wait3A_47 = arith.constant 0 : i32
      %dma_wait3A_48 = tpu.memref_slice %arg7[%dma_wait3A_46, %dma_wait3A_47] : memref<4x125xi32, #tpu.memory_space<vmem>> -> memref<3x125xi32, #tpu.memory_space<vmem>>
      %dma_wait3A_49 = arith.constant 0 : i32
      %dma_wait3A_50 = arith.constant 0 : i32
      %dma_wait3A_51 = tpu.memref_slice %arg2[%add3A, %dma_wait3A_49, %dma_wait3A_50] : memref<32x80x125xi32, #tpu.memory_space<hbm>> -> memref<1x3x125xi32, #tpu.memory_space<hbm>>
      %dma_wait3A_52 = tpu.memref_squeeze %dma_wait3A_51 : memref<1x3x125xi32, #tpu.memory_space<hbm>> -> memref<3x125xi32, #tpu.memory_space<hbm>>
      %dma_wait3A_53 = arith.constant 0 : i32
      %dma_wait3A_54 = arith.constant 0 : i32
      %dma_wait3A_55 = tpu.memref_slice %arg7[%dma_wait3A_53, %dma_wait3A_54] : memref<4x125xi32, #tpu.memory_space<vmem>> -> memref<3x125xi32, #tpu.memory_space<vmem>>
      %dma_wait3A_56 = arith.constant 0 : i32
      %dma_wait3A_57 = arith.constant 0 : i32
      %dma_wait3A_58 = tpu.memref_slice %arg2[%add3A, %dma_wait3A_56, %dma_wait3A_57] : memref<32x80x125xi32, #tpu.memory_space<hbm>> -> memref<1x3x125xi32, #tpu.memory_space<hbm>>
      %dma_wait3A_59 = tpu.memref_squeeze %dma_wait3A_58 : memref<1x3x125xi32, #tpu.memory_space<hbm>> -> memref<3x125xi32, #tpu.memory_space<hbm>>
      tpu.wait_dma2 semaphore(%run_scoped3A : memref<!tpu.dma_semaphore, #tpu.memory_space<semaphore_mem>>) src(%dma_wait3A_59 : memref<3x125xi32, #tpu.memory_space<hbm>>) dst(%dma_wait3A_55 : memref<3x125xi32, #tpu.memory_space<vmem>>)
      tpu.yield
    }) : () -> ()
    %barrier3A = arith.constant 0 : index
    tpu.barrier barrier_id(%barrier3A)
    %dma_start3A = arith.constant 0 : i32
    %dma_start3A_3 = arith.constant 0 : i32
    %dma_start3A_4 = tpu.memref_slice %arg7[%dma_start3A, %dma_start3A_3] : memref<4x125xi32, #tpu.memory_space<vmem>> -> memref<1x125xi32, #tpu.memory_space<vmem>>
    %dma_start3A_5 = tpu.memref_squeeze %dma_start3A_4 : memref<1x125xi32, #tpu.memory_space<vmem>> -> memref<125xi32, #tpu.memory_space<vmem>>
    %dma_start3A_6 = arith.constant 0 : i32
    %dma_start3A_7 = arith.constant 0 : i32
    %dma_start3A_8 = tpu.memref_slice %arg4[%dma_start3A_6, %dma_start3A_7] : memref<10000x128xf32, #tpu.memory_space<hbm>> -> memref<10000x128xf32, #tpu.memory_space<hbm>>
    tpu.enqueue_indirect_dma source(%dma_start3A_8 : memref<10000x128xf32, #tpu.memory_space<hbm>>) target(%arg9 : memref<125x128xf32, #tpu.memory_space<vmem>>) offsets(%dma_start3A_5 : memref<125xi32, #tpu.memory_space<vmem>>) semaphore(%arg15 : memref<!tpu.dma_semaphore, #tpu.memory_space<semaphore_mem>>)
    %scan3A = arith.constant 0 : i32
    %scan3A_9 = arith.constant 0 : i32
    %scan3A_10 = arith.constant 20 : i32
    %scan3A_11 = arith.addi %scan3A_9, %scan3A_10 : i32
    %scan3A_12 = arith.constant 1 : i32
    scf.for %scan3A_32 = %scan3A_9 to %scan3A_11 step %scan3A_12  : i32 {
      %mul3A_33 = arith.constant 4 : i32
      %mul3A_34 = arith.muli %scan3A_32, %mul3A_33 : i32
      %add3A_35 = arith.constant 0 : i32
      %add3A_36 = arith.addi %mul3A_34, %add3A_35 : i32
      %dma_wait3A_37 = arith.constant 0 : i32
      %dma_wait3A_38 = arith.constant 0 : i32
      %dma_wait3A_39 = tpu.memref_slice %arg7[%dma_wait3A_37, %dma_wait3A_38] : memref<4x125xi32, #tpu.memory_space<vmem>> -> memref<1x125xi32, #tpu.memory_space<vmem>>
      %dma_wait3A_40 = tpu.memref_squeeze %dma_wait3A_39 : memref<1x125xi32, #tpu.memory_space<vmem>> -> memref<125xi32, #tpu.memory_space<vmem>>
      %dma_wait3A_41 = arith.constant 0 : i32
      %dma_wait3A_42 = arith.constant 0 : i32
      %dma_wait3A_43 = tpu.memref_slice %arg4[%dma_wait3A_41, %dma_wait3A_42] : memref<10000x128xf32, #tpu.memory_space<hbm>> -> memref<10000x128xf32, #tpu.memory_space<hbm>>
      tpu.wait_indirect_dma semaphore(%arg15 : memref<!tpu.dma_semaphore, #tpu.memory_space<semaphore_mem>>) src(%dma_wait3A_43 : memref<10000x128xf32, #tpu.memory_space<hbm>>) dst(%arg9 : memref<125x128xf32, #tpu.memory_space<vmem>>)
      %dma_start3A_44 = arith.constant 0 : i32
      %dma_start3A_45 = tpu.memref_slice %arg8[%add3A_36, %dma_start3A_44] : memref<80x125xi32, #tpu.memory_space<vmem>> -> memref<1x125xi32, #tpu.memory_space<vmem>>
      %dma_start3A_46 = tpu.memref_squeeze %dma_start3A_45 : memref<1x125xi32, #tpu.memory_space<vmem>> -> memref<125xi32, #tpu.memory_space<vmem>>
      %dma_start3A_47 = arith.constant 0 : i32
      %dma_start3A_48 = arith.constant 0 : i32
      %dma_start3A_49 = tpu.memref_slice %arg19[%dma_start3A_47, %dma_start3A_48] : memref<10112x128xf32, #tpu.memory_space<vmem_shared>> -> memref<10112x128xf32, #tpu.memory_space<vmem_shared>>
      tpu.enqueue_indirect_dma source(%arg9 : memref<125x128xf32, #tpu.memory_space<vmem>>) target(%dma_start3A_49 : memref<10112x128xf32, #tpu.memory_space<vmem_shared>>) offsets(%dma_start3A_46 : memref<125xi32, #tpu.memory_space<vmem>>) semaphore(%arg17 : memref<!tpu.dma_semaphore, #tpu.memory_space<semaphore_mem>>) {add = true}
      %add3A_50 = arith.constant 3 : i32
      %add3A_51 = arith.addi %add3A_36, %add3A_50 : i32
      %lt3A = arith.constant 80 : i32
      %lt3A_52 = arith.cmpi slt, %add3A_51, %lt3A : i32
      %convert_element_type3A = arith.extui %lt3A_52 : i1 to i32
      %cond3A = arith.constant 0 : i32
      %cond3A_53 = arith.cmpi ne, %convert_element_type3A, %cond3A : i32
      scf.if %cond3A_53 {
        %add3A_148 = arith.constant 3 : i32
        %add3A_149 = arith.addi %add3A_36, %add3A_148 : i32
        %dma_start3A_150 = arith.constant 3 : i32
        %dma_start3A_151 = arith.constant 0 : i32
        %dma_start3A_152 = tpu.memref_slice %arg7[%dma_start3A_150, %dma_start3A_151] : memref<4x125xi32, #tpu.memory_space<vmem>> -> memref<1x125xi32, #tpu.memory_space<vmem>>
        %dma_start3A_153 = tpu.memref_squeeze %dma_start3A_152 : memref<1x125xi32, #tpu.memory_space<vmem>> -> memref<125xi32, #tpu.memory_space<vmem>>
        %dma_start3A_154 = arith.constant 0 : i32
        %dma_start3A_155 = arith.constant 0 : i32
        %dma_start3A_156 = tpu.memref_slice %arg2[%add3A, %dma_start3A_154, %dma_start3A_155] : memref<32x80x125xi32, #tpu.memory_space<hbm>> -> memref<1x80x125xi32, #tpu.memory_space<hbm>>
        %dma_start3A_157 = tpu.memref_squeeze %dma_start3A_156 : memref<1x80x125xi32, #tpu.memory_space<hbm>> -> memref<80x125xi32, #tpu.memory_space<hbm>>
        %dma_start3A_158 = arith.constant 0 : i32
        %dma_start3A_159 = tpu.memref_slice %dma_start3A_157[%add3A_149, %dma_start3A_158] : memref<80x125xi32, #tpu.memory_space<hbm>> -> memref<1x125xi32, #tpu.memory_space<hbm>>
        %dma_start3A_160 = tpu.memref_squeeze %dma_start3A_159 : memref<1x125xi32, #tpu.memory_space<hbm>> -> memref<125xi32, #tpu.memory_space<hbm>>
        %dma_start3A_161 = arith.constant 0 : i32
        %dma_start3A_162 = tpu.memref_slice %arg7[%dma_start3A_150, %dma_start3A_161] : memref<4x125xi32, #tpu.memory_space<vmem>> -> memref<1x125xi32, #tpu.memory_space<vmem>>
        %dma_start3A_163 = tpu.memref_squeeze %dma_start3A_162 : memref<1x125xi32, #tpu.memory_space<vmem>> -> memref<125xi32, #tpu.memory_space<vmem>>
        %dma_start3A_164 = arith.constant 0 : i32
        %dma_start3A_165 = arith.constant 0 : i32
        %dma_start3A_166 = tpu.memref_slice %arg2[%add3A, %dma_start3A_164, %dma_start3A_165] : memref<32x80x125xi32, #tpu.memory_space<hbm>> -> memref<1x80x125xi32, #tpu.memory_space<hbm>>
        %dma_start3A_167 = tpu.memref_squeeze %dma_start3A_166 : memref<1x80x125xi32, #tpu.memory_space<hbm>> -> memref<80x125xi32, #tpu.memory_space<hbm>>
        %dma_start3A_168 = arith.constant 0 : i32
        %dma_start3A_169 = tpu.memref_slice %dma_start3A_167[%add3A_149, %dma_start3A_168] : memref<80x125xi32, #tpu.memory_space<hbm>> -> memref<1x125xi32, #tpu.memory_space<hbm>>
        %dma_start3A_170 = tpu.memref_squeeze %dma_start3A_169 : memref<1x125xi32, #tpu.memory_space<hbm>> -> memref<125xi32, #tpu.memory_space<hbm>>
        tpu.enqueue_dma source(%dma_start3A_170 : memref<125xi32, #tpu.memory_space<hbm>>) target(%dma_start3A_163 : memref<125xi32, #tpu.memory_space<vmem>>) target_semaphore(%arg14 : memref<!tpu.dma_semaphore, #tpu.memory_space<semaphore_mem>>)
      } else {
      }
      %add3A_54 = arith.constant 1 : i32
      %add3A_55 = arith.addi %add3A_36, %add3A_54 : i32
      %lt3A_56 = arith.constant 80 : i32
      %lt3A_57 = arith.cmpi slt, %add3A_55, %lt3A_56 : i32
      %convert_element_type3A_58 = arith.extui %lt3A_57 : i1 to i32
      %cond3A_59 = arith.constant 0 : i32
      %cond3A_60 = arith.cmpi ne, %convert_element_type3A_58, %cond3A_59 : i32
      scf.if %cond3A_60 {
        %ge3A = arith.constant 1 : i32
        %ge3A_148 = arith.cmpi sge, %add3A_36, %ge3A : i32
        %convert_element_type3A_149 = arith.extui %ge3A_148 : i1 to i32
        %cond3A_150 = arith.constant 0 : i32
        %cond3A_151 = arith.cmpi ne, %convert_element_type3A_149, %cond3A_150 : i32
        scf.if %cond3A_151 {
          %dma_wait3A_166 = arith.constant 0 : i32
          %dma_wait3A_167 = arith.constant 0 : i32
          %dma_wait3A_168 = tpu.memref_slice %arg8[%dma_wait3A_166, %dma_wait3A_167] : memref<80x125xi32, #tpu.memory_space<vmem>> -> memref<1x125xi32, #tpu.memory_space<vmem>>
          %dma_wait3A_169 = tpu.memref_squeeze %dma_wait3A_168 : memref<1x125xi32, #tpu.memory_space<vmem>> -> memref<125xi32, #tpu.memory_space<vmem>>
          %dma_wait3A_170 = arith.constant 0 : i32
          %dma_wait3A_171 = arith.constant 0 : i32
          %dma_wait3A_172 = tpu.memref_slice %arg19[%dma_wait3A_170, %dma_wait3A_171] : memref<10112x128xf32, #tpu.memory_space<vmem_shared>> -> memref<10112x128xf32, #tpu.memory_space<vmem_shared>>
          tpu.wait_indirect_dma semaphore(%arg18 : memref<!tpu.dma_semaphore, #tpu.memory_space<semaphore_mem>>) src(%arg10 : memref<125x128xf32, #tpu.memory_space<vmem>>) dst(%dma_wait3A_172 : memref<10112x128xf32, #tpu.memory_space<vmem_shared>>)
        } else {
        }
        %add3A_152 = arith.constant 1 : i32
        %add3A_153 = arith.addi %add3A_36, %add3A_152 : i32
        %ge3A_154 = arith.constant 3 : i32
        %ge3A_155 = arith.cmpi sge, %add3A_153, %ge3A_154 : i32
        %convert_element_type3A_156 = arith.extui %ge3A_155 : i1 to i32
        %cond3A_157 = arith.constant 0 : i32
        %cond3A_158 = arith.cmpi ne, %convert_element_type3A_156, %cond3A_157 : i32
        scf.if %cond3A_158 {
          %dma_wait3A_166 = arith.constant 0 : i32
          %dma_wait3A_167 = arith.constant 1 : i32
          %dma_wait3A_168 = arith.constant 0 : i32
          %dma_wait3A_169 = tpu.memref_slice %arg7[%dma_wait3A_167, %dma_wait3A_168] : memref<4x125xi32, #tpu.memory_space<vmem>> -> memref<1x125xi32, #tpu.memory_space<vmem>>
          %dma_wait3A_170 = tpu.memref_squeeze %dma_wait3A_169 : memref<1x125xi32, #tpu.memory_space<vmem>> -> memref<125xi32, #tpu.memory_space<vmem>>
          %dma_wait3A_171 = arith.constant 0 : i32
          %dma_wait3A_172 = arith.constant 0 : i32
          %dma_wait3A_173 = tpu.memref_slice %arg2[%add3A, %dma_wait3A_171, %dma_wait3A_172] : memref<32x80x125xi32, #tpu.memory_space<hbm>> -> memref<1x80x125xi32, #tpu.memory_space<hbm>>
          %dma_wait3A_174 = tpu.memref_squeeze %dma_wait3A_173 : memref<1x80x125xi32, #tpu.memory_space<hbm>> -> memref<80x125xi32, #tpu.memory_space<hbm>>
          %dma_wait3A_175 = arith.constant 0 : i32
          %dma_wait3A_176 = tpu.memref_slice %dma_wait3A_174[%dma_wait3A_166, %dma_wait3A_175] : memref<80x125xi32, #tpu.memory_space<hbm>> -> memref<1x125xi32, #tpu.memory_space<hbm>>
          %dma_wait3A_177 = tpu.memref_squeeze %dma_wait3A_176 : memref<1x125xi32, #tpu.memory_space<hbm>> -> memref<125xi32, #tpu.memory_space<hbm>>
          %dma_wait3A_178 = arith.constant 0 : i32
          %dma_wait3A_179 = tpu.memref_slice %arg7[%dma_wait3A_167, %dma_wait3A_178] : memref<4x125xi32, #tpu.memory_space<vmem>> -> memref<1x125xi32, #tpu.memory_space<vmem>>
          %dma_wait3A_180 = tpu.memref_squeeze %dma_wait3A_179 : memref<1x125xi32, #tpu.memory_space<vmem>> -> memref<125xi32, #tpu.memory_space<vmem>>
          %dma_wait3A_181 = arith.constant 0 : i32
          %dma_wait3A_182 = arith.constant 0 : i32
          %dma_wait3A_183 = tpu.memref_slice %arg2[%add3A, %dma_wait3A_181, %dma_wait3A_182] : memref<32x80x125xi32, #tpu.memory_space<hbm>> -> memref<1x80x125xi32, #tpu.memory_space<hbm>>
          %dma_wait3A_184 = tpu.memref_squeeze %dma_wait3A_183 : memref<1x80x125xi32, #tpu.memory_space<hbm>> -> memref<80x125xi32, #tpu.memory_space<hbm>>
          %dma_wait3A_185 = arith.constant 0 : i32
          %dma_wait3A_186 = tpu.memref_slice %dma_wait3A_184[%dma_wait3A_166, %dma_wait3A_185] : memref<80x125xi32, #tpu.memory_space<hbm>> -> memref<1x125xi32, #tpu.memory_space<hbm>>
          %dma_wait3A_187 = tpu.memref_squeeze %dma_wait3A_186 : memref<1x125xi32, #tpu.memory_space<hbm>> -> memref<125xi32, #tpu.memory_space<hbm>>
          tpu.wait_dma2 semaphore(%arg12 : memref<!tpu.dma_semaphore, #tpu.memory_space<semaphore_mem>>) src(%dma_wait3A_187 : memref<125xi32, #tpu.memory_space<hbm>>) dst(%dma_wait3A_180 : memref<125xi32, #tpu.memory_space<vmem>>)
        } else {
        }
        %dma_start3A_159 = arith.constant 1 : i32
        %dma_start3A_160 = arith.constant 0 : i32
        %dma_start3A_161 = tpu.memref_slice %arg7[%dma_start3A_159, %dma_start3A_160] : memref<4x125xi32, #tpu.memory_space<vmem>> -> memref<1x125xi32, #tpu.memory_space<vmem>>
        %dma_start3A_162 = tpu.memref_squeeze %dma_start3A_161 : memref<1x125xi32, #tpu.memory_space<vmem>> -> memref<125xi32, #tpu.memory_space<vmem>>
        %dma_start3A_163 = arith.constant 0 : i32
        %dma_start3A_164 = arith.constant 0 : i32
        %dma_start3A_165 = tpu.memref_slice %arg4[%dma_start3A_163, %dma_start3A_164] : memref<10000x128xf32, #tpu.memory_space<hbm>> -> memref<10000x128xf32, #tpu.memory_space<hbm>>
        tpu.enqueue_indirect_dma source(%dma_start3A_165 : memref<10000x128xf32, #tpu.memory_space<hbm>>) target(%arg10 : memref<125x128xf32, #tpu.memory_space<vmem>>) offsets(%dma_start3A_162 : memref<125xi32, #tpu.memory_space<vmem>>) semaphore(%arg16 : memref<!tpu.dma_semaphore, #tpu.memory_space<semaphore_mem>>)
      } else {
      }
      %add3A_61 = arith.constant 1 : i32
      %add3A_62 = arith.addi %mul3A_34, %add3A_61 : i32
      %dma_wait3A_63 = arith.constant 1 : i32
      %dma_wait3A_64 = arith.constant 0 : i32
      %dma_wait3A_65 = tpu.memref_slice %arg7[%dma_wait3A_63, %dma_wait3A_64] : memref<4x125xi32, #tpu.memory_space<vmem>> -> memref<1x125xi32, #tpu.memory_space<vmem>>
      %dma_wait3A_66 = tpu.memref_squeeze %dma_wait3A_65 : memref<1x125xi32, #tpu.memory_space<vmem>> -> memref<125xi32, #tpu.memory_space<vmem>>
      %dma_wait3A_67 = arith.constant 0 : i32
      %dma_wait3A_68 = arith.constant 0 : i32
      %dma_wait3A_69 = tpu.memref_slice %arg4[%dma_wait3A_67, %dma_wait3A_68] : memref<10000x128xf32, #tpu.memory_space<hbm>> -> memref<10000x128xf32, #tpu.memory_space<hbm>>
      tpu.wait_indirect_dma semaphore(%arg16 : memref<!tpu.dma_semaphore, #tpu.memory_space<semaphore_mem>>) src(%dma_wait3A_69 : memref<10000x128xf32, #tpu.memory_space<hbm>>) dst(%arg10 : memref<125x128xf32, #tpu.memory_space<vmem>>)
      %dma_start3A_70 = arith.constant 0 : i32
      %dma_start3A_71 = tpu.memref_slice %arg8[%add3A_62, %dma_start3A_70] : memref<80x125xi32, #tpu.memory_space<vmem>> -> memref<1x125xi32, #tpu.memory_space<vmem>>
      %dma_start3A_72 = tpu.memref_squeeze %dma_start3A_71 : memref<1x125xi32, #tpu.memory_space<vmem>> -> memref<125xi32, #tpu.memory_space<vmem>>
      %dma_start3A_73 = arith.constant 0 : i32
      %dma_start3A_74 = arith.constant 0 : i32
      %dma_start3A_75 = tpu.memref_slice %arg19[%dma_start3A_73, %dma_start3A_74] : memref<10112x128xf32, #tpu.memory_space<vmem_shared>> -> memref<10112x128xf32, #tpu.memory_space<vmem_shared>>
      tpu.enqueue_indirect_dma source(%arg10 : memref<125x128xf32, #tpu.memory_space<vmem>>) target(%dma_start3A_75 : memref<10112x128xf32, #tpu.memory_space<vmem_shared>>) offsets(%dma_start3A_72 : memref<125xi32, #tpu.memory_space<vmem>>) semaphore(%arg18 : memref<!tpu.dma_semaphore, #tpu.memory_space<semaphore_mem>>) {add = true}
      %add3A_76 = arith.constant 3 : i32
      %add3A_77 = arith.addi %add3A_62, %add3A_76 : i32
      %lt3A_78 = arith.constant 80 : i32
      %lt3A_79 = arith.cmpi slt, %add3A_77, %lt3A_78 : i32
      %convert_element_type3A_80 = arith.extui %lt3A_79 : i1 to i32
      %cond3A_81 = arith.constant 0 : i32
      %cond3A_82 = arith.cmpi ne, %convert_element_type3A_80, %cond3A_81 : i32
      scf.if %cond3A_82 {
        %add3A_148 = arith.constant 3 : i32
        %add3A_149 = arith.addi %add3A_62, %add3A_148 : i32
        %dma_start3A_150 = arith.constant 0 : i32
        %dma_start3A_151 = arith.constant 0 : i32
        %dma_start3A_152 = tpu.memref_slice %arg7[%dma_start3A_150, %dma_start3A_151] : memref<4x125xi32, #tpu.memory_space<vmem>> -> memref<1x125xi32, #tpu.memory_space<vmem>>
        %dma_start3A_153 = tpu.memref_squeeze %dma_start3A_152 : memref<1x125xi32, #tpu.memory_space<vmem>> -> memref<125xi32, #tpu.memory_space<vmem>>
        %dma_start3A_154 = arith.constant 0 : i32
        %dma_start3A_155 = arith.constant 0 : i32
        %dma_start3A_156 = tpu.memref_slice %arg2[%add3A, %dma_start3A_154, %dma_start3A_155] : memref<32x80x125xi32, #tpu.memory_space<hbm>> -> memref<1x80x125xi32, #tpu.memory_space<hbm>>
        %dma_start3A_157 = tpu.memref_squeeze %dma_start3A_156 : memref<1x80x125xi32, #tpu.memory_space<hbm>> -> memref<80x125xi32, #tpu.memory_space<hbm>>
        %dma_start3A_158 = arith.constant 0 : i32
        %dma_start3A_159 = tpu.memref_slice %dma_start3A_157[%add3A_149, %dma_start3A_158] : memref<80x125xi32, #tpu.memory_space<hbm>> -> memref<1x125xi32, #tpu.memory_space<hbm>>
        %dma_start3A_160 = tpu.memref_squeeze %dma_start3A_159 : memref<1x125xi32, #tpu.memory_space<hbm>> -> memref<125xi32, #tpu.memory_space<hbm>>
        %dma_start3A_161 = arith.constant 0 : i32
        %dma_start3A_162 = tpu.memref_slice %arg7[%dma_start3A_150, %dma_start3A_161] : memref<4x125xi32, #tpu.memory_space<vmem>> -> memref<1x125xi32, #tpu.memory_space<vmem>>
        %dma_start3A_163 = tpu.memref_squeeze %dma_start3A_162 : memref<1x125xi32, #tpu.memory_space<vmem>> -> memref<125xi32, #tpu.memory_space<vmem>>
        %dma_start3A_164 = arith.constant 0 : i32
        %dma_start3A_165 = arith.constant 0 : i32
        %dma_start3A_166 = tpu.memref_slice %arg2[%add3A, %dma_start3A_164, %dma_start3A_165] : memref<32x80x125xi32, #tpu.memory_space<hbm>> -> memref<1x80x125xi32, #tpu.memory_space<hbm>>
        %dma_start3A_167 = tpu.memref_squeeze %dma_start3A_166 : memref<1x80x125xi32, #tpu.memory_space<hbm>> -> memref<80x125xi32, #tpu.memory_space<hbm>>
        %dma_start3A_168 = arith.constant 0 : i32
        %dma_start3A_169 = tpu.memref_slice %dma_start3A_167[%add3A_149, %dma_start3A_168] : memref<80x125xi32, #tpu.memory_space<hbm>> -> memref<1x125xi32, #tpu.memory_space<hbm>>
        %dma_start3A_170 = tpu.memref_squeeze %dma_start3A_169 : memref<1x125xi32, #tpu.memory_space<hbm>> -> memref<125xi32, #tpu.memory_space<hbm>>
        tpu.enqueue_dma source(%dma_start3A_170 : memref<125xi32, #tpu.memory_space<hbm>>) target(%dma_start3A_163 : memref<125xi32, #tpu.memory_space<vmem>>) target_semaphore(%arg11 : memref<!tpu.dma_semaphore, #tpu.memory_space<semaphore_mem>>)
      } else {
      }
      %add3A_83 = arith.constant 1 : i32
      %add3A_84 = arith.addi %add3A_62, %add3A_83 : i32
      %lt3A_85 = arith.constant 80 : i32
      %lt3A_86 = arith.cmpi slt, %add3A_84, %lt3A_85 : i32
      %convert_element_type3A_87 = arith.extui %lt3A_86 : i1 to i32
      %cond3A_88 = arith.constant 0 : i32
      %cond3A_89 = arith.cmpi ne, %convert_element_type3A_87, %cond3A_88 : i32
      scf.if %cond3A_89 {
        %ge3A = arith.constant 1 : i32
        %ge3A_148 = arith.cmpi sge, %add3A_62, %ge3A : i32
        %convert_element_type3A_149 = arith.extui %ge3A_148 : i1 to i32
        %cond3A_150 = arith.constant 0 : i32
        %cond3A_151 = arith.cmpi ne, %convert_element_type3A_149, %cond3A_150 : i32
        scf.if %cond3A_151 {
          %dma_wait3A_166 = arith.constant 0 : i32
          %dma_wait3A_167 = arith.constant 0 : i32
          %dma_wait3A_168 = tpu.memref_slice %arg8[%dma_wait3A_166, %dma_wait3A_167] : memref<80x125xi32, #tpu.memory_space<vmem>> -> memref<1x125xi32, #tpu.memory_space<vmem>>
          %dma_wait3A_169 = tpu.memref_squeeze %dma_wait3A_168 : memref<1x125xi32, #tpu.memory_space<vmem>> -> memref<125xi32, #tpu.memory_space<vmem>>
          %dma_wait3A_170 = arith.constant 0 : i32
          %dma_wait3A_171 = arith.constant 0 : i32
          %dma_wait3A_172 = tpu.memref_slice %arg19[%dma_wait3A_170, %dma_wait3A_171] : memref<10112x128xf32, #tpu.memory_space<vmem_shared>> -> memref<10112x128xf32, #tpu.memory_space<vmem_shared>>
          tpu.wait_indirect_dma semaphore(%arg17 : memref<!tpu.dma_semaphore, #tpu.memory_space<semaphore_mem>>) src(%arg9 : memref<125x128xf32, #tpu.memory_space<vmem>>) dst(%dma_wait3A_172 : memref<10112x128xf32, #tpu.memory_space<vmem_shared>>)
        } else {
        }
        %add3A_152 = arith.constant 1 : i32
        %add3A_153 = arith.addi %add3A_62, %add3A_152 : i32
        %ge3A_154 = arith.constant 3 : i32
        %ge3A_155 = arith.cmpi sge, %add3A_153, %ge3A_154 : i32
        %convert_element_type3A_156 = arith.extui %ge3A_155 : i1 to i32
        %cond3A_157 = arith.constant 0 : i32
        %cond3A_158 = arith.cmpi ne, %convert_element_type3A_156, %cond3A_157 : i32
        scf.if %cond3A_158 {
          %dma_wait3A_166 = arith.constant 0 : i32
          %dma_wait3A_167 = arith.constant 2 : i32
          %dma_wait3A_168 = arith.constant 0 : i32
          %dma_wait3A_169 = tpu.memref_slice %arg7[%dma_wait3A_167, %dma_wait3A_168] : memref<4x125xi32, #tpu.memory_space<vmem>> -> memref<1x125xi32, #tpu.memory_space<vmem>>
          %dma_wait3A_170 = tpu.memref_squeeze %dma_wait3A_169 : memref<1x125xi32, #tpu.memory_space<vmem>> -> memref<125xi32, #tpu.memory_space<vmem>>
          %dma_wait3A_171 = arith.constant 0 : i32
          %dma_wait3A_172 = arith.constant 0 : i32
          %dma_wait3A_173 = tpu.memref_slice %arg2[%add3A, %dma_wait3A_171, %dma_wait3A_172] : memref<32x80x125xi32, #tpu.memory_space<hbm>> -> memref<1x80x125xi32, #tpu.memory_space<hbm>>
          %dma_wait3A_174 = tpu.memref_squeeze %dma_wait3A_173 : memref<1x80x125xi32, #tpu.memory_space<hbm>> -> memref<80x125xi32, #tpu.memory_space<hbm>>
          %dma_wait3A_175 = arith.constant 0 : i32
          %dma_wait3A_176 = tpu.memref_slice %dma_wait3A_174[%dma_wait3A_166, %dma_wait3A_175] : memref<80x125xi32, #tpu.memory_space<hbm>> -> memref<1x125xi32, #tpu.memory_space<hbm>>
          %dma_wait3A_177 = tpu.memref_squeeze %dma_wait3A_176 : memref<1x125xi32, #tpu.memory_space<hbm>> -> memref<125xi32, #tpu.memory_space<hbm>>
          %dma_wait3A_178 = arith.constant 0 : i32
          %dma_wait3A_179 = tpu.memref_slice %arg7[%dma_wait3A_167, %dma_wait3A_178] : memref<4x125xi32, #tpu.memory_space<vmem>> -> memref<1x125xi32, #tpu.memory_space<vmem>>
          %dma_wait3A_180 = tpu.memref_squeeze %dma_wait3A_179 : memref<1x125xi32, #tpu.memory_space<vmem>> -> memref<125xi32, #tpu.memory_space<vmem>>
          %dma_wait3A_181 = arith.constant 0 : i32
          %dma_wait3A_182 = arith.constant 0 : i32
          %dma_wait3A_183 = tpu.memref_slice %arg2[%add3A, %dma_wait3A_181, %dma_wait3A_182] : memref<32x80x125xi32, #tpu.memory_space<hbm>> -> memref<1x80x125xi32, #tpu.memory_space<hbm>>
          %dma_wait3A_184 = tpu.memref_squeeze %dma_wait3A_183 : memref<1x80x125xi32, #tpu.memory_space<hbm>> -> memref<80x125xi32, #tpu.memory_space<hbm>>
          %dma_wait3A_185 = arith.constant 0 : i32
          %dma_wait3A_186 = tpu.memref_slice %dma_wait3A_184[%dma_wait3A_166, %dma_wait3A_185] : memref<80x125xi32, #tpu.memory_space<hbm>> -> memref<1x125xi32, #tpu.memory_space<hbm>>
          %dma_wait3A_187 = tpu.memref_squeeze %dma_wait3A_186 : memref<1x125xi32, #tpu.memory_space<hbm>> -> memref<125xi32, #tpu.memory_space<hbm>>
          tpu.wait_dma2 semaphore(%arg13 : memref<!tpu.dma_semaphore, #tpu.memory_space<semaphore_mem>>) src(%dma_wait3A_187 : memref<125xi32, #tpu.memory_space<hbm>>) dst(%dma_wait3A_180 : memref<125xi32, #tpu.memory_space<vmem>>)
        } else {
        }
        %dma_start3A_159 = arith.constant 2 : i32
        %dma_start3A_160 = arith.constant 0 : i32
        %dma_start3A_161 = tpu.memref_slice %arg7[%dma_start3A_159, %dma_start3A_160] : memref<4x125xi32, #tpu.memory_space<vmem>> -> memref<1x125xi32, #tpu.memory_space<vmem>>
        %dma_start3A_162 = tpu.memref_squeeze %dma_start3A_161 : memref<1x125xi32, #tpu.memory_space<vmem>> -> memref<125xi32, #tpu.memory_space<vmem>>
        %dma_start3A_163 = arith.constant 0 : i32
        %dma_start3A_164 = arith.constant 0 : i32
        %dma_start3A_165 = tpu.memref_slice %arg4[%dma_start3A_163, %dma_start3A_164] : memref<10000x128xf32, #tpu.memory_space<hbm>> -> memref<10000x128xf32, #tpu.memory_space<hbm>>
        tpu.enqueue_indirect_dma source(%dma_start3A_165 : memref<10000x128xf32, #tpu.memory_space<hbm>>) target(%arg9 : memref<125x128xf32, #tpu.memory_space<vmem>>) offsets(%dma_start3A_162 : memref<125xi32, #tpu.memory_space<vmem>>) semaphore(%arg15 : memref<!tpu.dma_semaphore, #tpu.memory_space<semaphore_mem>>)
      } else {
      }
      %add3A_90 = arith.constant 2 : i32
      %add3A_91 = arith.addi %mul3A_34, %add3A_90 : i32
      %dma_wait3A_92 = arith.constant 2 : i32
      %dma_wait3A_93 = arith.constant 0 : i32
      %dma_wait3A_94 = tpu.memref_slice %arg7[%dma_wait3A_92, %dma_wait3A_93] : memref<4x125xi32, #tpu.memory_space<vmem>> -> memref<1x125xi32, #tpu.memory_space<vmem>>
      %dma_wait3A_95 = tpu.memref_squeeze %dma_wait3A_94 : memref<1x125xi32, #tpu.memory_space<vmem>> -> memref<125xi32, #tpu.memory_space<vmem>>
      %dma_wait3A_96 = arith.constant 0 : i32
      %dma_wait3A_97 = arith.constant 0 : i32
      %dma_wait3A_98 = tpu.memref_slice %arg4[%dma_wait3A_96, %dma_wait3A_97] : memref<10000x128xf32, #tpu.memory_space<hbm>> -> memref<10000x128xf32, #tpu.memory_space<hbm>>
      tpu.wait_indirect_dma semaphore(%arg15 : memref<!tpu.dma_semaphore, #tpu.memory_space<semaphore_mem>>) src(%dma_wait3A_98 : memref<10000x128xf32, #tpu.memory_space<hbm>>) dst(%arg9 : memref<125x128xf32, #tpu.memory_space<vmem>>)
      %dma_start3A_99 = arith.constant 0 : i32
      %dma_start3A_100 = tpu.memref_slice %arg8[%add3A_91, %dma_start3A_99] : memref<80x125xi32, #tpu.memory_space<vmem>> -> memref<1x125xi32, #tpu.memory_space<vmem>>
      %dma_start3A_101 = tpu.memref_squeeze %dma_start3A_100 : memref<1x125xi32, #tpu.memory_space<vmem>> -> memref<125xi32, #tpu.memory_space<vmem>>
      %dma_start3A_102 = arith.constant 0 : i32
      %dma_start3A_103 = arith.constant 0 : i32
      %dma_start3A_104 = tpu.memref_slice %arg19[%dma_start3A_102, %dma_start3A_103] : memref<10112x128xf32, #tpu.memory_space<vmem_shared>> -> memref<10112x128xf32, #tpu.memory_space<vmem_shared>>
      tpu.enqueue_indirect_dma source(%arg9 : memref<125x128xf32, #tpu.memory_space<vmem>>) target(%dma_start3A_104 : memref<10112x128xf32, #tpu.memory_space<vmem_shared>>) offsets(%dma_start3A_101 : memref<125xi32, #tpu.memory_space<vmem>>) semaphore(%arg17 : memref<!tpu.dma_semaphore, #tpu.memory_space<semaphore_mem>>) {add = true}
      %add3A_105 = arith.constant 3 : i32
      %add3A_106 = arith.addi %add3A_91, %add3A_105 : i32
      %lt3A_107 = arith.constant 80 : i32
      %lt3A_108 = arith.cmpi slt, %add3A_106, %lt3A_107 : i32
      %convert_element_type3A_109 = arith.extui %lt3A_108 : i1 to i32
      %cond3A_110 = arith.constant 0 : i32
      %cond3A_111 = arith.cmpi ne, %convert_element_type3A_109, %cond3A_110 : i32
      scf.if %cond3A_111 {
        %add3A_148 = arith.constant 3 : i32
        %add3A_149 = arith.addi %add3A_91, %add3A_148 : i32
        %dma_start3A_150 = arith.constant 1 : i32
        %dma_start3A_151 = arith.constant 0 : i32
        %dma_start3A_152 = tpu.memref_slice %arg7[%dma_start3A_150, %dma_start3A_151] : memref<4x125xi32, #tpu.memory_space<vmem>> -> memref<1x125xi32, #tpu.memory_space<vmem>>
        %dma_start3A_153 = tpu.memref_squeeze %dma_start3A_152 : memref<1x125xi32, #tpu.memory_space<vmem>> -> memref<125xi32, #tpu.memory_space<vmem>>
        %dma_start3A_154 = arith.constant 0 : i32
        %dma_start3A_155 = arith.constant 0 : i32
        %dma_start3A_156 = tpu.memref_slice %arg2[%add3A, %dma_start3A_154, %dma_start3A_155] : memref<32x80x125xi32, #tpu.memory_space<hbm>> -> memref<1x80x125xi32, #tpu.memory_space<hbm>>
        %dma_start3A_157 = tpu.memref_squeeze %dma_start3A_156 : memref<1x80x125xi32, #tpu.memory_space<hbm>> -> memref<80x125xi32, #tpu.memory_space<hbm>>
        %dma_start3A_158 = arith.constant 0 : i32
        %dma_start3A_159 = tpu.memref_slice %dma_start3A_157[%add3A_149, %dma_start3A_158] : memref<80x125xi32, #tpu.memory_space<hbm>> -> memref<1x125xi32, #tpu.memory_space<hbm>>
        %dma_start3A_160 = tpu.memref_squeeze %dma_start3A_159 : memref<1x125xi32, #tpu.memory_space<hbm>> -> memref<125xi32, #tpu.memory_space<hbm>>
        %dma_start3A_161 = arith.constant 0 : i32
        %dma_start3A_162 = tpu.memref_slice %arg7[%dma_start3A_150, %dma_start3A_161] : memref<4x125xi32, #tpu.memory_space<vmem>> -> memref<1x125xi32, #tpu.memory_space<vmem>>
        %dma_start3A_163 = tpu.memref_squeeze %dma_start3A_162 : memref<1x125xi32, #tpu.memory_space<vmem>> -> memref<125xi32, #tpu.memory_space<vmem>>
        %dma_start3A_164 = arith.constant 0 : i32
        %dma_start3A_165 = arith.constant 0 : i32
        %dma_start3A_166 = tpu.memref_slice %arg2[%add3A, %dma_start3A_164, %dma_start3A_165] : memref<32x80x125xi32, #tpu.memory_space<hbm>> -> memref<1x80x125xi32, #tpu.memory_space<hbm>>
        %dma_start3A_167 = tpu.memref_squeeze %dma_start3A_166 : memref<1x80x125xi32, #tpu.memory_space<hbm>> -> memref<80x125xi32, #tpu.memory_space<hbm>>
        %dma_start3A_168 = arith.constant 0 : i32
        %dma_start3A_169 = tpu.memref_slice %dma_start3A_167[%add3A_149, %dma_start3A_168] : memref<80x125xi32, #tpu.memory_space<hbm>> -> memref<1x125xi32, #tpu.memory_space<hbm>>
        %dma_start3A_170 = tpu.memref_squeeze %dma_start3A_169 : memref<1x125xi32, #tpu.memory_space<hbm>> -> memref<125xi32, #tpu.memory_space<hbm>>
        tpu.enqueue_dma source(%dma_start3A_170 : memref<125xi32, #tpu.memory_space<hbm>>) target(%dma_start3A_163 : memref<125xi32, #tpu.memory_space<vmem>>) target_semaphore(%arg12 : memref<!tpu.dma_semaphore, #tpu.memory_space<semaphore_mem>>)
      } else {
      }
      %add3A_112 = arith.constant 1 : i32
      %add3A_113 = arith.addi %add3A_91, %add3A_112 : i32
      %lt3A_114 = arith.constant 80 : i32
      %lt3A_115 = arith.cmpi slt, %add3A_113, %lt3A_114 : i32
      %convert_element_type3A_116 = arith.extui %lt3A_115 : i1 to i32
      %cond3A_117 = arith.constant 0 : i32
      %cond3A_118 = arith.cmpi ne, %convert_element_type3A_116, %cond3A_117 : i32
      scf.if %cond3A_118 {
        %ge3A = arith.constant 1 : i32
        %ge3A_148 = arith.cmpi sge, %add3A_91, %ge3A : i32
        %convert_element_type3A_149 = arith.extui %ge3A_148 : i1 to i32
        %cond3A_150 = arith.constant 0 : i32
        %cond3A_151 = arith.cmpi ne, %convert_element_type3A_149, %cond3A_150 : i32
        scf.if %cond3A_151 {
          %dma_wait3A_166 = arith.constant 0 : i32
          %dma_wait3A_167 = arith.constant 0 : i32
          %dma_wait3A_168 = tpu.memref_slice %arg8[%dma_wait3A_166, %dma_wait3A_167] : memref<80x125xi32, #tpu.memory_space<vmem>> -> memref<1x125xi32, #tpu.memory_space<vmem>>
          %dma_wait3A_169 = tpu.memref_squeeze %dma_wait3A_168 : memref<1x125xi32, #tpu.memory_space<vmem>> -> memref<125xi32, #tpu.memory_space<vmem>>
          %dma_wait3A_170 = arith.constant 0 : i32
          %dma_wait3A_171 = arith.constant 0 : i32
          %dma_wait3A_172 = tpu.memref_slice %arg19[%dma_wait3A_170, %dma_wait3A_171] : memref<10112x128xf32, #tpu.memory_space<vmem_shared>> -> memref<10112x128xf32, #tpu.memory_space<vmem_shared>>
          tpu.wait_indirect_dma semaphore(%arg18 : memref<!tpu.dma_semaphore, #tpu.memory_space<semaphore_mem>>) src(%arg10 : memref<125x128xf32, #tpu.memory_space<vmem>>) dst(%dma_wait3A_172 : memref<10112x128xf32, #tpu.memory_space<vmem_shared>>)
        } else {
        }
        %add3A_152 = arith.constant 1 : i32
        %add3A_153 = arith.addi %add3A_91, %add3A_152 : i32
        %ge3A_154 = arith.constant 3 : i32
        %ge3A_155 = arith.cmpi sge, %add3A_153, %ge3A_154 : i32
        %convert_element_type3A_156 = arith.extui %ge3A_155 : i1 to i32
        %cond3A_157 = arith.constant 0 : i32
        %cond3A_158 = arith.cmpi ne, %convert_element_type3A_156, %cond3A_157 : i32
        scf.if %cond3A_158 {
          %dma_wait3A_166 = arith.constant 0 : i32
          %dma_wait3A_167 = arith.constant 3 : i32
          %dma_wait3A_168 = arith.constant 0 : i32
          %dma_wait3A_169 = tpu.memref_slice %arg7[%dma_wait3A_167, %dma_wait3A_168] : memref<4x125xi32, #tpu.memory_space<vmem>> -> memref<1x125xi32, #tpu.memory_space<vmem>>
          %dma_wait3A_170 = tpu.memref_squeeze %dma_wait3A_169 : memref<1x125xi32, #tpu.memory_space<vmem>> -> memref<125xi32, #tpu.memory_space<vmem>>
          %dma_wait3A_171 = arith.constant 0 : i32
          %dma_wait3A_172 = arith.constant 0 : i32
          %dma_wait3A_173 = tpu.memref_slice %arg2[%add3A, %dma_wait3A_171, %dma_wait3A_172] : memref<32x80x125xi32, #tpu.memory_space<hbm>> -> memref<1x80x125xi32, #tpu.memory_space<hbm>>
          %dma_wait3A_174 = tpu.memref_squeeze %dma_wait3A_173 : memref<1x80x125xi32, #tpu.memory_space<hbm>> -> memref<80x125xi32, #tpu.memory_space<hbm>>
          %dma_wait3A_175 = arith.constant 0 : i32
          %dma_wait3A_176 = tpu.memref_slice %dma_wait3A_174[%dma_wait3A_166, %dma_wait3A_175] : memref<80x125xi32, #tpu.memory_space<hbm>> -> memref<1x125xi32, #tpu.memory_space<hbm>>
          %dma_wait3A_177 = tpu.memref_squeeze %dma_wait3A_176 : memref<1x125xi32, #tpu.memory_space<hbm>> -> memref<125xi32, #tpu.memory_space<hbm>>
          %dma_wait3A_178 = arith.constant 0 : i32
          %dma_wait3A_179 = tpu.memref_slice %arg7[%dma_wait3A_167, %dma_wait3A_178] : memref<4x125xi32, #tpu.memory_space<vmem>> -> memref<1x125xi32, #tpu.memory_space<vmem>>
          %dma_wait3A_180 = tpu.memref_squeeze %dma_wait3A_179 : memref<1x125xi32, #tpu.memory_space<vmem>> -> memref<125xi32, #tpu.memory_space<vmem>>
          %dma_wait3A_181 = arith.constant 0 : i32
          %dma_wait3A_182 = arith.constant 0 : i32
          %dma_wait3A_183 = tpu.memref_slice %arg2[%add3A, %dma_wait3A_181, %dma_wait3A_182] : memref<32x80x125xi32, #tpu.memory_space<hbm>> -> memref<1x80x125xi32, #tpu.memory_space<hbm>>
          %dma_wait3A_184 = tpu.memref_squeeze %dma_wait3A_183 : memref<1x80x125xi32, #tpu.memory_space<hbm>> -> memref<80x125xi32, #tpu.memory_space<hbm>>
          %dma_wait3A_185 = arith.constant 0 : i32
          %dma_wait3A_186 = tpu.memref_slice %dma_wait3A_184[%dma_wait3A_166, %dma_wait3A_185] : memref<80x125xi32, #tpu.memory_space<hbm>> -> memref<1x125xi32, #tpu.memory_space<hbm>>
          %dma_wait3A_187 = tpu.memref_squeeze %dma_wait3A_186 : memref<1x125xi32, #tpu.memory_space<hbm>> -> memref<125xi32, #tpu.memory_space<hbm>>
          tpu.wait_dma2 semaphore(%arg14 : memref<!tpu.dma_semaphore, #tpu.memory_space<semaphore_mem>>) src(%dma_wait3A_187 : memref<125xi32, #tpu.memory_space<hbm>>) dst(%dma_wait3A_180 : memref<125xi32, #tpu.memory_space<vmem>>)
        } else {
        }
        %dma_start3A_159 = arith.constant 3 : i32
        %dma_start3A_160 = arith.constant 0 : i32
        %dma_start3A_161 = tpu.memref_slice %arg7[%dma_start3A_159, %dma_start3A_160] : memref<4x125xi32, #tpu.memory_space<vmem>> -> memref<1x125xi32, #tpu.memory_space<vmem>>
        %dma_start3A_162 = tpu.memref_squeeze %dma_start3A_161 : memref<1x125xi32, #tpu.memory_space<vmem>> -> memref<125xi32, #tpu.memory_space<vmem>>
        %dma_start3A_163 = arith.constant 0 : i32
        %dma_start3A_164 = arith.constant 0 : i32
        %dma_start3A_165 = tpu.memref_slice %arg4[%dma_start3A_163, %dma_start3A_164] : memref<10000x128xf32, #tpu.memory_space<hbm>> -> memref<10000x128xf32, #tpu.memory_space<hbm>>
        tpu.enqueue_indirect_dma source(%dma_start3A_165 : memref<10000x128xf32, #tpu.memory_space<hbm>>) target(%arg10 : memref<125x128xf32, #tpu.memory_space<vmem>>) offsets(%dma_start3A_162 : memref<125xi32, #tpu.memory_space<vmem>>) semaphore(%arg16 : memref<!tpu.dma_semaphore, #tpu.memory_space<semaphore_mem>>)
      } else {
      }
      %add3A_119 = arith.constant 3 : i32
      %add3A_120 = arith.addi %mul3A_34, %add3A_119 : i32
      %dma_wait3A_121 = arith.constant 3 : i32
      %dma_wait3A_122 = arith.constant 0 : i32
      %dma_wait3A_123 = tpu.memref_slice %arg7[%dma_wait3A_121, %dma_wait3A_122] : memref<4x125xi32, #tpu.memory_space<vmem>> -> memref<1x125xi32, #tpu.memory_space<vmem>>
      %dma_wait3A_124 = tpu.memref_squeeze %dma_wait3A_123 : memref<1x125xi32, #tpu.memory_space<vmem>> -> memref<125xi32, #tpu.memory_space<vmem>>
      %dma_wait3A_125 = arith.constant 0 : i32
      %dma_wait3A_126 = arith.constant 0 : i32
      %dma_wait3A_127 = tpu.memref_slice %arg4[%dma_wait3A_125, %dma_wait3A_126] : memref<10000x128xf32, #tpu.memory_space<hbm>> -> memref<10000x128xf32, #tpu.memory_space<hbm>>
      tpu.wait_indirect_dma semaphore(%arg16 : memref<!tpu.dma_semaphore, #tpu.memory_space<semaphore_mem>>) src(%dma_wait3A_127 : memref<10000x128xf32, #tpu.memory_space<hbm>>) dst(%arg10 : memref<125x128xf32, #tpu.memory_space<vmem>>)
      %dma_start3A_128 = arith.constant 0 : i32
      %dma_start3A_129 = tpu.memref_slice %arg8[%add3A_120, %dma_start3A_128] : memref<80x125xi32, #tpu.memory_space<vmem>> -> memref<1x125xi32, #tpu.memory_space<vmem>>
      %dma_start3A_130 = tpu.memref_squeeze %dma_start3A_129 : memref<1x125xi32, #tpu.memory_space<vmem>> -> memref<125xi32, #tpu.memory_space<vmem>>
      %dma_start3A_131 = arith.constant 0 : i32
      %dma_start3A_132 = arith.constant 0 : i32
      %dma_start3A_133 = tpu.memref_slice %arg19[%dma_start3A_131, %dma_start3A_132] : memref<10112x128xf32, #tpu.memory_space<vmem_shared>> -> memref<10112x128xf32, #tpu.memory_space<vmem_shared>>
      tpu.enqueue_indirect_dma source(%arg10 : memref<125x128xf32, #tpu.memory_space<vmem>>) target(%dma_start3A_133 : memref<10112x128xf32, #tpu.memory_space<vmem_shared>>) offsets(%dma_start3A_130 : memref<125xi32, #tpu.memory_space<vmem>>) semaphore(%arg18 : memref<!tpu.dma_semaphore, #tpu.memory_space<semaphore_mem>>) {add = true}
      %add3A_134 = arith.constant 3 : i32
      %add3A_135 = arith.addi %add3A_120, %add3A_134 : i32
      %lt3A_136 = arith.constant 80 : i32
      %lt3A_137 = arith.cmpi slt, %add3A_135, %lt3A_136 : i32
      %convert_element_type3A_138 = arith.extui %lt3A_137 : i1 to i32
      %cond3A_139 = arith.constant 0 : i32
      %cond3A_140 = arith.cmpi ne, %convert_element_type3A_138, %cond3A_139 : i32
      scf.if %cond3A_140 {
        %add3A_148 = arith.constant 3 : i32
        %add3A_149 = arith.addi %add3A_120, %add3A_148 : i32
        %dma_start3A_150 = arith.constant 2 : i32
        %dma_start3A_151 = arith.constant 0 : i32
        %dma_start3A_152 = tpu.memref_slice %arg7[%dma_start3A_150, %dma_start3A_151] : memref<4x125xi32, #tpu.memory_space<vmem>> -> memref<1x125xi32, #tpu.memory_space<vmem>>
        %dma_start3A_153 = tpu.memref_squeeze %dma_start3A_152 : memref<1x125xi32, #tpu.memory_space<vmem>> -> memref<125xi32, #tpu.memory_space<vmem>>
        %dma_start3A_154 = arith.constant 0 : i32
        %dma_start3A_155 = arith.constant 0 : i32
        %dma_start3A_156 = tpu.memref_slice %arg2[%add3A, %dma_start3A_154, %dma_start3A_155] : memref<32x80x125xi32, #tpu.memory_space<hbm>> -> memref<1x80x125xi32, #tpu.memory_space<hbm>>
        %dma_start3A_157 = tpu.memref_squeeze %dma_start3A_156 : memref<1x80x125xi32, #tpu.memory_space<hbm>> -> memref<80x125xi32, #tpu.memory_space<hbm>>
        %dma_start3A_158 = arith.constant 0 : i32
        %dma_start3A_159 = tpu.memref_slice %dma_start3A_157[%add3A_149, %dma_start3A_158] : memref<80x125xi32, #tpu.memory_space<hbm>> -> memref<1x125xi32, #tpu.memory_space<hbm>>
        %dma_start3A_160 = tpu.memref_squeeze %dma_start3A_159 : memref<1x125xi32, #tpu.memory_space<hbm>> -> memref<125xi32, #tpu.memory_space<hbm>>
        %dma_start3A_161 = arith.constant 0 : i32
        %dma_start3A_162 = tpu.memref_slice %arg7[%dma_start3A_150, %dma_start3A_161] : memref<4x125xi32, #tpu.memory_space<vmem>> -> memref<1x125xi32, #tpu.memory_space<vmem>>
        %dma_start3A_163 = tpu.memref_squeeze %dma_start3A_162 : memref<1x125xi32, #tpu.memory_space<vmem>> -> memref<125xi32, #tpu.memory_space<vmem>>
        %dma_start3A_164 = arith.constant 0 : i32
        %dma_start3A_165 = arith.constant 0 : i32
        %dma_start3A_166 = tpu.memref_slice %arg2[%add3A, %dma_start3A_164, %dma_start3A_165] : memref<32x80x125xi32, #tpu.memory_space<hbm>> -> memref<1x80x125xi32, #tpu.memory_space<hbm>>
        %dma_start3A_167 = tpu.memref_squeeze %dma_start3A_166 : memref<1x80x125xi32, #tpu.memory_space<hbm>> -> memref<80x125xi32, #tpu.memory_space<hbm>>
        %dma_start3A_168 = arith.constant 0 : i32
        %dma_start3A_169 = tpu.memref_slice %dma_start3A_167[%add3A_149, %dma_start3A_168] : memref<80x125xi32, #tpu.memory_space<hbm>> -> memref<1x125xi32, #tpu.memory_space<hbm>>
        %dma_start3A_170 = tpu.memref_squeeze %dma_start3A_169 : memref<1x125xi32, #tpu.memory_space<hbm>> -> memref<125xi32, #tpu.memory_space<hbm>>
        tpu.enqueue_dma source(%dma_start3A_170 : memref<125xi32, #tpu.memory_space<hbm>>) target(%dma_start3A_163 : memref<125xi32, #tpu.memory_space<vmem>>) target_semaphore(%arg13 : memref<!tpu.dma_semaphore, #tpu.memory_space<semaphore_mem>>)
      } else {
      }
      %add3A_141 = arith.constant 1 : i32
      %add3A_142 = arith.addi %add3A_120, %add3A_141 : i32
      %lt3A_143 = arith.constant 80 : i32
      %lt3A_144 = arith.cmpi slt, %add3A_142, %lt3A_143 : i32
      %convert_element_type3A_145 = arith.extui %lt3A_144 : i1 to i32
      %cond3A_146 = arith.constant 0 : i32
      %cond3A_147 = arith.cmpi ne, %convert_element_type3A_145, %cond3A_146 : i32
      scf.if %cond3A_147 {
        %ge3A = arith.constant 1 : i32
        %ge3A_148 = arith.cmpi sge, %add3A_120, %ge3A : i32
        %convert_element_type3A_149 = arith.extui %ge3A_148 : i1 to i32
        %cond3A_150 = arith.constant 0 : i32
        %cond3A_151 = arith.cmpi ne, %convert_element_type3A_149, %cond3A_150 : i32
        scf.if %cond3A_151 {
          %dma_wait3A_166 = arith.constant 0 : i32
          %dma_wait3A_167 = arith.constant 0 : i32
          %dma_wait3A_168 = tpu.memref_slice %arg8[%dma_wait3A_166, %dma_wait3A_167] : memref<80x125xi32, #tpu.memory_space<vmem>> -> memref<1x125xi32, #tpu.memory_space<vmem>>
          %dma_wait3A_169 = tpu.memref_squeeze %dma_wait3A_168 : memref<1x125xi32, #tpu.memory_space<vmem>> -> memref<125xi32, #tpu.memory_space<vmem>>
          %dma_wait3A_170 = arith.constant 0 : i32
          %dma_wait3A_171 = arith.constant 0 : i32
          %dma_wait3A_172 = tpu.memref_slice %arg19[%dma_wait3A_170, %dma_wait3A_171] : memref<10112x128xf32, #tpu.memory_space<vmem_shared>> -> memref<10112x128xf32, #tpu.memory_space<vmem_shared>>
          tpu.wait_indirect_dma semaphore(%arg17 : memref<!tpu.dma_semaphore, #tpu.memory_space<semaphore_mem>>) src(%arg9 : memref<125x128xf32, #tpu.memory_space<vmem>>) dst(%dma_wait3A_172 : memref<10112x128xf32, #tpu.memory_space<vmem_shared>>)
        } else {
        }
        %add3A_152 = arith.constant 1 : i32
        %add3A_153 = arith.addi %add3A_120, %add3A_152 : i32
        %ge3A_154 = arith.constant 3 : i32
        %ge3A_155 = arith.cmpi sge, %add3A_153, %ge3A_154 : i32
        %convert_element_type3A_156 = arith.extui %ge3A_155 : i1 to i32
        %cond3A_157 = arith.constant 0 : i32
        %cond3A_158 = arith.cmpi ne, %convert_element_type3A_156, %cond3A_157 : i32
        scf.if %cond3A_158 {
          %dma_wait3A_166 = arith.constant 0 : i32
          %dma_wait3A_167 = arith.constant 0 : i32
          %dma_wait3A_168 = arith.constant 0 : i32
          %dma_wait3A_169 = tpu.memref_slice %arg7[%dma_wait3A_167, %dma_wait3A_168] : memref<4x125xi32, #tpu.memory_space<vmem>> -> memref<1x125xi32, #tpu.memory_space<vmem>>
          %dma_wait3A_170 = tpu.memref_squeeze %dma_wait3A_169 : memref<1x125xi32, #tpu.memory_space<vmem>> -> memref<125xi32, #tpu.memory_space<vmem>>
          %dma_wait3A_171 = arith.constant 0 : i32
          %dma_wait3A_172 = arith.constant 0 : i32
          %dma_wait3A_173 = tpu.memref_slice %arg2[%add3A, %dma_wait3A_171, %dma_wait3A_172] : memref<32x80x125xi32, #tpu.memory_space<hbm>> -> memref<1x80x125xi32, #tpu.memory_space<hbm>>
          %dma_wait3A_174 = tpu.memref_squeeze %dma_wait3A_173 : memref<1x80x125xi32, #tpu.memory_space<hbm>> -> memref<80x125xi32, #tpu.memory_space<hbm>>
          %dma_wait3A_175 = arith.constant 0 : i32
          %dma_wait3A_176 = tpu.memref_slice %dma_wait3A_174[%dma_wait3A_166, %dma_wait3A_175] : memref<80x125xi32, #tpu.memory_space<hbm>> -> memref<1x125xi32, #tpu.memory_space<hbm>>
          %dma_wait3A_177 = tpu.memref_squeeze %dma_wait3A_176 : memref<1x125xi32, #tpu.memory_space<hbm>> -> memref<125xi32, #tpu.memory_space<hbm>>
          %dma_wait3A_178 = arith.constant 0 : i32
          %dma_wait3A_179 = tpu.memref_slice %arg7[%dma_wait3A_167, %dma_wait3A_178] : memref<4x125xi32, #tpu.memory_space<vmem>> -> memref<1x125xi32, #tpu.memory_space<vmem>>
          %dma_wait3A_180 = tpu.memref_squeeze %dma_wait3A_179 : memref<1x125xi32, #tpu.memory_space<vmem>> -> memref<125xi32, #tpu.memory_space<vmem>>
          %dma_wait3A_181 = arith.constant 0 : i32
          %dma_wait3A_182 = arith.constant 0 : i32
          %dma_wait3A_183 = tpu.memref_slice %arg2[%add3A, %dma_wait3A_181, %dma_wait3A_182] : memref<32x80x125xi32, #tpu.memory_space<hbm>> -> memref<1x80x125xi32, #tpu.memory_space<hbm>>
          %dma_wait3A_184 = tpu.memref_squeeze %dma_wait3A_183 : memref<1x80x125xi32, #tpu.memory_space<hbm>> -> memref<80x125xi32, #tpu.memory_space<hbm>>
          %dma_wait3A_185 = arith.constant 0 : i32
          %dma_wait3A_186 = tpu.memref_slice %dma_wait3A_184[%dma_wait3A_166, %dma_wait3A_185] : memref<80x125xi32, #tpu.memory_space<hbm>> -> memref<1x125xi32, #tpu.memory_space<hbm>>
          %dma_wait3A_187 = tpu.memref_squeeze %dma_wait3A_186 : memref<1x125xi32, #tpu.memory_space<hbm>> -> memref<125xi32, #tpu.memory_space<hbm>>
          tpu.wait_dma2 semaphore(%arg11 : memref<!tpu.dma_semaphore, #tpu.memory_space<semaphore_mem>>) src(%dma_wait3A_187 : memref<125xi32, #tpu.memory_space<hbm>>) dst(%dma_wait3A_180 : memref<125xi32, #tpu.memory_space<vmem>>)
        } else {
        }
        %dma_start3A_159 = arith.constant 0 : i32
        %dma_start3A_160 = arith.constant 0 : i32
        %dma_start3A_161 = tpu.memref_slice %arg7[%dma_start3A_159, %dma_start3A_160] : memref<4x125xi32, #tpu.memory_space<vmem>> -> memref<1x125xi32, #tpu.memory_space<vmem>>
        %dma_start3A_162 = tpu.memref_squeeze %dma_start3A_161 : memref<1x125xi32, #tpu.memory_space<vmem>> -> memref<125xi32, #tpu.memory_space<vmem>>
        %dma_start3A_163 = arith.constant 0 : i32
        %dma_start3A_164 = arith.constant 0 : i32
        %dma_start3A_165 = tpu.memref_slice %arg4[%dma_start3A_163, %dma_start3A_164] : memref<10000x128xf32, #tpu.memory_space<hbm>> -> memref<10000x128xf32, #tpu.memory_space<hbm>>
        tpu.enqueue_indirect_dma source(%dma_start3A_165 : memref<10000x128xf32, #tpu.memory_space<hbm>>) target(%arg9 : memref<125x128xf32, #tpu.memory_space<vmem>>) offsets(%dma_start3A_162 : memref<125xi32, #tpu.memory_space<vmem>>) semaphore(%arg15 : memref<!tpu.dma_semaphore, #tpu.memory_space<semaphore_mem>>)
      } else {
      }
    }
    %scan3A_13 = arith.constant 20 : i32
    %dma_wait3A = arith.constant 0 : i32
    %dma_wait3A_14 = arith.constant 0 : i32
    %dma_wait3A_15 = tpu.memref_slice %arg8[%dma_wait3A, %dma_wait3A_14] : memref<80x125xi32, #tpu.memory_space<vmem>> -> memref<1x125xi32, #tpu.memory_space<vmem>>
    %dma_wait3A_16 = tpu.memref_squeeze %dma_wait3A_15 : memref<1x125xi32, #tpu.memory_space<vmem>> -> memref<125xi32, #tpu.memory_space<vmem>>
    %dma_wait3A_17 = arith.constant 0 : i32
    %dma_wait3A_18 = arith.constant 0 : i32
    %dma_wait3A_19 = tpu.memref_slice %arg19[%dma_wait3A_17, %dma_wait3A_18] : memref<10112x128xf32, #tpu.memory_space<vmem_shared>> -> memref<10112x128xf32, #tpu.memory_space<vmem_shared>>
    tpu.wait_indirect_dma semaphore(%arg17 : memref<!tpu.dma_semaphore, #tpu.memory_space<semaphore_mem>>) src(%arg9 : memref<125x128xf32, #tpu.memory_space<vmem>>) dst(%dma_wait3A_19 : memref<10112x128xf32, #tpu.memory_space<vmem_shared>>)
    %dma_wait3A_20 = arith.constant 0 : i32
    %dma_wait3A_21 = arith.constant 0 : i32
    %dma_wait3A_22 = tpu.memref_slice %arg8[%dma_wait3A_20, %dma_wait3A_21] : memref<80x125xi32, #tpu.memory_space<vmem>> -> memref<1x125xi32, #tpu.memory_space<vmem>>
    %dma_wait3A_23 = tpu.memref_squeeze %dma_wait3A_22 : memref<1x125xi32, #tpu.memory_space<vmem>> -> memref<125xi32, #tpu.memory_space<vmem>>
    %dma_wait3A_24 = arith.constant 0 : i32
    %dma_wait3A_25 = arith.constant 0 : i32
    %dma_wait3A_26 = tpu.memref_slice %arg19[%dma_wait3A_24, %dma_wait3A_25] : memref<10112x128xf32, #tpu.memory_space<vmem_shared>> -> memref<10112x128xf32, #tpu.memory_space<vmem_shared>>
    tpu.wait_indirect_dma semaphore(%arg18 : memref<!tpu.dma_semaphore, #tpu.memory_space<semaphore_mem>>) src(%arg10 : memref<125x128xf32, #tpu.memory_space<vmem>>) dst(%dma_wait3A_26 : memref<10112x128xf32, #tpu.memory_space<vmem_shared>>)
    %barrier3A_27 = arith.constant 0 : index
    tpu.barrier barrier_id(%barrier3A_27)
    %mul3A_28 = arith.constant 632 : i32
    %mul3A_29 = arith.muli %arg1, %mul3A_28 : i32
    %mul3A_30 = arith.constant 632 : i32
    %mul3A_31 = arith.muli %arg1, %mul3A_30 : i32
    "tpu.region"() ({
      %run_scoped3A = tpu.sem_alloc : memref<!tpu.dma_semaphore, #tpu.memory_space<semaphore_mem>>
      %dma_start3A_32 = arith.constant 0 : i32
      %dma_start3A_33 = arith.constant 0 : i32
      %dma_start3A_34 = tpu.memref_slice %arg6[%arg0, %dma_start3A_32, %dma_start3A_33] : memref<2x10112x128xf32, #tpu.memory_space<hbm>> -> memref<1x10112x128xf32, #tpu.memory_space<hbm>>
      %dma_start3A_35 = tpu.memref_squeeze %dma_start3A_34 : memref<1x10112x128xf32, #tpu.memory_space<hbm>> -> memref<10112x128xf32, #tpu.memory_space<hbm>>
      %dma_start3A_36 = arith.constant 0 : i32
      %dma_start3A_37 = tpu.memref_slice %dma_start3A_35[%mul3A_31, %dma_start3A_36] : memref<10112x128xf32, #tpu.memory_space<hbm>> -> memref<632x128xf32, #tpu.memory_space<hbm>>
      %dma_start3A_38 = arith.constant 0 : i32
      %dma_start3A_39 = tpu.memref_slice %arg19[%mul3A_29, %dma_start3A_38] : memref<10112x128xf32, #tpu.memory_space<vmem_shared>> -> memref<632x128xf32, #tpu.memory_space<vmem_shared>>
      tpu.enqueue_dma source(%dma_start3A_39 : memref<632x128xf32, #tpu.memory_space<vmem_shared>>) target(%dma_start3A_37 : memref<632x128xf32, #tpu.memory_space<hbm>>) target_semaphore(%run_scoped3A : memref<!tpu.dma_semaphore, #tpu.memory_space<semaphore_mem>>)
      %dma_wait3A_40 = arith.constant 0 : i32
      %dma_wait3A_41 = arith.constant 0 : i32
      %dma_wait3A_42 = tpu.memref_slice %arg6[%arg0, %dma_wait3A_40, %dma_wait3A_41] : memref<2x10112x128xf32, #tpu.memory_space<hbm>> -> memref<1x10112x128xf32, #tpu.memory_space<hbm>>
      %dma_wait3A_43 = tpu.memref_squeeze %dma_wait3A_42 : memref<1x10112x128xf32, #tpu.memory_space<hbm>> -> memref<10112x128xf32, #tpu.memory_space<hbm>>
      %dma_wait3A_44 = arith.constant 0 : i32
      %dma_wait3A_45 = tpu.memref_slice %dma_wait3A_43[%mul3A_31, %dma_wait3A_44] : memref<10112x128xf32, #tpu.memory_space<hbm>> -> memref<632x128xf32, #tpu.memory_space<hbm>>
      %dma_wait3A_46 = arith.constant 0 : i32
      %dma_wait3A_47 = tpu.memref_slice %arg19[%mul3A_29, %dma_wait3A_46] : memref<10112x128xf32, #tpu.memory_space<vmem_shared>> -> memref<632x128xf32, #tpu.memory_space<vmem_shared>>
      tpu.wait_dma2 semaphore(%run_scoped3A : memref<!tpu.dma_semaphore, #tpu.memory_space<semaphore_mem>>) src(%dma_wait3A_47 : memref<632x128xf32, #tpu.memory_space<vmem_shared>>) dst(%dma_wait3A_45 : memref<632x128xf32, #tpu.memory_space<hbm>>)
      tpu.yield
    }) : () -> ()
    return
  }
}

#map = affine_map<(d0, d1) -> (0, 0, 0)>
#map1 = affine_map<(d0, d1) -> (0, 0)>
module attributes {stable_mosaic.version = 14 : i64} {
  func.func @_sc_spmm_body(%arg0: i32, %arg1: i32, %arg2: memref<32x80x125xi32, #tpu.memory_space<hbm>>, %arg3: memref<32x80x125xi32, #tpu.memory_space<hbm>>, %arg4: memref<10000x128xf32, #tpu.memory_space<hbm>>, %arg5: memref<632x128xf32, #tpu.memory_space<hbm>>, %arg6: memref<2x10112x128xf32, #tpu.memory_space<hbm>>, %arg7: memref<4x125xi32, #tpu.memory_space<vmem>>, %arg8: memref<80x125xi32, #tpu.memory_space<vmem>>, %arg9: memref<125x128xf32, #tpu.memory_space<vmem>>, %arg10: memref<125x128xf32, #tpu.memory_space<vmem>>, %arg11: memref<!tpu.dma_semaphore, #tpu.memory_space<semaphore_mem>>, %arg12: memref<!tpu.dma_semaphore, #tpu.memory_space<semaphore_mem>>, %arg13: memref<!tpu.dma_semaphore, #tpu.memory_space<semaphore_mem>>, %arg14: memref<!tpu.dma_semaphore, #tpu.memory_space<semaphore_mem>>, %arg15: memref<!tpu.dma_semaphore, #tpu.memory_space<semaphore_mem>>, %arg16: memref<!tpu.dma_semaphore, #tpu.memory_space<semaphore_mem>>, %arg17: memref<!tpu.dma_semaphore, #tpu.memory_space<semaphore_mem>>, %arg18: memref<!tpu.dma_semaphore, #tpu.memory_space<semaphore_mem>>, %arg19: memref<10112x128xf32, #tpu.memory_space<vmem_shared>>) attributes {dimension_semantics = [#tpu.dimension_semantics<core_parallel>, #tpu.dimension_semantics<subcore_parallel>], iteration_bounds = array<i64: 2, 16>, scalar_prefetch = 0 : i64, scratch_operands = 13 : i64, tpu.core_type = #tpu.core_type<sc_vector_subcore>, window_params = [{transform_indices = #map}, {transform_indices = #map}, {transform_indices = #map1}, {transform_indices = #map1}, {transform_indices = #map}]} {
    %mul3A = arith.constant 2 : i32
    %mul3A_0 = arith.muli %arg1, %mul3A : i32
    %add3A = arith.addi %mul3A_0, %arg0 : i32
    %mul3A_1 = arith.constant 632 : i32
    %mul3A_2 = arith.muli %arg1, %mul3A_1 : i32
    "tpu.region"() ({
      %run_scoped3A = tpu.sem_alloc : memref<!tpu.dma_semaphore, #tpu.memory_space<semaphore_mem>>
      %dma_start3A_32 = arith.constant 0 : i32
      %dma_start3A_33 = tpu.memref_slice %arg19[%mul3A_2, %dma_start3A_32] : memref<10112x128xf32, #tpu.memory_space<vmem_shared>> -> memref<632x128xf32, #tpu.memory_space<vmem_shared>>
      tpu.enqueue_dma source(%arg5 : memref<632x128xf32, #tpu.memory_space<hbm>>) target(%dma_start3A_33 : memref<632x128xf32, #tpu.memory_space<vmem_shared>>) target_semaphore(%run_scoped3A : memref<!tpu.dma_semaphore, #tpu.memory_space<semaphore_mem>>)
      %dma_wait3A_34 = arith.constant 0 : i32
      %dma_wait3A_35 = tpu.memref_slice %arg19[%mul3A_2, %dma_wait3A_34] : memref<10112x128xf32, #tpu.memory_space<vmem_shared>> -> memref<632x128xf32, #tpu.memory_space<vmem_shared>>
      tpu.wait_dma2 semaphore(%run_scoped3A : memref<!tpu.dma_semaphore, #tpu.memory_space<semaphore_mem>>) src(%arg5 : memref<632x128xf32, #tpu.memory_space<hbm>>) dst(%dma_wait3A_35 : memref<632x128xf32, #tpu.memory_space<vmem_shared>>)
      tpu.yield
    }) : () -> ()
    "tpu.region"() ({
      %run_scoped3A = tpu.sem_alloc : memref<!tpu.dma_semaphore, #tpu.memory_space<semaphore_mem>>
      %dma_start3A_32 = arith.constant 0 : i32
      %dma_start3A_33 = arith.constant 0 : i32
      %dma_start3A_34 = tpu.memref_slice %arg3[%add3A, %dma_start3A_32, %dma_start3A_33] : memref<32x80x125xi32, #tpu.memory_space<hbm>> -> memref<1x80x125xi32, #tpu.memory_space<hbm>>
      %dma_start3A_35 = tpu.memref_squeeze %dma_start3A_34 : memref<1x80x125xi32, #tpu.memory_space<hbm>> -> memref<80x125xi32, #tpu.memory_space<hbm>>
      %dma_start3A_36 = arith.constant 0 : i32
      %dma_start3A_37 = arith.constant 0 : i32
      %dma_start3A_38 = tpu.memref_slice %arg3[%add3A, %dma_start3A_36, %dma_start3A_37] : memref<32x80x125xi32, #tpu.memory_space<hbm>> -> memref<1x80x125xi32, #tpu.memory_space<hbm>>
      %dma_start3A_39 = tpu.memref_squeeze %dma_start3A_38 : memref<1x80x125xi32, #tpu.memory_space<hbm>> -> memref<80x125xi32, #tpu.memory_space<hbm>>
      tpu.enqueue_dma source(%dma_start3A_39 : memref<80x125xi32, #tpu.memory_space<hbm>>) target(%arg8 : memref<80x125xi32, #tpu.memory_space<vmem>>) target_semaphore(%run_scoped3A : memref<!tpu.dma_semaphore, #tpu.memory_space<semaphore_mem>>)
      %dma_wait3A_40 = arith.constant 0 : i32
      %dma_wait3A_41 = arith.constant 0 : i32
      %dma_wait3A_42 = tpu.memref_slice %arg3[%add3A, %dma_wait3A_40, %dma_wait3A_41] : memref<32x80x125xi32, #tpu.memory_space<hbm>> -> memref<1x80x125xi32, #tpu.memory_space<hbm>>
      %dma_wait3A_43 = tpu.memref_squeeze %dma_wait3A_42 : memref<1x80x125xi32, #tpu.memory_space<hbm>> -> memref<80x125xi32, #tpu.memory_space<hbm>>
      %dma_wait3A_44 = arith.constant 0 : i32
      %dma_wait3A_45 = arith.constant 0 : i32
      %dma_wait3A_46 = tpu.memref_slice %arg3[%add3A, %dma_wait3A_44, %dma_wait3A_45] : memref<32x80x125xi32, #tpu.memory_space<hbm>> -> memref<1x80x125xi32, #tpu.memory_space<hbm>>
      %dma_wait3A_47 = tpu.memref_squeeze %dma_wait3A_46 : memref<1x80x125xi32, #tpu.memory_space<hbm>> -> memref<80x125xi32, #tpu.memory_space<hbm>>
      tpu.wait_dma2 semaphore(%run_scoped3A : memref<!tpu.dma_semaphore, #tpu.memory_space<semaphore_mem>>) src(%dma_wait3A_47 : memref<80x125xi32, #tpu.memory_space<hbm>>) dst(%arg8 : memref<80x125xi32, #tpu.memory_space<vmem>>)
      tpu.yield
    }) : () -> ()
    "tpu.region"() ({
      %run_scoped3A = tpu.sem_alloc : memref<!tpu.dma_semaphore, #tpu.memory_space<semaphore_mem>>
      %dma_start3A_32 = arith.constant 0 : i32
      %dma_start3A_33 = arith.constant 0 : i32
      %dma_start3A_34 = tpu.memref_slice %arg7[%dma_start3A_32, %dma_start3A_33] : memref<4x125xi32, #tpu.memory_space<vmem>> -> memref<3x125xi32, #tpu.memory_space<vmem>>
      %dma_start3A_35 = arith.constant 0 : i32
      %dma_start3A_36 = arith.constant 0 : i32
      %dma_start3A_37 = tpu.memref_slice %arg2[%add3A, %dma_start3A_35, %dma_start3A_36] : memref<32x80x125xi32, #tpu.memory_space<hbm>> -> memref<1x3x125xi32, #tpu.memory_space<hbm>>
      %dma_start3A_38 = tpu.memref_squeeze %dma_start3A_37 : memref<1x3x125xi32, #tpu.memory_space<hbm>> -> memref<3x125xi32, #tpu.memory_space<hbm>>
      %dma_start3A_39 = arith.constant 0 : i32
      %dma_start3A_40 = arith.constant 0 : i32
      %dma_start3A_41 = tpu.memref_slice %arg7[%dma_start3A_39, %dma_start3A_40] : memref<4x125xi32, #tpu.memory_space<vmem>> -> memref<3x125xi32, #tpu.memory_space<vmem>>
      %dma_start3A_42 = arith.constant 0 : i32
      %dma_start3A_43 = arith.constant 0 : i32
      %dma_start3A_44 = tpu.memref_slice %arg2[%add3A, %dma_start3A_42, %dma_start3A_43] : memref<32x80x125xi32, #tpu.memory_space<hbm>> -> memref<1x3x125xi32, #tpu.memory_space<hbm>>
      %dma_start3A_45 = tpu.memref_squeeze %dma_start3A_44 : memref<1x3x125xi32, #tpu.memory_space<hbm>> -> memref<3x125xi32, #tpu.memory_space<hbm>>
      tpu.enqueue_dma source(%dma_start3A_45 : memref<3x125xi32, #tpu.memory_space<hbm>>) target(%dma_start3A_41 : memref<3x125xi32, #tpu.memory_space<vmem>>) target_semaphore(%run_scoped3A : memref<!tpu.dma_semaphore, #tpu.memory_space<semaphore_mem>>)
      %dma_wait3A_46 = arith.constant 0 : i32
      %dma_wait3A_47 = arith.constant 0 : i32
      %dma_wait3A_48 = tpu.memref_slice %arg7[%dma_wait3A_46, %dma_wait3A_47] : memref<4x125xi32, #tpu.memory_space<vmem>> -> memref<3x125xi32, #tpu.memory_space<vmem>>
      %dma_wait3A_49 = arith.constant 0 : i32
      %dma_wait3A_50 = arith.constant 0 : i32
      %dma_wait3A_51 = tpu.memref_slice %arg2[%add3A, %dma_wait3A_49, %dma_wait3A_50] : memref<32x80x125xi32, #tpu.memory_space<hbm>> -> memref<1x3x125xi32, #tpu.memory_space<hbm>>
      %dma_wait3A_52 = tpu.memref_squeeze %dma_wait3A_51 : memref<1x3x125xi32, #tpu.memory_space<hbm>> -> memref<3x125xi32, #tpu.memory_space<hbm>>
      %dma_wait3A_53 = arith.constant 0 : i32
      %dma_wait3A_54 = arith.constant 0 : i32
      %dma_wait3A_55 = tpu.memref_slice %arg7[%dma_wait3A_53, %dma_wait3A_54] : memref<4x125xi32, #tpu.memory_space<vmem>> -> memref<3x125xi32, #tpu.memory_space<vmem>>
      %dma_wait3A_56 = arith.constant 0 : i32
      %dma_wait3A_57 = arith.constant 0 : i32
      %dma_wait3A_58 = tpu.memref_slice %arg2[%add3A, %dma_wait3A_56, %dma_wait3A_57] : memref<32x80x125xi32, #tpu.memory_space<hbm>> -> memref<1x3x125xi32, #tpu.memory_space<hbm>>
      %dma_wait3A_59 = tpu.memref_squeeze %dma_wait3A_58 : memref<1x3x125xi32, #tpu.memory_space<hbm>> -> memref<3x125xi32, #tpu.memory_space<hbm>>
      tpu.wait_dma2 semaphore(%run_scoped3A : memref<!tpu.dma_semaphore, #tpu.memory_space<semaphore_mem>>) src(%dma_wait3A_59 : memref<3x125xi32, #tpu.memory_space<hbm>>) dst(%dma_wait3A_55 : memref<3x125xi32, #tpu.memory_space<vmem>>)
      tpu.yield
    }) : () -> ()
    %barrier3A = arith.constant 0 : index
    tpu.barrier barrier_id(%barrier3A)
    %dma_start3A = arith.constant 0 : i32
    %dma_start3A_3 = arith.constant 0 : i32
    %dma_start3A_4 = tpu.memref_slice %arg7[%dma_start3A, %dma_start3A_3] : memref<4x125xi32, #tpu.memory_space<vmem>> -> memref<1x125xi32, #tpu.memory_space<vmem>>
    %dma_start3A_5 = tpu.memref_squeeze %dma_start3A_4 : memref<1x125xi32, #tpu.memory_space<vmem>> -> memref<125xi32, #tpu.memory_space<vmem>>
    %dma_start3A_6 = arith.constant 0 : i32
    %dma_start3A_7 = arith.constant 0 : i32
    %dma_start3A_8 = tpu.memref_slice %arg4[%dma_start3A_6, %dma_start3A_7] : memref<10000x128xf32, #tpu.memory_space<hbm>> -> memref<10000x128xf32, #tpu.memory_space<hbm>>
    tpu.enqueue_indirect_dma source(%dma_start3A_8 : memref<10000x128xf32, #tpu.memory_space<hbm>>) target(%arg9 : memref<125x128xf32, #tpu.memory_space<vmem>>) offsets(%dma_start3A_5 : memref<125xi32, #tpu.memory_space<vmem>>) semaphore(%arg15 : memref<!tpu.dma_semaphore, #tpu.memory_space<semaphore_mem>>)
    %scan3A = arith.constant 0 : i32
    %scan3A_9 = arith.constant 0 : i32
    %scan3A_10 = arith.constant 20 : i32
    %scan3A_11 = arith.addi %scan3A_9, %scan3A_10 : i32
    %scan3A_12 = arith.constant 1 : i32
    scf.for %scan3A_32 = %scan3A_9 to %scan3A_11 step %scan3A_12  : i32 {
      %mul3A_33 = arith.constant 4 : i32
      %mul3A_34 = arith.muli %scan3A_32, %mul3A_33 : i32
      %add3A_35 = arith.constant 0 : i32
      %add3A_36 = arith.addi %mul3A_34, %add3A_35 : i32
      %dma_wait3A_37 = arith.constant 0 : i32
      %dma_wait3A_38 = arith.constant 0 : i32
      %dma_wait3A_39 = tpu.memref_slice %arg7[%dma_wait3A_37, %dma_wait3A_38] : memref<4x125xi32, #tpu.memory_space<vmem>> -> memref<1x125xi32, #tpu.memory_space<vmem>>
      %dma_wait3A_40 = tpu.memref_squeeze %dma_wait3A_39 : memref<1x125xi32, #tpu.memory_space<vmem>> -> memref<125xi32, #tpu.memory_space<vmem>>
      %dma_wait3A_41 = arith.constant 0 : i32
      %dma_wait3A_42 = arith.constant 0 : i32
      %dma_wait3A_43 = tpu.memref_slice %arg4[%dma_wait3A_41, %dma_wait3A_42] : memref<10000x128xf32, #tpu.memory_space<hbm>> -> memref<10000x128xf32, #tpu.memory_space<hbm>>
      tpu.wait_indirect_dma semaphore(%arg15 : memref<!tpu.dma_semaphore, #tpu.memory_space<semaphore_mem>>) src(%dma_wait3A_43 : memref<10000x128xf32, #tpu.memory_space<hbm>>) dst(%arg9 : memref<125x128xf32, #tpu.memory_space<vmem>>)
      %dma_start3A_44 = arith.constant 0 : i32
      %dma_start3A_45 = tpu.memref_slice %arg8[%add3A_36, %dma_start3A_44] : memref<80x125xi32, #tpu.memory_space<vmem>> -> memref<1x125xi32, #tpu.memory_space<vmem>>
      %dma_start3A_46 = tpu.memref_squeeze %dma_start3A_45 : memref<1x125xi32, #tpu.memory_space<vmem>> -> memref<125xi32, #tpu.memory_space<vmem>>
      %dma_start3A_47 = arith.constant 0 : i32
      %dma_start3A_48 = arith.constant 0 : i32
      %dma_start3A_49 = tpu.memref_slice %arg19[%dma_start3A_47, %dma_start3A_48] : memref<10112x128xf32, #tpu.memory_space<vmem_shared>> -> memref<10112x128xf32, #tpu.memory_space<vmem_shared>>
      tpu.enqueue_indirect_dma source(%arg9 : memref<125x128xf32, #tpu.memory_space<vmem>>) target(%dma_start3A_49 : memref<10112x128xf32, #tpu.memory_space<vmem_shared>>) offsets(%dma_start3A_46 : memref<125xi32, #tpu.memory_space<vmem>>) semaphore(%arg17 : memref<!tpu.dma_semaphore, #tpu.memory_space<semaphore_mem>>) {add = true}
      %add3A_50 = arith.constant 3 : i32
      %add3A_51 = arith.addi %add3A_36, %add3A_50 : i32
      %lt3A = arith.constant 80 : i32
      %lt3A_52 = arith.cmpi slt, %add3A_51, %lt3A : i32
      %convert_element_type3A = arith.extui %lt3A_52 : i1 to i32
      %cond3A = arith.constant 0 : i32
      %cond3A_53 = arith.cmpi ne, %convert_element_type3A, %cond3A : i32
      scf.if %cond3A_53 {
        %add3A_148 = arith.constant 3 : i32
        %add3A_149 = arith.addi %add3A_36, %add3A_148 : i32
        %dma_start3A_150 = arith.constant 3 : i32
        %dma_start3A_151 = arith.constant 0 : i32
        %dma_start3A_152 = tpu.memref_slice %arg7[%dma_start3A_150, %dma_start3A_151] : memref<4x125xi32, #tpu.memory_space<vmem>> -> memref<1x125xi32, #tpu.memory_space<vmem>>
        %dma_start3A_153 = tpu.memref_squeeze %dma_start3A_152 : memref<1x125xi32, #tpu.memory_space<vmem>> -> memref<125xi32, #tpu.memory_space<vmem>>
        %dma_start3A_154 = arith.constant 0 : i32
        %dma_start3A_155 = arith.constant 0 : i32
        %dma_start3A_156 = tpu.memref_slice %arg2[%add3A, %dma_start3A_154, %dma_start3A_155] : memref<32x80x125xi32, #tpu.memory_space<hbm>> -> memref<1x80x125xi32, #tpu.memory_space<hbm>>
        %dma_start3A_157 = tpu.memref_squeeze %dma_start3A_156 : memref<1x80x125xi32, #tpu.memory_space<hbm>> -> memref<80x125xi32, #tpu.memory_space<hbm>>
        %dma_start3A_158 = arith.constant 0 : i32
        %dma_start3A_159 = tpu.memref_slice %dma_start3A_157[%add3A_149, %dma_start3A_158] : memref<80x125xi32, #tpu.memory_space<hbm>> -> memref<1x125xi32, #tpu.memory_space<hbm>>
        %dma_start3A_160 = tpu.memref_squeeze %dma_start3A_159 : memref<1x125xi32, #tpu.memory_space<hbm>> -> memref<125xi32, #tpu.memory_space<hbm>>
        %dma_start3A_161 = arith.constant 0 : i32
        %dma_start3A_162 = tpu.memref_slice %arg7[%dma_start3A_150, %dma_start3A_161] : memref<4x125xi32, #tpu.memory_space<vmem>> -> memref<1x125xi32, #tpu.memory_space<vmem>>
        %dma_start3A_163 = tpu.memref_squeeze %dma_start3A_162 : memref<1x125xi32, #tpu.memory_space<vmem>> -> memref<125xi32, #tpu.memory_space<vmem>>
        %dma_start3A_164 = arith.constant 0 : i32
        %dma_start3A_165 = arith.constant 0 : i32
        %dma_start3A_166 = tpu.memref_slice %arg2[%add3A, %dma_start3A_164, %dma_start3A_165] : memref<32x80x125xi32, #tpu.memory_space<hbm>> -> memref<1x80x125xi32, #tpu.memory_space<hbm>>
        %dma_start3A_167 = tpu.memref_squeeze %dma_start3A_166 : memref<1x80x125xi32, #tpu.memory_space<hbm>> -> memref<80x125xi32, #tpu.memory_space<hbm>>
        %dma_start3A_168 = arith.constant 0 : i32
        %dma_start3A_169 = tpu.memref_slice %dma_start3A_167[%add3A_149, %dma_start3A_168] : memref<80x125xi32, #tpu.memory_space<hbm>> -> memref<1x125xi32, #tpu.memory_space<hbm>>
        %dma_start3A_170 = tpu.memref_squeeze %dma_start3A_169 : memref<1x125xi32, #tpu.memory_space<hbm>> -> memref<125xi32, #tpu.memory_space<hbm>>
        tpu.enqueue_dma source(%dma_start3A_170 : memref<125xi32, #tpu.memory_space<hbm>>) target(%dma_start3A_163 : memref<125xi32, #tpu.memory_space<vmem>>) target_semaphore(%arg14 : memref<!tpu.dma_semaphore, #tpu.memory_space<semaphore_mem>>)
      } else {
      }
      %add3A_54 = arith.constant 1 : i32
      %add3A_55 = arith.addi %add3A_36, %add3A_54 : i32
      %lt3A_56 = arith.constant 80 : i32
      %lt3A_57 = arith.cmpi slt, %add3A_55, %lt3A_56 : i32
      %convert_element_type3A_58 = arith.extui %lt3A_57 : i1 to i32
      %cond3A_59 = arith.constant 0 : i32
      %cond3A_60 = arith.cmpi ne, %convert_element_type3A_58, %cond3A_59 : i32
      scf.if %cond3A_60 {
        %ge3A = arith.constant 1 : i32
        %ge3A_148 = arith.cmpi sge, %add3A_36, %ge3A : i32
        %convert_element_type3A_149 = arith.extui %ge3A_148 : i1 to i32
        %cond3A_150 = arith.constant 0 : i32
        %cond3A_151 = arith.cmpi ne, %convert_element_type3A_149, %cond3A_150 : i32
        scf.if %cond3A_151 {
          %dma_wait3A_166 = arith.constant 0 : i32
          %dma_wait3A_167 = arith.constant 0 : i32
          %dma_wait3A_168 = tpu.memref_slice %arg8[%dma_wait3A_166, %dma_wait3A_167] : memref<80x125xi32, #tpu.memory_space<vmem>> -> memref<1x125xi32, #tpu.memory_space<vmem>>
          %dma_wait3A_169 = tpu.memref_squeeze %dma_wait3A_168 : memref<1x125xi32, #tpu.memory_space<vmem>> -> memref<125xi32, #tpu.memory_space<vmem>>
          %dma_wait3A_170 = arith.constant 0 : i32
          %dma_wait3A_171 = arith.constant 0 : i32
          %dma_wait3A_172 = tpu.memref_slice %arg19[%dma_wait3A_170, %dma_wait3A_171] : memref<10112x128xf32, #tpu.memory_space<vmem_shared>> -> memref<10112x128xf32, #tpu.memory_space<vmem_shared>>
          tpu.wait_indirect_dma semaphore(%arg18 : memref<!tpu.dma_semaphore, #tpu.memory_space<semaphore_mem>>) src(%arg10 : memref<125x128xf32, #tpu.memory_space<vmem>>) dst(%dma_wait3A_172 : memref<10112x128xf32, #tpu.memory_space<vmem_shared>>)
        } else {
        }
        %add3A_152 = arith.constant 1 : i32
        %add3A_153 = arith.addi %add3A_36, %add3A_152 : i32
        %ge3A_154 = arith.constant 3 : i32
        %ge3A_155 = arith.cmpi sge, %add3A_153, %ge3A_154 : i32
        %convert_element_type3A_156 = arith.extui %ge3A_155 : i1 to i32
        %cond3A_157 = arith.constant 0 : i32
        %cond3A_158 = arith.cmpi ne, %convert_element_type3A_156, %cond3A_157 : i32
        scf.if %cond3A_158 {
          %dma_wait3A_166 = arith.constant 0 : i32
          %dma_wait3A_167 = arith.constant 1 : i32
          %dma_wait3A_168 = arith.constant 0 : i32
          %dma_wait3A_169 = tpu.memref_slice %arg7[%dma_wait3A_167, %dma_wait3A_168] : memref<4x125xi32, #tpu.memory_space<vmem>> -> memref<1x125xi32, #tpu.memory_space<vmem>>
          %dma_wait3A_170 = tpu.memref_squeeze %dma_wait3A_169 : memref<1x125xi32, #tpu.memory_space<vmem>> -> memref<125xi32, #tpu.memory_space<vmem>>
          %dma_wait3A_171 = arith.constant 0 : i32
          %dma_wait3A_172 = arith.constant 0 : i32
          %dma_wait3A_173 = tpu.memref_slice %arg2[%add3A, %dma_wait3A_171, %dma_wait3A_172] : memref<32x80x125xi32, #tpu.memory_space<hbm>> -> memref<1x80x125xi32, #tpu.memory_space<hbm>>
          %dma_wait3A_174 = tpu.memref_squeeze %dma_wait3A_173 : memref<1x80x125xi32, #tpu.memory_space<hbm>> -> memref<80x125xi32, #tpu.memory_space<hbm>>
          %dma_wait3A_175 = arith.constant 0 : i32
          %dma_wait3A_176 = tpu.memref_slice %dma_wait3A_174[%dma_wait3A_166, %dma_wait3A_175] : memref<80x125xi32, #tpu.memory_space<hbm>> -> memref<1x125xi32, #tpu.memory_space<hbm>>
          %dma_wait3A_177 = tpu.memref_squeeze %dma_wait3A_176 : memref<1x125xi32, #tpu.memory_space<hbm>> -> memref<125xi32, #tpu.memory_space<hbm>>
          %dma_wait3A_178 = arith.constant 0 : i32
          %dma_wait3A_179 = tpu.memref_slice %arg7[%dma_wait3A_167, %dma_wait3A_178] : memref<4x125xi32, #tpu.memory_space<vmem>> -> memref<1x125xi32, #tpu.memory_space<vmem>>
          %dma_wait3A_180 = tpu.memref_squeeze %dma_wait3A_179 : memref<1x125xi32, #tpu.memory_space<vmem>> -> memref<125xi32, #tpu.memory_space<vmem>>
          %dma_wait3A_181 = arith.constant 0 : i32
          %dma_wait3A_182 = arith.constant 0 : i32
          %dma_wait3A_183 = tpu.memref_slice %arg2[%add3A, %dma_wait3A_181, %dma_wait3A_182] : memref<32x80x125xi32, #tpu.memory_space<hbm>> -> memref<1x80x125xi32, #tpu.memory_space<hbm>>
          %dma_wait3A_184 = tpu.memref_squeeze %dma_wait3A_183 : memref<1x80x125xi32, #tpu.memory_space<hbm>> -> memref<80x125xi32, #tpu.memory_space<hbm>>
          %dma_wait3A_185 = arith.constant 0 : i32
          %dma_wait3A_186 = tpu.memref_slice %dma_wait3A_184[%dma_wait3A_166, %dma_wait3A_185] : memref<80x125xi32, #tpu.memory_space<hbm>> -> memref<1x125xi32, #tpu.memory_space<hbm>>
          %dma_wait3A_187 = tpu.memref_squeeze %dma_wait3A_186 : memref<1x125xi32, #tpu.memory_space<hbm>> -> memref<125xi32, #tpu.memory_space<hbm>>
          tpu.wait_dma2 semaphore(%arg12 : memref<!tpu.dma_semaphore, #tpu.memory_space<semaphore_mem>>) src(%dma_wait3A_187 : memref<125xi32, #tpu.memory_space<hbm>>) dst(%dma_wait3A_180 : memref<125xi32, #tpu.memory_space<vmem>>)
        } else {
        }
        %dma_start3A_159 = arith.constant 1 : i32
        %dma_start3A_160 = arith.constant 0 : i32
        %dma_start3A_161 = tpu.memref_slice %arg7[%dma_start3A_159, %dma_start3A_160] : memref<4x125xi32, #tpu.memory_space<vmem>> -> memref<1x125xi32, #tpu.memory_space<vmem>>
        %dma_start3A_162 = tpu.memref_squeeze %dma_start3A_161 : memref<1x125xi32, #tpu.memory_space<vmem>> -> memref<125xi32, #tpu.memory_space<vmem>>
        %dma_start3A_163 = arith.constant 0 : i32
        %dma_start3A_164 = arith.constant 0 : i32
        %dma_start3A_165 = tpu.memref_slice %arg4[%dma_start3A_163, %dma_start3A_164] : memref<10000x128xf32, #tpu.memory_space<hbm>> -> memref<10000x128xf32, #tpu.memory_space<hbm>>
        tpu.enqueue_indirect_dma source(%dma_start3A_165 : memref<10000x128xf32, #tpu.memory_space<hbm>>) target(%arg10 : memref<125x128xf32, #tpu.memory_space<vmem>>) offsets(%dma_start3A_162 : memref<125xi32, #tpu.memory_space<vmem>>) semaphore(%arg16 : memref<!tpu.dma_semaphore, #tpu.memory_space<semaphore_mem>>)
      } else {
      }
      %add3A_61 = arith.constant 1 : i32
      %add3A_62 = arith.addi %mul3A_34, %add3A_61 : i32
      %dma_wait3A_63 = arith.constant 1 : i32
      %dma_wait3A_64 = arith.constant 0 : i32
      %dma_wait3A_65 = tpu.memref_slice %arg7[%dma_wait3A_63, %dma_wait3A_64] : memref<4x125xi32, #tpu.memory_space<vmem>> -> memref<1x125xi32, #tpu.memory_space<vmem>>
      %dma_wait3A_66 = tpu.memref_squeeze %dma_wait3A_65 : memref<1x125xi32, #tpu.memory_space<vmem>> -> memref<125xi32, #tpu.memory_space<vmem>>
      %dma_wait3A_67 = arith.constant 0 : i32
      %dma_wait3A_68 = arith.constant 0 : i32
      %dma_wait3A_69 = tpu.memref_slice %arg4[%dma_wait3A_67, %dma_wait3A_68] : memref<10000x128xf32, #tpu.memory_space<hbm>> -> memref<10000x128xf32, #tpu.memory_space<hbm>>
      tpu.wait_indirect_dma semaphore(%arg16 : memref<!tpu.dma_semaphore, #tpu.memory_space<semaphore_mem>>) src(%dma_wait3A_69 : memref<10000x128xf32, #tpu.memory_space<hbm>>) dst(%arg10 : memref<125x128xf32, #tpu.memory_space<vmem>>)
      %dma_start3A_70 = arith.constant 0 : i32
      %dma_start3A_71 = tpu.memref_slice %arg8[%add3A_62, %dma_start3A_70] : memref<80x125xi32, #tpu.memory_space<vmem>> -> memref<1x125xi32, #tpu.memory_space<vmem>>
      %dma_start3A_72 = tpu.memref_squeeze %dma_start3A_71 : memref<1x125xi32, #tpu.memory_space<vmem>> -> memref<125xi32, #tpu.memory_space<vmem>>
      %dma_start3A_73 = arith.constant 0 : i32
      %dma_start3A_74 = arith.constant 0 : i32
      %dma_start3A_75 = tpu.memref_slice %arg19[%dma_start3A_73, %dma_start3A_74] : memref<10112x128xf32, #tpu.memory_space<vmem_shared>> -> memref<10112x128xf32, #tpu.memory_space<vmem_shared>>
      tpu.enqueue_indirect_dma source(%arg10 : memref<125x128xf32, #tpu.memory_space<vmem>>) target(%dma_start3A_75 : memref<10112x128xf32, #tpu.memory_space<vmem_shared>>) offsets(%dma_start3A_72 : memref<125xi32, #tpu.memory_space<vmem>>) semaphore(%arg18 : memref<!tpu.dma_semaphore, #tpu.memory_space<semaphore_mem>>) {add = true}
      %add3A_76 = arith.constant 3 : i32
      %add3A_77 = arith.addi %add3A_62, %add3A_76 : i32
      %lt3A_78 = arith.constant 80 : i32
      %lt3A_79 = arith.cmpi slt, %add3A_77, %lt3A_78 : i32
      %convert_element_type3A_80 = arith.extui %lt3A_79 : i1 to i32
      %cond3A_81 = arith.constant 0 : i32
      %cond3A_82 = arith.cmpi ne, %convert_element_type3A_80, %cond3A_81 : i32
      scf.if %cond3A_82 {
        %add3A_148 = arith.constant 3 : i32
        %add3A_149 = arith.addi %add3A_62, %add3A_148 : i32
        %dma_start3A_150 = arith.constant 0 : i32
        %dma_start3A_151 = arith.constant 0 : i32
        %dma_start3A_152 = tpu.memref_slice %arg7[%dma_start3A_150, %dma_start3A_151] : memref<4x125xi32, #tpu.memory_space<vmem>> -> memref<1x125xi32, #tpu.memory_space<vmem>>
        %dma_start3A_153 = tpu.memref_squeeze %dma_start3A_152 : memref<1x125xi32, #tpu.memory_space<vmem>> -> memref<125xi32, #tpu.memory_space<vmem>>
        %dma_start3A_154 = arith.constant 0 : i32
        %dma_start3A_155 = arith.constant 0 : i32
        %dma_start3A_156 = tpu.memref_slice %arg2[%add3A, %dma_start3A_154, %dma_start3A_155] : memref<32x80x125xi32, #tpu.memory_space<hbm>> -> memref<1x80x125xi32, #tpu.memory_space<hbm>>
        %dma_start3A_157 = tpu.memref_squeeze %dma_start3A_156 : memref<1x80x125xi32, #tpu.memory_space<hbm>> -> memref<80x125xi32, #tpu.memory_space<hbm>>
        %dma_start3A_158 = arith.constant 0 : i32
        %dma_start3A_159 = tpu.memref_slice %dma_start3A_157[%add3A_149, %dma_start3A_158] : memref<80x125xi32, #tpu.memory_space<hbm>> -> memref<1x125xi32, #tpu.memory_space<hbm>>
        %dma_start3A_160 = tpu.memref_squeeze %dma_start3A_159 : memref<1x125xi32, #tpu.memory_space<hbm>> -> memref<125xi32, #tpu.memory_space<hbm>>
        %dma_start3A_161 = arith.constant 0 : i32
        %dma_start3A_162 = tpu.memref_slice %arg7[%dma_start3A_150, %dma_start3A_161] : memref<4x125xi32, #tpu.memory_space<vmem>> -> memref<1x125xi32, #tpu.memory_space<vmem>>
        %dma_start3A_163 = tpu.memref_squeeze %dma_start3A_162 : memref<1x125xi32, #tpu.memory_space<vmem>> -> memref<125xi32, #tpu.memory_space<vmem>>
        %dma_start3A_164 = arith.constant 0 : i32
        %dma_start3A_165 = arith.constant 0 : i32
        %dma_start3A_166 = tpu.memref_slice %arg2[%add3A, %dma_start3A_164, %dma_start3A_165] : memref<32x80x125xi32, #tpu.memory_space<hbm>> -> memref<1x80x125xi32, #tpu.memory_space<hbm>>
        %dma_start3A_167 = tpu.memref_squeeze %dma_start3A_166 : memref<1x80x125xi32, #tpu.memory_space<hbm>> -> memref<80x125xi32, #tpu.memory_space<hbm>>
        %dma_start3A_168 = arith.constant 0 : i32
        %dma_start3A_169 = tpu.memref_slice %dma_start3A_167[%add3A_149, %dma_start3A_168] : memref<80x125xi32, #tpu.memory_space<hbm>> -> memref<1x125xi32, #tpu.memory_space<hbm>>
        %dma_start3A_170 = tpu.memref_squeeze %dma_start3A_169 : memref<1x125xi32, #tpu.memory_space<hbm>> -> memref<125xi32, #tpu.memory_space<hbm>>
        tpu.enqueue_dma source(%dma_start3A_170 : memref<125xi32, #tpu.memory_space<hbm>>) target(%dma_start3A_163 : memref<125xi32, #tpu.memory_space<vmem>>) target_semaphore(%arg11 : memref<!tpu.dma_semaphore, #tpu.memory_space<semaphore_mem>>)
      } else {
      }
      %add3A_83 = arith.constant 1 : i32
      %add3A_84 = arith.addi %add3A_62, %add3A_83 : i32
      %lt3A_85 = arith.constant 80 : i32
      %lt3A_86 = arith.cmpi slt, %add3A_84, %lt3A_85 : i32
      %convert_element_type3A_87 = arith.extui %lt3A_86 : i1 to i32
      %cond3A_88 = arith.constant 0 : i32
      %cond3A_89 = arith.cmpi ne, %convert_element_type3A_87, %cond3A_88 : i32
      scf.if %cond3A_89 {
        %ge3A = arith.constant 1 : i32
        %ge3A_148 = arith.cmpi sge, %add3A_62, %ge3A : i32
        %convert_element_type3A_149 = arith.extui %ge3A_148 : i1 to i32
        %cond3A_150 = arith.constant 0 : i32
        %cond3A_151 = arith.cmpi ne, %convert_element_type3A_149, %cond3A_150 : i32
        scf.if %cond3A_151 {
          %dma_wait3A_166 = arith.constant 0 : i32
          %dma_wait3A_167 = arith.constant 0 : i32
          %dma_wait3A_168 = tpu.memref_slice %arg8[%dma_wait3A_166, %dma_wait3A_167] : memref<80x125xi32, #tpu.memory_space<vmem>> -> memref<1x125xi32, #tpu.memory_space<vmem>>
          %dma_wait3A_169 = tpu.memref_squeeze %dma_wait3A_168 : memref<1x125xi32, #tpu.memory_space<vmem>> -> memref<125xi32, #tpu.memory_space<vmem>>
          %dma_wait3A_170 = arith.constant 0 : i32
          %dma_wait3A_171 = arith.constant 0 : i32
          %dma_wait3A_172 = tpu.memref_slice %arg19[%dma_wait3A_170, %dma_wait3A_171] : memref<10112x128xf32, #tpu.memory_space<vmem_shared>> -> memref<10112x128xf32, #tpu.memory_space<vmem_shared>>
          tpu.wait_indirect_dma semaphore(%arg17 : memref<!tpu.dma_semaphore, #tpu.memory_space<semaphore_mem>>) src(%arg9 : memref<125x128xf32, #tpu.memory_space<vmem>>) dst(%dma_wait3A_172 : memref<10112x128xf32, #tpu.memory_space<vmem_shared>>)
        } else {
        }
        %add3A_152 = arith.constant 1 : i32
        %add3A_153 = arith.addi %add3A_62, %add3A_152 : i32
        %ge3A_154 = arith.constant 3 : i32
        %ge3A_155 = arith.cmpi sge, %add3A_153, %ge3A_154 : i32
        %convert_element_type3A_156 = arith.extui %ge3A_155 : i1 to i32
        %cond3A_157 = arith.constant 0 : i32
        %cond3A_158 = arith.cmpi ne, %convert_element_type3A_156, %cond3A_157 : i32
        scf.if %cond3A_158 {
          %dma_wait3A_166 = arith.constant 0 : i32
          %dma_wait3A_167 = arith.constant 2 : i32
          %dma_wait3A_168 = arith.constant 0 : i32
          %dma_wait3A_169 = tpu.memref_slice %arg7[%dma_wait3A_167, %dma_wait3A_168] : memref<4x125xi32, #tpu.memory_space<vmem>> -> memref<1x125xi32, #tpu.memory_space<vmem>>
          %dma_wait3A_170 = tpu.memref_squeeze %dma_wait3A_169 : memref<1x125xi32, #tpu.memory_space<vmem>> -> memref<125xi32, #tpu.memory_space<vmem>>
          %dma_wait3A_171 = arith.constant 0 : i32
          %dma_wait3A_172 = arith.constant 0 : i32
          %dma_wait3A_173 = tpu.memref_slice %arg2[%add3A, %dma_wait3A_171, %dma_wait3A_172] : memref<32x80x125xi32, #tpu.memory_space<hbm>> -> memref<1x80x125xi32, #tpu.memory_space<hbm>>
          %dma_wait3A_174 = tpu.memref_squeeze %dma_wait3A_173 : memref<1x80x125xi32, #tpu.memory_space<hbm>> -> memref<80x125xi32, #tpu.memory_space<hbm>>
          %dma_wait3A_175 = arith.constant 0 : i32
          %dma_wait3A_176 = tpu.memref_slice %dma_wait3A_174[%dma_wait3A_166, %dma_wait3A_175] : memref<80x125xi32, #tpu.memory_space<hbm>> -> memref<1x125xi32, #tpu.memory_space<hbm>>
          %dma_wait3A_177 = tpu.memref_squeeze %dma_wait3A_176 : memref<1x125xi32, #tpu.memory_space<hbm>> -> memref<125xi32, #tpu.memory_space<hbm>>
          %dma_wait3A_178 = arith.constant 0 : i32
          %dma_wait3A_179 = tpu.memref_slice %arg7[%dma_wait3A_167, %dma_wait3A_178] : memref<4x125xi32, #tpu.memory_space<vmem>> -> memref<1x125xi32, #tpu.memory_space<vmem>>
          %dma_wait3A_180 = tpu.memref_squeeze %dma_wait3A_179 : memref<1x125xi32, #tpu.memory_space<vmem>> -> memref<125xi32, #tpu.memory_space<vmem>>
          %dma_wait3A_181 = arith.constant 0 : i32
          %dma_wait3A_182 = arith.constant 0 : i32
          %dma_wait3A_183 = tpu.memref_slice %arg2[%add3A, %dma_wait3A_181, %dma_wait3A_182] : memref<32x80x125xi32, #tpu.memory_space<hbm>> -> memref<1x80x125xi32, #tpu.memory_space<hbm>>
          %dma_wait3A_184 = tpu.memref_squeeze %dma_wait3A_183 : memref<1x80x125xi32, #tpu.memory_space<hbm>> -> memref<80x125xi32, #tpu.memory_space<hbm>>
          %dma_wait3A_185 = arith.constant 0 : i32
          %dma_wait3A_186 = tpu.memref_slice %dma_wait3A_184[%dma_wait3A_166, %dma_wait3A_185] : memref<80x125xi32, #tpu.memory_space<hbm>> -> memref<1x125xi32, #tpu.memory_space<hbm>>
          %dma_wait3A_187 = tpu.memref_squeeze %dma_wait3A_186 : memref<1x125xi32, #tpu.memory_space<hbm>> -> memref<125xi32, #tpu.memory_space<hbm>>
          tpu.wait_dma2 semaphore(%arg13 : memref<!tpu.dma_semaphore, #tpu.memory_space<semaphore_mem>>) src(%dma_wait3A_187 : memref<125xi32, #tpu.memory_space<hbm>>) dst(%dma_wait3A_180 : memref<125xi32, #tpu.memory_space<vmem>>)
        } else {
        }
        %dma_start3A_159 = arith.constant 2 : i32
        %dma_start3A_160 = arith.constant 0 : i32
        %dma_start3A_161 = tpu.memref_slice %arg7[%dma_start3A_159, %dma_start3A_160] : memref<4x125xi32, #tpu.memory_space<vmem>> -> memref<1x125xi32, #tpu.memory_space<vmem>>
        %dma_start3A_162 = tpu.memref_squeeze %dma_start3A_161 : memref<1x125xi32, #tpu.memory_space<vmem>> -> memref<125xi32, #tpu.memory_space<vmem>>
        %dma_start3A_163 = arith.constant 0 : i32
        %dma_start3A_164 = arith.constant 0 : i32
        %dma_start3A_165 = tpu.memref_slice %arg4[%dma_start3A_163, %dma_start3A_164] : memref<10000x128xf32, #tpu.memory_space<hbm>> -> memref<10000x128xf32, #tpu.memory_space<hbm>>
        tpu.enqueue_indirect_dma source(%dma_start3A_165 : memref<10000x128xf32, #tpu.memory_space<hbm>>) target(%arg9 : memref<125x128xf32, #tpu.memory_space<vmem>>) offsets(%dma_start3A_162 : memref<125xi32, #tpu.memory_space<vmem>>) semaphore(%arg15 : memref<!tpu.dma_semaphore, #tpu.memory_space<semaphore_mem>>)
      } else {
      }
      %add3A_90 = arith.constant 2 : i32
      %add3A_91 = arith.addi %mul3A_34, %add3A_90 : i32
      %dma_wait3A_92 = arith.constant 2 : i32
      %dma_wait3A_93 = arith.constant 0 : i32
      %dma_wait3A_94 = tpu.memref_slice %arg7[%dma_wait3A_92, %dma_wait3A_93] : memref<4x125xi32, #tpu.memory_space<vmem>> -> memref<1x125xi32, #tpu.memory_space<vmem>>
      %dma_wait3A_95 = tpu.memref_squeeze %dma_wait3A_94 : memref<1x125xi32, #tpu.memory_space<vmem>> -> memref<125xi32, #tpu.memory_space<vmem>>
      %dma_wait3A_96 = arith.constant 0 : i32
      %dma_wait3A_97 = arith.constant 0 : i32
      %dma_wait3A_98 = tpu.memref_slice %arg4[%dma_wait3A_96, %dma_wait3A_97] : memref<10000x128xf32, #tpu.memory_space<hbm>> -> memref<10000x128xf32, #tpu.memory_space<hbm>>
      tpu.wait_indirect_dma semaphore(%arg15 : memref<!tpu.dma_semaphore, #tpu.memory_space<semaphore_mem>>) src(%dma_wait3A_98 : memref<10000x128xf32, #tpu.memory_space<hbm>>) dst(%arg9 : memref<125x128xf32, #tpu.memory_space<vmem>>)
      %dma_start3A_99 = arith.constant 0 : i32
      %dma_start3A_100 = tpu.memref_slice %arg8[%add3A_91, %dma_start3A_99] : memref<80x125xi32, #tpu.memory_space<vmem>> -> memref<1x125xi32, #tpu.memory_space<vmem>>
      %dma_start3A_101 = tpu.memref_squeeze %dma_start3A_100 : memref<1x125xi32, #tpu.memory_space<vmem>> -> memref<125xi32, #tpu.memory_space<vmem>>
      %dma_start3A_102 = arith.constant 0 : i32
      %dma_start3A_103 = arith.constant 0 : i32
      %dma_start3A_104 = tpu.memref_slice %arg19[%dma_start3A_102, %dma_start3A_103] : memref<10112x128xf32, #tpu.memory_space<vmem_shared>> -> memref<10112x128xf32, #tpu.memory_space<vmem_shared>>
      tpu.enqueue_indirect_dma source(%arg9 : memref<125x128xf32, #tpu.memory_space<vmem>>) target(%dma_start3A_104 : memref<10112x128xf32, #tpu.memory_space<vmem_shared>>) offsets(%dma_start3A_101 : memref<125xi32, #tpu.memory_space<vmem>>) semaphore(%arg17 : memref<!tpu.dma_semaphore, #tpu.memory_space<semaphore_mem>>) {add = true}
      %add3A_105 = arith.constant 3 : i32
      %add3A_106 = arith.addi %add3A_91, %add3A_105 : i32
      %lt3A_107 = arith.constant 80 : i32
      %lt3A_108 = arith.cmpi slt, %add3A_106, %lt3A_107 : i32
      %convert_element_type3A_109 = arith.extui %lt3A_108 : i1 to i32
      %cond3A_110 = arith.constant 0 : i32
      %cond3A_111 = arith.cmpi ne, %convert_element_type3A_109, %cond3A_110 : i32
      scf.if %cond3A_111 {
        %add3A_148 = arith.constant 3 : i32
        %add3A_149 = arith.addi %add3A_91, %add3A_148 : i32
        %dma_start3A_150 = arith.constant 1 : i32
        %dma_start3A_151 = arith.constant 0 : i32
        %dma_start3A_152 = tpu.memref_slice %arg7[%dma_start3A_150, %dma_start3A_151] : memref<4x125xi32, #tpu.memory_space<vmem>> -> memref<1x125xi32, #tpu.memory_space<vmem>>
        %dma_start3A_153 = tpu.memref_squeeze %dma_start3A_152 : memref<1x125xi32, #tpu.memory_space<vmem>> -> memref<125xi32, #tpu.memory_space<vmem>>
        %dma_start3A_154 = arith.constant 0 : i32
        %dma_start3A_155 = arith.constant 0 : i32
        %dma_start3A_156 = tpu.memref_slice %arg2[%add3A, %dma_start3A_154, %dma_start3A_155] : memref<32x80x125xi32, #tpu.memory_space<hbm>> -> memref<1x80x125xi32, #tpu.memory_space<hbm>>
        %dma_start3A_157 = tpu.memref_squeeze %dma_start3A_156 : memref<1x80x125xi32, #tpu.memory_space<hbm>> -> memref<80x125xi32, #tpu.memory_space<hbm>>
        %dma_start3A_158 = arith.constant 0 : i32
        %dma_start3A_159 = tpu.memref_slice %dma_start3A_157[%add3A_149, %dma_start3A_158] : memref<80x125xi32, #tpu.memory_space<hbm>> -> memref<1x125xi32, #tpu.memory_space<hbm>>
        %dma_start3A_160 = tpu.memref_squeeze %dma_start3A_159 : memref<1x125xi32, #tpu.memory_space<hbm>> -> memref<125xi32, #tpu.memory_space<hbm>>
        %dma_start3A_161 = arith.constant 0 : i32
        %dma_start3A_162 = tpu.memref_slice %arg7[%dma_start3A_150, %dma_start3A_161] : memref<4x125xi32, #tpu.memory_space<vmem>> -> memref<1x125xi32, #tpu.memory_space<vmem>>
        %dma_start3A_163 = tpu.memref_squeeze %dma_start3A_162 : memref<1x125xi32, #tpu.memory_space<vmem>> -> memref<125xi32, #tpu.memory_space<vmem>>
        %dma_start3A_164 = arith.constant 0 : i32
        %dma_start3A_165 = arith.constant 0 : i32
        %dma_start3A_166 = tpu.memref_slice %arg2[%add3A, %dma_start3A_164, %dma_start3A_165] : memref<32x80x125xi32, #tpu.memory_space<hbm>> -> memref<1x80x125xi32, #tpu.memory_space<hbm>>
        %dma_start3A_167 = tpu.memref_squeeze %dma_start3A_166 : memref<1x80x125xi32, #tpu.memory_space<hbm>> -> memref<80x125xi32, #tpu.memory_space<hbm>>
        %dma_start3A_168 = arith.constant 0 : i32
        %dma_start3A_169 = tpu.memref_slice %dma_start3A_167[%add3A_149, %dma_start3A_168] : memref<80x125xi32, #tpu.memory_space<hbm>> -> memref<1x125xi32, #tpu.memory_space<hbm>>
        %dma_start3A_170 = tpu.memref_squeeze %dma_start3A_169 : memref<1x125xi32, #tpu.memory_space<hbm>> -> memref<125xi32, #tpu.memory_space<hbm>>
        tpu.enqueue_dma source(%dma_start3A_170 : memref<125xi32, #tpu.memory_space<hbm>>) target(%dma_start3A_163 : memref<125xi32, #tpu.memory_space<vmem>>) target_semaphore(%arg12 : memref<!tpu.dma_semaphore, #tpu.memory_space<semaphore_mem>>)
      } else {
      }
      %add3A_112 = arith.constant 1 : i32
      %add3A_113 = arith.addi %add3A_91, %add3A_112 : i32
      %lt3A_114 = arith.constant 80 : i32
      %lt3A_115 = arith.cmpi slt, %add3A_113, %lt3A_114 : i32
      %convert_element_type3A_116 = arith.extui %lt3A_115 : i1 to i32
      %cond3A_117 = arith.constant 0 : i32
      %cond3A_118 = arith.cmpi ne, %convert_element_type3A_116, %cond3A_117 : i32
      scf.if %cond3A_118 {
        %ge3A = arith.constant 1 : i32
        %ge3A_148 = arith.cmpi sge, %add3A_91, %ge3A : i32
        %convert_element_type3A_149 = arith.extui %ge3A_148 : i1 to i32
        %cond3A_150 = arith.constant 0 : i32
        %cond3A_151 = arith.cmpi ne, %convert_element_type3A_149, %cond3A_150 : i32
        scf.if %cond3A_151 {
          %dma_wait3A_166 = arith.constant 0 : i32
          %dma_wait3A_167 = arith.constant 0 : i32
          %dma_wait3A_168 = tpu.memref_slice %arg8[%dma_wait3A_166, %dma_wait3A_167] : memref<80x125xi32, #tpu.memory_space<vmem>> -> memref<1x125xi32, #tpu.memory_space<vmem>>
          %dma_wait3A_169 = tpu.memref_squeeze %dma_wait3A_168 : memref<1x125xi32, #tpu.memory_space<vmem>> -> memref<125xi32, #tpu.memory_space<vmem>>
          %dma_wait3A_170 = arith.constant 0 : i32
          %dma_wait3A_171 = arith.constant 0 : i32
          %dma_wait3A_172 = tpu.memref_slice %arg19[%dma_wait3A_170, %dma_wait3A_171] : memref<10112x128xf32, #tpu.memory_space<vmem_shared>> -> memref<10112x128xf32, #tpu.memory_space<vmem_shared>>
          tpu.wait_indirect_dma semaphore(%arg18 : memref<!tpu.dma_semaphore, #tpu.memory_space<semaphore_mem>>) src(%arg10 : memref<125x128xf32, #tpu.memory_space<vmem>>) dst(%dma_wait3A_172 : memref<10112x128xf32, #tpu.memory_space<vmem_shared>>)
        } else {
        }
        %add3A_152 = arith.constant 1 : i32
        %add3A_153 = arith.addi %add3A_91, %add3A_152 : i32
        %ge3A_154 = arith.constant 3 : i32
        %ge3A_155 = arith.cmpi sge, %add3A_153, %ge3A_154 : i32
        %convert_element_type3A_156 = arith.extui %ge3A_155 : i1 to i32
        %cond3A_157 = arith.constant 0 : i32
        %cond3A_158 = arith.cmpi ne, %convert_element_type3A_156, %cond3A_157 : i32
        scf.if %cond3A_158 {
          %dma_wait3A_166 = arith.constant 0 : i32
          %dma_wait3A_167 = arith.constant 3 : i32
          %dma_wait3A_168 = arith.constant 0 : i32
          %dma_wait3A_169 = tpu.memref_slice %arg7[%dma_wait3A_167, %dma_wait3A_168] : memref<4x125xi32, #tpu.memory_space<vmem>> -> memref<1x125xi32, #tpu.memory_space<vmem>>
          %dma_wait3A_170 = tpu.memref_squeeze %dma_wait3A_169 : memref<1x125xi32, #tpu.memory_space<vmem>> -> memref<125xi32, #tpu.memory_space<vmem>>
          %dma_wait3A_171 = arith.constant 0 : i32
          %dma_wait3A_172 = arith.constant 0 : i32
          %dma_wait3A_173 = tpu.memref_slice %arg2[%add3A, %dma_wait3A_171, %dma_wait3A_172] : memref<32x80x125xi32, #tpu.memory_space<hbm>> -> memref<1x80x125xi32, #tpu.memory_space<hbm>>
          %dma_wait3A_174 = tpu.memref_squeeze %dma_wait3A_173 : memref<1x80x125xi32, #tpu.memory_space<hbm>> -> memref<80x125xi32, #tpu.memory_space<hbm>>
          %dma_wait3A_175 = arith.constant 0 : i32
          %dma_wait3A_176 = tpu.memref_slice %dma_wait3A_174[%dma_wait3A_166, %dma_wait3A_175] : memref<80x125xi32, #tpu.memory_space<hbm>> -> memref<1x125xi32, #tpu.memory_space<hbm>>
          %dma_wait3A_177 = tpu.memref_squeeze %dma_wait3A_176 : memref<1x125xi32, #tpu.memory_space<hbm>> -> memref<125xi32, #tpu.memory_space<hbm>>
          %dma_wait3A_178 = arith.constant 0 : i32
          %dma_wait3A_179 = tpu.memref_slice %arg7[%dma_wait3A_167, %dma_wait3A_178] : memref<4x125xi32, #tpu.memory_space<vmem>> -> memref<1x125xi32, #tpu.memory_space<vmem>>
          %dma_wait3A_180 = tpu.memref_squeeze %dma_wait3A_179 : memref<1x125xi32, #tpu.memory_space<vmem>> -> memref<125xi32, #tpu.memory_space<vmem>>
          %dma_wait3A_181 = arith.constant 0 : i32
          %dma_wait3A_182 = arith.constant 0 : i32
          %dma_wait3A_183 = tpu.memref_slice %arg2[%add3A, %dma_wait3A_181, %dma_wait3A_182] : memref<32x80x125xi32, #tpu.memory_space<hbm>> -> memref<1x80x125xi32, #tpu.memory_space<hbm>>
          %dma_wait3A_184 = tpu.memref_squeeze %dma_wait3A_183 : memref<1x80x125xi32, #tpu.memory_space<hbm>> -> memref<80x125xi32, #tpu.memory_space<hbm>>
          %dma_wait3A_185 = arith.constant 0 : i32
          %dma_wait3A_186 = tpu.memref_slice %dma_wait3A_184[%dma_wait3A_166, %dma_wait3A_185] : memref<80x125xi32, #tpu.memory_space<hbm>> -> memref<1x125xi32, #tpu.memory_space<hbm>>
          %dma_wait3A_187 = tpu.memref_squeeze %dma_wait3A_186 : memref<1x125xi32, #tpu.memory_space<hbm>> -> memref<125xi32, #tpu.memory_space<hbm>>
          tpu.wait_dma2 semaphore(%arg14 : memref<!tpu.dma_semaphore, #tpu.memory_space<semaphore_mem>>) src(%dma_wait3A_187 : memref<125xi32, #tpu.memory_space<hbm>>) dst(%dma_wait3A_180 : memref<125xi32, #tpu.memory_space<vmem>>)
        } else {
        }
        %dma_start3A_159 = arith.constant 3 : i32
        %dma_start3A_160 = arith.constant 0 : i32
        %dma_start3A_161 = tpu.memref_slice %arg7[%dma_start3A_159, %dma_start3A_160] : memref<4x125xi32, #tpu.memory_space<vmem>> -> memref<1x125xi32, #tpu.memory_space<vmem>>
        %dma_start3A_162 = tpu.memref_squeeze %dma_start3A_161 : memref<1x125xi32, #tpu.memory_space<vmem>> -> memref<125xi32, #tpu.memory_space<vmem>>
        %dma_start3A_163 = arith.constant 0 : i32
        %dma_start3A_164 = arith.constant 0 : i32
        %dma_start3A_165 = tpu.memref_slice %arg4[%dma_start3A_163, %dma_start3A_164] : memref<10000x128xf32, #tpu.memory_space<hbm>> -> memref<10000x128xf32, #tpu.memory_space<hbm>>
        tpu.enqueue_indirect_dma source(%dma_start3A_165 : memref<10000x128xf32, #tpu.memory_space<hbm>>) target(%arg10 : memref<125x128xf32, #tpu.memory_space<vmem>>) offsets(%dma_start3A_162 : memref<125xi32, #tpu.memory_space<vmem>>) semaphore(%arg16 : memref<!tpu.dma_semaphore, #tpu.memory_space<semaphore_mem>>)
      } else {
      }
      %add3A_119 = arith.constant 3 : i32
      %add3A_120 = arith.addi %mul3A_34, %add3A_119 : i32
      %dma_wait3A_121 = arith.constant 3 : i32
      %dma_wait3A_122 = arith.constant 0 : i32
      %dma_wait3A_123 = tpu.memref_slice %arg7[%dma_wait3A_121, %dma_wait3A_122] : memref<4x125xi32, #tpu.memory_space<vmem>> -> memref<1x125xi32, #tpu.memory_space<vmem>>
      %dma_wait3A_124 = tpu.memref_squeeze %dma_wait3A_123 : memref<1x125xi32, #tpu.memory_space<vmem>> -> memref<125xi32, #tpu.memory_space<vmem>>
      %dma_wait3A_125 = arith.constant 0 : i32
      %dma_wait3A_126 = arith.constant 0 : i32
      %dma_wait3A_127 = tpu.memref_slice %arg4[%dma_wait3A_125, %dma_wait3A_126] : memref<10000x128xf32, #tpu.memory_space<hbm>> -> memref<10000x128xf32, #tpu.memory_space<hbm>>
      tpu.wait_indirect_dma semaphore(%arg16 : memref<!tpu.dma_semaphore, #tpu.memory_space<semaphore_mem>>) src(%dma_wait3A_127 : memref<10000x128xf32, #tpu.memory_space<hbm>>) dst(%arg10 : memref<125x128xf32, #tpu.memory_space<vmem>>)
      %dma_start3A_128 = arith.constant 0 : i32
      %dma_start3A_129 = tpu.memref_slice %arg8[%add3A_120, %dma_start3A_128] : memref<80x125xi32, #tpu.memory_space<vmem>> -> memref<1x125xi32, #tpu.memory_space<vmem>>
      %dma_start3A_130 = tpu.memref_squeeze %dma_start3A_129 : memref<1x125xi32, #tpu.memory_space<vmem>> -> memref<125xi32, #tpu.memory_space<vmem>>
      %dma_start3A_131 = arith.constant 0 : i32
      %dma_start3A_132 = arith.constant 0 : i32
      %dma_start3A_133 = tpu.memref_slice %arg19[%dma_start3A_131, %dma_start3A_132] : memref<10112x128xf32, #tpu.memory_space<vmem_shared>> -> memref<10112x128xf32, #tpu.memory_space<vmem_shared>>
      tpu.enqueue_indirect_dma source(%arg10 : memref<125x128xf32, #tpu.memory_space<vmem>>) target(%dma_start3A_133 : memref<10112x128xf32, #tpu.memory_space<vmem_shared>>) offsets(%dma_start3A_130 : memref<125xi32, #tpu.memory_space<vmem>>) semaphore(%arg18 : memref<!tpu.dma_semaphore, #tpu.memory_space<semaphore_mem>>) {add = true}
      %add3A_134 = arith.constant 3 : i32
      %add3A_135 = arith.addi %add3A_120, %add3A_134 : i32
      %lt3A_136 = arith.constant 80 : i32
      %lt3A_137 = arith.cmpi slt, %add3A_135, %lt3A_136 : i32
      %convert_element_type3A_138 = arith.extui %lt3A_137 : i1 to i32
      %cond3A_139 = arith.constant 0 : i32
      %cond3A_140 = arith.cmpi ne, %convert_element_type3A_138, %cond3A_139 : i32
      scf.if %cond3A_140 {
        %add3A_148 = arith.constant 3 : i32
        %add3A_149 = arith.addi %add3A_120, %add3A_148 : i32
        %dma_start3A_150 = arith.constant 2 : i32
        %dma_start3A_151 = arith.constant 0 : i32
        %dma_start3A_152 = tpu.memref_slice %arg7[%dma_start3A_150, %dma_start3A_151] : memref<4x125xi32, #tpu.memory_space<vmem>> -> memref<1x125xi32, #tpu.memory_space<vmem>>
        %dma_start3A_153 = tpu.memref_squeeze %dma_start3A_152 : memref<1x125xi32, #tpu.memory_space<vmem>> -> memref<125xi32, #tpu.memory_space<vmem>>
        %dma_start3A_154 = arith.constant 0 : i32
        %dma_start3A_155 = arith.constant 0 : i32
        %dma_start3A_156 = tpu.memref_slice %arg2[%add3A, %dma_start3A_154, %dma_start3A_155] : memref<32x80x125xi32, #tpu.memory_space<hbm>> -> memref<1x80x125xi32, #tpu.memory_space<hbm>>
        %dma_start3A_157 = tpu.memref_squeeze %dma_start3A_156 : memref<1x80x125xi32, #tpu.memory_space<hbm>> -> memref<80x125xi32, #tpu.memory_space<hbm>>
        %dma_start3A_158 = arith.constant 0 : i32
        %dma_start3A_159 = tpu.memref_slice %dma_start3A_157[%add3A_149, %dma_start3A_158] : memref<80x125xi32, #tpu.memory_space<hbm>> -> memref<1x125xi32, #tpu.memory_space<hbm>>
        %dma_start3A_160 = tpu.memref_squeeze %dma_start3A_159 : memref<1x125xi32, #tpu.memory_space<hbm>> -> memref<125xi32, #tpu.memory_space<hbm>>
        %dma_start3A_161 = arith.constant 0 : i32
        %dma_start3A_162 = tpu.memref_slice %arg7[%dma_start3A_150, %dma_start3A_161] : memref<4x125xi32, #tpu.memory_space<vmem>> -> memref<1x125xi32, #tpu.memory_space<vmem>>
        %dma_start3A_163 = tpu.memref_squeeze %dma_start3A_162 : memref<1x125xi32, #tpu.memory_space<vmem>> -> memref<125xi32, #tpu.memory_space<vmem>>
        %dma_start3A_164 = arith.constant 0 : i32
        %dma_start3A_165 = arith.constant 0 : i32
        %dma_start3A_166 = tpu.memref_slice %arg2[%add3A, %dma_start3A_164, %dma_start3A_165] : memref<32x80x125xi32, #tpu.memory_space<hbm>> -> memref<1x80x125xi32, #tpu.memory_space<hbm>>
        %dma_start3A_167 = tpu.memref_squeeze %dma_start3A_166 : memref<1x80x125xi32, #tpu.memory_space<hbm>> -> memref<80x125xi32, #tpu.memory_space<hbm>>
        %dma_start3A_168 = arith.constant 0 : i32
        %dma_start3A_169 = tpu.memref_slice %dma_start3A_167[%add3A_149, %dma_start3A_168] : memref<80x125xi32, #tpu.memory_space<hbm>> -> memref<1x125xi32, #tpu.memory_space<hbm>>
        %dma_start3A_170 = tpu.memref_squeeze %dma_start3A_169 : memref<1x125xi32, #tpu.memory_space<hbm>> -> memref<125xi32, #tpu.memory_space<hbm>>
        tpu.enqueue_dma source(%dma_start3A_170 : memref<125xi32, #tpu.memory_space<hbm>>) target(%dma_start3A_163 : memref<125xi32, #tpu.memory_space<vmem>>) target_semaphore(%arg13 : memref<!tpu.dma_semaphore, #tpu.memory_space<semaphore_mem>>)
      } else {
      }
      %add3A_141 = arith.constant 1 : i32
      %add3A_142 = arith.addi %add3A_120, %add3A_141 : i32
      %lt3A_143 = arith.constant 80 : i32
      %lt3A_144 = arith.cmpi slt, %add3A_142, %lt3A_143 : i32
      %convert_element_type3A_145 = arith.extui %lt3A_144 : i1 to i32
      %cond3A_146 = arith.constant 0 : i32
      %cond3A_147 = arith.cmpi ne, %convert_element_type3A_145, %cond3A_146 : i32
      scf.if %cond3A_147 {
        %ge3A = arith.constant 1 : i32
        %ge3A_148 = arith.cmpi sge, %add3A_120, %ge3A : i32
        %convert_element_type3A_149 = arith.extui %ge3A_148 : i1 to i32
        %cond3A_150 = arith.constant 0 : i32
        %cond3A_151 = arith.cmpi ne, %convert_element_type3A_149, %cond3A_150 : i32
        scf.if %cond3A_151 {
          %dma_wait3A_166 = arith.constant 0 : i32
          %dma_wait3A_167 = arith.constant 0 : i32
          %dma_wait3A_168 = tpu.memref_slice %arg8[%dma_wait3A_166, %dma_wait3A_167] : memref<80x125xi32, #tpu.memory_space<vmem>> -> memref<1x125xi32, #tpu.memory_space<vmem>>
          %dma_wait3A_169 = tpu.memref_squeeze %dma_wait3A_168 : memref<1x125xi32, #tpu.memory_space<vmem>> -> memref<125xi32, #tpu.memory_space<vmem>>
          %dma_wait3A_170 = arith.constant 0 : i32
          %dma_wait3A_171 = arith.constant 0 : i32
          %dma_wait3A_172 = tpu.memref_slice %arg19[%dma_wait3A_170, %dma_wait3A_171] : memref<10112x128xf32, #tpu.memory_space<vmem_shared>> -> memref<10112x128xf32, #tpu.memory_space<vmem_shared>>
          tpu.wait_indirect_dma semaphore(%arg17 : memref<!tpu.dma_semaphore, #tpu.memory_space<semaphore_mem>>) src(%arg9 : memref<125x128xf32, #tpu.memory_space<vmem>>) dst(%dma_wait3A_172 : memref<10112x128xf32, #tpu.memory_space<vmem_shared>>)
        } else {
        }
        %add3A_152 = arith.constant 1 : i32
        %add3A_153 = arith.addi %add3A_120, %add3A_152 : i32
        %ge3A_154 = arith.constant 3 : i32
        %ge3A_155 = arith.cmpi sge, %add3A_153, %ge3A_154 : i32
        %convert_element_type3A_156 = arith.extui %ge3A_155 : i1 to i32
        %cond3A_157 = arith.constant 0 : i32
        %cond3A_158 = arith.cmpi ne, %convert_element_type3A_156, %cond3A_157 : i32
        scf.if %cond3A_158 {
          %dma_wait3A_166 = arith.constant 0 : i32
          %dma_wait3A_167 = arith.constant 0 : i32
          %dma_wait3A_168 = arith.constant 0 : i32
          %dma_wait3A_169 = tpu.memref_slice %arg7[%dma_wait3A_167, %dma_wait3A_168] : memref<4x125xi32, #tpu.memory_space<vmem>> -> memref<1x125xi32, #tpu.memory_space<vmem>>
          %dma_wait3A_170 = tpu.memref_squeeze %dma_wait3A_169 : memref<1x125xi32, #tpu.memory_space<vmem>> -> memref<125xi32, #tpu.memory_space<vmem>>
          %dma_wait3A_171 = arith.constant 0 : i32
          %dma_wait3A_172 = arith.constant 0 : i32
          %dma_wait3A_173 = tpu.memref_slice %arg2[%add3A, %dma_wait3A_171, %dma_wait3A_172] : memref<32x80x125xi32, #tpu.memory_space<hbm>> -> memref<1x80x125xi32, #tpu.memory_space<hbm>>
          %dma_wait3A_174 = tpu.memref_squeeze %dma_wait3A_173 : memref<1x80x125xi32, #tpu.memory_space<hbm>> -> memref<80x125xi32, #tpu.memory_space<hbm>>
          %dma_wait3A_175 = arith.constant 0 : i32
          %dma_wait3A_176 = tpu.memref_slice %dma_wait3A_174[%dma_wait3A_166, %dma_wait3A_175] : memref<80x125xi32, #tpu.memory_space<hbm>> -> memref<1x125xi32, #tpu.memory_space<hbm>>
          %dma_wait3A_177 = tpu.memref_squeeze %dma_wait3A_176 : memref<1x125xi32, #tpu.memory_space<hbm>> -> memref<125xi32, #tpu.memory_space<hbm>>
          %dma_wait3A_178 = arith.constant 0 : i32
          %dma_wait3A_179 = tpu.memref_slice %arg7[%dma_wait3A_167, %dma_wait3A_178] : memref<4x125xi32, #tpu.memory_space<vmem>> -> memref<1x125xi32, #tpu.memory_space<vmem>>
          %dma_wait3A_180 = tpu.memref_squeeze %dma_wait3A_179 : memref<1x125xi32, #tpu.memory_space<vmem>> -> memref<125xi32, #tpu.memory_space<vmem>>
          %dma_wait3A_181 = arith.constant 0 : i32
          %dma_wait3A_182 = arith.constant 0 : i32
          %dma_wait3A_183 = tpu.memref_slice %arg2[%add3A, %dma_wait3A_181, %dma_wait3A_182] : memref<32x80x125xi32, #tpu.memory_space<hbm>> -> memref<1x80x125xi32, #tpu.memory_space<hbm>>
          %dma_wait3A_184 = tpu.memref_squeeze %dma_wait3A_183 : memref<1x80x125xi32, #tpu.memory_space<hbm>> -> memref<80x125xi32, #tpu.memory_space<hbm>>
          %dma_wait3A_185 = arith.constant 0 : i32
          %dma_wait3A_186 = tpu.memref_slice %dma_wait3A_184[%dma_wait3A_166, %dma_wait3A_185] : memref<80x125xi32, #tpu.memory_space<hbm>> -> memref<1x125xi32, #tpu.memory_space<hbm>>
          %dma_wait3A_187 = tpu.memref_squeeze %dma_wait3A_186 : memref<1x125xi32, #tpu.memory_space<hbm>> -> memref<125xi32, #tpu.memory_space<hbm>>
          tpu.wait_dma2 semaphore(%arg11 : memref<!tpu.dma_semaphore, #tpu.memory_space<semaphore_mem>>) src(%dma_wait3A_187 : memref<125xi32, #tpu.memory_space<hbm>>) dst(%dma_wait3A_180 : memref<125xi32, #tpu.memory_space<vmem>>)
        } else {
        }
        %dma_start3A_159 = arith.constant 0 : i32
        %dma_start3A_160 = arith.constant 0 : i32
        %dma_start3A_161 = tpu.memref_slice %arg7[%dma_start3A_159, %dma_start3A_160] : memref<4x125xi32, #tpu.memory_space<vmem>> -> memref<1x125xi32, #tpu.memory_space<vmem>>
        %dma_start3A_162 = tpu.memref_squeeze %dma_start3A_161 : memref<1x125xi32, #tpu.memory_space<vmem>> -> memref<125xi32, #tpu.memory_space<vmem>>
        %dma_start3A_163 = arith.constant 0 : i32
        %dma_start3A_164 = arith.constant 0 : i32
        %dma_start3A_165 = tpu.memref_slice %arg4[%dma_start3A_163, %dma_start3A_164] : memref<10000x128xf32, #tpu.memory_space<hbm>> -> memref<10000x128xf32, #tpu.memory_space<hbm>>
        tpu.enqueue_indirect_dma source(%dma_start3A_165 : memref<10000x128xf32, #tpu.memory_space<hbm>>) target(%arg9 : memref<125x128xf32, #tpu.memory_space<vmem>>) offsets(%dma_start3A_162 : memref<125xi32, #tpu.memory_space<vmem>>) semaphore(%arg15 : memref<!tpu.dma_semaphore, #tpu.memory_space<semaphore_mem>>)
      } else {
      }
    }
    %scan3A_13 = arith.constant 20 : i32
    %dma_wait3A = arith.constant 0 : i32
    %dma_wait3A_14 = arith.constant 0 : i32
    %dma_wait3A_15 = tpu.memref_slice %arg8[%dma_wait3A, %dma_wait3A_14] : memref<80x125xi32, #tpu.memory_space<vmem>> -> memref<1x125xi32, #tpu.memory_space<vmem>>
    %dma_wait3A_16 = tpu.memref_squeeze %dma_wait3A_15 : memref<1x125xi32, #tpu.memory_space<vmem>> -> memref<125xi32, #tpu.memory_space<vmem>>
    %dma_wait3A_17 = arith.constant 0 : i32
    %dma_wait3A_18 = arith.constant 0 : i32
    %dma_wait3A_19 = tpu.memref_slice %arg19[%dma_wait3A_17, %dma_wait3A_18] : memref<10112x128xf32, #tpu.memory_space<vmem_shared>> -> memref<10112x128xf32, #tpu.memory_space<vmem_shared>>
    tpu.wait_indirect_dma semaphore(%arg17 : memref<!tpu.dma_semaphore, #tpu.memory_space<semaphore_mem>>) src(%arg9 : memref<125x128xf32, #tpu.memory_space<vmem>>) dst(%dma_wait3A_19 : memref<10112x128xf32, #tpu.memory_space<vmem_shared>>)
    %dma_wait3A_20 = arith.constant 0 : i32
    %dma_wait3A_21 = arith.constant 0 : i32
    %dma_wait3A_22 = tpu.memref_slice %arg8[%dma_wait3A_20, %dma_wait3A_21] : memref<80x125xi32, #tpu.memory_space<vmem>> -> memref<1x125xi32, #tpu.memory_space<vmem>>
    %dma_wait3A_23 = tpu.memref_squeeze %dma_wait3A_22 : memref<1x125xi32, #tpu.memory_space<vmem>> -> memref<125xi32, #tpu.memory_space<vmem>>
    %dma_wait3A_24 = arith.constant 0 : i32
    %dma_wait3A_25 = arith.constant 0 : i32
    %dma_wait3A_26 = tpu.memref_slice %arg19[%dma_wait3A_24, %dma_wait3A_25] : memref<10112x128xf32, #tpu.memory_space<vmem_shared>> -> memref<10112x128xf32, #tpu.memory_space<vmem_shared>>
    tpu.wait_indirect_dma semaphore(%arg18 : memref<!tpu.dma_semaphore, #tpu.memory_space<semaphore_mem>>) src(%arg10 : memref<125x128xf32, #tpu.memory_space<vmem>>) dst(%dma_wait3A_26 : memref<10112x128xf32, #tpu.memory_space<vmem_shared>>)
    %barrier3A_27 = arith.constant 0 : index
    tpu.barrier barrier_id(%barrier3A_27)
    %mul3A_28 = arith.constant 632 : i32
    %mul3A_29 = arith.muli %arg1, %mul3A_28 : i32
    %mul3A_30 = arith.constant 632 : i32
    %mul3A_31 = arith.muli %arg1, %mul3A_30 : i32
    "tpu.region"() ({
      %run_scoped3A = tpu.sem_alloc : memref<!tpu.dma_semaphore, #tpu.memory_space<semaphore_mem>>
      %dma_start3A_32 = arith.constant 0 : i32
      %dma_start3A_33 = arith.constant 0 : i32
      %dma_start3A_34 = tpu.memref_slice %arg6[%arg0, %dma_start3A_32, %dma_start3A_33] : memref<2x10112x128xf32, #tpu.memory_space<hbm>> -> memref<1x10112x128xf32, #tpu.memory_space<hbm>>
      %dma_start3A_35 = tpu.memref_squeeze %dma_start3A_34 : memref<1x10112x128xf32, #tpu.memory_space<hbm>> -> memref<10112x128xf32, #tpu.memory_space<hbm>>
      %dma_start3A_36 = arith.constant 0 : i32
      %dma_start3A_37 = tpu.memref_slice %dma_start3A_35[%mul3A_31, %dma_start3A_36] : memref<10112x128xf32, #tpu.memory_space<hbm>> -> memref<632x128xf32, #tpu.memory_space<hbm>>
      %dma_start3A_38 = arith.constant 0 : i32
      %dma_start3A_39 = tpu.memref_slice %arg19[%mul3A_29, %dma_start3A_38] : memref<10112x128xf32, #tpu.memory_space<vmem_shared>> -> memref<632x128xf32, #tpu.memory_space<vmem_shared>>
      tpu.enqueue_dma source(%dma_start3A_39 : memref<632x128xf32, #tpu.memory_space<vmem_shared>>) target(%dma_start3A_37 : memref<632x128xf32, #tpu.memory_space<hbm>>) target_semaphore(%run_scoped3A : memref<!tpu.dma_semaphore, #tpu.memory_space<semaphore_mem>>)
      %dma_wait3A_40 = arith.constant 0 : i32
      %dma_wait3A_41 = arith.constant 0 : i32
      %dma_wait3A_42 = tpu.memref_slice %arg6[%arg0, %dma_wait3A_40, %dma_wait3A_41] : memref<2x10112x128xf32, #tpu.memory_space<hbm>> -> memref<1x10112x128xf32, #tpu.memory_space<hbm>>
      %dma_wait3A_43 = tpu.memref_squeeze %dma_wait3A_42 : memref<1x10112x128xf32, #tpu.memory_space<hbm>> -> memref<10112x128xf32, #tpu.memory_space<hbm>>
      %dma_wait3A_44 = arith.constant 0 : i32
      %dma_wait3A_45 = tpu.memref_slice %dma_wait3A_43[%mul3A_31, %dma_wait3A_44] : memref<10112x128xf32, #tpu.memory_space<hbm>> -> memref<632x128xf32, #tpu.memory_space<hbm>>
      %dma_wait3A_46 = arith.constant 0 : i32
      %dma_wait3A_47 = tpu.memref_slice %arg19[%mul3A_29, %dma_wait3A_46] : memref<10112x128xf32, #tpu.memory_space<vmem_shared>> -> memref<632x128xf32, #tpu.memory_space<vmem_shared>>
      tpu.wait_dma2 semaphore(%run_scoped3A : memref<!tpu.dma_semaphore, #tpu.memory_space<semaphore_mem>>) src(%dma_wait3A_47 : memref<632x128xf32, #tpu.memory_space<vmem_shared>>) dst(%dma_wait3A_45 : memref<632x128xf32, #tpu.memory_space<hbm>>)
      tpu.yield
    }) : () -> ()
    return
  }
}

#map = affine_map<(d0, d1) -> (0, 0, 0)>
#map1 = affine_map<(d0, d1) -> (0, 0)>
module attributes {stable_mosaic.version = 14 : i64} {
  func.func @_sc_spmm_body(%arg0: i32, %arg1: i32, %arg2: memref<32x80x125xi32, #tpu.memory_space<hbm>>, %arg3: memref<32x80x125xi32, #tpu.memory_space<hbm>>, %arg4: memref<10000x128xf32, #tpu.memory_space<hbm>>, %arg5: memref<632x128xf32, #tpu.memory_space<hbm>>, %arg6: memref<2x10112x128xf32, #tpu.memory_space<hbm>>, %arg7: memref<4x125xi32, #tpu.memory_space<vmem>>, %arg8: memref<80x125xi32, #tpu.memory_space<vmem>>, %arg9: memref<125x128xf32, #tpu.memory_space<vmem>>, %arg10: memref<125x128xf32, #tpu.memory_space<vmem>>, %arg11: memref<!tpu.dma_semaphore, #tpu.memory_space<semaphore_mem>>, %arg12: memref<!tpu.dma_semaphore, #tpu.memory_space<semaphore_mem>>, %arg13: memref<!tpu.dma_semaphore, #tpu.memory_space<semaphore_mem>>, %arg14: memref<!tpu.dma_semaphore, #tpu.memory_space<semaphore_mem>>, %arg15: memref<!tpu.dma_semaphore, #tpu.memory_space<semaphore_mem>>, %arg16: memref<!tpu.dma_semaphore, #tpu.memory_space<semaphore_mem>>, %arg17: memref<!tpu.dma_semaphore, #tpu.memory_space<semaphore_mem>>, %arg18: memref<!tpu.dma_semaphore, #tpu.memory_space<semaphore_mem>>, %arg19: memref<10112x128xf32, #tpu.memory_space<vmem_shared>>) attributes {dimension_semantics = [#tpu.dimension_semantics<core_parallel>, #tpu.dimension_semantics<subcore_parallel>], iteration_bounds = array<i64: 2, 16>, scalar_prefetch = 0 : i64, scratch_operands = 13 : i64, tpu.core_type = #tpu.core_type<sc_vector_subcore>, window_params = [{transform_indices = #map}, {transform_indices = #map}, {transform_indices = #map1}, {transform_indices = #map1}, {transform_indices = #map}]} {
    %mul3A = arith.constant 2 : i32
    %mul3A_0 = arith.muli %arg1, %mul3A : i32
    %add3A = arith.addi %mul3A_0, %arg0 : i32
    %mul3A_1 = arith.constant 632 : i32
    %mul3A_2 = arith.muli %arg1, %mul3A_1 : i32
    "tpu.region"() ({
      %run_scoped3A = tpu.sem_alloc : memref<!tpu.dma_semaphore, #tpu.memory_space<semaphore_mem>>
      %dma_start3A_32 = arith.constant 0 : i32
      %dma_start3A_33 = tpu.memref_slice %arg19[%mul3A_2, %dma_start3A_32] : memref<10112x128xf32, #tpu.memory_space<vmem_shared>> -> memref<632x128xf32, #tpu.memory_space<vmem_shared>>
      tpu.enqueue_dma source(%arg5 : memref<632x128xf32, #tpu.memory_space<hbm>>) target(%dma_start3A_33 : memref<632x128xf32, #tpu.memory_space<vmem_shared>>) target_semaphore(%run_scoped3A : memref<!tpu.dma_semaphore, #tpu.memory_space<semaphore_mem>>)
      %dma_wait3A_34 = arith.constant 0 : i32
      %dma_wait3A_35 = tpu.memref_slice %arg19[%mul3A_2, %dma_wait3A_34] : memref<10112x128xf32, #tpu.memory_space<vmem_shared>> -> memref<632x128xf32, #tpu.memory_space<vmem_shared>>
      tpu.wait_dma2 semaphore(%run_scoped3A : memref<!tpu.dma_semaphore, #tpu.memory_space<semaphore_mem>>) src(%arg5 : memref<632x128xf32, #tpu.memory_space<hbm>>) dst(%dma_wait3A_35 : memref<632x128xf32, #tpu.memory_space<vmem_shared>>)
      tpu.yield
    }) : () -> ()
    "tpu.region"() ({
      %run_scoped3A = tpu.sem_alloc : memref<!tpu.dma_semaphore, #tpu.memory_space<semaphore_mem>>
      %dma_start3A_32 = arith.constant 0 : i32
      %dma_start3A_33 = arith.constant 0 : i32
      %dma_start3A_34 = tpu.memref_slice %arg3[%add3A, %dma_start3A_32, %dma_start3A_33] : memref<32x80x125xi32, #tpu.memory_space<hbm>> -> memref<1x80x125xi32, #tpu.memory_space<hbm>>
      %dma_start3A_35 = tpu.memref_squeeze %dma_start3A_34 : memref<1x80x125xi32, #tpu.memory_space<hbm>> -> memref<80x125xi32, #tpu.memory_space<hbm>>
      %dma_start3A_36 = arith.constant 0 : i32
      %dma_start3A_37 = arith.constant 0 : i32
      %dma_start3A_38 = tpu.memref_slice %arg3[%add3A, %dma_start3A_36, %dma_start3A_37] : memref<32x80x125xi32, #tpu.memory_space<hbm>> -> memref<1x80x125xi32, #tpu.memory_space<hbm>>
      %dma_start3A_39 = tpu.memref_squeeze %dma_start3A_38 : memref<1x80x125xi32, #tpu.memory_space<hbm>> -> memref<80x125xi32, #tpu.memory_space<hbm>>
      tpu.enqueue_dma source(%dma_start3A_39 : memref<80x125xi32, #tpu.memory_space<hbm>>) target(%arg8 : memref<80x125xi32, #tpu.memory_space<vmem>>) target_semaphore(%run_scoped3A : memref<!tpu.dma_semaphore, #tpu.memory_space<semaphore_mem>>)
      %dma_wait3A_40 = arith.constant 0 : i32
      %dma_wait3A_41 = arith.constant 0 : i32
      %dma_wait3A_42 = tpu.memref_slice %arg3[%add3A, %dma_wait3A_40, %dma_wait3A_41] : memref<32x80x125xi32, #tpu.memory_space<hbm>> -> memref<1x80x125xi32, #tpu.memory_space<hbm>>
      %dma_wait3A_43 = tpu.memref_squeeze %dma_wait3A_42 : memref<1x80x125xi32, #tpu.memory_space<hbm>> -> memref<80x125xi32, #tpu.memory_space<hbm>>
      %dma_wait3A_44 = arith.constant 0 : i32
      %dma_wait3A_45 = arith.constant 0 : i32
      %dma_wait3A_46 = tpu.memref_slice %arg3[%add3A, %dma_wait3A_44, %dma_wait3A_45] : memref<32x80x125xi32, #tpu.memory_space<hbm>> -> memref<1x80x125xi32, #tpu.memory_space<hbm>>
      %dma_wait3A_47 = tpu.memref_squeeze %dma_wait3A_46 : memref<1x80x125xi32, #tpu.memory_space<hbm>> -> memref<80x125xi32, #tpu.memory_space<hbm>>
      tpu.wait_dma2 semaphore(%run_scoped3A : memref<!tpu.dma_semaphore, #tpu.memory_space<semaphore_mem>>) src(%dma_wait3A_47 : memref<80x125xi32, #tpu.memory_space<hbm>>) dst(%arg8 : memref<80x125xi32, #tpu.memory_space<vmem>>)
      tpu.yield
    }) : () -> ()
    "tpu.region"() ({
      %run_scoped3A = tpu.sem_alloc : memref<!tpu.dma_semaphore, #tpu.memory_space<semaphore_mem>>
      %dma_start3A_32 = arith.constant 0 : i32
      %dma_start3A_33 = arith.constant 0 : i32
      %dma_start3A_34 = tpu.memref_slice %arg7[%dma_start3A_32, %dma_start3A_33] : memref<4x125xi32, #tpu.memory_space<vmem>> -> memref<3x125xi32, #tpu.memory_space<vmem>>
      %dma_start3A_35 = arith.constant 0 : i32
      %dma_start3A_36 = arith.constant 0 : i32
      %dma_start3A_37 = tpu.memref_slice %arg2[%add3A, %dma_start3A_35, %dma_start3A_36] : memref<32x80x125xi32, #tpu.memory_space<hbm>> -> memref<1x3x125xi32, #tpu.memory_space<hbm>>
      %dma_start3A_38 = tpu.memref_squeeze %dma_start3A_37 : memref<1x3x125xi32, #tpu.memory_space<hbm>> -> memref<3x125xi32, #tpu.memory_space<hbm>>
      %dma_start3A_39 = arith.constant 0 : i32
      %dma_start3A_40 = arith.constant 0 : i32
      %dma_start3A_41 = tpu.memref_slice %arg7[%dma_start3A_39, %dma_start3A_40] : memref<4x125xi32, #tpu.memory_space<vmem>> -> memref<3x125xi32, #tpu.memory_space<vmem>>
      %dma_start3A_42 = arith.constant 0 : i32
      %dma_start3A_43 = arith.constant 0 : i32
      %dma_start3A_44 = tpu.memref_slice %arg2[%add3A, %dma_start3A_42, %dma_start3A_43] : memref<32x80x125xi32, #tpu.memory_space<hbm>> -> memref<1x3x125xi32, #tpu.memory_space<hbm>>
      %dma_start3A_45 = tpu.memref_squeeze %dma_start3A_44 : memref<1x3x125xi32, #tpu.memory_space<hbm>> -> memref<3x125xi32, #tpu.memory_space<hbm>>
      tpu.enqueue_dma source(%dma_start3A_45 : memref<3x125xi32, #tpu.memory_space<hbm>>) target(%dma_start3A_41 : memref<3x125xi32, #tpu.memory_space<vmem>>) target_semaphore(%run_scoped3A : memref<!tpu.dma_semaphore, #tpu.memory_space<semaphore_mem>>)
      %dma_wait3A_46 = arith.constant 0 : i32
      %dma_wait3A_47 = arith.constant 0 : i32
      %dma_wait3A_48 = tpu.memref_slice %arg7[%dma_wait3A_46, %dma_wait3A_47] : memref<4x125xi32, #tpu.memory_space<vmem>> -> memref<3x125xi32, #tpu.memory_space<vmem>>
      %dma_wait3A_49 = arith.constant 0 : i32
      %dma_wait3A_50 = arith.constant 0 : i32
      %dma_wait3A_51 = tpu.memref_slice %arg2[%add3A, %dma_wait3A_49, %dma_wait3A_50] : memref<32x80x125xi32, #tpu.memory_space<hbm>> -> memref<1x3x125xi32, #tpu.memory_space<hbm>>
      %dma_wait3A_52 = tpu.memref_squeeze %dma_wait3A_51 : memref<1x3x125xi32, #tpu.memory_space<hbm>> -> memref<3x125xi32, #tpu.memory_space<hbm>>
      %dma_wait3A_53 = arith.constant 0 : i32
      %dma_wait3A_54 = arith.constant 0 : i32
      %dma_wait3A_55 = tpu.memref_slice %arg7[%dma_wait3A_53, %dma_wait3A_54] : memref<4x125xi32, #tpu.memory_space<vmem>> -> memref<3x125xi32, #tpu.memory_space<vmem>>
      %dma_wait3A_56 = arith.constant 0 : i32
      %dma_wait3A_57 = arith.constant 0 : i32
      %dma_wait3A_58 = tpu.memref_slice %arg2[%add3A, %dma_wait3A_56, %dma_wait3A_57] : memref<32x80x125xi32, #tpu.memory_space<hbm>> -> memref<1x3x125xi32, #tpu.memory_space<hbm>>
      %dma_wait3A_59 = tpu.memref_squeeze %dma_wait3A_58 : memref<1x3x125xi32, #tpu.memory_space<hbm>> -> memref<3x125xi32, #tpu.memory_space<hbm>>
      tpu.wait_dma2 semaphore(%run_scoped3A : memref<!tpu.dma_semaphore, #tpu.memory_space<semaphore_mem>>) src(%dma_wait3A_59 : memref<3x125xi32, #tpu.memory_space<hbm>>) dst(%dma_wait3A_55 : memref<3x125xi32, #tpu.memory_space<vmem>>)
      tpu.yield
    }) : () -> ()
    %barrier3A = arith.constant 0 : index
    tpu.barrier barrier_id(%barrier3A)
    %dma_start3A = arith.constant 0 : i32
    %dma_start3A_3 = arith.constant 0 : i32
    %dma_start3A_4 = tpu.memref_slice %arg7[%dma_start3A, %dma_start3A_3] : memref<4x125xi32, #tpu.memory_space<vmem>> -> memref<1x125xi32, #tpu.memory_space<vmem>>
    %dma_start3A_5 = tpu.memref_squeeze %dma_start3A_4 : memref<1x125xi32, #tpu.memory_space<vmem>> -> memref<125xi32, #tpu.memory_space<vmem>>
    %dma_start3A_6 = arith.constant 0 : i32
    %dma_start3A_7 = arith.constant 0 : i32
    %dma_start3A_8 = tpu.memref_slice %arg4[%dma_start3A_6, %dma_start3A_7] : memref<10000x128xf32, #tpu.memory_space<hbm>> -> memref<10000x128xf32, #tpu.memory_space<hbm>>
    tpu.enqueue_indirect_dma source(%dma_start3A_8 : memref<10000x128xf32, #tpu.memory_space<hbm>>) target(%arg9 : memref<125x128xf32, #tpu.memory_space<vmem>>) offsets(%dma_start3A_5 : memref<125xi32, #tpu.memory_space<vmem>>) semaphore(%arg15 : memref<!tpu.dma_semaphore, #tpu.memory_space<semaphore_mem>>)
    %scan3A = arith.constant 0 : i32
    %scan3A_9 = arith.constant 0 : i32
    %scan3A_10 = arith.constant 20 : i32
    %scan3A_11 = arith.addi %scan3A_9, %scan3A_10 : i32
    %scan3A_12 = arith.constant 1 : i32
    scf.for %scan3A_32 = %scan3A_9 to %scan3A_11 step %scan3A_12  : i32 {
      %mul3A_33 = arith.constant 4 : i32
      %mul3A_34 = arith.muli %scan3A_32, %mul3A_33 : i32
      %add3A_35 = arith.constant 0 : i32
      %add3A_36 = arith.addi %mul3A_34, %add3A_35 : i32
      %dma_wait3A_37 = arith.constant 0 : i32
      %dma_wait3A_38 = arith.constant 0 : i32
      %dma_wait3A_39 = tpu.memref_slice %arg7[%dma_wait3A_37, %dma_wait3A_38] : memref<4x125xi32, #tpu.memory_space<vmem>> -> memref<1x125xi32, #tpu.memory_space<vmem>>
      %dma_wait3A_40 = tpu.memref_squeeze %dma_wait3A_39 : memref<1x125xi32, #tpu.memory_space<vmem>> -> memref<125xi32, #tpu.memory_space<vmem>>
      %dma_wait3A_41 = arith.constant 0 : i32
      %dma_wait3A_42 = arith.constant 0 : i32
      %dma_wait3A_43 = tpu.memref_slice %arg4[%dma_wait3A_41, %dma_wait3A_42] : memref<10000x128xf32, #tpu.memory_space<hbm>> -> memref<10000x128xf32, #tpu.memory_space<hbm>>
      tpu.wait_indirect_dma semaphore(%arg15 : memref<!tpu.dma_semaphore, #tpu.memory_space<semaphore_mem>>) src(%dma_wait3A_43 : memref<10000x128xf32, #tpu.memory_space<hbm>>) dst(%arg9 : memref<125x128xf32, #tpu.memory_space<vmem>>)
      %dma_start3A_44 = arith.constant 0 : i32
      %dma_start3A_45 = tpu.memref_slice %arg8[%add3A_36, %dma_start3A_44] : memref<80x125xi32, #tpu.memory_space<vmem>> -> memref<1x125xi32, #tpu.memory_space<vmem>>
      %dma_start3A_46 = tpu.memref_squeeze %dma_start3A_45 : memref<1x125xi32, #tpu.memory_space<vmem>> -> memref<125xi32, #tpu.memory_space<vmem>>
      %dma_start3A_47 = arith.constant 0 : i32
      %dma_start3A_48 = arith.constant 0 : i32
      %dma_start3A_49 = tpu.memref_slice %arg19[%dma_start3A_47, %dma_start3A_48] : memref<10112x128xf32, #tpu.memory_space<vmem_shared>> -> memref<10112x128xf32, #tpu.memory_space<vmem_shared>>
      tpu.enqueue_indirect_dma source(%arg9 : memref<125x128xf32, #tpu.memory_space<vmem>>) target(%dma_start3A_49 : memref<10112x128xf32, #tpu.memory_space<vmem_shared>>) offsets(%dma_start3A_46 : memref<125xi32, #tpu.memory_space<vmem>>) semaphore(%arg17 : memref<!tpu.dma_semaphore, #tpu.memory_space<semaphore_mem>>) {add = true}
      %add3A_50 = arith.constant 3 : i32
      %add3A_51 = arith.addi %add3A_36, %add3A_50 : i32
      %lt3A = arith.constant 80 : i32
      %lt3A_52 = arith.cmpi slt, %add3A_51, %lt3A : i32
      %convert_element_type3A = arith.extui %lt3A_52 : i1 to i32
      %cond3A = arith.constant 0 : i32
      %cond3A_53 = arith.cmpi ne, %convert_element_type3A, %cond3A : i32
      scf.if %cond3A_53 {
        %add3A_148 = arith.constant 3 : i32
        %add3A_149 = arith.addi %add3A_36, %add3A_148 : i32
        %dma_start3A_150 = arith.constant 3 : i32
        %dma_start3A_151 = arith.constant 0 : i32
        %dma_start3A_152 = tpu.memref_slice %arg7[%dma_start3A_150, %dma_start3A_151] : memref<4x125xi32, #tpu.memory_space<vmem>> -> memref<1x125xi32, #tpu.memory_space<vmem>>
        %dma_start3A_153 = tpu.memref_squeeze %dma_start3A_152 : memref<1x125xi32, #tpu.memory_space<vmem>> -> memref<125xi32, #tpu.memory_space<vmem>>
        %dma_start3A_154 = arith.constant 0 : i32
        %dma_start3A_155 = arith.constant 0 : i32
        %dma_start3A_156 = tpu.memref_slice %arg2[%add3A, %dma_start3A_154, %dma_start3A_155] : memref<32x80x125xi32, #tpu.memory_space<hbm>> -> memref<1x80x125xi32, #tpu.memory_space<hbm>>
        %dma_start3A_157 = tpu.memref_squeeze %dma_start3A_156 : memref<1x80x125xi32, #tpu.memory_space<hbm>> -> memref<80x125xi32, #tpu.memory_space<hbm>>
        %dma_start3A_158 = arith.constant 0 : i32
        %dma_start3A_159 = tpu.memref_slice %dma_start3A_157[%add3A_149, %dma_start3A_158] : memref<80x125xi32, #tpu.memory_space<hbm>> -> memref<1x125xi32, #tpu.memory_space<hbm>>
        %dma_start3A_160 = tpu.memref_squeeze %dma_start3A_159 : memref<1x125xi32, #tpu.memory_space<hbm>> -> memref<125xi32, #tpu.memory_space<hbm>>
        %dma_start3A_161 = arith.constant 0 : i32
        %dma_start3A_162 = tpu.memref_slice %arg7[%dma_start3A_150, %dma_start3A_161] : memref<4x125xi32, #tpu.memory_space<vmem>> -> memref<1x125xi32, #tpu.memory_space<vmem>>
        %dma_start3A_163 = tpu.memref_squeeze %dma_start3A_162 : memref<1x125xi32, #tpu.memory_space<vmem>> -> memref<125xi32, #tpu.memory_space<vmem>>
        %dma_start3A_164 = arith.constant 0 : i32
        %dma_start3A_165 = arith.constant 0 : i32
        %dma_start3A_166 = tpu.memref_slice %arg2[%add3A, %dma_start3A_164, %dma_start3A_165] : memref<32x80x125xi32, #tpu.memory_space<hbm>> -> memref<1x80x125xi32, #tpu.memory_space<hbm>>
        %dma_start3A_167 = tpu.memref_squeeze %dma_start3A_166 : memref<1x80x125xi32, #tpu.memory_space<hbm>> -> memref<80x125xi32, #tpu.memory_space<hbm>>
        %dma_start3A_168 = arith.constant 0 : i32
        %dma_start3A_169 = tpu.memref_slice %dma_start3A_167[%add3A_149, %dma_start3A_168] : memref<80x125xi32, #tpu.memory_space<hbm>> -> memref<1x125xi32, #tpu.memory_space<hbm>>
        %dma_start3A_170 = tpu.memref_squeeze %dma_start3A_169 : memref<1x125xi32, #tpu.memory_space<hbm>> -> memref<125xi32, #tpu.memory_space<hbm>>
        tpu.enqueue_dma source(%dma_start3A_170 : memref<125xi32, #tpu.memory_space<hbm>>) target(%dma_start3A_163 : memref<125xi32, #tpu.memory_space<vmem>>) target_semaphore(%arg14 : memref<!tpu.dma_semaphore, #tpu.memory_space<semaphore_mem>>)
      } else {
      }
      %add3A_54 = arith.constant 1 : i32
      %add3A_55 = arith.addi %add3A_36, %add3A_54 : i32
      %lt3A_56 = arith.constant 80 : i32
      %lt3A_57 = arith.cmpi slt, %add3A_55, %lt3A_56 : i32
      %convert_element_type3A_58 = arith.extui %lt3A_57 : i1 to i32
      %cond3A_59 = arith.constant 0 : i32
      %cond3A_60 = arith.cmpi ne, %convert_element_type3A_58, %cond3A_59 : i32
      scf.if %cond3A_60 {
        %ge3A = arith.constant 1 : i32
        %ge3A_148 = arith.cmpi sge, %add3A_36, %ge3A : i32
        %convert_element_type3A_149 = arith.extui %ge3A_148 : i1 to i32
        %cond3A_150 = arith.constant 0 : i32
        %cond3A_151 = arith.cmpi ne, %convert_element_type3A_149, %cond3A_150 : i32
        scf.if %cond3A_151 {
          %dma_wait3A_166 = arith.constant 0 : i32
          %dma_wait3A_167 = arith.constant 0 : i32
          %dma_wait3A_168 = tpu.memref_slice %arg8[%dma_wait3A_166, %dma_wait3A_167] : memref<80x125xi32, #tpu.memory_space<vmem>> -> memref<1x125xi32, #tpu.memory_space<vmem>>
          %dma_wait3A_169 = tpu.memref_squeeze %dma_wait3A_168 : memref<1x125xi32, #tpu.memory_space<vmem>> -> memref<125xi32, #tpu.memory_space<vmem>>
          %dma_wait3A_170 = arith.constant 0 : i32
          %dma_wait3A_171 = arith.constant 0 : i32
          %dma_wait3A_172 = tpu.memref_slice %arg19[%dma_wait3A_170, %dma_wait3A_171] : memref<10112x128xf32, #tpu.memory_space<vmem_shared>> -> memref<10112x128xf32, #tpu.memory_space<vmem_shared>>
          tpu.wait_indirect_dma semaphore(%arg18 : memref<!tpu.dma_semaphore, #tpu.memory_space<semaphore_mem>>) src(%arg10 : memref<125x128xf32, #tpu.memory_space<vmem>>) dst(%dma_wait3A_172 : memref<10112x128xf32, #tpu.memory_space<vmem_shared>>)
        } else {
        }
        %add3A_152 = arith.constant 1 : i32
        %add3A_153 = arith.addi %add3A_36, %add3A_152 : i32
        %ge3A_154 = arith.constant 3 : i32
        %ge3A_155 = arith.cmpi sge, %add3A_153, %ge3A_154 : i32
        %convert_element_type3A_156 = arith.extui %ge3A_155 : i1 to i32
        %cond3A_157 = arith.constant 0 : i32
        %cond3A_158 = arith.cmpi ne, %convert_element_type3A_156, %cond3A_157 : i32
        scf.if %cond3A_158 {
          %dma_wait3A_166 = arith.constant 0 : i32
          %dma_wait3A_167 = arith.constant 1 : i32
          %dma_wait3A_168 = arith.constant 0 : i32
          %dma_wait3A_169 = tpu.memref_slice %arg7[%dma_wait3A_167, %dma_wait3A_168] : memref<4x125xi32, #tpu.memory_space<vmem>> -> memref<1x125xi32, #tpu.memory_space<vmem>>
          %dma_wait3A_170 = tpu.memref_squeeze %dma_wait3A_169 : memref<1x125xi32, #tpu.memory_space<vmem>> -> memref<125xi32, #tpu.memory_space<vmem>>
          %dma_wait3A_171 = arith.constant 0 : i32
          %dma_wait3A_172 = arith.constant 0 : i32
          %dma_wait3A_173 = tpu.memref_slice %arg2[%add3A, %dma_wait3A_171, %dma_wait3A_172] : memref<32x80x125xi32, #tpu.memory_space<hbm>> -> memref<1x80x125xi32, #tpu.memory_space<hbm>>
          %dma_wait3A_174 = tpu.memref_squeeze %dma_wait3A_173 : memref<1x80x125xi32, #tpu.memory_space<hbm>> -> memref<80x125xi32, #tpu.memory_space<hbm>>
          %dma_wait3A_175 = arith.constant 0 : i32
          %dma_wait3A_176 = tpu.memref_slice %dma_wait3A_174[%dma_wait3A_166, %dma_wait3A_175] : memref<80x125xi32, #tpu.memory_space<hbm>> -> memref<1x125xi32, #tpu.memory_space<hbm>>
          %dma_wait3A_177 = tpu.memref_squeeze %dma_wait3A_176 : memref<1x125xi32, #tpu.memory_space<hbm>> -> memref<125xi32, #tpu.memory_space<hbm>>
          %dma_wait3A_178 = arith.constant 0 : i32
          %dma_wait3A_179 = tpu.memref_slice %arg7[%dma_wait3A_167, %dma_wait3A_178] : memref<4x125xi32, #tpu.memory_space<vmem>> -> memref<1x125xi32, #tpu.memory_space<vmem>>
          %dma_wait3A_180 = tpu.memref_squeeze %dma_wait3A_179 : memref<1x125xi32, #tpu.memory_space<vmem>> -> memref<125xi32, #tpu.memory_space<vmem>>
          %dma_wait3A_181 = arith.constant 0 : i32
          %dma_wait3A_182 = arith.constant 0 : i32
          %dma_wait3A_183 = tpu.memref_slice %arg2[%add3A, %dma_wait3A_181, %dma_wait3A_182] : memref<32x80x125xi32, #tpu.memory_space<hbm>> -> memref<1x80x125xi32, #tpu.memory_space<hbm>>
          %dma_wait3A_184 = tpu.memref_squeeze %dma_wait3A_183 : memref<1x80x125xi32, #tpu.memory_space<hbm>> -> memref<80x125xi32, #tpu.memory_space<hbm>>
          %dma_wait3A_185 = arith.constant 0 : i32
          %dma_wait3A_186 = tpu.memref_slice %dma_wait3A_184[%dma_wait3A_166, %dma_wait3A_185] : memref<80x125xi32, #tpu.memory_space<hbm>> -> memref<1x125xi32, #tpu.memory_space<hbm>>
          %dma_wait3A_187 = tpu.memref_squeeze %dma_wait3A_186 : memref<1x125xi32, #tpu.memory_space<hbm>> -> memref<125xi32, #tpu.memory_space<hbm>>
          tpu.wait_dma2 semaphore(%arg12 : memref<!tpu.dma_semaphore, #tpu.memory_space<semaphore_mem>>) src(%dma_wait3A_187 : memref<125xi32, #tpu.memory_space<hbm>>) dst(%dma_wait3A_180 : memref<125xi32, #tpu.memory_space<vmem>>)
        } else {
        }
        %dma_start3A_159 = arith.constant 1 : i32
        %dma_start3A_160 = arith.constant 0 : i32
        %dma_start3A_161 = tpu.memref_slice %arg7[%dma_start3A_159, %dma_start3A_160] : memref<4x125xi32, #tpu.memory_space<vmem>> -> memref<1x125xi32, #tpu.memory_space<vmem>>
        %dma_start3A_162 = tpu.memref_squeeze %dma_start3A_161 : memref<1x125xi32, #tpu.memory_space<vmem>> -> memref<125xi32, #tpu.memory_space<vmem>>
        %dma_start3A_163 = arith.constant 0 : i32
        %dma_start3A_164 = arith.constant 0 : i32
        %dma_start3A_165 = tpu.memref_slice %arg4[%dma_start3A_163, %dma_start3A_164] : memref<10000x128xf32, #tpu.memory_space<hbm>> -> memref<10000x128xf32, #tpu.memory_space<hbm>>
        tpu.enqueue_indirect_dma source(%dma_start3A_165 : memref<10000x128xf32, #tpu.memory_space<hbm>>) target(%arg10 : memref<125x128xf32, #tpu.memory_space<vmem>>) offsets(%dma_start3A_162 : memref<125xi32, #tpu.memory_space<vmem>>) semaphore(%arg16 : memref<!tpu.dma_semaphore, #tpu.memory_space<semaphore_mem>>)
      } else {
      }
      %add3A_61 = arith.constant 1 : i32
      %add3A_62 = arith.addi %mul3A_34, %add3A_61 : i32
      %dma_wait3A_63 = arith.constant 1 : i32
      %dma_wait3A_64 = arith.constant 0 : i32
      %dma_wait3A_65 = tpu.memref_slice %arg7[%dma_wait3A_63, %dma_wait3A_64] : memref<4x125xi32, #tpu.memory_space<vmem>> -> memref<1x125xi32, #tpu.memory_space<vmem>>
      %dma_wait3A_66 = tpu.memref_squeeze %dma_wait3A_65 : memref<1x125xi32, #tpu.memory_space<vmem>> -> memref<125xi32, #tpu.memory_space<vmem>>
      %dma_wait3A_67 = arith.constant 0 : i32
      %dma_wait3A_68 = arith.constant 0 : i32
      %dma_wait3A_69 = tpu.memref_slice %arg4[%dma_wait3A_67, %dma_wait3A_68] : memref<10000x128xf32, #tpu.memory_space<hbm>> -> memref<10000x128xf32, #tpu.memory_space<hbm>>
      tpu.wait_indirect_dma semaphore(%arg16 : memref<!tpu.dma_semaphore, #tpu.memory_space<semaphore_mem>>) src(%dma_wait3A_69 : memref<10000x128xf32, #tpu.memory_space<hbm>>) dst(%arg10 : memref<125x128xf32, #tpu.memory_space<vmem>>)
      %dma_start3A_70 = arith.constant 0 : i32
      %dma_start3A_71 = tpu.memref_slice %arg8[%add3A_62, %dma_start3A_70] : memref<80x125xi32, #tpu.memory_space<vmem>> -> memref<1x125xi32, #tpu.memory_space<vmem>>
      %dma_start3A_72 = tpu.memref_squeeze %dma_start3A_71 : memref<1x125xi32, #tpu.memory_space<vmem>> -> memref<125xi32, #tpu.memory_space<vmem>>
      %dma_start3A_73 = arith.constant 0 : i32
      %dma_start3A_74 = arith.constant 0 : i32
      %dma_start3A_75 = tpu.memref_slice %arg19[%dma_start3A_73, %dma_start3A_74] : memref<10112x128xf32, #tpu.memory_space<vmem_shared>> -> memref<10112x128xf32, #tpu.memory_space<vmem_shared>>
      tpu.enqueue_indirect_dma source(%arg10 : memref<125x128xf32, #tpu.memory_space<vmem>>) target(%dma_start3A_75 : memref<10112x128xf32, #tpu.memory_space<vmem_shared>>) offsets(%dma_start3A_72 : memref<125xi32, #tpu.memory_space<vmem>>) semaphore(%arg18 : memref<!tpu.dma_semaphore, #tpu.memory_space<semaphore_mem>>) {add = true}
      %add3A_76 = arith.constant 3 : i32
      %add3A_77 = arith.addi %add3A_62, %add3A_76 : i32
      %lt3A_78 = arith.constant 80 : i32
      %lt3A_79 = arith.cmpi slt, %add3A_77, %lt3A_78 : i32
      %convert_element_type3A_80 = arith.extui %lt3A_79 : i1 to i32
      %cond3A_81 = arith.constant 0 : i32
      %cond3A_82 = arith.cmpi ne, %convert_element_type3A_80, %cond3A_81 : i32
      scf.if %cond3A_82 {
        %add3A_148 = arith.constant 3 : i32
        %add3A_149 = arith.addi %add3A_62, %add3A_148 : i32
        %dma_start3A_150 = arith.constant 0 : i32
        %dma_start3A_151 = arith.constant 0 : i32
        %dma_start3A_152 = tpu.memref_slice %arg7[%dma_start3A_150, %dma_start3A_151] : memref<4x125xi32, #tpu.memory_space<vmem>> -> memref<1x125xi32, #tpu.memory_space<vmem>>
        %dma_start3A_153 = tpu.memref_squeeze %dma_start3A_152 : memref<1x125xi32, #tpu.memory_space<vmem>> -> memref<125xi32, #tpu.memory_space<vmem>>
        %dma_start3A_154 = arith.constant 0 : i32
        %dma_start3A_155 = arith.constant 0 : i32
        %dma_start3A_156 = tpu.memref_slice %arg2[%add3A, %dma_start3A_154, %dma_start3A_155] : memref<32x80x125xi32, #tpu.memory_space<hbm>> -> memref<1x80x125xi32, #tpu.memory_space<hbm>>
        %dma_start3A_157 = tpu.memref_squeeze %dma_start3A_156 : memref<1x80x125xi32, #tpu.memory_space<hbm>> -> memref<80x125xi32, #tpu.memory_space<hbm>>
        %dma_start3A_158 = arith.constant 0 : i32
        %dma_start3A_159 = tpu.memref_slice %dma_start3A_157[%add3A_149, %dma_start3A_158] : memref<80x125xi32, #tpu.memory_space<hbm>> -> memref<1x125xi32, #tpu.memory_space<hbm>>
        %dma_start3A_160 = tpu.memref_squeeze %dma_start3A_159 : memref<1x125xi32, #tpu.memory_space<hbm>> -> memref<125xi32, #tpu.memory_space<hbm>>
        %dma_start3A_161 = arith.constant 0 : i32
        %dma_start3A_162 = tpu.memref_slice %arg7[%dma_start3A_150, %dma_start3A_161] : memref<4x125xi32, #tpu.memory_space<vmem>> -> memref<1x125xi32, #tpu.memory_space<vmem>>
        %dma_start3A_163 = tpu.memref_squeeze %dma_start3A_162 : memref<1x125xi32, #tpu.memory_space<vmem>> -> memref<125xi32, #tpu.memory_space<vmem>>
        %dma_start3A_164 = arith.constant 0 : i32
        %dma_start3A_165 = arith.constant 0 : i32
        %dma_start3A_166 = tpu.memref_slice %arg2[%add3A, %dma_start3A_164, %dma_start3A_165] : memref<32x80x125xi32, #tpu.memory_space<hbm>> -> memref<1x80x125xi32, #tpu.memory_space<hbm>>
        %dma_start3A_167 = tpu.memref_squeeze %dma_start3A_166 : memref<1x80x125xi32, #tpu.memory_space<hbm>> -> memref<80x125xi32, #tpu.memory_space<hbm>>
        %dma_start3A_168 = arith.constant 0 : i32
        %dma_start3A_169 = tpu.memref_slice %dma_start3A_167[%add3A_149, %dma_start3A_168] : memref<80x125xi32, #tpu.memory_space<hbm>> -> memref<1x125xi32, #tpu.memory_space<hbm>>
        %dma_start3A_170 = tpu.memref_squeeze %dma_start3A_169 : memref<1x125xi32, #tpu.memory_space<hbm>> -> memref<125xi32, #tpu.memory_space<hbm>>
        tpu.enqueue_dma source(%dma_start3A_170 : memref<125xi32, #tpu.memory_space<hbm>>) target(%dma_start3A_163 : memref<125xi32, #tpu.memory_space<vmem>>) target_semaphore(%arg11 : memref<!tpu.dma_semaphore, #tpu.memory_space<semaphore_mem>>)
      } else {
      }
      %add3A_83 = arith.constant 1 : i32
      %add3A_84 = arith.addi %add3A_62, %add3A_83 : i32
      %lt3A_85 = arith.constant 80 : i32
      %lt3A_86 = arith.cmpi slt, %add3A_84, %lt3A_85 : i32
      %convert_element_type3A_87 = arith.extui %lt3A_86 : i1 to i32
      %cond3A_88 = arith.constant 0 : i32
      %cond3A_89 = arith.cmpi ne, %convert_element_type3A_87, %cond3A_88 : i32
      scf.if %cond3A_89 {
        %ge3A = arith.constant 1 : i32
        %ge3A_148 = arith.cmpi sge, %add3A_62, %ge3A : i32
        %convert_element_type3A_149 = arith.extui %ge3A_148 : i1 to i32
        %cond3A_150 = arith.constant 0 : i32
        %cond3A_151 = arith.cmpi ne, %convert_element_type3A_149, %cond3A_150 : i32
        scf.if %cond3A_151 {
          %dma_wait3A_166 = arith.constant 0 : i32
          %dma_wait3A_167 = arith.constant 0 : i32
          %dma_wait3A_168 = tpu.memref_slice %arg8[%dma_wait3A_166, %dma_wait3A_167] : memref<80x125xi32, #tpu.memory_space<vmem>> -> memref<1x125xi32, #tpu.memory_space<vmem>>
          %dma_wait3A_169 = tpu.memref_squeeze %dma_wait3A_168 : memref<1x125xi32, #tpu.memory_space<vmem>> -> memref<125xi32, #tpu.memory_space<vmem>>
          %dma_wait3A_170 = arith.constant 0 : i32
          %dma_wait3A_171 = arith.constant 0 : i32
          %dma_wait3A_172 = tpu.memref_slice %arg19[%dma_wait3A_170, %dma_wait3A_171] : memref<10112x128xf32, #tpu.memory_space<vmem_shared>> -> memref<10112x128xf32, #tpu.memory_space<vmem_shared>>
          tpu.wait_indirect_dma semaphore(%arg17 : memref<!tpu.dma_semaphore, #tpu.memory_space<semaphore_mem>>) src(%arg9 : memref<125x128xf32, #tpu.memory_space<vmem>>) dst(%dma_wait3A_172 : memref<10112x128xf32, #tpu.memory_space<vmem_shared>>)
        } else {
        }
        %add3A_152 = arith.constant 1 : i32
        %add3A_153 = arith.addi %add3A_62, %add3A_152 : i32
        %ge3A_154 = arith.constant 3 : i32
        %ge3A_155 = arith.cmpi sge, %add3A_153, %ge3A_154 : i32
        %convert_element_type3A_156 = arith.extui %ge3A_155 : i1 to i32
        %cond3A_157 = arith.constant 0 : i32
        %cond3A_158 = arith.cmpi ne, %convert_element_type3A_156, %cond3A_157 : i32
        scf.if %cond3A_158 {
          %dma_wait3A_166 = arith.constant 0 : i32
          %dma_wait3A_167 = arith.constant 2 : i32
          %dma_wait3A_168 = arith.constant 0 : i32
          %dma_wait3A_169 = tpu.memref_slice %arg7[%dma_wait3A_167, %dma_wait3A_168] : memref<4x125xi32, #tpu.memory_space<vmem>> -> memref<1x125xi32, #tpu.memory_space<vmem>>
          %dma_wait3A_170 = tpu.memref_squeeze %dma_wait3A_169 : memref<1x125xi32, #tpu.memory_space<vmem>> -> memref<125xi32, #tpu.memory_space<vmem>>
          %dma_wait3A_171 = arith.constant 0 : i32
          %dma_wait3A_172 = arith.constant 0 : i32
          %dma_wait3A_173 = tpu.memref_slice %arg2[%add3A, %dma_wait3A_171, %dma_wait3A_172] : memref<32x80x125xi32, #tpu.memory_space<hbm>> -> memref<1x80x125xi32, #tpu.memory_space<hbm>>
          %dma_wait3A_174 = tpu.memref_squeeze %dma_wait3A_173 : memref<1x80x125xi32, #tpu.memory_space<hbm>> -> memref<80x125xi32, #tpu.memory_space<hbm>>
          %dma_wait3A_175 = arith.constant 0 : i32
          %dma_wait3A_176 = tpu.memref_slice %dma_wait3A_174[%dma_wait3A_166, %dma_wait3A_175] : memref<80x125xi32, #tpu.memory_space<hbm>> -> memref<1x125xi32, #tpu.memory_space<hbm>>
          %dma_wait3A_177 = tpu.memref_squeeze %dma_wait3A_176 : memref<1x125xi32, #tpu.memory_space<hbm>> -> memref<125xi32, #tpu.memory_space<hbm>>
          %dma_wait3A_178 = arith.constant 0 : i32
          %dma_wait3A_179 = tpu.memref_slice %arg7[%dma_wait3A_167, %dma_wait3A_178] : memref<4x125xi32, #tpu.memory_space<vmem>> -> memref<1x125xi32, #tpu.memory_space<vmem>>
          %dma_wait3A_180 = tpu.memref_squeeze %dma_wait3A_179 : memref<1x125xi32, #tpu.memory_space<vmem>> -> memref<125xi32, #tpu.memory_space<vmem>>
          %dma_wait3A_181 = arith.constant 0 : i32
          %dma_wait3A_182 = arith.constant 0 : i32
          %dma_wait3A_183 = tpu.memref_slice %arg2[%add3A, %dma_wait3A_181, %dma_wait3A_182] : memref<32x80x125xi32, #tpu.memory_space<hbm>> -> memref<1x80x125xi32, #tpu.memory_space<hbm>>
          %dma_wait3A_184 = tpu.memref_squeeze %dma_wait3A_183 : memref<1x80x125xi32, #tpu.memory_space<hbm>> -> memref<80x125xi32, #tpu.memory_space<hbm>>
          %dma_wait3A_185 = arith.constant 0 : i32
          %dma_wait3A_186 = tpu.memref_slice %dma_wait3A_184[%dma_wait3A_166, %dma_wait3A_185] : memref<80x125xi32, #tpu.memory_space<hbm>> -> memref<1x125xi32, #tpu.memory_space<hbm>>
          %dma_wait3A_187 = tpu.memref_squeeze %dma_wait3A_186 : memref<1x125xi32, #tpu.memory_space<hbm>> -> memref<125xi32, #tpu.memory_space<hbm>>
          tpu.wait_dma2 semaphore(%arg13 : memref<!tpu.dma_semaphore, #tpu.memory_space<semaphore_mem>>) src(%dma_wait3A_187 : memref<125xi32, #tpu.memory_space<hbm>>) dst(%dma_wait3A_180 : memref<125xi32, #tpu.memory_space<vmem>>)
        } else {
        }
        %dma_start3A_159 = arith.constant 2 : i32
        %dma_start3A_160 = arith.constant 0 : i32
        %dma_start3A_161 = tpu.memref_slice %arg7[%dma_start3A_159, %dma_start3A_160] : memref<4x125xi32, #tpu.memory_space<vmem>> -> memref<1x125xi32, #tpu.memory_space<vmem>>
        %dma_start3A_162 = tpu.memref_squeeze %dma_start3A_161 : memref<1x125xi32, #tpu.memory_space<vmem>> -> memref<125xi32, #tpu.memory_space<vmem>>
        %dma_start3A_163 = arith.constant 0 : i32
        %dma_start3A_164 = arith.constant 0 : i32
        %dma_start3A_165 = tpu.memref_slice %arg4[%dma_start3A_163, %dma_start3A_164] : memref<10000x128xf32, #tpu.memory_space<hbm>> -> memref<10000x128xf32, #tpu.memory_space<hbm>>
        tpu.enqueue_indirect_dma source(%dma_start3A_165 : memref<10000x128xf32, #tpu.memory_space<hbm>>) target(%arg9 : memref<125x128xf32, #tpu.memory_space<vmem>>) offsets(%dma_start3A_162 : memref<125xi32, #tpu.memory_space<vmem>>) semaphore(%arg15 : memref<!tpu.dma_semaphore, #tpu.memory_space<semaphore_mem>>)
      } else {
      }
      %add3A_90 = arith.constant 2 : i32
      %add3A_91 = arith.addi %mul3A_34, %add3A_90 : i32
      %dma_wait3A_92 = arith.constant 2 : i32
      %dma_wait3A_93 = arith.constant 0 : i32
      %dma_wait3A_94 = tpu.memref_slice %arg7[%dma_wait3A_92, %dma_wait3A_93] : memref<4x125xi32, #tpu.memory_space<vmem>> -> memref<1x125xi32, #tpu.memory_space<vmem>>
      %dma_wait3A_95 = tpu.memref_squeeze %dma_wait3A_94 : memref<1x125xi32, #tpu.memory_space<vmem>> -> memref<125xi32, #tpu.memory_space<vmem>>
      %dma_wait3A_96 = arith.constant 0 : i32
      %dma_wait3A_97 = arith.constant 0 : i32
      %dma_wait3A_98 = tpu.memref_slice %arg4[%dma_wait3A_96, %dma_wait3A_97] : memref<10000x128xf32, #tpu.memory_space<hbm>> -> memref<10000x128xf32, #tpu.memory_space<hbm>>
      tpu.wait_indirect_dma semaphore(%arg15 : memref<!tpu.dma_semaphore, #tpu.memory_space<semaphore_mem>>) src(%dma_wait3A_98 : memref<10000x128xf32, #tpu.memory_space<hbm>>) dst(%arg9 : memref<125x128xf32, #tpu.memory_space<vmem>>)
      %dma_start3A_99 = arith.constant 0 : i32
      %dma_start3A_100 = tpu.memref_slice %arg8[%add3A_91, %dma_start3A_99] : memref<80x125xi32, #tpu.memory_space<vmem>> -> memref<1x125xi32, #tpu.memory_space<vmem>>
      %dma_start3A_101 = tpu.memref_squeeze %dma_start3A_100 : memref<1x125xi32, #tpu.memory_space<vmem>> -> memref<125xi32, #tpu.memory_space<vmem>>
      %dma_start3A_102 = arith.constant 0 : i32
      %dma_start3A_103 = arith.constant 0 : i32
      %dma_start3A_104 = tpu.memref_slice %arg19[%dma_start3A_102, %dma_start3A_103] : memref<10112x128xf32, #tpu.memory_space<vmem_shared>> -> memref<10112x128xf32, #tpu.memory_space<vmem_shared>>
      tpu.enqueue_indirect_dma source(%arg9 : memref<125x128xf32, #tpu.memory_space<vmem>>) target(%dma_start3A_104 : memref<10112x128xf32, #tpu.memory_space<vmem_shared>>) offsets(%dma_start3A_101 : memref<125xi32, #tpu.memory_space<vmem>>) semaphore(%arg17 : memref<!tpu.dma_semaphore, #tpu.memory_space<semaphore_mem>>) {add = true}
      %add3A_105 = arith.constant 3 : i32
      %add3A_106 = arith.addi %add3A_91, %add3A_105 : i32
      %lt3A_107 = arith.constant 80 : i32
      %lt3A_108 = arith.cmpi slt, %add3A_106, %lt3A_107 : i32
      %convert_element_type3A_109 = arith.extui %lt3A_108 : i1 to i32
      %cond3A_110 = arith.constant 0 : i32
      %cond3A_111 = arith.cmpi ne, %convert_element_type3A_109, %cond3A_110 : i32
      scf.if %cond3A_111 {
        %add3A_148 = arith.constant 3 : i32
        %add3A_149 = arith.addi %add3A_91, %add3A_148 : i32
        %dma_start3A_150 = arith.constant 1 : i32
        %dma_start3A_151 = arith.constant 0 : i32
        %dma_start3A_152 = tpu.memref_slice %arg7[%dma_start3A_150, %dma_start3A_151] : memref<4x125xi32, #tpu.memory_space<vmem>> -> memref<1x125xi32, #tpu.memory_space<vmem>>
        %dma_start3A_153 = tpu.memref_squeeze %dma_start3A_152 : memref<1x125xi32, #tpu.memory_space<vmem>> -> memref<125xi32, #tpu.memory_space<vmem>>
        %dma_start3A_154 = arith.constant 0 : i32
        %dma_start3A_155 = arith.constant 0 : i32
        %dma_start3A_156 = tpu.memref_slice %arg2[%add3A, %dma_start3A_154, %dma_start3A_155] : memref<32x80x125xi32, #tpu.memory_space<hbm>> -> memref<1x80x125xi32, #tpu.memory_space<hbm>>
        %dma_start3A_157 = tpu.memref_squeeze %dma_start3A_156 : memref<1x80x125xi32, #tpu.memory_space<hbm>> -> memref<80x125xi32, #tpu.memory_space<hbm>>
        %dma_start3A_158 = arith.constant 0 : i32
        %dma_start3A_159 = tpu.memref_slice %dma_start3A_157[%add3A_149, %dma_start3A_158] : memref<80x125xi32, #tpu.memory_space<hbm>> -> memref<1x125xi32, #tpu.memory_space<hbm>>
        %dma_start3A_160 = tpu.memref_squeeze %dma_start3A_159 : memref<1x125xi32, #tpu.memory_space<hbm>> -> memref<125xi32, #tpu.memory_space<hbm>>
        %dma_start3A_161 = arith.constant 0 : i32
        %dma_start3A_162 = tpu.memref_slice %arg7[%dma_start3A_150, %dma_start3A_161] : memref<4x125xi32, #tpu.memory_space<vmem>> -> memref<1x125xi32, #tpu.memory_space<vmem>>
        %dma_start3A_163 = tpu.memref_squeeze %dma_start3A_162 : memref<1x125xi32, #tpu.memory_space<vmem>> -> memref<125xi32, #tpu.memory_space<vmem>>
        %dma_start3A_164 = arith.constant 0 : i32
        %dma_start3A_165 = arith.constant 0 : i32
        %dma_start3A_166 = tpu.memref_slice %arg2[%add3A, %dma_start3A_164, %dma_start3A_165] : memref<32x80x125xi32, #tpu.memory_space<hbm>> -> memref<1x80x125xi32, #tpu.memory_space<hbm>>
        %dma_start3A_167 = tpu.memref_squeeze %dma_start3A_166 : memref<1x80x125xi32, #tpu.memory_space<hbm>> -> memref<80x125xi32, #tpu.memory_space<hbm>>
        %dma_start3A_168 = arith.constant 0 : i32
        %dma_start3A_169 = tpu.memref_slice %dma_start3A_167[%add3A_149, %dma_start3A_168] : memref<80x125xi32, #tpu.memory_space<hbm>> -> memref<1x125xi32, #tpu.memory_space<hbm>>
        %dma_start3A_170 = tpu.memref_squeeze %dma_start3A_169 : memref<1x125xi32, #tpu.memory_space<hbm>> -> memref<125xi32, #tpu.memory_space<hbm>>
        tpu.enqueue_dma source(%dma_start3A_170 : memref<125xi32, #tpu.memory_space<hbm>>) target(%dma_start3A_163 : memref<125xi32, #tpu.memory_space<vmem>>) target_semaphore(%arg12 : memref<!tpu.dma_semaphore, #tpu.memory_space<semaphore_mem>>)
      } else {
      }
      %add3A_112 = arith.constant 1 : i32
      %add3A_113 = arith.addi %add3A_91, %add3A_112 : i32
      %lt3A_114 = arith.constant 80 : i32
      %lt3A_115 = arith.cmpi slt, %add3A_113, %lt3A_114 : i32
      %convert_element_type3A_116 = arith.extui %lt3A_115 : i1 to i32
      %cond3A_117 = arith.constant 0 : i32
      %cond3A_118 = arith.cmpi ne, %convert_element_type3A_116, %cond3A_117 : i32
      scf.if %cond3A_118 {
        %ge3A = arith.constant 1 : i32
        %ge3A_148 = arith.cmpi sge, %add3A_91, %ge3A : i32
        %convert_element_type3A_149 = arith.extui %ge3A_148 : i1 to i32
        %cond3A_150 = arith.constant 0 : i32
        %cond3A_151 = arith.cmpi ne, %convert_element_type3A_149, %cond3A_150 : i32
        scf.if %cond3A_151 {
          %dma_wait3A_166 = arith.constant 0 : i32
          %dma_wait3A_167 = arith.constant 0 : i32
          %dma_wait3A_168 = tpu.memref_slice %arg8[%dma_wait3A_166, %dma_wait3A_167] : memref<80x125xi32, #tpu.memory_space<vmem>> -> memref<1x125xi32, #tpu.memory_space<vmem>>
          %dma_wait3A_169 = tpu.memref_squeeze %dma_wait3A_168 : memref<1x125xi32, #tpu.memory_space<vmem>> -> memref<125xi32, #tpu.memory_space<vmem>>
          %dma_wait3A_170 = arith.constant 0 : i32
          %dma_wait3A_171 = arith.constant 0 : i32
          %dma_wait3A_172 = tpu.memref_slice %arg19[%dma_wait3A_170, %dma_wait3A_171] : memref<10112x128xf32, #tpu.memory_space<vmem_shared>> -> memref<10112x128xf32, #tpu.memory_space<vmem_shared>>
          tpu.wait_indirect_dma semaphore(%arg18 : memref<!tpu.dma_semaphore, #tpu.memory_space<semaphore_mem>>) src(%arg10 : memref<125x128xf32, #tpu.memory_space<vmem>>) dst(%dma_wait3A_172 : memref<10112x128xf32, #tpu.memory_space<vmem_shared>>)
        } else {
        }
        %add3A_152 = arith.constant 1 : i32
        %add3A_153 = arith.addi %add3A_91, %add3A_152 : i32
        %ge3A_154 = arith.constant 3 : i32
        %ge3A_155 = arith.cmpi sge, %add3A_153, %ge3A_154 : i32
        %convert_element_type3A_156 = arith.extui %ge3A_155 : i1 to i32
        %cond3A_157 = arith.constant 0 : i32
        %cond3A_158 = arith.cmpi ne, %convert_element_type3A_156, %cond3A_157 : i32
        scf.if %cond3A_158 {
          %dma_wait3A_166 = arith.constant 0 : i32
          %dma_wait3A_167 = arith.constant 3 : i32
          %dma_wait3A_168 = arith.constant 0 : i32
          %dma_wait3A_169 = tpu.memref_slice %arg7[%dma_wait3A_167, %dma_wait3A_168] : memref<4x125xi32, #tpu.memory_space<vmem>> -> memref<1x125xi32, #tpu.memory_space<vmem>>
          %dma_wait3A_170 = tpu.memref_squeeze %dma_wait3A_169 : memref<1x125xi32, #tpu.memory_space<vmem>> -> memref<125xi32, #tpu.memory_space<vmem>>
          %dma_wait3A_171 = arith.constant 0 : i32
          %dma_wait3A_172 = arith.constant 0 : i32
          %dma_wait3A_173 = tpu.memref_slice %arg2[%add3A, %dma_wait3A_171, %dma_wait3A_172] : memref<32x80x125xi32, #tpu.memory_space<hbm>> -> memref<1x80x125xi32, #tpu.memory_space<hbm>>
          %dma_wait3A_174 = tpu.memref_squeeze %dma_wait3A_173 : memref<1x80x125xi32, #tpu.memory_space<hbm>> -> memref<80x125xi32, #tpu.memory_space<hbm>>
          %dma_wait3A_175 = arith.constant 0 : i32
          %dma_wait3A_176 = tpu.memref_slice %dma_wait3A_174[%dma_wait3A_166, %dma_wait3A_175] : memref<80x125xi32, #tpu.memory_space<hbm>> -> memref<1x125xi32, #tpu.memory_space<hbm>>
          %dma_wait3A_177 = tpu.memref_squeeze %dma_wait3A_176 : memref<1x125xi32, #tpu.memory_space<hbm>> -> memref<125xi32, #tpu.memory_space<hbm>>
          %dma_wait3A_178 = arith.constant 0 : i32
          %dma_wait3A_179 = tpu.memref_slice %arg7[%dma_wait3A_167, %dma_wait3A_178] : memref<4x125xi32, #tpu.memory_space<vmem>> -> memref<1x125xi32, #tpu.memory_space<vmem>>
          %dma_wait3A_180 = tpu.memref_squeeze %dma_wait3A_179 : memref<1x125xi32, #tpu.memory_space<vmem>> -> memref<125xi32, #tpu.memory_space<vmem>>
          %dma_wait3A_181 = arith.constant 0 : i32
          %dma_wait3A_182 = arith.constant 0 : i32
          %dma_wait3A_183 = tpu.memref_slice %arg2[%add3A, %dma_wait3A_181, %dma_wait3A_182] : memref<32x80x125xi32, #tpu.memory_space<hbm>> -> memref<1x80x125xi32, #tpu.memory_space<hbm>>
          %dma_wait3A_184 = tpu.memref_squeeze %dma_wait3A_183 : memref<1x80x125xi32, #tpu.memory_space<hbm>> -> memref<80x125xi32, #tpu.memory_space<hbm>>
          %dma_wait3A_185 = arith.constant 0 : i32
          %dma_wait3A_186 = tpu.memref_slice %dma_wait3A_184[%dma_wait3A_166, %dma_wait3A_185] : memref<80x125xi32, #tpu.memory_space<hbm>> -> memref<1x125xi32, #tpu.memory_space<hbm>>
          %dma_wait3A_187 = tpu.memref_squeeze %dma_wait3A_186 : memref<1x125xi32, #tpu.memory_space<hbm>> -> memref<125xi32, #tpu.memory_space<hbm>>
          tpu.wait_dma2 semaphore(%arg14 : memref<!tpu.dma_semaphore, #tpu.memory_space<semaphore_mem>>) src(%dma_wait3A_187 : memref<125xi32, #tpu.memory_space<hbm>>) dst(%dma_wait3A_180 : memref<125xi32, #tpu.memory_space<vmem>>)
        } else {
        }
        %dma_start3A_159 = arith.constant 3 : i32
        %dma_start3A_160 = arith.constant 0 : i32
        %dma_start3A_161 = tpu.memref_slice %arg7[%dma_start3A_159, %dma_start3A_160] : memref<4x125xi32, #tpu.memory_space<vmem>> -> memref<1x125xi32, #tpu.memory_space<vmem>>
        %dma_start3A_162 = tpu.memref_squeeze %dma_start3A_161 : memref<1x125xi32, #tpu.memory_space<vmem>> -> memref<125xi32, #tpu.memory_space<vmem>>
        %dma_start3A_163 = arith.constant 0 : i32
        %dma_start3A_164 = arith.constant 0 : i32
        %dma_start3A_165 = tpu.memref_slice %arg4[%dma_start3A_163, %dma_start3A_164] : memref<10000x128xf32, #tpu.memory_space<hbm>> -> memref<10000x128xf32, #tpu.memory_space<hbm>>
        tpu.enqueue_indirect_dma source(%dma_start3A_165 : memref<10000x128xf32, #tpu.memory_space<hbm>>) target(%arg10 : memref<125x128xf32, #tpu.memory_space<vmem>>) offsets(%dma_start3A_162 : memref<125xi32, #tpu.memory_space<vmem>>) semaphore(%arg16 : memref<!tpu.dma_semaphore, #tpu.memory_space<semaphore_mem>>)
      } else {
      }
      %add3A_119 = arith.constant 3 : i32
      %add3A_120 = arith.addi %mul3A_34, %add3A_119 : i32
      %dma_wait3A_121 = arith.constant 3 : i32
      %dma_wait3A_122 = arith.constant 0 : i32
      %dma_wait3A_123 = tpu.memref_slice %arg7[%dma_wait3A_121, %dma_wait3A_122] : memref<4x125xi32, #tpu.memory_space<vmem>> -> memref<1x125xi32, #tpu.memory_space<vmem>>
      %dma_wait3A_124 = tpu.memref_squeeze %dma_wait3A_123 : memref<1x125xi32, #tpu.memory_space<vmem>> -> memref<125xi32, #tpu.memory_space<vmem>>
      %dma_wait3A_125 = arith.constant 0 : i32
      %dma_wait3A_126 = arith.constant 0 : i32
      %dma_wait3A_127 = tpu.memref_slice %arg4[%dma_wait3A_125, %dma_wait3A_126] : memref<10000x128xf32, #tpu.memory_space<hbm>> -> memref<10000x128xf32, #tpu.memory_space<hbm>>
      tpu.wait_indirect_dma semaphore(%arg16 : memref<!tpu.dma_semaphore, #tpu.memory_space<semaphore_mem>>) src(%dma_wait3A_127 : memref<10000x128xf32, #tpu.memory_space<hbm>>) dst(%arg10 : memref<125x128xf32, #tpu.memory_space<vmem>>)
      %dma_start3A_128 = arith.constant 0 : i32
      %dma_start3A_129 = tpu.memref_slice %arg8[%add3A_120, %dma_start3A_128] : memref<80x125xi32, #tpu.memory_space<vmem>> -> memref<1x125xi32, #tpu.memory_space<vmem>>
      %dma_start3A_130 = tpu.memref_squeeze %dma_start3A_129 : memref<1x125xi32, #tpu.memory_space<vmem>> -> memref<125xi32, #tpu.memory_space<vmem>>
      %dma_start3A_131 = arith.constant 0 : i32
      %dma_start3A_132 = arith.constant 0 : i32
      %dma_start3A_133 = tpu.memref_slice %arg19[%dma_start3A_131, %dma_start3A_132] : memref<10112x128xf32, #tpu.memory_space<vmem_shared>> -> memref<10112x128xf32, #tpu.memory_space<vmem_shared>>
      tpu.enqueue_indirect_dma source(%arg10 : memref<125x128xf32, #tpu.memory_space<vmem>>) target(%dma_start3A_133 : memref<10112x128xf32, #tpu.memory_space<vmem_shared>>) offsets(%dma_start3A_130 : memref<125xi32, #tpu.memory_space<vmem>>) semaphore(%arg18 : memref<!tpu.dma_semaphore, #tpu.memory_space<semaphore_mem>>) {add = true}
      %add3A_134 = arith.constant 3 : i32
      %add3A_135 = arith.addi %add3A_120, %add3A_134 : i32
      %lt3A_136 = arith.constant 80 : i32
      %lt3A_137 = arith.cmpi slt, %add3A_135, %lt3A_136 : i32
      %convert_element_type3A_138 = arith.extui %lt3A_137 : i1 to i32
      %cond3A_139 = arith.constant 0 : i32
      %cond3A_140 = arith.cmpi ne, %convert_element_type3A_138, %cond3A_139 : i32
      scf.if %cond3A_140 {
        %add3A_148 = arith.constant 3 : i32
        %add3A_149 = arith.addi %add3A_120, %add3A_148 : i32
        %dma_start3A_150 = arith.constant 2 : i32
        %dma_start3A_151 = arith.constant 0 : i32
        %dma_start3A_152 = tpu.memref_slice %arg7[%dma_start3A_150, %dma_start3A_151] : memref<4x125xi32, #tpu.memory_space<vmem>> -> memref<1x125xi32, #tpu.memory_space<vmem>>
        %dma_start3A_153 = tpu.memref_squeeze %dma_start3A_152 : memref<1x125xi32, #tpu.memory_space<vmem>> -> memref<125xi32, #tpu.memory_space<vmem>>
        %dma_start3A_154 = arith.constant 0 : i32
        %dma_start3A_155 = arith.constant 0 : i32
        %dma_start3A_156 = tpu.memref_slice %arg2[%add3A, %dma_start3A_154, %dma_start3A_155] : memref<32x80x125xi32, #tpu.memory_space<hbm>> -> memref<1x80x125xi32, #tpu.memory_space<hbm>>
        %dma_start3A_157 = tpu.memref_squeeze %dma_start3A_156 : memref<1x80x125xi32, #tpu.memory_space<hbm>> -> memref<80x125xi32, #tpu.memory_space<hbm>>
        %dma_start3A_158 = arith.constant 0 : i32
        %dma_start3A_159 = tpu.memref_slice %dma_start3A_157[%add3A_149, %dma_start3A_158] : memref<80x125xi32, #tpu.memory_space<hbm>> -> memref<1x125xi32, #tpu.memory_space<hbm>>
        %dma_start3A_160 = tpu.memref_squeeze %dma_start3A_159 : memref<1x125xi32, #tpu.memory_space<hbm>> -> memref<125xi32, #tpu.memory_space<hbm>>
        %dma_start3A_161 = arith.constant 0 : i32
        %dma_start3A_162 = tpu.memref_slice %arg7[%dma_start3A_150, %dma_start3A_161] : memref<4x125xi32, #tpu.memory_space<vmem>> -> memref<1x125xi32, #tpu.memory_space<vmem>>
        %dma_start3A_163 = tpu.memref_squeeze %dma_start3A_162 : memref<1x125xi32, #tpu.memory_space<vmem>> -> memref<125xi32, #tpu.memory_space<vmem>>
        %dma_start3A_164 = arith.constant 0 : i32
        %dma_start3A_165 = arith.constant 0 : i32
        %dma_start3A_166 = tpu.memref_slice %arg2[%add3A, %dma_start3A_164, %dma_start3A_165] : memref<32x80x125xi32, #tpu.memory_space<hbm>> -> memref<1x80x125xi32, #tpu.memory_space<hbm>>
        %dma_start3A_167 = tpu.memref_squeeze %dma_start3A_166 : memref<1x80x125xi32, #tpu.memory_space<hbm>> -> memref<80x125xi32, #tpu.memory_space<hbm>>
        %dma_start3A_168 = arith.constant 0 : i32
        %dma_start3A_169 = tpu.memref_slice %dma_start3A_167[%add3A_149, %dma_start3A_168] : memref<80x125xi32, #tpu.memory_space<hbm>> -> memref<1x125xi32, #tpu.memory_space<hbm>>
        %dma_start3A_170 = tpu.memref_squeeze %dma_start3A_169 : memref<1x125xi32, #tpu.memory_space<hbm>> -> memref<125xi32, #tpu.memory_space<hbm>>
        tpu.enqueue_dma source(%dma_start3A_170 : memref<125xi32, #tpu.memory_space<hbm>>) target(%dma_start3A_163 : memref<125xi32, #tpu.memory_space<vmem>>) target_semaphore(%arg13 : memref<!tpu.dma_semaphore, #tpu.memory_space<semaphore_mem>>)
      } else {
      }
      %add3A_141 = arith.constant 1 : i32
      %add3A_142 = arith.addi %add3A_120, %add3A_141 : i32
      %lt3A_143 = arith.constant 80 : i32
      %lt3A_144 = arith.cmpi slt, %add3A_142, %lt3A_143 : i32
      %convert_element_type3A_145 = arith.extui %lt3A_144 : i1 to i32
      %cond3A_146 = arith.constant 0 : i32
      %cond3A_147 = arith.cmpi ne, %convert_element_type3A_145, %cond3A_146 : i32
      scf.if %cond3A_147 {
        %ge3A = arith.constant 1 : i32
        %ge3A_148 = arith.cmpi sge, %add3A_120, %ge3A : i32
        %convert_element_type3A_149 = arith.extui %ge3A_148 : i1 to i32
        %cond3A_150 = arith.constant 0 : i32
        %cond3A_151 = arith.cmpi ne, %convert_element_type3A_149, %cond3A_150 : i32
        scf.if %cond3A_151 {
          %dma_wait3A_166 = arith.constant 0 : i32
          %dma_wait3A_167 = arith.constant 0 : i32
          %dma_wait3A_168 = tpu.memref_slice %arg8[%dma_wait3A_166, %dma_wait3A_167] : memref<80x125xi32, #tpu.memory_space<vmem>> -> memref<1x125xi32, #tpu.memory_space<vmem>>
          %dma_wait3A_169 = tpu.memref_squeeze %dma_wait3A_168 : memref<1x125xi32, #tpu.memory_space<vmem>> -> memref<125xi32, #tpu.memory_space<vmem>>
          %dma_wait3A_170 = arith.constant 0 : i32
          %dma_wait3A_171 = arith.constant 0 : i32
          %dma_wait3A_172 = tpu.memref_slice %arg19[%dma_wait3A_170, %dma_wait3A_171] : memref<10112x128xf32, #tpu.memory_space<vmem_shared>> -> memref<10112x128xf32, #tpu.memory_space<vmem_shared>>
          tpu.wait_indirect_dma semaphore(%arg17 : memref<!tpu.dma_semaphore, #tpu.memory_space<semaphore_mem>>) src(%arg9 : memref<125x128xf32, #tpu.memory_space<vmem>>) dst(%dma_wait3A_172 : memref<10112x128xf32, #tpu.memory_space<vmem_shared>>)
        } else {
        }
        %add3A_152 = arith.constant 1 : i32
        %add3A_153 = arith.addi %add3A_120, %add3A_152 : i32
        %ge3A_154 = arith.constant 3 : i32
        %ge3A_155 = arith.cmpi sge, %add3A_153, %ge3A_154 : i32
        %convert_element_type3A_156 = arith.extui %ge3A_155 : i1 to i32
        %cond3A_157 = arith.constant 0 : i32
        %cond3A_158 = arith.cmpi ne, %convert_element_type3A_156, %cond3A_157 : i32
        scf.if %cond3A_158 {
          %dma_wait3A_166 = arith.constant 0 : i32
          %dma_wait3A_167 = arith.constant 0 : i32
          %dma_wait3A_168 = arith.constant 0 : i32
          %dma_wait3A_169 = tpu.memref_slice %arg7[%dma_wait3A_167, %dma_wait3A_168] : memref<4x125xi32, #tpu.memory_space<vmem>> -> memref<1x125xi32, #tpu.memory_space<vmem>>
          %dma_wait3A_170 = tpu.memref_squeeze %dma_wait3A_169 : memref<1x125xi32, #tpu.memory_space<vmem>> -> memref<125xi32, #tpu.memory_space<vmem>>
          %dma_wait3A_171 = arith.constant 0 : i32
          %dma_wait3A_172 = arith.constant 0 : i32
          %dma_wait3A_173 = tpu.memref_slice %arg2[%add3A, %dma_wait3A_171, %dma_wait3A_172] : memref<32x80x125xi32, #tpu.memory_space<hbm>> -> memref<1x80x125xi32, #tpu.memory_space<hbm>>
          %dma_wait3A_174 = tpu.memref_squeeze %dma_wait3A_173 : memref<1x80x125xi32, #tpu.memory_space<hbm>> -> memref<80x125xi32, #tpu.memory_space<hbm>>
          %dma_wait3A_175 = arith.constant 0 : i32
          %dma_wait3A_176 = tpu.memref_slice %dma_wait3A_174[%dma_wait3A_166, %dma_wait3A_175] : memref<80x125xi32, #tpu.memory_space<hbm>> -> memref<1x125xi32, #tpu.memory_space<hbm>>
          %dma_wait3A_177 = tpu.memref_squeeze %dma_wait3A_176 : memref<1x125xi32, #tpu.memory_space<hbm>> -> memref<125xi32, #tpu.memory_space<hbm>>
          %dma_wait3A_178 = arith.constant 0 : i32
          %dma_wait3A_179 = tpu.memref_slice %arg7[%dma_wait3A_167, %dma_wait3A_178] : memref<4x125xi32, #tpu.memory_space<vmem>> -> memref<1x125xi32, #tpu.memory_space<vmem>>
          %dma_wait3A_180 = tpu.memref_squeeze %dma_wait3A_179 : memref<1x125xi32, #tpu.memory_space<vmem>> -> memref<125xi32, #tpu.memory_space<vmem>>
          %dma_wait3A_181 = arith.constant 0 : i32
          %dma_wait3A_182 = arith.constant 0 : i32
          %dma_wait3A_183 = tpu.memref_slice %arg2[%add3A, %dma_wait3A_181, %dma_wait3A_182] : memref<32x80x125xi32, #tpu.memory_space<hbm>> -> memref<1x80x125xi32, #tpu.memory_space<hbm>>
          %dma_wait3A_184 = tpu.memref_squeeze %dma_wait3A_183 : memref<1x80x125xi32, #tpu.memory_space<hbm>> -> memref<80x125xi32, #tpu.memory_space<hbm>>
          %dma_wait3A_185 = arith.constant 0 : i32
          %dma_wait3A_186 = tpu.memref_slice %dma_wait3A_184[%dma_wait3A_166, %dma_wait3A_185] : memref<80x125xi32, #tpu.memory_space<hbm>> -> memref<1x125xi32, #tpu.memory_space<hbm>>
          %dma_wait3A_187 = tpu.memref_squeeze %dma_wait3A_186 : memref<1x125xi32, #tpu.memory_space<hbm>> -> memref<125xi32, #tpu.memory_space<hbm>>
          tpu.wait_dma2 semaphore(%arg11 : memref<!tpu.dma_semaphore, #tpu.memory_space<semaphore_mem>>) src(%dma_wait3A_187 : memref<125xi32, #tpu.memory_space<hbm>>) dst(%dma_wait3A_180 : memref<125xi32, #tpu.memory_space<vmem>>)
        } else {
        }
        %dma_start3A_159 = arith.constant 0 : i32
        %dma_start3A_160 = arith.constant 0 : i32
        %dma_start3A_161 = tpu.memref_slice %arg7[%dma_start3A_159, %dma_start3A_160] : memref<4x125xi32, #tpu.memory_space<vmem>> -> memref<1x125xi32, #tpu.memory_space<vmem>>
        %dma_start3A_162 = tpu.memref_squeeze %dma_start3A_161 : memref<1x125xi32, #tpu.memory_space<vmem>> -> memref<125xi32, #tpu.memory_space<vmem>>
        %dma_start3A_163 = arith.constant 0 : i32
        %dma_start3A_164 = arith.constant 0 : i32
        %dma_start3A_165 = tpu.memref_slice %arg4[%dma_start3A_163, %dma_start3A_164] : memref<10000x128xf32, #tpu.memory_space<hbm>> -> memref<10000x128xf32, #tpu.memory_space<hbm>>
        tpu.enqueue_indirect_dma source(%dma_start3A_165 : memref<10000x128xf32, #tpu.memory_space<hbm>>) target(%arg9 : memref<125x128xf32, #tpu.memory_space<vmem>>) offsets(%dma_start3A_162 : memref<125xi32, #tpu.memory_space<vmem>>) semaphore(%arg15 : memref<!tpu.dma_semaphore, #tpu.memory_space<semaphore_mem>>)
      } else {
      }
    }
    %scan3A_13 = arith.constant 20 : i32
    %dma_wait3A = arith.constant 0 : i32
    %dma_wait3A_14 = arith.constant 0 : i32
    %dma_wait3A_15 = tpu.memref_slice %arg8[%dma_wait3A, %dma_wait3A_14] : memref<80x125xi32, #tpu.memory_space<vmem>> -> memref<1x125xi32, #tpu.memory_space<vmem>>
    %dma_wait3A_16 = tpu.memref_squeeze %dma_wait3A_15 : memref<1x125xi32, #tpu.memory_space<vmem>> -> memref<125xi32, #tpu.memory_space<vmem>>
    %dma_wait3A_17 = arith.constant 0 : i32
    %dma_wait3A_18 = arith.constant 0 : i32
    %dma_wait3A_19 = tpu.memref_slice %arg19[%dma_wait3A_17, %dma_wait3A_18] : memref<10112x128xf32, #tpu.memory_space<vmem_shared>> -> memref<10112x128xf32, #tpu.memory_space<vmem_shared>>
    tpu.wait_indirect_dma semaphore(%arg17 : memref<!tpu.dma_semaphore, #tpu.memory_space<semaphore_mem>>) src(%arg9 : memref<125x128xf32, #tpu.memory_space<vmem>>) dst(%dma_wait3A_19 : memref<10112x128xf32, #tpu.memory_space<vmem_shared>>)
    %dma_wait3A_20 = arith.constant 0 : i32
    %dma_wait3A_21 = arith.constant 0 : i32
    %dma_wait3A_22 = tpu.memref_slice %arg8[%dma_wait3A_20, %dma_wait3A_21] : memref<80x125xi32, #tpu.memory_space<vmem>> -> memref<1x125xi32, #tpu.memory_space<vmem>>
    %dma_wait3A_23 = tpu.memref_squeeze %dma_wait3A_22 : memref<1x125xi32, #tpu.memory_space<vmem>> -> memref<125xi32, #tpu.memory_space<vmem>>
    %dma_wait3A_24 = arith.constant 0 : i32
    %dma_wait3A_25 = arith.constant 0 : i32
    %dma_wait3A_26 = tpu.memref_slice %arg19[%dma_wait3A_24, %dma_wait3A_25] : memref<10112x128xf32, #tpu.memory_space<vmem_shared>> -> memref<10112x128xf32, #tpu.memory_space<vmem_shared>>
    tpu.wait_indirect_dma semaphore(%arg18 : memref<!tpu.dma_semaphore, #tpu.memory_space<semaphore_mem>>) src(%arg10 : memref<125x128xf32, #tpu.memory_space<vmem>>) dst(%dma_wait3A_26 : memref<10112x128xf32, #tpu.memory_space<vmem_shared>>)
    %barrier3A_27 = arith.constant 0 : index
    tpu.barrier barrier_id(%barrier3A_27)
    %mul3A_28 = arith.constant 632 : i32
    %mul3A_29 = arith.muli %arg1, %mul3A_28 : i32
    %mul3A_30 = arith.constant 632 : i32
    %mul3A_31 = arith.muli %arg1, %mul3A_30 : i32
    "tpu.region"() ({
      %run_scoped3A = tpu.sem_alloc : memref<!tpu.dma_semaphore, #tpu.memory_space<semaphore_mem>>
      %dma_start3A_32 = arith.constant 0 : i32
      %dma_start3A_33 = arith.constant 0 : i32
      %dma_start3A_34 = tpu.memref_slice %arg6[%arg0, %dma_start3A_32, %dma_start3A_33] : memref<2x10112x128xf32, #tpu.memory_space<hbm>> -> memref<1x10112x128xf32, #tpu.memory_space<hbm>>
      %dma_start3A_35 = tpu.memref_squeeze %dma_start3A_34 : memref<1x10112x128xf32, #tpu.memory_space<hbm>> -> memref<10112x128xf32, #tpu.memory_space<hbm>>
      %dma_start3A_36 = arith.constant 0 : i32
      %dma_start3A_37 = tpu.memref_slice %dma_start3A_35[%mul3A_31, %dma_start3A_36] : memref<10112x128xf32, #tpu.memory_space<hbm>> -> memref<632x128xf32, #tpu.memory_space<hbm>>
      %dma_start3A_38 = arith.constant 0 : i32
      %dma_start3A_39 = tpu.memref_slice %arg19[%mul3A_29, %dma_start3A_38] : memref<10112x128xf32, #tpu.memory_space<vmem_shared>> -> memref<632x128xf32, #tpu.memory_space<vmem_shared>>
      tpu.enqueue_dma source(%dma_start3A_39 : memref<632x128xf32, #tpu.memory_space<vmem_shared>>) target(%dma_start3A_37 : memref<632x128xf32, #tpu.memory_space<hbm>>) target_semaphore(%run_scoped3A : memref<!tpu.dma_semaphore, #tpu.memory_space<semaphore_mem>>)
      %dma_wait3A_40 = arith.constant 0 : i32
      %dma_wait3A_41 = arith.constant 0 : i32
      %dma_wait3A_42 = tpu.memref_slice %arg6[%arg0, %dma_wait3A_40, %dma_wait3A_41] : memref<2x10112x128xf32, #tpu.memory_space<hbm>> -> memref<1x10112x128xf32, #tpu.memory_space<hbm>>
      %dma_wait3A_43 = tpu.memref_squeeze %dma_wait3A_42 : memref<1x10112x128xf32, #tpu.memory_space<hbm>> -> memref<10112x128xf32, #tpu.memory_space<hbm>>
      %dma_wait3A_44 = arith.constant 0 : i32
      %dma_wait3A_45 = tpu.memref_slice %dma_wait3A_43[%mul3A_31, %dma_wait3A_44] : memref<10112x128xf32, #tpu.memory_space<hbm>> -> memref<632x128xf32, #tpu.memory_space<hbm>>
      %dma_wait3A_46 = arith.constant 0 : i32
      %dma_wait3A_47 = tpu.memref_slice %arg19[%mul3A_29, %dma_wait3A_46] : memref<10112x128xf32, #tpu.memory_space<vmem_shared>> -> memref<632x128xf32, #tpu.memory_space<vmem_shared>>
      tpu.wait_dma2 semaphore(%run_scoped3A : memref<!tpu.dma_semaphore, #tpu.memory_space<semaphore_mem>>) src(%dma_wait3A_47 : memref<632x128xf32, #tpu.memory_space<vmem_shared>>) dst(%dma_wait3A_45 : memref<632x128xf32, #tpu.memory_space<hbm>>)
      tpu.yield
    }) : () -> ()
    return
  }
}

module attributes {stable_mosaic.version = 14 : i64} {
  func.func @_mm_body(%arg0: i32, %arg1: memref<1000x128xf32, #tpu.memory_space<vmem>>, %arg2: memref<128x128xf32, #tpu.memory_space<vmem>>, %arg3: memref<1000x128xf32, #tpu.memory_space<vmem>>) attributes {dimension_semantics = [#tpu.dimension_semantics<arbitrary>], iteration_bounds = array<i64: 10>, scalar_prefetch = 0 : i64, scratch_operands = 0 : i64, tpu.core_type = #tpu.core_type<tc>, window_params = [{transform_indices = @transform_0, window_bounds = array<i64: 1000, 128>}, {pipeline_mode = #tpu.pipeline_mode<synchronous>, transform_indices = @transform_1, window_bounds = array<i64: 128, 128>}, {transform_indices = @transform_2, window_bounds = array<i64: 1000, 128>}]} {
    %get3A = arith.constant 0 : index
    %get3A_0 = arith.constant 0 : index
    %get3A_1 = vector.load %arg1[%get3A, %get3A_0] : memref<1000x128xf32, #tpu.memory_space<vmem>>, vector<1000x128xf32>
    %get3A_2 = arith.constant 0 : index
    %get3A_3 = arith.constant 0 : index
    %get3A_4 = vector.load %arg2[%get3A_2, %get3A_3] : memref<128x128xf32, #tpu.memory_space<vmem>>, vector<128x128xf32>
    %dot_general3A = arith.constant dense<0.000000e+00> : vector<1000x128xf32>
    %dot_general3A_5 = tpu.matmul %get3A_1, %get3A_4, %dot_general3A {dimension_numbers = #tpu.dot_dimension_numbers<[1], [0], [0], [1], [0, 0, 1, 1], [], []>, transpose_lhs_hint = false} : vector<1000x128xf32>, vector<128x128xf32>, vector<1000x128xf32> -> vector<1000x128xf32>
    %swap3A = arith.constant 0 : index
    %swap3A_6 = arith.constant 0 : index
    %swap3A_7 = vector.load %arg3[%swap3A, %swap3A_6] : memref<1000x128xf32, #tpu.memory_space<vmem>>, vector<1000x128xf32>
    tpu.vector_store %arg3[%swap3A, %swap3A_6], %dot_general3A_5 {strides = array<i32>} : memref<1000x128xf32, #tpu.memory_space<vmem>>, vector<1000x128xf32>,
    return
  }
  func.func @transform_0(%arg0: i32) -> (i32, i32) {
    %c0_i32 = arith.constant 0 : i32
    %c0_i32_0 = arith.constant 0 : i32
    return %arg0, %c0_i32 : i32, i32
  }
  func.func @transform_1(%arg0: i32) -> (i32, i32) {
    %c0_i32 = arith.constant 0 : i32
    %c0_i32_0 = arith.constant 0 : i32
    %c0_i32_1 = arith.constant 0 : i32
    return %c0_i32, %c0_i32_0 : i32, i32
  }
  func.func @transform_2(%arg0: i32) -> (i32, i32) {
    %c0_i32 = arith.constant 0 : i32
    %c0_i32_0 = arith.constant 0 : i32
    return %arg0, %c0_i32 : i32, i32
  }
}

module attributes {stable_mosaic.version = 14 : i64} {
  func.func @_gru_body(%arg0: i32, %arg1: memref<1000x128xf32, #tpu.memory_space<vmem>>, %arg2: memref<2x1000x128xf32, #tpu.memory_space<vmem>>, %arg3: memref<2x1000x32xf32, #tpu.memory_space<vmem>>, %arg4: memref<32x128xf32, #tpu.memory_space<vmem>>, %arg5: memref<128x384xf32, #tpu.memory_space<vmem>>, %arg6: memref<128x384xf32, #tpu.memory_space<vmem>>, %arg7: memref<1x384xf32, #tpu.memory_space<vmem>>, %arg8: memref<1x384xf32, #tpu.memory_space<vmem>>, %arg9: memref<128x128xf32, #tpu.memory_space<vmem>>, %arg10: memref<1000x128xf32, #tpu.memory_space<vmem>>, %arg11: memref<1000x128xf32, #tpu.memory_space<vmem>>) attributes {dimension_semantics = [#tpu.dimension_semantics<arbitrary>], iteration_bounds = array<i64: 10>, scalar_prefetch = 0 : i64, scratch_operands = 0 : i64, tpu.core_type = #tpu.core_type<tc>, window_params = [{transform_indices = @transform_0, window_bounds = array<i64: 1000, 128>}, {transform_indices = @transform_1, window_bounds = array<i64: 2, 1000, 128>}, {transform_indices = @transform_2, window_bounds = array<i64: 2, 1000, 32>}, {pipeline_mode = #tpu.pipeline_mode<synchronous>, transform_indices = @transform_3, window_bounds = array<i64: 32, 128>}, {pipeline_mode = #tpu.pipeline_mode<synchronous>, transform_indices = @transform_4, window_bounds = array<i64: 128, 384>}, {pipeline_mode = #tpu.pipeline_mode<synchronous>, transform_indices = @transform_5, window_bounds = array<i64: 128, 384>}, {pipeline_mode = #tpu.pipeline_mode<synchronous>, transform_indices = @transform_6, window_bounds = array<i64: 1, 384>}, {pipeline_mode = #tpu.pipeline_mode<synchronous>, transform_indices = @transform_7, window_bounds = array<i64: 1, 384>}, {pipeline_mode = #tpu.pipeline_mode<synchronous>, transform_indices = @transform_8, window_bounds = array<i64: 128, 128>}, {transform_indices = @transform_9, window_bounds = array<i64: 1000, 128>}, {transform_indices = @transform_10, window_bounds = array<i64: 1000, 128>}]} {
    %get3A = arith.constant 0 : index
    %get3A_0 = arith.constant 0 : index
    %get3A_1 = vector.load %arg1[%get3A, %get3A_0] : memref<1000x128xf32, #tpu.memory_space<vmem>>, vector<1000x128xf32>
    %get3A_2 = arith.constant 0 : index
    %get3A_3 = arith.constant 0 : index
    %get3A_4 = arith.constant 0 : index
    %get3A_5 = vector.load %arg2[%get3A_2, %get3A_3, %get3A_4] : memref<2x1000x128xf32, #tpu.memory_space<vmem>>, vector<1x1000x128xf32>
    %get3A_6 = vector.shape_cast %get3A_5 : vector<1x1000x128xf32> to vector<1000x128xf32>
    %get3A_7 = arith.constant 1 : index
    %get3A_8 = arith.constant 0 : index
    %get3A_9 = arith.constant 0 : index
    %get3A_10 = vector.load %arg2[%get3A_7, %get3A_8, %get3A_9] : memref<2x1000x128xf32, #tpu.memory_space<vmem>>, vector<1x1000x128xf32>
    %get3A_11 = vector.shape_cast %get3A_10 : vector<1x1000x128xf32> to vector<1000x128xf32>
    %add3A = arith.addf %get3A_6, %get3A_11 : vector<1000x128xf32>
    %get3A_12 = arith.constant 0 : index
    %get3A_13 = arith.constant 0 : index
    %get3A_14 = arith.constant 0 : index
    %get3A_15 = vector.load %arg3[%get3A_12, %get3A_13, %get3A_14] : memref<2x1000x32xf32, #tpu.memory_space<vmem>>, vector<1x1000x32xf32>
    %get3A_16 = vector.shape_cast %get3A_15 : vector<1x1000x32xf32> to vector<1000x32xf32>
    %get3A_17 = arith.constant 1 : index
    %get3A_18 = arith.constant 0 : index
    %get3A_19 = arith.constant 0 : index
    %get3A_20 = vector.load %arg3[%get3A_17, %get3A_18, %get3A_19] : memref<2x1000x32xf32, #tpu.memory_space<vmem>>, vector<1x1000x32xf32>
    %get3A_21 = vector.shape_cast %get3A_20 : vector<1x1000x32xf32> to vector<1000x32xf32>
    %add3A_22 = arith.addf %get3A_16, %get3A_21 : vector<1000x32xf32>
    %get3A_23 = arith.constant 0 : index
    %get3A_24 = arith.constant 0 : index
    %get3A_25 = vector.load %arg4[%get3A_23, %get3A_24] : memref<32x128xf32, #tpu.memory_space<vmem>>, vector<32x128xf32>
    %dot_general3A = arith.constant dense<0.000000e+00> : vector<1000x128xf32>
    %dot_general3A_26 = tpu.matmul %add3A_22, %get3A_25, %dot_general3A {dimension_numbers = #tpu.dot_dimension_numbers<[1], [0], [0], [1], [0, 0, 1, 1], [], []>, transpose_lhs_hint = false} : vector<1000x32xf32>, vector<32x128xf32>, vector<1000x128xf32> -> vector<1000x128xf32>
    %add3A_27 = arith.addf %add3A, %dot_general3A_26 : vector<1000x128xf32>
    %get3A_28 = arith.constant 0 : index
    %get3A_29 = arith.constant 0 : index
    %get3A_30 = vector.load %arg5[%get3A_28, %get3A_29] : memref<128x384xf32, #tpu.memory_space<vmem>>, vector<128x384xf32>
    %dot_general3A_31 = arith.constant dense<0.000000e+00> : vector<1000x384xf32>
    %dot_general3A_32 = tpu.matmul %add3A_27, %get3A_30, %dot_general3A_31 {dimension_numbers = #tpu.dot_dimension_numbers<[1], [0], [0], [1], [0, 0, 1, 1], [], []>, transpose_lhs_hint = false} : vector<1000x128xf32>, vector<128x384xf32>, vector<1000x384xf32> -> vector<1000x384xf32>
    %get3A_33 = arith.constant 0 : index
    %get3A_34 = arith.constant 0 : index
    %get3A_35 = vector.load %arg7[%get3A_33, %get3A_34] : memref<1x384xf32, #tpu.memory_space<vmem>>, vector<1x384xf32>
    %add3A_36 = vector.broadcast %get3A_35 : vector<1x384xf32> to vector<1000x384xf32>
    %add3A_37 = arith.addf %dot_general3A_32, %add3A_36 : vector<1000x384xf32>
    %get3A_38 = arith.constant 0 : index
    %get3A_39 = arith.constant 0 : index
    %get3A_40 = vector.load %arg6[%get3A_38, %get3A_39] : memref<128x384xf32, #tpu.memory_space<vmem>>, vector<128x384xf32>
    %dot_general3A_41 = arith.constant dense<0.000000e+00> : vector<1000x384xf32>
    %dot_general3A_42 = tpu.matmul %get3A_1, %get3A_40, %dot_general3A_41 {dimension_numbers = #tpu.dot_dimension_numbers<[1], [0], [0], [1], [0, 0, 1, 1], [], []>, transpose_lhs_hint = false} : vector<1000x128xf32>, vector<128x384xf32>, vector<1000x384xf32> -> vector<1000x384xf32>
    %get3A_43 = arith.constant 0 : index
    %get3A_44 = arith.constant 0 : index
    %get3A_45 = vector.load %arg8[%get3A_43, %get3A_44] : memref<1x384xf32, #tpu.memory_space<vmem>>, vector<1x384xf32>
    %add3A_46 = vector.broadcast %get3A_45 : vector<1x384xf32> to vector<1000x384xf32>
    %add3A_47 = arith.addf %dot_general3A_42, %add3A_46 : vector<1000x384xf32>
    %slice3A = vector.extract_strided_slice %add3A_37 {offsets = [0, 0], sizes = [1000, 128], strides = [1, 1]} : vector<1000x384xf32> to vector<1000x128xf32>
    %slice3A_48 = vector.extract_strided_slice %add3A_47 {offsets = [0, 0], sizes = [1000, 128], strides = [1, 1]} : vector<1000x384xf32> to vector<1000x128xf32>
    %add3A_49 = arith.addf %slice3A, %slice3A_48 : vector<1000x128xf32>
    %logistic3A = arith.negf %add3A_49 : vector<1000x128xf32>
    %logistic3A_50 = math.exp %logistic3A : vector<1000x128xf32>
    %logistic3A_51 = arith.constant 1.000000e+00 : f32
    %logistic3A_52 = vector.broadcast %logistic3A_51 : f32 to vector<1000x128xf32>
    %logistic3A_53 = arith.addf %logistic3A_52, %logistic3A_50 : vector<1000x128xf32>
    %logistic3A_54 = arith.divf %logistic3A_52, %logistic3A_53 : vector<1000x128xf32>
    %slice3A_55 = vector.extract_strided_slice %add3A_37 {offsets = [0, 128], sizes = [1000, 128], strides = [1, 1]} : vector<1000x384xf32> to vector<1000x128xf32>
    %slice3A_56 = vector.extract_strided_slice %add3A_47 {offsets = [0, 128], sizes = [1000, 128], strides = [1, 1]} : vector<1000x384xf32> to vector<1000x128xf32>
    %add3A_57 = arith.addf %slice3A_55, %slice3A_56 : vector<1000x128xf32>
    %logistic3A_58 = arith.negf %add3A_57 : vector<1000x128xf32>
    %logistic3A_59 = math.exp %logistic3A_58 : vector<1000x128xf32>
    %logistic3A_60 = arith.constant 1.000000e+00 : f32
    %logistic3A_61 = vector.broadcast %logistic3A_60 : f32 to vector<1000x128xf32>
    %logistic3A_62 = arith.addf %logistic3A_61, %logistic3A_59 : vector<1000x128xf32>
    %logistic3A_63 = arith.divf %logistic3A_61, %logistic3A_62 : vector<1000x128xf32>
    %slice3A_64 = vector.extract_strided_slice %add3A_37 {offsets = [0, 256], sizes = [1000, 128], strides = [1, 1]} : vector<1000x384xf32> to vector<1000x128xf32>
    %slice3A_65 = vector.extract_strided_slice %add3A_47 {offsets = [0, 256], sizes = [1000, 128], strides = [1, 1]} : vector<1000x384xf32> to vector<1000x128xf32>
    %mul3A = arith.mulf %logistic3A_54, %slice3A_65 : vector<1000x128xf32>
    %add3A_66 = arith.addf %slice3A_64, %mul3A : vector<1000x128xf32>
    %tanh3A = math.tanh %add3A_66 : vector<1000x128xf32>
    %sub3A = arith.constant 1.000000e+00 : f32
    %sub3A_67 = vector.broadcast %sub3A : f32 to vector<1000x128xf32>
    %sub3A_68 = arith.subf %sub3A_67, %logistic3A_63 : vector<1000x128xf32>
    %mul3A_69 = arith.mulf %sub3A_68, %tanh3A : vector<1000x128xf32>
    %mul3A_70 = arith.mulf %logistic3A_63, %get3A_1 : vector<1000x128xf32>
    %add3A_71 = arith.addf %mul3A_69, %mul3A_70 : vector<1000x128xf32>
    %swap3A = arith.constant 0 : index
    %swap3A_72 = arith.constant 0 : index
    %swap3A_73 = vector.load %arg10[%swap3A, %swap3A_72] : memref<1000x128xf32, #tpu.memory_space<vmem>>, vector<1000x128xf32>
    tpu.vector_store %arg10[%swap3A, %swap3A_72], %add3A_71 {strides = array<i32>} : memref<1000x128xf32, #tpu.memory_space<vmem>>, vector<1000x128xf32>,
    %get3A_74 = arith.constant 0 : index
    %get3A_75 = arith.constant 0 : index
    %get3A_76 = vector.load %arg9[%get3A_74, %get3A_75] : memref<128x128xf32, #tpu.memory_space<vmem>>, vector<128x128xf32>
    %dot_general3A_77 = arith.constant dense<0.000000e+00> : vector<1000x128xf32>
    %dot_general3A_78 = tpu.matmul %add3A_71, %get3A_76, %dot_general3A_77 {dimension_numbers = #tpu.dot_dimension_numbers<[1], [0], [0], [1], [0, 0, 1, 1], [], []>, transpose_lhs_hint = false} : vector<1000x128xf32>, vector<128x128xf32>, vector<1000x128xf32> -> vector<1000x128xf32>
    %swap3A_79 = arith.constant 0 : index
    %swap3A_80 = arith.constant 0 : index
    %swap3A_81 = vector.load %arg11[%swap3A_79, %swap3A_80] : memref<1000x128xf32, #tpu.memory_space<vmem>>, vector<1000x128xf32>
    tpu.vector_store %arg11[%swap3A_79, %swap3A_80], %dot_general3A_78 {strides = array<i32>} : memref<1000x128xf32, #tpu.memory_space<vmem>>, vector<1000x128xf32>,
    return
  }
  func.func @transform_0(%arg0: i32) -> (i32, i32) {
    %c0_i32 = arith.constant 0 : i32
    %c0_i32_0 = arith.constant 0 : i32
    return %arg0, %c0_i32 : i32, i32
  }
  func.func @transform_1(%arg0: i32) -> (i32, i32, i32) {
    %c0_i32 = arith.constant 0 : i32
    %c0_i32_0 = arith.constant 0 : i32
    %c0_i32_1 = arith.constant 0 : i32
    return %c0_i32, %arg0, %c0_i32_0 : i32, i32, i32
  }
  func.func @transform_2(%arg0: i32) -> (i32, i32, i32) {
    %c0_i32 = arith.constant 0 : i32
    %c0_i32_0 = arith.constant 0 : i32
    %c0_i32_1 = arith.constant 0 : i32
    return %c0_i32, %arg0, %c0_i32_0 : i32, i32, i32
  }
  func.func @transform_3(%arg0: i32) -> (i32, i32) {
    %c0_i32 = arith.constant 0 : i32
    %c0_i32_0 = arith.constant 0 : i32
    %c0_i32_1 = arith.constant 0 : i32
    return %c0_i32, %c0_i32_0 : i32, i32
  }
  func.func @transform_4(%arg0: i32) -> (i32, i32) {
    %c0_i32 = arith.constant 0 : i32
    %c0_i32_0 = arith.constant 0 : i32
    %c0_i32_1 = arith.constant 0 : i32
    return %c0_i32, %c0_i32_0 : i32, i32
  }
  func.func @transform_5(%arg0: i32) -> (i32, i32) {
    %c0_i32 = arith.constant 0 : i32
    %c0_i32_0 = arith.constant 0 : i32
    %c0_i32_1 = arith.constant 0 : i32
    return %c0_i32, %c0_i32_0 : i32, i32
  }
  func.func @transform_6(%arg0: i32) -> (i32, i32) {
    %c0_i32 = arith.constant 0 : i32
    %c0_i32_0 = arith.constant 0 : i32
    %c0_i32_1 = arith.constant 0 : i32
    return %c0_i32, %c0_i32_0 : i32, i32
  }
  func.func @transform_7(%arg0: i32) -> (i32, i32) {
    %c0_i32 = arith.constant 0 : i32
    %c0_i32_0 = arith.constant 0 : i32
    %c0_i32_1 = arith.constant 0 : i32
    return %c0_i32, %c0_i32_0 : i32, i32
  }
  func.func @transform_8(%arg0: i32) -> (i32, i32) {
    %c0_i32 = arith.constant 0 : i32
    %c0_i32_0 = arith.constant 0 : i32
    %c0_i32_1 = arith.constant 0 : i32
    return %c0_i32, %c0_i32_0 : i32, i32
  }
  func.func @transform_9(%arg0: i32) -> (i32, i32) {
    %c0_i32 = arith.constant 0 : i32
    %c0_i32_0 = arith.constant 0 : i32
    return %arg0, %c0_i32 : i32, i32
  }
  func.func @transform_10(%arg0: i32) -> (i32, i32) {
    %c0_i32 = arith.constant 0 : i32
    %c0_i32_0 = arith.constant 0 : i32
    return %arg0, %c0_i32 : i32, i32
  }
}

module attributes {stable_mosaic.version = 14 : i64} {
  func.func @_gru_body(%arg0: i32, %arg1: memref<1000x128xf32, #tpu.memory_space<vmem>>, %arg2: memref<2x1000x128xf32, #tpu.memory_space<vmem>>, %arg3: memref<2x1000x32xf32, #tpu.memory_space<vmem>>, %arg4: memref<32x128xf32, #tpu.memory_space<vmem>>, %arg5: memref<128x384xf32, #tpu.memory_space<vmem>>, %arg6: memref<128x384xf32, #tpu.memory_space<vmem>>, %arg7: memref<1x384xf32, #tpu.memory_space<vmem>>, %arg8: memref<1x384xf32, #tpu.memory_space<vmem>>, %arg9: memref<128x128xf32, #tpu.memory_space<vmem>>, %arg10: memref<1000x128xf32, #tpu.memory_space<vmem>>, %arg11: memref<1000x128xf32, #tpu.memory_space<vmem>>) attributes {dimension_semantics = [#tpu.dimension_semantics<arbitrary>], iteration_bounds = array<i64: 10>, scalar_prefetch = 0 : i64, scratch_operands = 0 : i64, tpu.core_type = #tpu.core_type<tc>, window_params = [{transform_indices = @transform_0, window_bounds = array<i64: 1000, 128>}, {transform_indices = @transform_1, window_bounds = array<i64: 2, 1000, 128>}, {transform_indices = @transform_2, window_bounds = array<i64: 2, 1000, 32>}, {pipeline_mode = #tpu.pipeline_mode<synchronous>, transform_indices = @transform_3, window_bounds = array<i64: 32, 128>}, {pipeline_mode = #tpu.pipeline_mode<synchronous>, transform_indices = @transform_4, window_bounds = array<i64: 128, 384>}, {pipeline_mode = #tpu.pipeline_mode<synchronous>, transform_indices = @transform_5, window_bounds = array<i64: 128, 384>}, {pipeline_mode = #tpu.pipeline_mode<synchronous>, transform_indices = @transform_6, window_bounds = array<i64: 1, 384>}, {pipeline_mode = #tpu.pipeline_mode<synchronous>, transform_indices = @transform_7, window_bounds = array<i64: 1, 384>}, {pipeline_mode = #tpu.pipeline_mode<synchronous>, transform_indices = @transform_8, window_bounds = array<i64: 128, 128>}, {transform_indices = @transform_9, window_bounds = array<i64: 1000, 128>}, {transform_indices = @transform_10, window_bounds = array<i64: 1000, 128>}]} {
    %get3A = arith.constant 0 : index
    %get3A_0 = arith.constant 0 : index
    %get3A_1 = vector.load %arg1[%get3A, %get3A_0] : memref<1000x128xf32, #tpu.memory_space<vmem>>, vector<1000x128xf32>
    %get3A_2 = arith.constant 0 : index
    %get3A_3 = arith.constant 0 : index
    %get3A_4 = arith.constant 0 : index
    %get3A_5 = vector.load %arg2[%get3A_2, %get3A_3, %get3A_4] : memref<2x1000x128xf32, #tpu.memory_space<vmem>>, vector<1x1000x128xf32>
    %get3A_6 = vector.shape_cast %get3A_5 : vector<1x1000x128xf32> to vector<1000x128xf32>
    %get3A_7 = arith.constant 1 : index
    %get3A_8 = arith.constant 0 : index
    %get3A_9 = arith.constant 0 : index
    %get3A_10 = vector.load %arg2[%get3A_7, %get3A_8, %get3A_9] : memref<2x1000x128xf32, #tpu.memory_space<vmem>>, vector<1x1000x128xf32>
    %get3A_11 = vector.shape_cast %get3A_10 : vector<1x1000x128xf32> to vector<1000x128xf32>
    %add3A = arith.addf %get3A_6, %get3A_11 : vector<1000x128xf32>
    %get3A_12 = arith.constant 0 : index
    %get3A_13 = arith.constant 0 : index
    %get3A_14 = arith.constant 0 : index
    %get3A_15 = vector.load %arg3[%get3A_12, %get3A_13, %get3A_14] : memref<2x1000x32xf32, #tpu.memory_space<vmem>>, vector<1x1000x32xf32>
    %get3A_16 = vector.shape_cast %get3A_15 : vector<1x1000x32xf32> to vector<1000x32xf32>
    %get3A_17 = arith.constant 1 : index
    %get3A_18 = arith.constant 0 : index
    %get3A_19 = arith.constant 0 : index
    %get3A_20 = vector.load %arg3[%get3A_17, %get3A_18, %get3A_19] : memref<2x1000x32xf32, #tpu.memory_space<vmem>>, vector<1x1000x32xf32>
    %get3A_21 = vector.shape_cast %get3A_20 : vector<1x1000x32xf32> to vector<1000x32xf32>
    %add3A_22 = arith.addf %get3A_16, %get3A_21 : vector<1000x32xf32>
    %get3A_23 = arith.constant 0 : index
    %get3A_24 = arith.constant 0 : index
    %get3A_25 = vector.load %arg4[%get3A_23, %get3A_24] : memref<32x128xf32, #tpu.memory_space<vmem>>, vector<32x128xf32>
    %dot_general3A = arith.constant dense<0.000000e+00> : vector<1000x128xf32>
    %dot_general3A_26 = tpu.matmul %add3A_22, %get3A_25, %dot_general3A {dimension_numbers = #tpu.dot_dimension_numbers<[1], [0], [0], [1], [0, 0, 1, 1], [], []>, transpose_lhs_hint = false} : vector<1000x32xf32>, vector<32x128xf32>, vector<1000x128xf32> -> vector<1000x128xf32>
    %add3A_27 = arith.addf %add3A, %dot_general3A_26 : vector<1000x128xf32>
    %get3A_28 = arith.constant 0 : index
    %get3A_29 = arith.constant 0 : index
    %get3A_30 = vector.load %arg5[%get3A_28, %get3A_29] : memref<128x384xf32, #tpu.memory_space<vmem>>, vector<128x384xf32>
    %dot_general3A_31 = arith.constant dense<0.000000e+00> : vector<1000x384xf32>
    %dot_general3A_32 = tpu.matmul %add3A_27, %get3A_30, %dot_general3A_31 {dimension_numbers = #tpu.dot_dimension_numbers<[1], [0], [0], [1], [0, 0, 1, 1], [], []>, transpose_lhs_hint = false} : vector<1000x128xf32>, vector<128x384xf32>, vector<1000x384xf32> -> vector<1000x384xf32>
    %get3A_33 = arith.constant 0 : index
    %get3A_34 = arith.constant 0 : index
    %get3A_35 = vector.load %arg7[%get3A_33, %get3A_34] : memref<1x384xf32, #tpu.memory_space<vmem>>, vector<1x384xf32>
    %add3A_36 = vector.broadcast %get3A_35 : vector<1x384xf32> to vector<1000x384xf32>
    %add3A_37 = arith.addf %dot_general3A_32, %add3A_36 : vector<1000x384xf32>
    %get3A_38 = arith.constant 0 : index
    %get3A_39 = arith.constant 0 : index
    %get3A_40 = vector.load %arg6[%get3A_38, %get3A_39] : memref<128x384xf32, #tpu.memory_space<vmem>>, vector<128x384xf32>
    %dot_general3A_41 = arith.constant dense<0.000000e+00> : vector<1000x384xf32>
    %dot_general3A_42 = tpu.matmul %get3A_1, %get3A_40, %dot_general3A_41 {dimension_numbers = #tpu.dot_dimension_numbers<[1], [0], [0], [1], [0, 0, 1, 1], [], []>, transpose_lhs_hint = false} : vector<1000x128xf32>, vector<128x384xf32>, vector<1000x384xf32> -> vector<1000x384xf32>
    %get3A_43 = arith.constant 0 : index
    %get3A_44 = arith.constant 0 : index
    %get3A_45 = vector.load %arg8[%get3A_43, %get3A_44] : memref<1x384xf32, #tpu.memory_space<vmem>>, vector<1x384xf32>
    %add3A_46 = vector.broadcast %get3A_45 : vector<1x384xf32> to vector<1000x384xf32>
    %add3A_47 = arith.addf %dot_general3A_42, %add3A_46 : vector<1000x384xf32>
    %slice3A = vector.extract_strided_slice %add3A_37 {offsets = [0, 0], sizes = [1000, 128], strides = [1, 1]} : vector<1000x384xf32> to vector<1000x128xf32>
    %slice3A_48 = vector.extract_strided_slice %add3A_47 {offsets = [0, 0], sizes = [1000, 128], strides = [1, 1]} : vector<1000x384xf32> to vector<1000x128xf32>
    %add3A_49 = arith.addf %slice3A, %slice3A_48 : vector<1000x128xf32>
    %logistic3A = arith.negf %add3A_49 : vector<1000x128xf32>
    %logistic3A_50 = math.exp %logistic3A : vector<1000x128xf32>
    %logistic3A_51 = arith.constant 1.000000e+00 : f32
    %logistic3A_52 = vector.broadcast %logistic3A_51 : f32 to vector<1000x128xf32>
    %logistic3A_53 = arith.addf %logistic3A_52, %logistic3A_50 : vector<1000x128xf32>
    %logistic3A_54 = arith.divf %logistic3A_52, %logistic3A_53 : vector<1000x128xf32>
    %slice3A_55 = vector.extract_strided_slice %add3A_37 {offsets = [0, 128], sizes = [1000, 128], strides = [1, 1]} : vector<1000x384xf32> to vector<1000x128xf32>
    %slice3A_56 = vector.extract_strided_slice %add3A_47 {offsets = [0, 128], sizes = [1000, 128], strides = [1, 1]} : vector<1000x384xf32> to vector<1000x128xf32>
    %add3A_57 = arith.addf %slice3A_55, %slice3A_56 : vector<1000x128xf32>
    %logistic3A_58 = arith.negf %add3A_57 : vector<1000x128xf32>
    %logistic3A_59 = math.exp %logistic3A_58 : vector<1000x128xf32>
    %logistic3A_60 = arith.constant 1.000000e+00 : f32
    %logistic3A_61 = vector.broadcast %logistic3A_60 : f32 to vector<1000x128xf32>
    %logistic3A_62 = arith.addf %logistic3A_61, %logistic3A_59 : vector<1000x128xf32>
    %logistic3A_63 = arith.divf %logistic3A_61, %logistic3A_62 : vector<1000x128xf32>
    %slice3A_64 = vector.extract_strided_slice %add3A_37 {offsets = [0, 256], sizes = [1000, 128], strides = [1, 1]} : vector<1000x384xf32> to vector<1000x128xf32>
    %slice3A_65 = vector.extract_strided_slice %add3A_47 {offsets = [0, 256], sizes = [1000, 128], strides = [1, 1]} : vector<1000x384xf32> to vector<1000x128xf32>
    %mul3A = arith.mulf %logistic3A_54, %slice3A_65 : vector<1000x128xf32>
    %add3A_66 = arith.addf %slice3A_64, %mul3A : vector<1000x128xf32>
    %tanh3A = math.tanh %add3A_66 : vector<1000x128xf32>
    %sub3A = arith.constant 1.000000e+00 : f32
    %sub3A_67 = vector.broadcast %sub3A : f32 to vector<1000x128xf32>
    %sub3A_68 = arith.subf %sub3A_67, %logistic3A_63 : vector<1000x128xf32>
    %mul3A_69 = arith.mulf %sub3A_68, %tanh3A : vector<1000x128xf32>
    %mul3A_70 = arith.mulf %logistic3A_63, %get3A_1 : vector<1000x128xf32>
    %add3A_71 = arith.addf %mul3A_69, %mul3A_70 : vector<1000x128xf32>
    %swap3A = arith.constant 0 : index
    %swap3A_72 = arith.constant 0 : index
    %swap3A_73 = vector.load %arg10[%swap3A, %swap3A_72] : memref<1000x128xf32, #tpu.memory_space<vmem>>, vector<1000x128xf32>
    tpu.vector_store %arg10[%swap3A, %swap3A_72], %add3A_71 {strides = array<i32>} : memref<1000x128xf32, #tpu.memory_space<vmem>>, vector<1000x128xf32>,
    return
  }
  func.func @transform_0(%arg0: i32) -> (i32, i32) {
    %c0_i32 = arith.constant 0 : i32
    %c0_i32_0 = arith.constant 0 : i32
    return %arg0, %c0_i32 : i32, i32
  }
  func.func @transform_1(%arg0: i32) -> (i32, i32, i32) {
    %c0_i32 = arith.constant 0 : i32
    %c0_i32_0 = arith.constant 0 : i32
    %c0_i32_1 = arith.constant 0 : i32
    return %c0_i32, %arg0, %c0_i32_0 : i32, i32, i32
  }
  func.func @transform_2(%arg0: i32) -> (i32, i32, i32) {
    %c0_i32 = arith.constant 0 : i32
    %c0_i32_0 = arith.constant 0 : i32
    %c0_i32_1 = arith.constant 0 : i32
    return %c0_i32, %arg0, %c0_i32_0 : i32, i32, i32
  }
  func.func @transform_3(%arg0: i32) -> (i32, i32) {
    %c0_i32 = arith.constant 0 : i32
    %c0_i32_0 = arith.constant 0 : i32
    %c0_i32_1 = arith.constant 0 : i32
    return %c0_i32, %c0_i32_0 : i32, i32
  }
  func.func @transform_4(%arg0: i32) -> (i32, i32) {
    %c0_i32 = arith.constant 0 : i32
    %c0_i32_0 = arith.constant 0 : i32
    %c0_i32_1 = arith.constant 0 : i32
    return %c0_i32, %c0_i32_0 : i32, i32
  }
  func.func @transform_5(%arg0: i32) -> (i32, i32) {
    %c0_i32 = arith.constant 0 : i32
    %c0_i32_0 = arith.constant 0 : i32
    %c0_i32_1 = arith.constant 0 : i32
    return %c0_i32, %c0_i32_0 : i32, i32
  }
  func.func @transform_6(%arg0: i32) -> (i32, i32) {
    %c0_i32 = arith.constant 0 : i32
    %c0_i32_0 = arith.constant 0 : i32
    %c0_i32_1 = arith.constant 0 : i32
    return %c0_i32, %c0_i32_0 : i32, i32
  }
  func.func @transform_7(%arg0: i32) -> (i32, i32) {
    %c0_i32 = arith.constant 0 : i32
    %c0_i32_0 = arith.constant 0 : i32
    %c0_i32_1 = arith.constant 0 : i32
    return %c0_i32, %c0_i32_0 : i32, i32
  }
  func.func @transform_8(%arg0: i32) -> (i32, i32) {
    %c0_i32 = arith.constant 0 : i32
    %c0_i32_0 = arith.constant 0 : i32
    %c0_i32_1 = arith.constant 0 : i32
    return %c0_i32, %c0_i32_0 : i32, i32
  }
  func.func @transform_9(%arg0: i32) -> (i32, i32) {
    %c0_i32 = arith.constant 0 : i32
    %c0_i32_0 = arith.constant 0 : i32
    return %arg0, %c0_i32 : i32, i32
  }
  func.func @transform_10(%arg0: i32) -> (i32, i32) {
    %c0_i32 = arith.constant 0 : i32
    %c0_i32_0 = arith.constant 0 : i32
    return %arg0, %c0_i32 : i32, i32
  }
}

module attributes {stable_mosaic.version = 14 : i64} {
  func.func @_readout_body(%arg0: i32, %arg1: memref<1000x128xf32, #tpu.memory_space<vmem>>, %arg2: memref<128x128xf32, #tpu.memory_space<vmem>>, %arg3: memref<1x128xf32, #tpu.memory_space<vmem>>, %arg4: memref<128x128xf32, #tpu.memory_space<vmem>>, %arg5: memref<1x128xf32, #tpu.memory_space<vmem>>, %arg6: memref<1x128xf32, #tpu.memory_space<vmem>>, %arg7: memref<256x128xf32, #tpu.memory_space<vmem>>, %arg8: memref<1x128xf32, #tpu.memory_space<vmem>>, %arg9: memref<128x64xf32, #tpu.memory_space<vmem>>, %arg10: memref<1x64xf32, #tpu.memory_space<vmem>>, %arg11: memref<1x64xf32, #tpu.memory_space<vmem>>, %arg12: memref<1x128xf32, #tpu.memory_space<vmem>>) attributes {dimension_semantics = [#tpu.dimension_semantics<arbitrary>], iteration_bounds = array<i64: 10>, scalar_prefetch = 0 : i64, scratch_operands = 1 : i64, tpu.core_type = #tpu.core_type<tc>, window_params = [{transform_indices = @transform_0, window_bounds = array<i64: 1000, 128>}, {pipeline_mode = #tpu.pipeline_mode<synchronous>, transform_indices = @transform_1, window_bounds = array<i64: 128, 128>}, {pipeline_mode = #tpu.pipeline_mode<synchronous>, transform_indices = @transform_2, window_bounds = array<i64: 1, 128>}, {pipeline_mode = #tpu.pipeline_mode<synchronous>, transform_indices = @transform_3, window_bounds = array<i64: 128, 128>}, {pipeline_mode = #tpu.pipeline_mode<synchronous>, transform_indices = @transform_4, window_bounds = array<i64: 1, 128>}, {pipeline_mode = #tpu.pipeline_mode<synchronous>, transform_indices = @transform_5, window_bounds = array<i64: 1, 128>}, {pipeline_mode = #tpu.pipeline_mode<synchronous>, transform_indices = @transform_6, window_bounds = array<i64: 256, 128>}, {pipeline_mode = #tpu.pipeline_mode<synchronous>, transform_indices = @transform_7, window_bounds = array<i64: 1, 128>}, {pipeline_mode = #tpu.pipeline_mode<synchronous>, transform_indices = @transform_8, window_bounds = array<i64: 128, 64>}, {pipeline_mode = #tpu.pipeline_mode<synchronous>, transform_indices = @transform_9, window_bounds = array<i64: 1, 64>}, {pipeline_mode = #tpu.pipeline_mode<synchronous>, transform_indices = @transform_10, window_bounds = array<i64: 1, 64>}]} {
    %get3A = arith.constant 0 : index
    %get3A_0 = arith.constant 0 : index
    %get3A_1 = vector.load %arg1[%get3A, %get3A_0] : memref<1000x128xf32, #tpu.memory_space<vmem>>, vector<1000x128xf32>
    %get3A_2 = arith.constant 0 : index
    %get3A_3 = arith.constant 0 : index
    %get3A_4 = vector.load %arg2[%get3A_2, %get3A_3] : memref<128x128xf32, #tpu.memory_space<vmem>>, vector<128x128xf32>
    %dot_general3A = arith.constant dense<0.000000e+00> : vector<1000x128xf32>
    %dot_general3A_5 = tpu.matmul %get3A_1, %get3A_4, %dot_general3A {dimension_numbers = #tpu.dot_dimension_numbers<[1], [0], [0], [1], [0, 0, 1, 1], [], []>, transpose_lhs_hint = false} : vector<1000x128xf32>, vector<128x128xf32>, vector<1000x128xf32> -> vector<1000x128xf32>
    %get3A_6 = arith.constant 0 : index
    %get3A_7 = arith.constant 0 : index
    %get3A_8 = vector.load %arg3[%get3A_6, %get3A_7] : memref<1x128xf32, #tpu.memory_space<vmem>>, vector<1x128xf32>
    %add3A = vector.broadcast %get3A_8 : vector<1x128xf32> to vector<1000x128xf32>
    %add3A_9 = arith.addf %dot_general3A_5, %add3A : vector<1000x128xf32>
    %logistic3A = arith.negf %add3A_9 : vector<1000x128xf32>
    %logistic3A_10 = math.exp %logistic3A : vector<1000x128xf32>
    %logistic3A_11 = arith.constant 1.000000e+00 : f32
    %logistic3A_12 = vector.broadcast %logistic3A_11 : f32 to vector<1000x128xf32>
    %logistic3A_13 = arith.addf %logistic3A_12, %logistic3A_10 : vector<1000x128xf32>
    %logistic3A_14 = arith.divf %logistic3A_12, %logistic3A_13 : vector<1000x128xf32>
    %get3A_15 = arith.constant 0 : index
    %get3A_16 = arith.constant 0 : index
    %get3A_17 = vector.load %arg4[%get3A_15, %get3A_16] : memref<128x128xf32, #tpu.memory_space<vmem>>, vector<128x128xf32>
    %dot_general3A_18 = arith.constant dense<0.000000e+00> : vector<1000x128xf32>
    %dot_general3A_19 = tpu.matmul %get3A_1, %get3A_17, %dot_general3A_18 {dimension_numbers = #tpu.dot_dimension_numbers<[1], [0], [0], [1], [0, 0, 1, 1], [], []>, transpose_lhs_hint = false} : vector<1000x128xf32>, vector<128x128xf32>, vector<1000x128xf32> -> vector<1000x128xf32>
    %get3A_20 = arith.constant 0 : index
    %get3A_21 = arith.constant 0 : index
    %get3A_22 = vector.load %arg5[%get3A_20, %get3A_21] : memref<1x128xf32, #tpu.memory_space<vmem>>, vector<1x128xf32>
    %add3A_23 = vector.broadcast %get3A_22 : vector<1x128xf32> to vector<1000x128xf32>
    %add3A_24 = arith.addf %dot_general3A_19, %add3A_23 : vector<1000x128xf32>
    %tanh3A = math.tanh %add3A_24 : vector<1000x128xf32>
    %mul3A = arith.mulf %logistic3A_14, %tanh3A : vector<1000x128xf32>
    %reduce_sum3A = arith.constant dense<0.000000e+00> : vector<128xf32>
    %reduce_sum3A_25 = vector.multi_reduction <add>, %mul3A, %reduce_sum3A [0] : vector<1000x128xf32> to vector<128xf32>
    %broadcast_in_dim3A = vector.shape_cast %reduce_sum3A_25 : vector<128xf32> to vector<1x128xf32>
    %eq3A = arith.constant 0 : i32
    %eq3A_26 = arith.cmpi eq, %arg0, %eq3A : i32
    %convert_element_type3A = arith.extui %eq3A_26 : i1 to i32
    %cond3A = arith.constant 0 : i32
    %cond3A_27 = arith.cmpi ne, %convert_element_type3A, %cond3A : i32
    scf.if %cond3A_27 {
      %swap3A = arith.constant 0 : index
      %swap3A_37 = arith.constant 0 : index
      %swap3A_38 = vector.load %arg12[%swap3A, %swap3A_37] : memref<1x128xf32, #tpu.memory_space<vmem>>, vector<1x128xf32>
      tpu.vector_store %arg12[%swap3A, %swap3A_37], %broadcast_in_dim3A {strides = array<i32>} : memref<1x128xf32, #tpu.memory_space<vmem>>, vector<1x128xf32>,
    } else {
    }
    %gt3A = arith.constant 0 : i32
    %gt3A_28 = arith.cmpi sgt, %arg0, %gt3A : i32
    %convert_element_type3A_29 = arith.extui %gt3A_28 : i1 to i32
    %cond3A_30 = arith.constant 0 : i32
    %cond3A_31 = arith.cmpi ne, %convert_element_type3A_29, %cond3A_30 : i32
    scf.if %cond3A_31 {
      %get3A_37 = arith.constant 0 : index
      %get3A_38 = arith.constant 0 : index
      %get3A_39 = vector.load %arg12[%get3A_37, %get3A_38] : memref<1x128xf32, #tpu.memory_space<vmem>>, vector<1x128xf32>
      %add3A_40 = arith.addf %get3A_39, %broadcast_in_dim3A : vector<1x128xf32>
      %swap3A = arith.constant 0 : index
      %swap3A_41 = arith.constant 0 : index
      %swap3A_42 = vector.load %arg12[%swap3A, %swap3A_41] : memref<1x128xf32, #tpu.memory_space<vmem>>, vector<1x128xf32>
      tpu.vector_store %arg12[%swap3A, %swap3A_41], %add3A_40 {strides = array<i32>} : memref<1x128xf32, #tpu.memory_space<vmem>>, vector<1x128xf32>,
    } else {
    }
    %eq3A_32 = arith.constant 9 : i32
    %eq3A_33 = arith.cmpi eq, %arg0, %eq3A_32 : i32
    %convert_element_type3A_34 = arith.extui %eq3A_33 : i1 to i32
    %cond3A_35 = arith.constant 0 : i32
    %cond3A_36 = arith.cmpi ne, %convert_element_type3A_34, %cond3A_35 : i32
    scf.if %cond3A_36 {
      %get3A_37 = arith.constant 0 : index
      %get3A_38 = arith.constant 0 : index
      %get3A_39 = vector.load %arg12[%get3A_37, %get3A_38] : memref<1x128xf32, #tpu.memory_space<vmem>>, vector<1x128xf32>
      %get3A_40 = arith.constant 0 : index
      %get3A_41 = arith.constant 0 : index
      %get3A_42 = vector.load %arg6[%get3A_40, %get3A_41] : memref<1x128xf32, #tpu.memory_space<vmem>>, vector<1x128xf32>
      %concatenate3A = tpu.concatenate %get3A_39, %get3A_42 in 1 : vector<1x128xf32>, vector<1x128xf32> -> vector<1x256xf32>
      %get3A_43 = arith.constant 0 : index
      %get3A_44 = arith.constant 0 : index
      %get3A_45 = vector.load %arg7[%get3A_43, %get3A_44] : memref<256x128xf32, #tpu.memory_space<vmem>>, vector<256x128xf32>
      %dot_general3A_46 = arith.constant dense<0.000000e+00> : vector<1x128xf32>
      %dot_general3A_47 = tpu.matmul %concatenate3A, %get3A_45, %dot_general3A_46 {dimension_numbers = #tpu.dot_dimension_numbers<[1], [0], [0], [1], [0, 0, 1, 1], [], []>, transpose_lhs_hint = false} : vector<1x256xf32>, vector<256x128xf32>, vector<1x128xf32> -> vector<1x128xf32>
      %get3A_48 = arith.constant 0 : index
      %get3A_49 = arith.constant 0 : index
      %get3A_50 = vector.load %arg8[%get3A_48, %get3A_49] : memref<1x128xf32, #tpu.memory_space<vmem>>, vector<1x128xf32>
      %add3A_51 = arith.addf %dot_general3A_47, %get3A_50 : vector<1x128xf32>
      %max3A = arith.constant 0.000000e+00 : f32
      %max3A_52 = vector.broadcast %max3A : f32 to vector<1x128xf32>
      %max3A_53 = arith.maximumf %add3A_51, %max3A_52 : vector<1x128xf32>
      %get3A_54 = arith.constant 0 : index
      %get3A_55 = arith.constant 0 : index
      %get3A_56 = vector.load %arg9[%get3A_54, %get3A_55] : memref<128x64xf32, #tpu.memory_space<vmem>>, vector<128x64xf32>
      %dot_general3A_57 = arith.constant dense<0.000000e+00> : vector<1x64xf32>
      %dot_general3A_58 = tpu.matmul %max3A_53, %get3A_56, %dot_general3A_57 {dimension_numbers = #tpu.dot_dimension_numbers<[1], [0], [0], [1], [0, 0, 1, 1], [], []>, transpose_lhs_hint = false} : vector<1x128xf32>, vector<128x64xf32>, vector<1x64xf32> -> vector<1x64xf32>
      %get3A_59 = arith.constant 0 : index
      %get3A_60 = arith.constant 0 : index
      %get3A_61 = vector.load %arg10[%get3A_59, %get3A_60] : memref<1x64xf32, #tpu.memory_space<vmem>>, vector<1x64xf32>
      %add3A_62 = arith.addf %dot_general3A_58, %get3A_61 : vector<1x64xf32>
      %reduce_max3A = arith.constant dense<0xFF800000> : vector<1xf32>
      %reduce_max3A_63 = vector.multi_reduction <maximumf>, %add3A_62, %reduce_max3A [1] : vector<1x64xf32> to vector<1xf32>
      %max3A_64 = arith.constant 0xFF800000 : f32
      %max3A_65 = vector.broadcast %max3A_64 : f32 to vector<1xf32>
      %max3A_66 = arith.maximumf %max3A_65, %reduce_max3A_63 : vector<1xf32>
      %broadcast_in_dim3A_67 = vector.shape_cast %max3A_66 : vector<1xf32> to vector<1x1xf32>
      %sub3A = vector.broadcast %broadcast_in_dim3A_67 : vector<1x1xf32> to vector<1x64xf32>
      %sub3A_68 = arith.subf %add3A_62, %sub3A : vector<1x64xf32>
      %exp3A = math.exp %sub3A_68 : vector<1x64xf32>
      %reduce_sum3A_69 = arith.constant dense<0.000000e+00> : vector<1xf32>
      %reduce_sum3A_70 = vector.multi_reduction <add>, %exp3A, %reduce_sum3A_69 [1] : vector<1x64xf32> to vector<1xf32>
      %broadcast_in_dim3A_71 = vector.shape_cast %reduce_sum3A_70 : vector<1xf32> to vector<1x1xf32>
      %div3A = vector.broadcast %broadcast_in_dim3A_71 : vector<1x1xf32> to vector<1x64xf32>
      %div3A_72 = arith.divf %exp3A, %div3A : vector<1x64xf32>
      %swap3A = arith.constant 0 : index
      %swap3A_73 = arith.constant 0 : index
      %swap3A_74 = vector.load %arg11[%swap3A, %swap3A_73] : memref<1x64xf32, #tpu.memory_space<vmem>>, vector<1x64xf32>
      tpu.vector_store %arg11[%swap3A, %swap3A_73], %div3A_72 {strides = array<i32>} : memref<1x64xf32, #tpu.memory_space<vmem>>, vector<1x64xf32>,
    } else {
    }
    return
  }
  func.func @transform_0(%arg0: i32) -> (i32, i32) {
    %c0_i32 = arith.constant 0 : i32
    %c0_i32_0 = arith.constant 0 : i32
    return %arg0, %c0_i32 : i32, i32
  }
  func.func @transform_1(%arg0: i32) -> (i32, i32) {
    %c0_i32 = arith.constant 0 : i32
    %c0_i32_0 = arith.constant 0 : i32
    %c0_i32_1 = arith.constant 0 : i32
    return %c0_i32, %c0_i32_0 : i32, i32
  }
  func.func @transform_2(%arg0: i32) -> (i32, i32) {
    %c0_i32 = arith.constant 0 : i32
    %c0_i32_0 = arith.constant 0 : i32
    %c0_i32_1 = arith.constant 0 : i32
    return %c0_i32, %c0_i32_0 : i32, i32
  }
  func.func @transform_3(%arg0: i32) -> (i32, i32) {
    %c0_i32 = arith.constant 0 : i32
    %c0_i32_0 = arith.constant 0 : i32
    %c0_i32_1 = arith.constant 0 : i32
    return %c0_i32, %c0_i32_0 : i32, i32
  }
  func.func @transform_4(%arg0: i32) -> (i32, i32) {
    %c0_i32 = arith.constant 0 : i32
    %c0_i32_0 = arith.constant 0 : i32
    %c0_i32_1 = arith.constant 0 : i32
    return %c0_i32, %c0_i32_0 : i32, i32
  }
  func.func @transform_5(%arg0: i32) -> (i32, i32) {
    %c0_i32 = arith.constant 0 : i32
    %c0_i32_0 = arith.constant 0 : i32
    %c0_i32_1 = arith.constant 0 : i32
    return %c0_i32, %c0_i32_0 : i32, i32
  }
  func.func @transform_6(%arg0: i32) -> (i32, i32) {
    %c0_i32 = arith.constant 0 : i32
    %c0_i32_0 = arith.constant 0 : i32
    %c0_i32_1 = arith.constant 0 : i32
    return %c0_i32, %c0_i32_0 : i32, i32
  }
  func.func @transform_7(%arg0: i32) -> (i32, i32) {
    %c0_i32 = arith.constant 0 : i32
    %c0_i32_0 = arith.constant 0 : i32
    %c0_i32_1 = arith.constant 0 : i32
    return %c0_i32, %c0_i32_0 : i32, i32
  }
  func.func @transform_8(%arg0: i32) -> (i32, i32) {
    %c0_i32 = arith.constant 0 : i32
    %c0_i32_0 = arith.constant 0 : i32
    %c0_i32_1 = arith.constant 0 : i32
    return %c0_i32, %c0_i32_0 : i32, i32
  }
  func.func @transform_9(%arg0: i32) -> (i32, i32) {
    %c0_i32 = arith.constant 0 : i32
    %c0_i32_0 = arith.constant 0 : i32
    %c0_i32_1 = arith.constant 0 : i32
    return %c0_i32, %c0_i32_0 : i32, i32
  }
  func.func @transform_10(%arg0: i32) -> (i32, i32) {
    %c0_i32 = arith.constant 0 : i32
    %c0_i32_0 = arith.constant 0 : i32
    %c0_i32_1 = arith.constant 0 : i32
    return %c0_i32, %c0_i32_0 : i32, i32
  }
}

</mosaic_0001>

<sc_bundles>
// kernel: kernel.13.cloned.1.call-start
scs
__scs_entry_jumppad:
0x0: {  	(pc) =	sbr.rel $0x88, $3  }
0x1: {  	(tag) =	ssettag $0x0;
	lr =	simm.s32 $0x1  }
0x2: {  	[smem:$0x3F89] =	sst lr;
	_ =	strace $0xD0000000  }
0x3: {  	_ = 	snop  }
0x4: {  	_ = 	snop  }
0x5: {  	_ = 	snop  }
0x6: {  	_ = 	snop  }
0x7: {  	_ = 	snop  }
__scs_overlays_trampoline_lowered:
0x8: {  	[smem:$0x3F98] =	sst s0  }
0x9: {  	[smem:$0x3F99] =	sst s1  }
0xa: {  	[smem:$0x3F9A] =	sst s2  }
0xb: {  	[smem:$0x3F9B] =	sst s3  }
0xc: {  	[smem:$0x3F9C] =	sst s4  }
0xd: {  	[smem:$0x3F9D] =	sst s5  }
0xe: {  	[smem:$0x3F9E] =	sst s6  }
0xf: {  	[smem:$0x3F9F] =	sst s7  }
0x10: {  	[smem:$0x3FA0] =	sst s8  }
0x11: {  	[smem:$0x3FA1] =	sst s9;
	s0 =	simm.s32 @!p0 $0x0  }
0x12: {  	s1 =	sld [smem:$0x3F87];
	s0 =	simm.s32 @p0 $0x1  }
0x13: {  	[smem:$0x3FA2] =	sst s0;
	s0 =	simm.s32 @!p1 $0x0  }
0x14: {  	s2 =	sld [smem:$0x3F86];
	s0 =	simm.s32 @p1 $0x1  }
0x15: {  	[smem:$0x3FA3] =	sst s0;
	s0 =	simm.s32 @!p2 $0x0  }
0x16: {  	s3 =	sld [smem:$0x3FDB];
	s0 =	simm.s32 @p2 $0x1  }
0x17: {  	s4 =	simm.s32 $0x1BF5;
	[smem:$0x3FA5] =	sst s0  }
0x18: {  	s0 =	sld [smem:$0x3F88];
	_ =	swait.ge [sflag:s4], $0x0  }
0x19: {  	s7 =	sld [smem:$0x3F89]  }
0x1a: {  	s8 =	sadd.s32 $0xFFFFE003, lr  }
0x1b: {  	s9 =	sadd.s32 $0xFFFFFEF7, lr;
	s5 =	simm.s32 $0xFFFFFFFF;
	p2 =	slt.u32 s8, $0xFFFFF086  }
0x1c: {  	p1 =	slt.u32 s9, $0xF7A;
	s5 =	simm.s32 @!p2 $0x0  }
0x1d: {  	s5 =	simm.s32 @p1 $0x1;
	p0 =	seq.s32 s7, s2  }
0x1e: {  	s7 =	smul.u32 @!p0 $0xF7A, s2;
	p2 =	seq.s32 @!p0 s5, $0x0  }
0x1f: {  	s9 =	smul.u32 $0xF7A, s1;
	s8 =	simm.s32 @!p0 $0x1BF5;
	p2 =	por !p2, p0  }
0x20: {  	[sflag:s8] =	ssyncset.s32 @!p0 $0xFFFFF086;
	s6 =	sadd.s32 @!p0 s3, s7;
	s7 =	simm.s32 @!p0 $0x108  }
0x21: {  	s3 =	sadd.s32 s3, s9;
	s6 =	sadd.s32 @!p0 $0x88, s6;
	s7 =	simm.s32 @p2 $0x1082  }
0x22: {  	[simem:s7], [sflag:s8] =	dma.local @!p0 [hbm:s6], $0xF7A  }
0x23: {  	s9 =	sor.u32 $0xD0000000, s2;
	s6 =	simm.s32 $0x108;
	_ =	swait.ge @!p0 [sflag:s8], $0x0  }
0x24: {  	s3 =	sadd.s32 $0x88, s3;
	s6 =	simm.s32 @!p1 $0x1082;
	[sflag:s4] =	ssyncset.s32 $0xFFFFF086  }
0x25: {  	[simem:s6], [sflag:s4] =	dma.local [hbm:s3], $0xF7A  }
0x26: {  	[smem:$0x3F89] =	sst s1;
	(tag) =	ssettag s2;
	_ =	strace s9  }
0x27: {  	s1 =	sld [smem:$0x3F99]  }
0x28: {  	s2 =	sld [smem:$0x3F9A]  }
0x29: {  	s4 =	sld [smem:$0x3F9C]  }
0x2a: {  	p0 =	seq.s32 s5, $0x0;
	s5 =	sld [smem:$0x3F9D]  }
0x2b: {  	s6 =	sld [smem:$0x3F9E]  }
0x2c: {  	s7 =	sld [smem:$0x3F9F]  }
0x2d: {  	s3 =	simm.s32 $0x108;
	s8 =	sld [smem:$0x3FA0]  }
0x2e: {  	s3 =	simm.s32 @!p0 $0x1082;
	s9 =	sld [smem:$0x3FA1]  }
0x2f: {  	lr =	sadd.s32 s0, s3;
	s0 =	sld [smem:$0x3F98]  }
0x30: {  	s3 =	sld [smem:$0x3F9B]  }
0x31: {  	[smem:$0x3FA4] =	sst s10  }
0x32: {  	s10 =	sld [smem:$0x3FA2];
	_ =	sdelay $0x3  }
0x33: {  	p0 =	seq.s32 s10, $0x1;
	s10 =	sld [smem:$0x3FA4];
	_ =	sdelay $0x3  }
0x34: {  	[smem:$0x3FA4] =	sst s10  }
0x35: {  	s10 =	sld [smem:$0x3FA3];
	_ =	sdelay $0x3  }
0x36: {  	p1 =	seq.s32 s10, $0x1;
	s10 =	sld [smem:$0x3FA4];
	_ =	sdelay $0x3  }
0x37: {  	[smem:$0x3FA4] =	sst s10  }
0x38: {  	s10 =	sld [smem:$0x3FA5]  }
0x39: {  	_ = 	snop;
	(pc) =	sbr.ind lr, $3  }
0x3a: {  	_ = 	snop  }
0x3b: {  	_ = 	snop  }
0x3c: {  	p2 =	seq.s32 s10, $0x1;
	s10 =	sld [smem:$0x3FA4]  }
0x3d: {  	_ =	shalt  }
0x3e: {  	_ =	shalt  }
0x3f: {  	_ =	shalt  }
0x40: {  	_ =	shalt  }
0x41: {  	_ =	shalt  }
0x42: {  	_ =	shalt  }
0x43: {  	_ =	shalt  }
0x44: {  	_ =	shalt  }
0x45: {  	_ =	shalt  }
0x46: {  	_ =	shalt  }
0x47: {  	_ =	shalt  }
0x48: {  	_ =	shalt  }
0x49: {  	_ =	shalt  }
0x4a: {  	_ =	shalt  }
0x4b: {  	_ =	shalt  }
0x4c: {  	_ =	shalt  }
0x4d: {  	_ =	shalt  }
0x4e: {  	_ =	shalt  }
0x4f: {  	_ =	shalt  }
0x50: {  	_ =	shalt  }
0x51: {  	_ =	shalt  }
0x52: {  	_ =	shalt  }
0x53: {  	_ =	shalt  }
0x54: {  	_ =	shalt  }
0x55: {  	_ =	shalt  }
0x56: {  	_ =	shalt  }
0x57: {  	_ =	shalt  }
0x58: {  	_ =	shalt  }
0x59: {  	_ =	shalt  }
0x5a: {  	_ =	shalt  }
0x5b: {  	_ =	shalt  }
0x5c: {  	_ =	shalt  }
0x5d: {  	_ =	shalt  }
0x5e: {  	_ =	shalt  }
0x5f: {  	_ =	shalt  }
0x60: {  	_ =	shalt  }
0x61: {  	_ =	shalt  }
0x62: {  	_ =	shalt  }
0x63: {  	_ =	shalt  }
0x64: {  	_ =	shalt  }
0x65: {  	_ =	shalt  }
0x66: {  	_ =	shalt  }
0x67: {  	_ =	shalt  }
0x68: {  	_ =	shalt  }
0x69: {  	_ =	shalt  }
0x6a: {  	_ =	shalt  }
0x6b: {  	_ =	shalt  }
0x6c: {  	_ =	shalt  }
0x6d: {  	_ =	shalt  }
0x6e: {  	_ =	shalt  }
0x6f: {  	_ =	shalt  }
0x70: {  	_ =	shalt  }
0x71: {  	_ =	shalt  }
0x72: {  	_ =	shalt  }
0x73: {  	_ =	shalt  }
0x74: {  	_ =	shalt  }
0x75: {  	_ =	shalt  }
0x76: {  	_ =	shalt  }
0x77: {  	_ =	shalt  }
0x78: {  	_ =	shalt  }
0x79: {  	_ =	shalt  }
0x7a: {  	_ =	shalt  }
0x7b: {  	_ =	shalt  }
0x7c: {  	_ =	shalt  }
0x7d: {  	_ =	shalt  }
0x7e: {  	_ =	shalt  }
0x7f: {  	_ =	shalt  }
0x80: {  	_ =	shalt  }
0x81: {  	_ =	shalt  }
0x82: {  	_ =	shalt  }
0x83: {  	_ =	shalt  }
0x84: {  	_ =	shalt  }
0x85: {  	_ =	shalt  }
0x86: {  	_ =	shalt  }
0x87: {  	_ =	shalt  }
.Lfunc_end0:
.L_simem_size_0:
called_computation_lowered:
.L_overlay_start_0:
0x88: {  	s2 =	sld [smem:$0x3FD9]  }
0x89: {  	s3 =	sld [smem:$0x3FFE];
	_ =	sdelay $0x1  }
0x8a: {  	s1 =	srdreg.scid  }
0x8b: {  	s0 =	sand.u32 $0x1, s1  }
0x8c: {  	s17 =	sshll.u32 s0, $0xA;
	s2 =	sadd.s32 s3, s2  }
0x8d: {  	s2 =	sadd.s32 s2, s17  }
0x8e: {  	[smem:$0x3FB0] =	sst s2  }
0x8f: {  	_ = 	snop  }
0x90: {  	(tm) =	ssettm $0x1  }
0x91: {  	s18 =	sld [smem:$0x3FFB];
	_ =	sdelay $0x3  }
0x92: {  	_ =	strace s18  }
0x93: {  	s2 =	sld [smem:$0x3FFC];
	_ =	sdelay $0x3  }
0x94: {  	_ =	strace s2  }
0x95: {  	s2 =	sld [smem:$0x3FFD];
	_ =	sdelay $0x3  }
0x96: {  	_ =	strace s2  }
0x97: {  	_ =	strace $0x8FFFFFFF  }
0x98: {  	s19 =	sld [smem:$0x3FDB];
	_ =	sdelay $0x1  }
0x99: {  	s20 =	simm.s32 $_scs_section_size  }
0x9a: {  	s4 =	simm.s32 $_size__tile_overlayer_lowered;
	s5 =	simm.s32 $_tile_overlayer_lowered  }
0x9b: {  	s6 =	simm.s32 $0x1BFF;
	s21 =	sshll.u32 s5, $0x1;
	s3 =	sadd.s32 s20, s19  }
0x9c: {  	s22 =	simm.s32 $0x0;
	s4 =	sshll.u32 s4, $0x1;
	s5 =	sadd.s32 s21, s3  }
0x9d: {  	[timem:s22], [sflag:s6] =	dma.local [hbm:s5], s4  }
0x9e: {  	_ =	swait.ge [sflag:s6], s4  }
0x9f: {  	s4 =	ssub.s32 $0x0, s4;
	[sflag:s6] =	ssyncset.done $0x0  }
0xa0: {  	[sflag:s6] =	ssyncadd.s32 s4;
	_ =	sdelay $0x1  }
0xa1: {  	s23 =	simm.s32 $0x1B8B  }
0xa2: {  	_ =	swait.ge [sflag:s23], $0x1  }
0xa3: {  	[sflag:s23] =	ssyncset.done $0x0  }
0xa4: {  	[sflag:s23] =	ssyncadd.s32 $0xFFFFFFFF  }
0xa5: {  	s4 =	sld [smem:$0x0]  }
0xa6: {  	s5 =	sand.u32 $0xFFFFFFFE, s1  }
0xa7: {  	p0 =	sne.s32 s1, s5  }
0xa8: {  	s5 =	sshll.u32 @p0 s5, $0xE  }
0xa9: {  	s5 =	sadd.s32 @p0 $0x11B8D, s5;
	s6 =	sshll.u32 @p0 s4, $0x11  }
0xaa: {  	s5 =	sor.u32 @p0 s6, s5  }
0xab: {  	[sflag:s5] =	ssyncadd.remote.s32 @p0 $0x1;
	_ =	sdelay $0x1  }
0xac: {  	s5 =	simm.s32 @p0 $0x1B8D  }
0xad: {  	_ =	swait.eq @p0 [sflag:s5], $0x1  }
0xae: {  	[sflag:s5] =	ssyncadd.s32 @p0 $0xFFFFFFFF  }
0xaf: {  	s6 =	sshll.u32 @!p0 s1, $0xE  }
0xb0: {  	s6 =	sor.u32 @!p0 $0x4000, s6;
	s5 =	simm.s32 @!p0 $0x1B8D  }
0xb1: {  	s4 =	sshll.u32 @!p0 s4, $0x11;
	s6 =	sadd.s32 @!p0 $0x11B8D, s6;
	_ =	swait.eq @!p0 [sflag:s5], $0x1  }
0xb2: {  	s4 =	sor.u32 @!p0 s4, s6;
	[sflag:s5] =	ssyncadd.s32 @!p0 $0xFFFFFFFF  }
0xb3: {  	s25 =	simm.s32 $0x1B8E;
	s24 =	sld [smem:$0x3FFE];
	[sflag:s4] =	ssyncadd.remote.s32 @!p0 $0x1  }
0xb4: {  	s26 =	simm.s32 $execute0_lowered;
	[smem:$0x3FD2] =	sst s25  }
0xb5: {  	s5 =	sshll.u32 s26, $0x1;
	_ =	strace $0x80000049;
	[dreg:$0x1] =	wrdreg $0xFFFFFFFF  }
0xb6: {  	s28 =	simm.s32 $_size_execute0_lowered;
	s3 =	sadd.s32 s3, s5;
	[dreg:$0x0] =	wrdreg $0x0  }
0xb7: {  	s5 =	sshll.u32 s28, $0x1;
	[dreg:$0x2] =	wrdreg s3  }
0xb8: {  	[dreg:$0x3] =	wrdreg s5  }
0xb9: {  	[dreg:$0x4] =	wrdreg $0xC0  }
0xba: {  	_ =	task [dreg:s22], $0x5FFFF  }
0xbb: {  	[dreg:$0x1] =	wrdreg $0xFFFFFFFF  }
0xbc: {  	[dreg:$0x0] =	wrdreg $0x60  }
0xbd: {  	[dreg:$0x2] =	wrdreg s24  }
0xbe: {  	[dreg:$0x3] =	wrdreg $0x90000  }
0xbf: {  	[dreg:$0x4] =	wrdreg $0x9  }
0xc0: {  	_ =	task.clear_ibuf [dreg:s22], $0x5FFFF;
	_ =	strace $0x90000049  }
0xc1: {  	s29 =	simm.s32 $0x9;
	_ =	strace $0x8000004B  }
0xc2: {  	_ =	swait.ge [sflag:s29], $0x1  }
0xc3: {  	[sflag:s29] =	ssyncadd.s32 $0xFFFFFFFF  }
0xc4: {  	_ =	strace $0x9000004B  }
0xc5: {  	_ =	sfence  }
0xc6: {  	s30 =	sld [smem:$0x0];
	_ =	sdelay $0x2  }
0xc7: {  	s31 =	sshll.u32 s1, $0xD;
	s1 =	sshrl.u32 s1, $0x2  }
0xc8: {  	s4 =	sand.u32 $0x4000, s31;
	s1 =	sadd.s32 s1, s30  }
0xc9: {  	s0 =	sor.u32 s4, s0;
	s1 =	sshll.u32 s1, $0x11  }
0xca: {  	s0 =	sor.u32 s1, s0  }
0xcb: {  	s0 =	sadd.s32 $0x8F2B, s0  }
0xcc: {  	[sflag:s0] =	ssyncadd.remote.s32 $0x1  }
0xcd: {  	_ =	sfence.sel $0xFFFF  }
0xce: {  	[dreg:$0x0] =	wrdreg $0xFFFFFFFF;
	(pc) =	sbr.abs _section_cstart, $3  }
0xcf: {  	[dreg:$0x1] =	wrdreg $0xFFFFFFFF  }
0xd0: {  	_ =	task.clear_ibuf [dreg:s22], $0x2FFFF;
	_ =	strace $0x9FFFFFFF  }
0xd1: {  	(tm) =	ssettm $0x7FFFFFFF  }
tec
execute0_lowered:
.L_overlay_start_1:
0x0: {  	(tag) =	ssettag $0x1  }
0x1: {  	s5 =	rddreg [dreg:$0x0]  }
0x2: {  	s1 =	srdreg.scid;
	s0 =	stileid.u32  }
0x3: {  	s2 =	rddreg [dreg:$0x1];
	s3 =	simm.s32 $0x0;
	s13 =	simm.s32 $0x6800  }
0x4: {  	s14 =	simm.s32 $0x1;
	s15 =	simm.s32 $0x50;
	s16 =	simm.s32 $0x2  }
0x5: {  	s17 =	simm.s32 $0x3E00;
	s4 =	sand.u32 $0x1, s1;
	s1 =	rddreg [dreg:$0x2]  }
0x6: {  	s6 =	sshll.u32 s0, $0x1;
	[smem:$0x7FF] =	sst s3;
	s10 =	smul.u32 $0x4F000, s0  }
0x7: {  	s31 =	sshll.u32 s0, $0x6;
	s19 =	smul.u32 $0x2780, s0;
	s6 =	sor.u32 s4, s6  }
0x8: {  	_ =	strace $0x8000004A;
	s8 =	smul.u32 $0x27800, s4;
	s28 =	ssub.s32 $0x2, s4  }
0x9: {  	s4 =	sadd.s32 $0xA4800, s5;
	s7 =	sshll.u32 s6, $0xB;
	s6 =	smul.u32 $0x27100, s6  }
0xa: {  	s29 =	sshrl.u32 s28, $0x1;
	s30 =	sshrl.u32 s10, $0x2;
	s7 =	sadd.s32 s7, s5  }
0xb: {  	s8 =	sadd.s32 s8, s5;
	s11 =	ssub.s32 s28, s29;
	s10 =	sadd.s32 s30, s2  }
0xc: {  	s9 =	sadd.s32 s6, s5;
	s5 =	sor.u32 $0x1C03, s31;
	s6 =	sadd.s32 $0x94800, s7  }
0xd: {  	s18 =	sadd.s32 $0xA7000, s8;
	s8 =	smax.u32 s11, $0x1;
	s11 =	simm.s32 $0x4000  }
0xe: {  	s7 =	sadd.s32 $0x586800, s9;
	s9 =	sshrl.u32 s10, $0x3;
	s10 =	simm.s32 $0x3  }
0xf: {  	s18 =	sadd.s32 s19, s18;
	s19 =	simm.s32 $0x0;
	s12 =	sadd.s32 $0xA00, s7  }
.LBB2_1:
0x10: {  	[spmem:s9], [sflag:s5] =	dma.local [hbm:s4], $0x2780  }
0x11: {  	_ =	swait.ge [sflag:s10], $0x2780  }
0x12: {  	[sflag:s10] =	ssyncset.done $0x0  }
0x13: {  	[sflag:s10] =	ssyncadd.s32 $0xFFFFD880  }
0x14: {  	[tilespmem:s3], [sflag:$0x3] =	stream.linear.gather [hbm4b:s6+s3], $0x3E80, $0x38;
	[tilespmem:$0xDF00] =	vst v63  }
0x15: {  	_ =	swait.ge [sflag:s10], $0x3E80  }
0x16: {  	[sflag:s10] =	ssyncset.done $0x0  }
0x17: {  	[sflag:s10] =	ssyncadd.s32 $0xFFFFC180  }
0x18: {  	[bflag:$0x0] =	sbarrier.arrive $0xFFFF  }
0x19: {  	[tilespmem:s11], [sflag:$0x1] =	stream.linear.gather [hbm4b:s7+s3], $0x2800, $0x38;
	[tilespmem:$0xDF00] =	vst v63  }
0x1a: {  	s20 =	sadd.s32 $0xFFFFFB00, s12  }
0x1b: {  	[tilespmem:s13], [sflag:$0x2] =	stream.linear.gather [hbm4b:s20+s3], $0x2800, $0x38;
	[tilespmem:$0xDF00] =	vst v63  }
0x1c: {  	_ =	swait.ge [sflag:s14], $0x2800  }
0x1d: {  	[sflag:s14] =	ssyncset.done $0x0  }
0x1e: {  	s30 =	simm.s32 $0x0;
	[sflag:s14] =	ssyncadd.s32 $0xFFFFD800  }
0x1f: {  	[spmem:s2] =	stream.indirect.scatter.add.f32 [tilespmem:s11], [sflag:$0x3], $0x20, s30, s15, $0xb8;
	[tilespmem:$0xDF00] =	vst v63  }
0x20: {  	_ =	swait.ge [sflag:s10], $0xA00  }
0x21: {  	[sflag:s10] =	ssyncset.done $0x0  }
0x22: {  	[sflag:s10] =	ssyncadd.s32 $0xFFFFF600  }
0x23: {  	[tilespmem:s11], [sflag:$0x1] =	stream.linear.gather [hbm4b:s12+s3], $0x2800, $0x38;
	[tilespmem:$0xDF00] =	vst v63  }
0x24: {  	_ =	swait.ge [sflag:s16], $0x2800  }
0x25: {  	[sflag:s16] =	ssyncset.done $0x0  }
0x26: {  	s31 =	simm.s32 $0x80;
	[sflag:s16] =	ssyncadd.s32 $0xFFFFD800  }
0x27: {  	[spmem:s2] =	stream.indirect.scatter.add.f32 [tilespmem:s13], [sflag:$0x3], $0x20, s31, s15, $0xb8;
	[tilespmem:$0xDF00] =	vst v63  }
0x28: {  	s21 =	simm.s32 $0x400;
	_ =	swait.ge [sflag:s10], $0xA00  }
0x29: {  	s22 =	simm.s32 $0x800;
	s20 =	sadd.s32 $0xA00, s12;
	[sflag:s10] =	ssyncset.done $0x0  }
.LBB2_2:
0x2a: {  	p0 =	sne.s32 s22, $0xF400;
	s23 =	sadd.s32 $0xFFFFFB00, s20;
	[sflag:s10] =	ssyncadd.s32 $0xFFFFF600  }
0x2b: {  	[tilespmem:s13], [sflag:$0x2] =	stream.linear.gather [hbm4b:s23+s3], $0x2800, $0x38;
	[tilespmem:$0xDF00] =	vst v63  }
0x2c: {  	s23 =	smov.u32 s22;
	s22 =	sadd.s32 $0x400, s22;
	_ =	swait.ge [sflag:s14], $0x2800  }
0x2d: {  	[sflag:s14] =	ssyncset.done $0x0  }
0x2e: {  	s24 =	sshra.s32 s21, $0x2;
	s21 =	smov.u32 s23;
	[sflag:s14] =	ssyncadd.s32 $0xFFFFD800  }
0x2f: {  	[spmem:s2] =	stream.indirect.scatter.add.f32 [tilespmem:s11], [sflag:$0x3], $0x20, s24, s15, $0xb8;
	[tilespmem:$0xDF00] =	vst v63  }
0x30: {  	_ =	swait.ge [sflag:s10], $0xA00  }
0x31: {  	[sflag:s10] =	ssyncset.done $0x0  }
0x32: {  	[sflag:s10] =	ssyncadd.s32 $0xFFFFF600  }
0x33: {  	[tilespmem:s11], [sflag:$0x1] =	stream.linear.gather [hbm4b:s20+s3], $0x2800, $0x38;
	[tilespmem:$0xDF00] =	vst v63  }
0x34: {  	_ =	swait.ge [sflag:s16], $0x2800  }
.Ltmp0:
0x35: {  	[sflag:s16] =	ssyncset.done $0x0;
	(pc) =	sbr.rel @p0 .LBB2_2-.Ltmp0, $4  }
0x36: {  	s23 =	sadd.s32 $0x80, s24;
	[sflag:s16] =	ssyncadd.s32 $0xFFFFD800  }
0x37: {  	[spmem:s2] =	stream.indirect.scatter.add.f32 [tilespmem:s13], [sflag:$0x3], $0x20, s23, s15, $0xb8;
	[tilespmem:$0xDF00] =	vst v63  }
0x38: {  	_ =	swait.ge [sflag:s10], $0xA00  }
0x39: {  	s20 =	sadd.s32 $0xA00, s20;
	[sflag:s10] =	ssyncset.done $0x0  }
0x3a: {  	s22 =	sadd.s32 $0xFFFFFB00, s20;
	[sflag:s10] =	ssyncadd.s32 $0xFFFFF600  }
0x3b: {  	[tilespmem:s13], [sflag:$0x2] =	stream.linear.gather [hbm4b:s22+s3], $0x2800, $0x38;
	[tilespmem:$0xDF00] =	vst v63  }
0x3c: {  	_ =	swait.ge [sflag:s14], $0x2800  }
0x3d: {  	[sflag:s14] =	ssyncset.done $0x0  }
0x3e: {  	s21 =	sshra.s32 s21, $0x2;
	[sflag:s14] =	ssyncadd.s32 $0xFFFFD800  }
0x3f: {  	[spmem:s2] =	stream.indirect.scatter.add.f32 [tilespmem:s11], [sflag:$0x3], $0x20, s21, s15, $0xb8;
	[tilespmem:$0xDF00] =	vst v63  }
0x40: {  	_ =	swait.ge [sflag:s10], $0xA00  }
0x41: {  	[sflag:s10] =	ssyncset.done $0x0  }
0x42: {  	[sflag:s10] =	ssyncadd.s32 $0xFFFFF600  }
0x43: {  	[tilespmem:s11], [sflag:$0x1] =	stream.linear.gather [hbm4b:s20+s3], $0x2800, $0x38;
	[tilespmem:$0xDF00] =	vst v63  }
0x44: {  	_ =	swait.ge [sflag:s16], $0x2800  }
0x45: {  	[sflag:s16] =	ssyncset.done $0x0  }
0x46: {  	s31 =	sadd.s32 $0x80, s21;
	[sflag:s16] =	ssyncadd.s32 $0xFFFFD800  }
0x47: {  	[spmem:s2] =	stream.indirect.scatter.add.f32 [tilespmem:s13], [sflag:$0x3], $0x20, s31, s15, $0xb8;
	[tilespmem:$0xDF00] =	vst v63  }
0x48: {  	_ =	swait.ge [sflag:s10], $0xA00  }
0x49: {  	[sflag:s10] =	ssyncset.done $0x0  }
0x4a: {  	[sflag:s10] =	ssyncadd.s32 $0xFFFFF600  }
0x4b: {  	_ =	swait.ge [sflag:s14], $0x2800  }
0x4c: {  	[sflag:s14] =	ssyncset.done $0x0  }
0x4d: {  	[sflag:s14] =	ssyncadd.s32 $0xFFFFD800  }
0x4e: {  	[spmem:s2] =	stream.indirect.scatter.add.f32 [tilespmem:s11], [sflag:$0x3], $0x20, s17, s15, $0xb8;
	[tilespmem:$0xDF00] =	vst v63  }
0x4f: {  	_ =	swait.ge [sflag:s10], $0xA00  }
0x50: {  	s19 =	sadd.s32 $0x1, s19;
	[sflag:s10] =	ssyncset.done $0x0  }
0x51: {  	p0 =	sne.s32 s19, s8;
	[sflag:s10] =	ssyncadd.s32 $0xFFFFF600  }
.Ltmp1:
0x52: {  	[bflag:$0x0] =	sbarrier.arrive $0xFFFF;
	(pc) =	sbr.rel @p0 .LBB2_1-.Ltmp1, $4  }
0x53: {  	[hbm:s18], [sflag:s5] =	dma.local [spmem:s9], $0x2780  }
0x54: {  	_ =	swait.ge [sflag:s10], $0x2780  }
0x55: {  	[sflag:s10] =	ssyncset.done $0x0  }
0x56: {  	[sflag:s10] =	ssyncadd.s32 $0xFFFFD880  }
0x57: {  	_ =	sfence.sel $0x180000  }
0x58: {  	[bflag:$0x0] =	sbarrier.arrive $0xFFFF  }
0x59: {  	p0 =	sne.s32 s0, $0x0;
	_ =	strace $0x9000004A  }
0x5a: {  	s0 =	sadd.s32 @!p0 $0x100000, s1;
	[bflag:$0x2] =	sbarrier.arrive $0xFFFF  }
0x5b: {  	[sflag:s0] =	ssyncadd.tile.s32 @!p0 $0x1;
	_ =	shalt  }
.Lfunc_end2:
_tile_overlayer_lowered:
.L_overlay_start_2:
0x5c: {  	(tag) =	ssettag $0x2  }
0x5d: {  	s0 =	rddreg [dreg:$0x0];
	s2 =	stileid.u32  }
0x5e: {  	s1 =	rddreg [dreg:$0x1];
	p0 =	sne.s32 s2, $0x0  }
0x5f: {  	s3 =	rddreg [dreg:$0x2];
	[bflag:$0x3] =	sbarrier.arrive $0xFFFF;
	s2 =	simm.s32 @!p0 $0x1C03  }
0x60: {  	[timem:s3], [sflag:s2] =	dma.local @!p0 [hbm:s0], s1  }
0x61: {  	s0 =	simm.s32 @!p0 $0x3  }
0x62: {  	_ =	swait.ge @!p0 [sflag:s0], s1  }
0x63: {  	s1 =	ssub.s32 @!p0 $0x0, s1;
	[sflag:s0] =	ssyncset.done @!p0 $0x0  }
0x64: {  	[sflag:s0] =	ssyncadd.s32 @!p0 s1  }
0x65: {  	[bflag:$0x3] =	sbarrier.arrive $0xFFFF  }
0x66: {  	_ =	shalt  }

// kernel: kernel.16.cloned.1.call-start
scs
__scs_entry_jumppad:
0x0: {  	(pc) =	sbr.rel $0x88, $3  }
0x1: {  	(tag) =	ssettag $0x0;
	lr =	simm.s32 $0x1  }
0x2: {  	[smem:$0x3F89] =	sst lr;
	_ =	strace $0xD0000000  }
0x3: {  	_ = 	snop  }
0x4: {  	_ = 	snop  }
0x5: {  	_ = 	snop  }
0x6: {  	_ = 	snop  }
0x7: {  	_ = 	snop  }
__scs_overlays_trampoline_lowered:
0x8: {  	[smem:$0x3F98] =	sst s0  }
0x9: {  	[smem:$0x3F99] =	sst s1  }
0xa: {  	[smem:$0x3F9A] =	sst s2  }
0xb: {  	[smem:$0x3F9B] =	sst s3  }
0xc: {  	[smem:$0x3F9C] =	sst s4  }
0xd: {  	[smem:$0x3F9D] =	sst s5  }
0xe: {  	[smem:$0x3F9E] =	sst s6  }
0xf: {  	[smem:$0x3F9F] =	sst s7  }
0x10: {  	[smem:$0x3FA0] =	sst s8  }
0x11: {  	[smem:$0x3FA1] =	sst s9;
	s0 =	simm.s32 @!p0 $0x0  }
0x12: {  	s1 =	sld [smem:$0x3F87];
	s0 =	simm.s32 @p0 $0x1  }
0x13: {  	[smem:$0x3FA2] =	sst s0;
	s0 =	simm.s32 @!p1 $0x0  }
0x14: {  	s2 =	sld [smem:$0x3F86];
	s0 =	simm.s32 @p1 $0x1  }
0x15: {  	[smem:$0x3FA3] =	sst s0;
	s0 =	simm.s32 @!p2 $0x0  }
0x16: {  	s3 =	sld [smem:$0x3FDB];
	s0 =	simm.s32 @p2 $0x1  }
0x17: {  	s4 =	simm.s32 $0x1BF5;
	[smem:$0x3FA5] =	sst s0  }
0x18: {  	s0 =	sld [smem:$0x3F88];
	_ =	swait.ge [sflag:s4], $0x0  }
0x19: {  	s7 =	sld [smem:$0x3F89]  }
0x1a: {  	s8 =	sadd.s32 $0xFFFFE003, lr  }
0x1b: {  	s9 =	sadd.s32 $0xFFFFFEF7, lr;
	s5 =	simm.s32 $0xFFFFFFFF;
	p2 =	slt.u32 s8, $0xFFFFF086  }
0x1c: {  	p1 =	slt.u32 s9, $0xF7A;
	s5 =	simm.s32 @!p2 $0x0  }
0x1d: {  	s5 =	simm.s32 @p1 $0x1;
	p0 =	seq.s32 s7, s2  }
0x1e: {  	s7 =	smul.u32 @!p0 $0xF7A, s2;
	p2 =	seq.s32 @!p0 s5, $0x0  }
0x1f: {  	s9 =	smul.u32 $0xF7A, s1;
	s8 =	simm.s32 @!p0 $0x1BF5;
	p2 =	por !p2, p0  }
0x20: {  	[sflag:s8] =	ssyncset.s32 @!p0 $0xFFFFF086;
	s6 =	sadd.s32 @!p0 s3, s7;
	s7 =	simm.s32 @!p0 $0x108  }
0x21: {  	s3 =	sadd.s32 s3, s9;
	s6 =	sadd.s32 @!p0 $0x88, s6;
	s7 =	simm.s32 @p2 $0x1082  }
0x22: {  	[simem:s7], [sflag:s8] =	dma.local @!p0 [hbm:s6], $0xF7A  }
0x23: {  	s9 =	sor.u32 $0xD0000000, s2;
	s6 =	simm.s32 $0x108;
	_ =	swait.ge @!p0 [sflag:s8], $0x0  }
0x24: {  	s3 =	sadd.s32 $0x88, s3;
	s6 =	simm.s32 @!p1 $0x1082;
	[sflag:s4] =	ssyncset.s32 $0xFFFFF086  }
0x25: {  	[simem:s6], [sflag:s4] =	dma.local [hbm:s3], $0xF7A  }
0x26: {  	[smem:$0x3F89] =	sst s1;
	(tag) =	ssettag s2;
	_ =	strace s9  }
0x27: {  	s1 =	sld [smem:$0x3F99]  }
0x28: {  	s2 =	sld [smem:$0x3F9A]  }
0x29: {  	s4 =	sld [smem:$0x3F9C]  }
0x2a: {  	p0 =	seq.s32 s5, $0x0;
	s5 =	sld [smem:$0x3F9D]  }
0x2b: {  	s6 =	sld [smem:$0x3F9E]  }
0x2c: {  	s7 =	sld [smem:$0x3F9F]  }
0x2d: {  	s3 =	simm.s32 $0x108;
	s8 =	sld [smem:$0x3FA0]  }
0x2e: {  	s3 =	simm.s32 @!p0 $0x1082;
	s9 =	sld [smem:$0x3FA1]  }
0x2f: {  	lr =	sadd.s32 s0, s3;
	s0 =	sld [smem:$0x3F98]  }
0x30: {  	s3 =	sld [smem:$0x3F9B]  }
0x31: {  	[smem:$0x3FA4] =	sst s10  }
0x32: {  	s10 =	sld [smem:$0x3FA2];
	_ =	sdelay $0x3  }
0x33: {  	p0 =	seq.s32 s10, $0x1;
	s10 =	sld [smem:$0x3FA4];
	_ =	sdelay $0x3  }
0x34: {  	[smem:$0x3FA4] =	sst s10  }
0x35: {  	s10 =	sld [smem:$0x3FA3];
	_ =	sdelay $0x3  }
0x36: {  	p1 =	seq.s32 s10, $0x1;
	s10 =	sld [smem:$0x3FA4];
	_ =	sdelay $0x3  }
0x37: {  	[smem:$0x3FA4] =	sst s10  }
0x38: {  	s10 =	sld [smem:$0x3FA5]  }
0x39: {  	_ = 	snop;
	(pc) =	sbr.ind lr, $3  }
0x3a: {  	_ = 	snop  }
0x3b: {  	_ = 	snop  }
0x3c: {  	p2 =	seq.s32 s10, $0x1;
	s10 =	sld [smem:$0x3FA4]  }
0x3d: {  	_ =	shalt  }
0x3e: {  	_ =	shalt  }
0x3f: {  	_ =	shalt  }
0x40: {  	_ =	shalt  }
0x41: {  	_ =	shalt  }
0x42: {  	_ =	shalt  }
0x43: {  	_ =	shalt  }
0x44: {  	_ =	shalt  }
0x45: {  	_ =	shalt  }
0x46: {  	_ =	shalt  }
0x47: {  	_ =	shalt  }
0x48: {  	_ =	shalt  }
0x49: {  	_ =	shalt  }
0x4a: {  	_ =	shalt  }
0x4b: {  	_ =	shalt  }
0x4c: {  	_ =	shalt  }
0x4d: {  	_ =	shalt  }
0x4e: {  	_ =	shalt  }
0x4f: {  	_ =	shalt  }
0x50: {  	_ =	shalt  }
0x51: {  	_ =	shalt  }
0x52: {  	_ =	shalt  }
0x53: {  	_ =	shalt  }
0x54: {  	_ =	shalt  }
0x55: {  	_ =	shalt  }
0x56: {  	_ =	shalt  }
0x57: {  	_ =	shalt  }
0x58: {  	_ =	shalt  }
0x59: {  	_ =	shalt  }
0x5a: {  	_ =	shalt  }
0x5b: {  	_ =	shalt  }
0x5c: {  	_ =	shalt  }
0x5d: {  	_ =	shalt  }
0x5e: {  	_ =	shalt  }
0x5f: {  	_ =	shalt  }
0x60: {  	_ =	shalt  }
0x61: {  	_ =	shalt  }
0x62: {  	_ =	shalt  }
0x63: {  	_ =	shalt  }
0x64: {  	_ =	shalt  }
0x65: {  	_ =	shalt  }
0x66: {  	_ =	shalt  }
0x67: {  	_ =	shalt  }
0x68: {  	_ =	shalt  }
0x69: {  	_ =	shalt  }
0x6a: {  	_ =	shalt  }
0x6b: {  	_ =	shalt  }
0x6c: {  	_ =	shalt  }
0x6d: {  	_ =	shalt  }
0x6e: {  	_ =	shalt  }
0x6f: {  	_ =	shalt  }
0x70: {  	_ =	shalt  }
0x71: {  	_ =	shalt  }
0x72: {  	_ =	shalt  }
0x73: {  	_ =	shalt  }
0x74: {  	_ =	shalt  }
0x75: {  	_ =	shalt  }
0x76: {  	_ =	shalt  }
0x77: {  	_ =	shalt  }
0x78: {  	_ =	shalt  }
0x79: {  	_ =	shalt  }
0x7a: {  	_ =	shalt  }
0x7b: {  	_ =	shalt  }
0x7c: {  	_ =	shalt  }
0x7d: {  	_ =	shalt  }
0x7e: {  	_ =	shalt  }
0x7f: {  	_ =	shalt  }
0x80: {  	_ =	shalt  }
0x81: {  	_ =	shalt  }
0x82: {  	_ =	shalt  }
0x83: {  	_ =	shalt  }
0x84: {  	_ =	shalt  }
0x85: {  	_ =	shalt  }
0x86: {  	_ =	shalt  }
0x87: {  	_ =	shalt  }
.Lfunc_end0:
.L_simem_size_0:
called_computation.1_lowered:
.L_overlay_start_0:
0x88: {  	s2 =	sld [smem:$0x3FD9]  }
0x89: {  	s3 =	sld [smem:$0x3FFE];
	_ =	sdelay $0x1  }
0x8a: {  	s1 =	srdreg.scid  }
0x8b: {  	s0 =	sand.u32 $0x1, s1  }
0x8c: {  	s16 =	sshll.u32 s0, $0xA;
	s2 =	sadd.s32 s3, s2  }
0x8d: {  	s2 =	sadd.s32 s2, s16  }
0x8e: {  	[smem:$0x3FB0] =	sst s2  }
0x8f: {  	_ = 	snop  }
0x90: {  	(tm) =	ssettm $0x1  }
0x91: {  	s17 =	sld [smem:$0x3FFB];
	_ =	sdelay $0x3  }
0x92: {  	_ =	strace s17  }
0x93: {  	s2 =	sld [smem:$0x3FFC];
	_ =	sdelay $0x3  }
0x94: {  	_ =	strace s2  }
0x95: {  	s2 =	sld [smem:$0x3FFD];
	_ =	sdelay $0x3  }
0x96: {  	_ =	strace s2  }
0x97: {  	_ =	strace $0x8FFFFFFF  }
0x98: {  	s18 =	sld [smem:$0x3FDB];
	_ =	sdelay $0x1  }
0x99: {  	s19 =	simm.s32 $_scs_section_size  }
0x9a: {  	s4 =	simm.s32 $_size__tile_overlayer_lowered;
	s5 =	simm.s32 $_tile_overlayer_lowered  }
0x9b: {  	s22 =	simm.s32 $0x1BFF;
	s21 =	sshll.u32 s5, $0x1;
	s2 =	sadd.s32 s19, s18  }
0x9c: {  	s6 =	simm.s32 $0x0;
	s20 =	sshll.u32 s4, $0x1;
	s4 =	sadd.s32 s21, s2  }
0x9d: {  	[timem:s6], [sflag:s22] =	dma.local [hbm:s4], s20  }
0x9e: {  	_ =	swait.ge [sflag:s22], s20  }
0x9f: {  	s3 =	ssub.s32 $0x0, s20;
	[sflag:s22] =	ssyncset.done $0x0  }
0xa0: {  	[sflag:s22] =	ssyncadd.s32 s3;
	_ =	sdelay $0x1  }
0xa1: {  	s23 =	simm.s32 $0x1B8B  }
0xa2: {  	_ =	swait.ge [sflag:s23], $0x1  }
0xa3: {  	[sflag:s23] =	ssyncset.done $0x0  }
0xa4: {  	s25 =	simm.s32 $0x1B8E;
	s24 =	sld [smem:$0x3FFE];
	[sflag:s23] =	ssyncadd.s32 $0xFFFFFFFF  }
0xa5: {  	s26 =	simm.s32 $execute0_lowered;
	[smem:$0x3FD2] =	sst s25  }
0xa6: {  	s4 =	sshll.u32 s26, $0x1;
	_ =	strace $0x80000046;
	[dreg:$0x1] =	wrdreg $0xFFFFFFFF  }
0xa7: {  	s28 =	simm.s32 $_size_execute0_lowered;
	s2 =	sadd.s32 s2, s4;
	[dreg:$0x0] =	wrdreg $0x0  }
0xa8: {  	s4 =	sshll.u32 s28, $0x1;
	[dreg:$0x2] =	wrdreg s2  }
0xa9: {  	[dreg:$0x3] =	wrdreg s4  }
0xaa: {  	[dreg:$0x4] =	wrdreg $0xC0  }
0xab: {  	_ =	task [dreg:s6], $0x5FFFF  }
0xac: {  	[dreg:$0x1] =	wrdreg $0xFFFFFFFF  }
0xad: {  	[dreg:$0x0] =	wrdreg $0x60  }
0xae: {  	[dreg:$0x2] =	wrdreg s24  }
0xaf: {  	[dreg:$0x3] =	wrdreg $0xAA000  }
0xb0: {  	[dreg:$0x4] =	wrdreg $0xA  }
0xb1: {  	_ =	task.clear_ibuf [dreg:s6], $0x5FFFF;
	_ =	strace $0x90000046  }
0xb2: {  	s29 =	simm.s32 $0xA;
	_ =	strace $0x80000048  }
0xb3: {  	_ =	swait.ge [sflag:s29], $0x1  }
0xb4: {  	[sflag:s29] =	ssyncadd.s32 $0xFFFFFFFF  }
0xb5: {  	_ =	strace $0x90000048  }
0xb6: {  	_ =	sfence  }
0xb7: {  	s30 =	sld [smem:$0x0];
	_ =	sdelay $0x2  }
0xb8: {  	s31 =	sshll.u32 s1, $0xD;
	s1 =	sshrl.u32 s1, $0x2  }
0xb9: {  	s3 =	sand.u32 $0x4000, s31;
	s1 =	sadd.s32 s1, s30  }
0xba: {  	s0 =	sor.u32 s3, s0;
	s1 =	sshll.u32 s1, $0x11  }
0xbb: {  	s0 =	sor.u32 s1, s0  }
0xbc: {  	s0 =	sadd.s32 $0x8F2B, s0  }
0xbd: {  	[sflag:s0] =	ssyncadd.remote.s32 $0x1  }
0xbe: {  	_ =	sfence.sel $0xFFFF  }
0xbf: {  	[dreg:$0x0] =	wrdreg $0xFFFFFFFF;
	(pc) =	sbr.abs _section_cstart, $3  }
0xc0: {  	[dreg:$0x1] =	wrdreg $0xFFFFFFFF  }
0xc1: {  	_ =	task.clear_ibuf [dreg:s6], $0x2FFFF;
	_ =	strace $0x9FFFFFFF  }
0xc2: {  	(tm) =	ssettm $0x7FFFFFFF  }
0xc3: {  	_ =	shalt  }
tec
execute0_lowered:
.L_overlay_start_1:
0x0: {  	(tag) =	ssettag $0x1  }
0x1: {  	s1 =	srdreg.scid  }
0x2: {  	s0 =	stileid.u32;
	s6 =	rddreg [dreg:$0x0]  }
0x3: {  	s2 =	rddreg [dreg:$0x1];
	s3 =	simm.s32 $0x0;
	s13 =	simm.s32 $0x7D  }
0x4: {  	s14 =	simm.s32 $0x2A00;
	s15 =	simm.s32 $0x5;
	s16 =	simm.s32 $0x180  }
0x5: {  	s17 =	simm.s32 $0x80;
	s18 =	simm.s32 $0x6A00;
	s19 =	simm.s32 $0x6  }
0x6: {  	s20 =	simm.s32 $0x7;
	s21 =	simm.s32 $0x3;
	s22 =	simm.s32 $0x100  }
0x7: {  	s23 =	simm.s32 $0x8;
	s28 =	simm.s32 $0x0;
	s7 =	sand.u32 $0x1, s1  }
0x8: {  	s25 =	sshll.u32 s0, $0x1;
	[smem:$0x7FF] =	sst s3;
	s10 =	smul.u32 $0x4F000, s0  }
0x9: {  	s5 =	sadd.s32 $0x43000, s6;
	s31 =	sshll.u32 s0, $0x6;
	s8 =	smul.u32 $0x27800, s7  }
0xa: {  	s4 =	sor.u32 s7, s25;
	s7 =	ssub.s32 $0x2, s7;
	s25 =	smul.u32 $0x2780, s0  }
0xb: {  	_ =	strace $0x80000047;
	s4 =	smul.u32 $0x500, s4;
	s26 =	sshrl.u32 s7, $0x1  }
0xc: {  	s29 =	sshrl.u32 s10, $0x2;
	s11 =	sadd.s32 s8, s6;
	s30 =	ssub.s32 s7, s26  }
.Ltmp0:
0xd: {  	s12 =	sadd.s32 s29, s2;
	s26 =	simm.s32 $0x1;
	(pc) =	sbr.rel .LBB2_1-.Ltmp0, $4  }
0xe: {  	s9 =	sadd.s32 s4, s6;
	s4 =	sadd.s32 $0x1BE00, s6;
	s6 =	sor.u32 $0x1C09, s31  }
0xf: {  	s24 =	sadd.s32 $0x45800, s11;
	s10 =	sshrl.u32 s12, $0x3;
	s11 =	simm.s32 $0x9  }
0x10: {  	s12 =	simm.s32 $0x200;
	s7 =	sadd.s32 $0x11600, s9;
	s8 =	sadd.s32 $0x7600, s9  }
0x11: {  	s9 =	smax.u32 s30, $0x1;
	s24 =	sadd.s32 s25, s24;
	s25 =	simm.s32 $0x4  }
.LBB2_8:
0x12: {  	_ =	swait.ge [sflag:s20], $0x3E80  }
0x13: {  	[sflag:s20] =	ssyncset.done $0x0  }
0x14: {  	[sflag:s20] =	ssyncadd.s32 $0xFFFFC180  }
0x15: {  	_ =	swait.ge [sflag:s23], $0x3E80  }
0x16: {  	s28 =	sadd.s32 $0x1, s28;
	[sflag:s23] =	ssyncset.done $0x0  }
0x17: {  	p0 =	sne.s32 s28, s9;
	[sflag:s23] =	ssyncadd.s32 $0xFFFFC180  }
.Ltmp1:
0x18: {  	[bflag:$0x0] =	sbarrier.arrive $0xFFFF;
	(pc) =	sbr.rel @!p0 .LBB2_9-.Ltmp1, $4  }
0x19: {  	[hbm:s24], [sflag:s6] =	dma.local [spmem:s10], $0x2780  }
0x1a: {  	_ =	swait.ge [sflag:s11], $0x2780  }
0x1b: {  	[sflag:s11] =	ssyncset.done $0x0  }
0x1c: {  	[sflag:s11] =	ssyncadd.s32 $0xFFFFD880  }
.LBB2_1:
0x1d: {  	[spmem:s10], [sflag:s6] =	dma.local [hbm:s5], $0x2780  }
0x1e: {  	_ =	swait.ge [sflag:s11], $0x2780  }
0x1f: {  	[sflag:s11] =	ssyncset.done $0x0  }
0x20: {  	[sflag:s11] =	ssyncadd.s32 $0xFFFFD880  }
0x21: {  	[tilespmem:s12], [sflag:$0x9] =	stream.linear.gather [hbm4b:s7+s3], $0x2800, $0x38;
	[tilespmem:$0x1E600] =	vst v63  }
0x22: {  	_ =	swait.ge [sflag:s11], $0x2800  }
0x23: {  	[sflag:s11] =	ssyncset.done $0x0  }
0x24: {  	[sflag:s11] =	ssyncadd.s32 $0xFFFFD800  }
0x25: {  	[tilespmem:s3], [sflag:$0x9] =	stream.linear.gather [hbm4b:s8+s3], $0x180, $0x38;
	[tilespmem:$0x1E600] =	vst v63  }
0x26: {  	_ =	swait.ge [sflag:s11], $0x180  }
0x27: {  	[sflag:s11] =	ssyncset.done $0x0  }
0x28: {  	[sflag:s11] =	ssyncadd.s32 $0xFFFFFE80  }
0x29: {  	s29 =	simm.s32 $0x300;
	s30 =	simm.s32 $0x0;
	[bflag:$0x0] =	sbarrier.arrive $0xFFFF  }
0x2a: {  	[tilespmem:s14], [sflag:$0x5] =	stream.indirect.gather [hbm4b:s4+s13], $0x80, s3, s13, $0xb8;
	[tilespmem:$0x1E600] =	vst v63  }
.LBB2_2:
0x2b: {  	_ =	swait.ge [sflag:s15], $0x3E80  }
0x2c: {  	s31 =	sadd.s32 $0xFFFFFF00, s29;
	[sflag:s15] =	ssyncset.done $0x0  }
0x2d: {  	s0 =	sand.u32 $0x780, s30;
	s1 =	sadd.s32 $0x30, s30;
	[sflag:s15] =	ssyncadd.s32 $0xFFFFC180  }
0x2e: {  	[spmem:s2] =	stream.indirect.scatter.add.f32 [tilespmem:s14], [sflag:$0x7], $0x80, s31, s13, $0xb8;
	[tilespmem:$0x1E600] =	vst v63  }
0x2f: {  	s1 =	sand.u32 $0x70, s1;
	s31 =	sadd.s32 s8, s0  }
0x30: {  	p0 =	seq.s32 s30, $0x0;
	s1 =	sadd.s32 s1, s31  }
0x31: {  	[tilespmem:s16], [sflag:$0x4] =	stream.linear.gather [hbm4b:s1+s3], $0x80, $0x38;
	[tilespmem:$0x1E600] =	vst v63  }
0x32: {  	s1 =	simm.s32 @!p0 $0x8  }
0x33: {  	_ =	swait.ge @!p0 [sflag:s1], $0x3E80  }
0x34: {  	[sflag:s1] =	ssyncset.done @!p0 $0x0  }
0x35: {  	[sflag:s1] =	ssyncadd.s32 @!p0 $0xFFFFC180;
	s1 =	simm.s32 @!p0 $0x2  }
0x36: {  	_ =	swait.ge @!p0 [sflag:s1], $0x80  }
0x37: {  	[sflag:s1] =	ssyncset.done @!p0 $0x0  }
0x38: {  	p1 =	sne.s32 s30, $0x4C0;
	[sflag:s1] =	ssyncadd.s32 @!p0 $0xFFFFFF80  }
0x39: {  	[tilespmem:s18], [sflag:$0x6] =	stream.indirect.gather [hbm4b:s4+s13], $0x80, s17, s13, $0xb8;
	[tilespmem:$0x1E600] =	vst v63  }
.Ltmp2:
0x3a: {  	_ = 	snop;
	(pc) =	sbr.rel @p1 .LBB2_4-.Ltmp2, $4  }
0x3b: {  	_ =	swait.ge [sflag:s19], $0x3E80  }
0x3c: {  	[sflag:s19] =	ssyncset.done $0x0  }
0x3d: {  	s31 =	sadd.s32 $0xFFFFFF80, s29;
	[sflag:s19] =	ssyncadd.s32 $0xFFFFC180  }
0x3e: {  	[spmem:s2] =	stream.indirect.scatter.add.f32 [tilespmem:s18], [sflag:$0x8], $0x80, s31, s13, $0xb8;
	[tilespmem:$0x1E600] =	vst v63  }
.Ltmp3:
0x3f: {  	(pc) =	sbr.rel .LBB2_5-.Ltmp3, $4  }
0x40: {  	_ = 	snop  }
0x41: {  	_ =	swait.ge [sflag:s20], $0x3E80  }
0x42: {  	[sflag:s20] =	ssyncset.done $0x0  }
0x43: {  	[sflag:s20] =	ssyncadd.s32 $0xFFFFC180  }
.LBB2_4:
0x44: {  	s1 =	sadd.s32 s30, s8  }
.Ltmp4:
0x45: {  	s1 =	sadd.s32 $0x40, s1;
	(pc) =	sbr.rel @p0 .LBB2_6-.Ltmp4, $4  }
0x46: {  	[tilespmem:s3], [sflag:$0x1] =	stream.linear.gather [hbm4b:s1+s3], $0x80, $0x38;
	[tilespmem:$0x1E600] =	vst v63  }
0x47: {  	_ =	swait.ge [sflag:s20], $0x3E80  }
0x48: {  	[sflag:s20] =	ssyncset.done $0x0  }
0x49: {  	[sflag:s20] =	ssyncadd.s32 $0xFFFFC180  }
.LBB2_5:
0x4a: {  	_ =	swait.ge [sflag:s21], $0x80  }
0x4b: {  	[sflag:s21] =	ssyncset.done $0x0  }
0x4c: {  	[sflag:s21] =	ssyncadd.s32 $0xFFFFFF80  }
.LBB2_6:
0x4d: {  	[tilespmem:s14], [sflag:$0x5] =	stream.indirect.gather [hbm4b:s4+s13], $0x80, s22, s13, $0xb8;
	[tilespmem:$0x1E600] =	vst v63  }
0x4e: {  	_ =	swait.ge [sflag:s15], $0x3E80  }
0x4f: {  	p0 =	seq.s32 s30, $0x4C0;
	[sflag:s15] =	ssyncset.done $0x0  }
0x50: {  	s1 =	sadd.s32 @!p0 s30, s8;
	[sflag:s15] =	ssyncadd.s32 $0xFFFFC180  }
0x51: {  	[spmem:s2] =	stream.indirect.scatter.add.f32 [tilespmem:s14], [sflag:$0x7], $0x80, s29, s13, $0xb8;
	[tilespmem:$0x1E600] =	vst v63  }
0x52: {  	s31 =	simm.s32 @!p0 $0x0;
	s0 =	simm.s32 @!p0 $0x80;
	s1 =	sadd.s32 @!p0 $0x50, s1  }
0x53: {  	[tilespmem:s0], [sflag:$0x2] =	stream.linear.gather @!p0 [hbm4b:s1+s31], $0x80, $0x38;
	[tilespmem:$0x1E600] =	vst v63  }
0x54: {  	_ =	swait.ge [sflag:s23], $0x3E80  }
0x55: {  	[sflag:s23] =	ssyncset.done $0x0  }
0x56: {  	[sflag:s23] =	ssyncadd.s32 $0xFFFFC180  }
0x57: {  	_ =	swait.ge [sflag:s25], $0x80  }
0x58: {  	[sflag:s25] =	ssyncset.done $0x0  }
0x59: {  	[sflag:s25] =	ssyncadd.s32 $0xFFFFFF80  }
0x5a: {  	[tilespmem:s18], [sflag:$0x6] =	stream.indirect.gather [hbm4b:s4+s13], $0x80, s16, s13, $0xb8;
	[tilespmem:$0x1E600] =	vst v63  }
.Ltmp5:
0x5b: {  	_ = 	snop;
	(pc) =	sbr.rel @p0 .LBB2_8-.Ltmp5, $4  }
0x5c: {  	_ =	swait.ge [sflag:s19], $0x3E80  }
0x5d: {  	[sflag:s19] =	ssyncset.done $0x0  }
0x5e: {  	s31 =	sadd.s32 $0x80, s29;
	[sflag:s19] =	ssyncadd.s32 $0xFFFFC180  }
0x5f: {  	[spmem:s2] =	stream.indirect.scatter.add.f32 [tilespmem:s18], [sflag:$0x8], $0x80, s31, s13, $0xb8;
	[tilespmem:$0x1E600] =	vst v63  }
0x60: {  	s0 =	sadd.s32 s30, s8  }
0x61: {  	s0 =	sadd.s32 $0x60, s0  }
0x62: {  	[tilespmem:s22], [sflag:$0x3] =	stream.linear.gather [hbm4b:s0+s3], $0x80, $0x38;
	[tilespmem:$0x1E600] =	vst v63  }
0x63: {  	_ =	swait.ge [sflag:s20], $0x3E80  }
0x64: {  	[sflag:s20] =	ssyncset.done $0x0  }
.Ltmp6:
0x65: {  	[sflag:s20] =	ssyncadd.s32 $0xFFFFC180;
	(pc) =	sbr.rel .LBB2_2-.Ltmp6, $4  }
0x66: {  	_ =	swait.ge [sflag:s26], $0x80  }
0x67: {  	[sflag:s26] =	ssyncset.done $0x0  }
0x68: {  	s30 =	sadd.s32 $0x40, s30;
	s29 =	sadd.s32 $0x200, s29;
	[sflag:s26] =	ssyncadd.s32 $0xFFFFFF80  }
0x69: {  	[tilespmem:s14], [sflag:$0x5] =	stream.indirect.gather [hbm4b:s4+s13], $0x80, s3, s13, $0xb8;
	[tilespmem:$0x1E600] =	vst v63  }
.LBB2_9:
0x6a: {  	_ =	sfence.sel $0x180000  }
0x6b: {  	[bflag:$0x0] =	sbarrier.arrive $0xFFFF  }
0x6c: {  	_ =	strace $0x90000047  }
0x6d: {  	s0 =	stileid.u32;
	[bflag:$0x2] =	sbarrier.arrive $0xFFFF  }
0x6e: {  	p0 =	sne.s32 s0, $0x0;
	s0 =	rddreg [dreg:$0x2]  }
0x6f: {  	s0 =	sadd.s32 @!p0 $0x100000, s0  }
0x70: {  	[sflag:s0] =	ssyncadd.tile.s32 @!p0 $0x1;
	_ =	shalt  }
.Lfunc_end2:
_tile_overlayer_lowered:
.L_overlay_start_2:
0x71: {  	(tag) =	ssettag $0x2  }
0x72: {  	s0 =	rddreg [dreg:$0x0];
	s2 =	stileid.u32  }
0x73: {  	s1 =	rddreg [dreg:$0x1];
	p0 =	sne.s32 s2, $0x0  }
0x74: {  	s3 =	rddreg [dreg:$0x2];
	[bflag:$0x3] =	sbarrier.arrive $0xFFFF;
	s2 =	simm.s32 @!p0 $0x1C09  }
0x75: {  	[timem:s3], [sflag:s2] =	dma.local @!p0 [hbm:s0], s1  }
0x76: {  	s0 =	simm.s32 @!p0 $0x9  }
0x77: {  	_ =	swait.ge @!p0 [sflag:s0], s1  }
0x78: {  	s1 =	ssub.s32 @!p0 $0x0, s1;
	[sflag:s0] =	ssyncset.done @!p0 $0x0  }
0x79: {  	[sflag:s0] =	ssyncadd.s32 @!p0 s1  }
0x7a: {  	[bflag:$0x3] =	sbarrier.arrive $0xFFFF  }
0x7b: {  	_ =	shalt  }

// kernel: kernel.19.cloned.1.call-start
scs
__scs_entry_jumppad:
0x0: {  	(pc) =	sbr.rel $0x88, $3  }
0x1: {  	(tag) =	ssettag $0x0;
	lr =	simm.s32 $0x1  }
0x2: {  	[smem:$0x3F89] =	sst lr;
	_ =	strace $0xD0000000  }
0x3: {  	_ = 	snop  }
0x4: {  	_ = 	snop  }
0x5: {  	_ = 	snop  }
0x6: {  	_ = 	snop  }
0x7: {  	_ = 	snop  }
__scs_overlays_trampoline_lowered:
0x8: {  	[smem:$0x3F98] =	sst s0  }
0x9: {  	[smem:$0x3F99] =	sst s1  }
0xa: {  	[smem:$0x3F9A] =	sst s2  }
0xb: {  	[smem:$0x3F9B] =	sst s3  }
0xc: {  	[smem:$0x3F9C] =	sst s4  }
0xd: {  	[smem:$0x3F9D] =	sst s5  }
0xe: {  	[smem:$0x3F9E] =	sst s6  }
0xf: {  	[smem:$0x3F9F] =	sst s7  }
0x10: {  	[smem:$0x3FA0] =	sst s8  }
0x11: {  	[smem:$0x3FA1] =	sst s9;
	s0 =	simm.s32 @!p0 $0x0  }
0x12: {  	s1 =	sld [smem:$0x3F87];
	s0 =	simm.s32 @p0 $0x1  }
0x13: {  	[smem:$0x3FA2] =	sst s0;
	s0 =	simm.s32 @!p1 $0x0  }
0x14: {  	s2 =	sld [smem:$0x3F86];
	s0 =	simm.s32 @p1 $0x1  }
0x15: {  	[smem:$0x3FA3] =	sst s0;
	s0 =	simm.s32 @!p2 $0x0  }
0x16: {  	s3 =	sld [smem:$0x3FDB];
	s0 =	simm.s32 @p2 $0x1  }
0x17: {  	s4 =	simm.s32 $0x1BF5;
	[smem:$0x3FA5] =	sst s0  }
0x18: {  	s0 =	sld [smem:$0x3F88];
	_ =	swait.ge [sflag:s4], $0x0  }
0x19: {  	s7 =	sld [smem:$0x3F89]  }
0x1a: {  	s8 =	sadd.s32 $0xFFFFE003, lr  }
0x1b: {  	s9 =	sadd.s32 $0xFFFFFEF7, lr;
	s5 =	simm.s32 $0xFFFFFFFF;
	p2 =	slt.u32 s8, $0xFFFFF086  }
0x1c: {  	p1 =	slt.u32 s9, $0xF7A;
	s5 =	simm.s32 @!p2 $0x0  }
0x1d: {  	s5 =	simm.s32 @p1 $0x1;
	p0 =	seq.s32 s7, s2  }
0x1e: {  	s7 =	smul.u32 @!p0 $0xF7A, s2;
	p2 =	seq.s32 @!p0 s5, $0x0  }
0x1f: {  	s9 =	smul.u32 $0xF7A, s1;
	s8 =	simm.s32 @!p0 $0x1BF5;
	p2 =	por !p2, p0  }
0x20: {  	[sflag:s8] =	ssyncset.s32 @!p0 $0xFFFFF086;
	s6 =	sadd.s32 @!p0 s3, s7;
	s7 =	simm.s32 @!p0 $0x108  }
0x21: {  	s3 =	sadd.s32 s3, s9;
	s6 =	sadd.s32 @!p0 $0x88, s6;
	s7 =	simm.s32 @p2 $0x1082  }
0x22: {  	[simem:s7], [sflag:s8] =	dma.local @!p0 [hbm:s6], $0xF7A  }
0x23: {  	s9 =	sor.u32 $0xD0000000, s2;
	s6 =	simm.s32 $0x108;
	_ =	swait.ge @!p0 [sflag:s8], $0x0  }
0x24: {  	s3 =	sadd.s32 $0x88, s3;
	s6 =	simm.s32 @!p1 $0x1082;
	[sflag:s4] =	ssyncset.s32 $0xFFFFF086  }
0x25: {  	[simem:s6], [sflag:s4] =	dma.local [hbm:s3], $0xF7A  }
0x26: {  	[smem:$0x3F89] =	sst s1;
	(tag) =	ssettag s2;
	_ =	strace s9  }
0x27: {  	s1 =	sld [smem:$0x3F99]  }
0x28: {  	s2 =	sld [smem:$0x3F9A]  }
0x29: {  	s4 =	sld [smem:$0x3F9C]  }
0x2a: {  	p0 =	seq.s32 s5, $0x0;
	s5 =	sld [smem:$0x3F9D]  }
0x2b: {  	s6 =	sld [smem:$0x3F9E]  }
0x2c: {  	s7 =	sld [smem:$0x3F9F]  }
0x2d: {  	s3 =	simm.s32 $0x108;
	s8 =	sld [smem:$0x3FA0]  }
0x2e: {  	s3 =	simm.s32 @!p0 $0x1082;
	s9 =	sld [smem:$0x3FA1]  }
0x2f: {  	lr =	sadd.s32 s0, s3;
	s0 =	sld [smem:$0x3F98]  }
0x30: {  	s3 =	sld [smem:$0x3F9B]  }
0x31: {  	[smem:$0x3FA4] =	sst s10  }
0x32: {  	s10 =	sld [smem:$0x3FA2];
	_ =	sdelay $0x3  }
0x33: {  	p0 =	seq.s32 s10, $0x1;
	s10 =	sld [smem:$0x3FA4];
	_ =	sdelay $0x3  }
0x34: {  	[smem:$0x3FA4] =	sst s10  }
0x35: {  	s10 =	sld [smem:$0x3FA3];
	_ =	sdelay $0x3  }
0x36: {  	p1 =	seq.s32 s10, $0x1;
	s10 =	sld [smem:$0x3FA4];
	_ =	sdelay $0x3  }
0x37: {  	[smem:$0x3FA4] =	sst s10  }
0x38: {  	s10 =	sld [smem:$0x3FA5]  }
0x39: {  	_ = 	snop;
	(pc) =	sbr.ind lr, $3  }
0x3a: {  	_ = 	snop  }
0x3b: {  	_ = 	snop  }
0x3c: {  	p2 =	seq.s32 s10, $0x1;
	s10 =	sld [smem:$0x3FA4]  }
0x3d: {  	_ =	shalt  }
0x3e: {  	_ =	shalt  }
0x3f: {  	_ =	shalt  }
0x40: {  	_ =	shalt  }
0x41: {  	_ =	shalt  }
0x42: {  	_ =	shalt  }
0x43: {  	_ =	shalt  }
0x44: {  	_ =	shalt  }
0x45: {  	_ =	shalt  }
0x46: {  	_ =	shalt  }
0x47: {  	_ =	shalt  }
0x48: {  	_ =	shalt  }
0x49: {  	_ =	shalt  }
0x4a: {  	_ =	shalt  }
0x4b: {  	_ =	shalt  }
0x4c: {  	_ =	shalt  }
0x4d: {  	_ =	shalt  }
0x4e: {  	_ =	shalt  }
0x4f: {  	_ =	shalt  }
0x50: {  	_ =	shalt  }
0x51: {  	_ =	shalt  }
0x52: {  	_ =	shalt  }
0x53: {  	_ =	shalt  }
0x54: {  	_ =	shalt  }
0x55: {  	_ =	shalt  }
0x56: {  	_ =	shalt  }
0x57: {  	_ =	shalt  }
0x58: {  	_ =	shalt  }
0x59: {  	_ =	shalt  }
0x5a: {  	_ =	shalt  }
0x5b: {  	_ =	shalt  }
0x5c: {  	_ =	shalt  }
0x5d: {  	_ =	shalt  }
0x5e: {  	_ =	shalt  }
0x5f: {  	_ =	shalt  }
0x60: {  	_ =	shalt  }
0x61: {  	_ =	shalt  }
0x62: {  	_ =	shalt  }
0x63: {  	_ =	shalt  }
0x64: {  	_ =	shalt  }
0x65: {  	_ =	shalt  }
0x66: {  	_ =	shalt  }
0x67: {  	_ =	shalt  }
0x68: {  	_ =	shalt  }
0x69: {  	_ =	shalt  }
0x6a: {  	_ =	shalt  }
0x6b: {  	_ =	shalt  }
0x6c: {  	_ =	shalt  }
0x6d: {  	_ =	shalt  }
0x6e: {  	_ =	shalt  }
0x6f: {  	_ =	shalt  }
0x70: {  	_ =	shalt  }
0x71: {  	_ =	shalt  }
0x72: {  	_ =	shalt  }
0x73: {  	_ =	shalt  }
0x74: {  	_ =	shalt  }
0x75: {  	_ =	shalt  }
0x76: {  	_ =	shalt  }
0x77: {  	_ =	shalt  }
0x78: {  	_ =	shalt  }
0x79: {  	_ =	shalt  }
0x7a: {  	_ =	shalt  }
0x7b: {  	_ =	shalt  }
0x7c: {  	_ =	shalt  }
0x7d: {  	_ =	shalt  }
0x7e: {  	_ =	shalt  }
0x7f: {  	_ =	shalt  }
0x80: {  	_ =	shalt  }
0x81: {  	_ =	shalt  }
0x82: {  	_ =	shalt  }
0x83: {  	_ =	shalt  }
0x84: {  	_ =	shalt  }
0x85: {  	_ =	shalt  }
0x86: {  	_ =	shalt  }
0x87: {  	_ =	shalt  }
.Lfunc_end0:
.L_simem_size_0:
called_computation.2_lowered:
.L_overlay_start_0:
0x88: {  	s2 =	sld [smem:$0x3FD9]  }
0x89: {  	s3 =	sld [smem:$0x3FFE];
	_ =	sdelay $0x1  }
0x8a: {  	s1 =	srdreg.scid  }
0x8b: {  	s0 =	sand.u32 $0x1, s1  }
0x8c: {  	s16 =	sshll.u32 s0, $0xA;
	s2 =	sadd.s32 s3, s2  }
0x8d: {  	s2 =	sadd.s32 s2, s16  }
0x8e: {  	[smem:$0x3FB0] =	sst s2  }
0x8f: {  	_ = 	snop  }
0x90: {  	(tm) =	ssettm $0x1  }
0x91: {  	s17 =	sld [smem:$0x3FFB];
	_ =	sdelay $0x3  }
0x92: {  	_ =	strace s17  }
0x93: {  	s2 =	sld [smem:$0x3FFC];
	_ =	sdelay $0x3  }
0x94: {  	_ =	strace s2  }
0x95: {  	s2 =	sld [smem:$0x3FFD];
	_ =	sdelay $0x3  }
0x96: {  	_ =	strace s2  }
0x97: {  	_ =	strace $0x8FFFFFFF  }
0x98: {  	s18 =	sld [smem:$0x3FDB];
	_ =	sdelay $0x1  }
0x99: {  	s19 =	simm.s32 $_scs_section_size  }
0x9a: {  	s4 =	simm.s32 $_size__tile_overlayer_lowered;
	s5 =	simm.s32 $_tile_overlayer_lowered  }
0x9b: {  	s22 =	simm.s32 $0x1BFF;
	s21 =	sshll.u32 s5, $0x1;
	s2 =	sadd.s32 s19, s18  }
0x9c: {  	s6 =	simm.s32 $0x0;
	s20 =	sshll.u32 s4, $0x1;
	s4 =	sadd.s32 s21, s2  }
0x9d: {  	[timem:s6], [sflag:s22] =	dma.local [hbm:s4], s20  }
0x9e: {  	_ =	swait.ge [sflag:s22], s20  }
0x9f: {  	s3 =	ssub.s32 $0x0, s20;
	[sflag:s22] =	ssyncset.done $0x0  }
0xa0: {  	[sflag:s22] =	ssyncadd.s32 s3;
	_ =	sdelay $0x1  }
0xa1: {  	s23 =	simm.s32 $0x1B8B  }
0xa2: {  	_ =	swait.ge [sflag:s23], $0x1  }
0xa3: {  	[sflag:s23] =	ssyncset.done $0x0  }
0xa4: {  	s25 =	simm.s32 $0x1B8E;
	s24 =	sld [smem:$0x3FFE];
	[sflag:s23] =	ssyncadd.s32 $0xFFFFFFFF  }
0xa5: {  	s26 =	simm.s32 $execute0_lowered;
	[smem:$0x3FD2] =	sst s25  }
0xa6: {  	s4 =	sshll.u32 s26, $0x1;
	_ =	strace $0x8000004C;
	[dreg:$0x1] =	wrdreg $0xFFFFFFFF  }
0xa7: {  	s28 =	simm.s32 $_size_execute0_lowered;
	s2 =	sadd.s32 s2, s4;
	[dreg:$0x0] =	wrdreg $0x0  }
0xa8: {  	s4 =	sshll.u32 s28, $0x1;
	[dreg:$0x2] =	wrdreg s2  }
0xa9: {  	[dreg:$0x3] =	wrdreg s4  }
0xaa: {  	[dreg:$0x4] =	wrdreg $0xC0  }
0xab: {  	_ =	task [dreg:s6], $0x5FFFF  }
0xac: {  	[dreg:$0x1] =	wrdreg $0xFFFFFFFF  }
0xad: {  	[dreg:$0x0] =	wrdreg $0x60  }
0xae: {  	[dreg:$0x2] =	wrdreg s24  }
0xaf: {  	[dreg:$0x3] =	wrdreg $0xAA000  }
0xb0: {  	[dreg:$0x4] =	wrdreg $0x9  }
0xb1: {  	_ =	task.clear_ibuf [dreg:s6], $0x5FFFF;
	_ =	strace $0x9000004C  }
0xb2: {  	s29 =	simm.s32 $0x9;
	_ =	strace $0x8000004E  }
0xb3: {  	_ =	swait.ge [sflag:s29], $0x1  }
0xb4: {  	[sflag:s29] =	ssyncadd.s32 $0xFFFFFFFF  }
0xb5: {  	_ =	strace $0x9000004E  }
0xb6: {  	_ =	sfence  }
0xb7: {  	s30 =	sld [smem:$0x0];
	_ =	sdelay $0x2  }
0xb8: {  	s31 =	sshll.u32 s1, $0xD;
	s1 =	sshrl.u32 s1, $0x2  }
0xb9: {  	s3 =	sand.u32 $0x4000, s31;
	s1 =	sadd.s32 s1, s30  }
0xba: {  	s0 =	sor.u32 s3, s0;
	s1 =	sshll.u32 s1, $0x11  }
0xbb: {  	s0 =	sor.u32 s1, s0  }
0xbc: {  	s0 =	sadd.s32 $0x8F2B, s0  }
0xbd: {  	[sflag:s0] =	ssyncadd.remote.s32 $0x1  }
0xbe: {  	_ =	sfence.sel $0xFFFF  }
0xbf: {  	[dreg:$0x0] =	wrdreg $0xFFFFFFFF;
	(pc) =	sbr.abs _section_cstart, $3  }
0xc0: {  	[dreg:$0x1] =	wrdreg $0xFFFFFFFF  }
0xc1: {  	_ =	task.clear_ibuf [dreg:s6], $0x2FFFF;
	_ =	strace $0x9FFFFFFF  }
0xc2: {  	(tm) =	ssettm $0x7FFFFFFF  }
0xc3: {  	_ =	shalt  }
tec
execute0_lowered:
.L_overlay_start_1:
0x0: {  	(tag) =	ssettag $0x1  }
0x1: {  	s1 =	srdreg.scid  }
0x2: {  	s0 =	stileid.u32;
	s6 =	rddreg [dreg:$0x0]  }
0x3: {  	s2 =	rddreg [dreg:$0x1];
	s3 =	simm.s32 $0x0;
	s13 =	simm.s32 $0x7D  }
0x4: {  	s14 =	simm.s32 $0x2A00;
	s15 =	simm.s32 $0x5;
	s16 =	simm.s32 $0x180  }
0x5: {  	s17 =	simm.s32 $0x80;
	s18 =	simm.s32 $0x6A00;
	s19 =	simm.s32 $0x6  }
0x6: {  	s20 =	simm.s32 $0x7;
	s21 =	simm.s32 $0x3;
	s22 =	simm.s32 $0x100  }
0x7: {  	s23 =	simm.s32 $0x8;
	s28 =	simm.s32 $0x0;
	s7 =	sand.u32 $0x1, s1  }
0x8: {  	s25 =	sshll.u32 s0, $0x1;
	[smem:$0x7FF] =	sst s3;
	s10 =	smul.u32 $0x4F000, s0  }
0x9: {  	s5 =	sadd.s32 $0x43000, s6;
	s31 =	sshll.u32 s0, $0x6;
	s8 =	smul.u32 $0x27800, s7  }
0xa: {  	s4 =	sor.u32 s7, s25;
	s7 =	ssub.s32 $0x2, s7;
	s25 =	smul.u32 $0x2780, s0  }
0xb: {  	_ =	strace $0x8000004D;
	s4 =	smul.u32 $0x500, s4;
	s26 =	sshrl.u32 s7, $0x1  }
0xc: {  	s29 =	sshrl.u32 s10, $0x2;
	s11 =	sadd.s32 s8, s6;
	s30 =	ssub.s32 s7, s26  }
.Ltmp0:
0xd: {  	s12 =	sadd.s32 s29, s2;
	s26 =	simm.s32 $0x1;
	(pc) =	sbr.rel .LBB2_1-.Ltmp0, $4  }
0xe: {  	s9 =	sadd.s32 s4, s6;
	s4 =	sadd.s32 $0x1B600, s6;
	s6 =	sor.u32 $0x1C09, s31  }
0xf: {  	s24 =	sadd.s32 $0x45800, s11;
	s10 =	sshrl.u32 s12, $0x3;
	s11 =	simm.s32 $0x9  }
0x10: {  	s12 =	simm.s32 $0x200;
	s7 =	sadd.s32 $0x11600, s9;
	s8 =	sadd.s32 $0x7600, s9  }
0x11: {  	s9 =	smax.u32 s30, $0x1;
	s24 =	sadd.s32 s25, s24;
	s25 =	simm.s32 $0x4  }
.LBB2_8:
0x12: {  	_ =	swait.ge [sflag:s20], $0x3E80  }
0x13: {  	[sflag:s20] =	ssyncset.done $0x0  }
0x14: {  	[sflag:s20] =	ssyncadd.s32 $0xFFFFC180  }
0x15: {  	_ =	swait.ge [sflag:s23], $0x3E80  }
0x16: {  	s28 =	sadd.s32 $0x1, s28;
	[sflag:s23] =	ssyncset.done $0x0  }
0x17: {  	p0 =	sne.s32 s28, s9;
	[sflag:s23] =	ssyncadd.s32 $0xFFFFC180  }
.Ltmp1:
0x18: {  	[bflag:$0x0] =	sbarrier.arrive $0xFFFF;
	(pc) =	sbr.rel @!p0 .LBB2_9-.Ltmp1, $4  }
0x19: {  	[hbm:s24], [sflag:s6] =	dma.local [spmem:s10], $0x2780  }
0x1a: {  	_ =	swait.ge [sflag:s11], $0x2780  }
0x1b: {  	[sflag:s11] =	ssyncset.done $0x0  }
0x1c: {  	[sflag:s11] =	ssyncadd.s32 $0xFFFFD880  }
.LBB2_1:
0x1d: {  	[spmem:s10], [sflag:s6] =	dma.local [hbm:s5], $0x2780  }
0x1e: {  	_ =	swait.ge [sflag:s11], $0x2780  }
0x1f: {  	[sflag:s11] =	ssyncset.done $0x0  }
0x20: {  	[sflag:s11] =	ssyncadd.s32 $0xFFFFD880  }
0x21: {  	[tilespmem:s12], [sflag:$0x9] =	stream.linear.gather [hbm4b:s7+s3], $0x2800, $0x38;
	[tilespmem:$0x1E600] =	vst v63  }
0x22: {  	_ =	swait.ge [sflag:s11], $0x2800  }
0x23: {  	[sflag:s11] =	ssyncset.done $0x0  }
0x24: {  	[sflag:s11] =	ssyncadd.s32 $0xFFFFD800  }
0x25: {  	[tilespmem:s3], [sflag:$0x9] =	stream.linear.gather [hbm4b:s8+s3], $0x180, $0x38;
	[tilespmem:$0x1E600] =	vst v63  }
0x26: {  	_ =	swait.ge [sflag:s11], $0x180  }
0x27: {  	[sflag:s11] =	ssyncset.done $0x0  }
0x28: {  	[sflag:s11] =	ssyncadd.s32 $0xFFFFFE80  }
0x29: {  	s29 =	simm.s32 $0x300;
	s30 =	simm.s32 $0x0;
	[bflag:$0x0] =	sbarrier.arrive $0xFFFF  }
0x2a: {  	[tilespmem:s14], [sflag:$0x5] =	stream.indirect.gather [hbm4b:s4+s13], $0x80, s3, s13, $0xb8;
	[tilespmem:$0x1E600] =	vst v63  }
.LBB2_2:
0x2b: {  	_ =	swait.ge [sflag:s15], $0x3E80  }
0x2c: {  	s31 =	sadd.s32 $0xFFFFFF00, s29;
	[sflag:s15] =	ssyncset.done $0x0  }
0x2d: {  	s0 =	sand.u32 $0x780, s30;
	s1 =	sadd.s32 $0x30, s30;
	[sflag:s15] =	ssyncadd.s32 $0xFFFFC180  }
0x2e: {  	[spmem:s2] =	stream.indirect.scatter.add.f32 [tilespmem:s14], [sflag:$0x7], $0x80, s31, s13, $0xb8;
	[tilespmem:$0x1E600] =	vst v63  }
0x2f: {  	s1 =	sand.u32 $0x70, s1;
	s31 =	sadd.s32 s8, s0  }
0x30: {  	p0 =	seq.s32 s30, $0x0;
	s1 =	sadd.s32 s1, s31  }
0x31: {  	[tilespmem:s16], [sflag:$0x4] =	stream.linear.gather [hbm4b:s1+s3], $0x80, $0x38;
	[tilespmem:$0x1E600] =	vst v63  }
0x32: {  	s1 =	simm.s32 @!p0 $0x8  }
0x33: {  	_ =	swait.ge @!p0 [sflag:s1], $0x3E80  }
0x34: {  	[sflag:s1] =	ssyncset.done @!p0 $0x0  }
0x35: {  	[sflag:s1] =	ssyncadd.s32 @!p0 $0xFFFFC180;
	s1 =	simm.s32 @!p0 $0x2  }
0x36: {  	_ =	swait.ge @!p0 [sflag:s1], $0x80  }
0x37: {  	[sflag:s1] =	ssyncset.done @!p0 $0x0  }
0x38: {  	p1 =	sne.s32 s30, $0x4C0;
	[sflag:s1] =	ssyncadd.s32 @!p0 $0xFFFFFF80  }
0x39: {  	[tilespmem:s18], [sflag:$0x6] =	stream.indirect.gather [hbm4b:s4+s13], $0x80, s17, s13, $0xb8;
	[tilespmem:$0x1E600] =	vst v63  }
.Ltmp2:
0x3a: {  	_ = 	snop;
	(pc) =	sbr.rel @p1 .LBB2_4-.Ltmp2, $4  }
0x3b: {  	_ =	swait.ge [sflag:s19], $0x3E80  }
0x3c: {  	[sflag:s19] =	ssyncset.done $0x0  }
0x3d: {  	s31 =	sadd.s32 $0xFFFFFF80, s29;
	[sflag:s19] =	ssyncadd.s32 $0xFFFFC180  }
0x3e: {  	[spmem:s2] =	stream.indirect.scatter.add.f32 [tilespmem:s18], [sflag:$0x8], $0x80, s31, s13, $0xb8;
	[tilespmem:$0x1E600] =	vst v63  }
.Ltmp3:
0x3f: {  	(pc) =	sbr.rel .LBB2_5-.Ltmp3, $4  }
0x40: {  	_ = 	snop  }
0x41: {  	_ =	swait.ge [sflag:s20], $0x3E80  }
0x42: {  	[sflag:s20] =	ssyncset.done $0x0  }
0x43: {  	[sflag:s20] =	ssyncadd.s32 $0xFFFFC180  }
.LBB2_4:
0x44: {  	s1 =	sadd.s32 s30, s8  }
.Ltmp4:
0x45: {  	s1 =	sadd.s32 $0x40, s1;
	(pc) =	sbr.rel @p0 .LBB2_6-.Ltmp4, $4  }
0x46: {  	[tilespmem:s3], [sflag:$0x1] =	stream.linear.gather [hbm4b:s1+s3], $0x80, $0x38;
	[tilespmem:$0x1E600] =	vst v63  }
0x47: {  	_ =	swait.ge [sflag:s20], $0x3E80  }
0x48: {  	[sflag:s20] =	ssyncset.done $0x0  }
0x49: {  	[sflag:s20] =	ssyncadd.s32 $0xFFFFC180  }
.LBB2_5:
0x4a: {  	_ =	swait.ge [sflag:s21], $0x80  }
0x4b: {  	[sflag:s21] =	ssyncset.done $0x0  }
0x4c: {  	[sflag:s21] =	ssyncadd.s32 $0xFFFFFF80  }
.LBB2_6:
0x4d: {  	[tilespmem:s14], [sflag:$0x5] =	stream.indirect.gather [hbm4b:s4+s13], $0x80, s22, s13, $0xb8;
	[tilespmem:$0x1E600] =	vst v63  }
0x4e: {  	_ =	swait.ge [sflag:s15], $0x3E80  }
0x4f: {  	p0 =	seq.s32 s30, $0x4C0;
	[sflag:s15] =	ssyncset.done $0x0  }
0x50: {  	s1 =	sadd.s32 @!p0 s30, s8;
	[sflag:s15] =	ssyncadd.s32 $0xFFFFC180  }
0x51: {  	[spmem:s2] =	stream.indirect.scatter.add.f32 [tilespmem:s14], [sflag:$0x7], $0x80, s29, s13, $0xb8;
	[tilespmem:$0x1E600] =	vst v63  }
0x52: {  	s31 =	simm.s32 @!p0 $0x0;
	s0 =	simm.s32 @!p0 $0x80;
	s1 =	sadd.s32 @!p0 $0x50, s1  }
0x53: {  	[tilespmem:s0], [sflag:$0x2] =	stream.linear.gather @!p0 [hbm4b:s1+s31], $0x80, $0x38;
	[tilespmem:$0x1E600] =	vst v63  }
0x54: {  	_ =	swait.ge [sflag:s23], $0x3E80  }
0x55: {  	[sflag:s23] =	ssyncset.done $0x0  }
0x56: {  	[sflag:s23] =	ssyncadd.s32 $0xFFFFC180  }
0x57: {  	_ =	swait.ge [sflag:s25], $0x80  }
0x58: {  	[sflag:s25] =	ssyncset.done $0x0  }
0x59: {  	[sflag:s25] =	ssyncadd.s32 $0xFFFFFF80  }
0x5a: {  	[tilespmem:s18], [sflag:$0x6] =	stream.indirect.gather [hbm4b:s4+s13], $0x80, s16, s13, $0xb8;
	[tilespmem:$0x1E600] =	vst v63  }
.Ltmp5:
0x5b: {  	_ = 	snop;
	(pc) =	sbr.rel @p0 .LBB2_8-.Ltmp5, $4  }
0x5c: {  	_ =	swait.ge [sflag:s19], $0x3E80  }
0x5d: {  	[sflag:s19] =	ssyncset.done $0x0  }
0x5e: {  	s31 =	sadd.s32 $0x80, s29;
	[sflag:s19] =	ssyncadd.s32 $0xFFFFC180  }
0x5f: {  	[spmem:s2] =	stream.indirect.scatter.add.f32 [tilespmem:s18], [sflag:$0x8], $0x80, s31, s13, $0xb8;
	[tilespmem:$0x1E600] =	vst v63  }
0x60: {  	s0 =	sadd.s32 s30, s8  }
0x61: {  	s0 =	sadd.s32 $0x60, s0  }
0x62: {  	[tilespmem:s22], [sflag:$0x3] =	stream.linear.gather [hbm4b:s0+s3], $0x80, $0x38;
	[tilespmem:$0x1E600] =	vst v63  }
0x63: {  	_ =	swait.ge [sflag:s20], $0x3E80  }
0x64: {  	[sflag:s20] =	ssyncset.done $0x0  }
.Ltmp6:
0x65: {  	[sflag:s20] =	ssyncadd.s32 $0xFFFFC180;
	(pc) =	sbr.rel .LBB2_2-.Ltmp6, $4  }
0x66: {  	_ =	swait.ge [sflag:s26], $0x80  }
0x67: {  	[sflag:s26] =	ssyncset.done $0x0  }
0x68: {  	s30 =	sadd.s32 $0x40, s30;
	s29 =	sadd.s32 $0x200, s29;
	[sflag:s26] =	ssyncadd.s32 $0xFFFFFF80  }
0x69: {  	[tilespmem:s14], [sflag:$0x5] =	stream.indirect.gather [hbm4b:s4+s13], $0x80, s3, s13, $0xb8;
	[tilespmem:$0x1E600] =	vst v63  }
.LBB2_9:
0x6a: {  	_ =	sfence.sel $0x180000  }
0x6b: {  	[bflag:$0x0] =	sbarrier.arrive $0xFFFF  }
0x6c: {  	_ =	strace $0x9000004D  }
0x6d: {  	s0 =	stileid.u32;
	[bflag:$0x2] =	sbarrier.arrive $0xFFFF  }
0x6e: {  	p0 =	sne.s32 s0, $0x0;
	s0 =	rddreg [dreg:$0x2]  }
0x6f: {  	s0 =	sadd.s32 @!p0 $0x100000, s0  }
0x70: {  	[sflag:s0] =	ssyncadd.tile.s32 @!p0 $0x1;
	_ =	shalt  }
.Lfunc_end2:
_tile_overlayer_lowered:
.L_overlay_start_2:
0x71: {  	(tag) =	ssettag $0x2  }
0x72: {  	s0 =	rddreg [dreg:$0x0];
	s2 =	stileid.u32  }
0x73: {  	s1 =	rddreg [dreg:$0x1];
	p0 =	sne.s32 s2, $0x0  }
0x74: {  	s3 =	rddreg [dreg:$0x2];
	[bflag:$0x3] =	sbarrier.arrive $0xFFFF;
	s2 =	simm.s32 @!p0 $0x1C09  }
0x75: {  	[timem:s3], [sflag:s2] =	dma.local @!p0 [hbm:s0], s1  }
0x76: {  	s0 =	simm.s32 @!p0 $0x9  }
0x77: {  	_ =	swait.ge @!p0 [sflag:s0], s1  }
0x78: {  	s1 =	ssub.s32 @!p0 $0x0, s1;
	[sflag:s0] =	ssyncset.done @!p0 $0x0  }
0x79: {  	[sflag:s0] =	ssyncadd.s32 @!p0 s1  }
0x7a: {  	[bflag:$0x3] =	sbarrier.arrive $0xFFFF  }
0x7b: {  	_ =	shalt  }

// kernel: kernel.22.cloned.1.call-start
scs
__scs_entry_jumppad:
0x0: {  	(pc) =	sbr.rel $0x88, $3  }
0x1: {  	(tag) =	ssettag $0x0;
	lr =	simm.s32 $0x1  }
0x2: {  	[smem:$0x3F89] =	sst lr;
	_ =	strace $0xD0000000  }
0x3: {  	_ = 	snop  }
0x4: {  	_ = 	snop  }
0x5: {  	_ = 	snop  }
0x6: {  	_ = 	snop  }
0x7: {  	_ = 	snop  }
__scs_overlays_trampoline_lowered:
0x8: {  	[smem:$0x3F98] =	sst s0  }
0x9: {  	[smem:$0x3F99] =	sst s1  }
0xa: {  	[smem:$0x3F9A] =	sst s2  }
0xb: {  	[smem:$0x3F9B] =	sst s3  }
0xc: {  	[smem:$0x3F9C] =	sst s4  }
0xd: {  	[smem:$0x3F9D] =	sst s5  }
0xe: {  	[smem:$0x3F9E] =	sst s6  }
0xf: {  	[smem:$0x3F9F] =	sst s7  }
0x10: {  	[smem:$0x3FA0] =	sst s8  }
0x11: {  	[smem:$0x3FA1] =	sst s9;
	s0 =	simm.s32 @!p0 $0x0  }
0x12: {  	s1 =	sld [smem:$0x3F87];
	s0 =	simm.s32 @p0 $0x1  }
0x13: {  	[smem:$0x3FA2] =	sst s0;
	s0 =	simm.s32 @!p1 $0x0  }
0x14: {  	s2 =	sld [smem:$0x3F86];
	s0 =	simm.s32 @p1 $0x1  }
0x15: {  	[smem:$0x3FA3] =	sst s0;
	s0 =	simm.s32 @!p2 $0x0  }
0x16: {  	s3 =	sld [smem:$0x3FDB];
	s0 =	simm.s32 @p2 $0x1  }
0x17: {  	s4 =	simm.s32 $0x1BF5;
	[smem:$0x3FA5] =	sst s0  }
0x18: {  	s0 =	sld [smem:$0x3F88];
	_ =	swait.ge [sflag:s4], $0x0  }
0x19: {  	s7 =	sld [smem:$0x3F89]  }
0x1a: {  	s8 =	sadd.s32 $0xFFFFE003, lr  }
0x1b: {  	s9 =	sadd.s32 $0xFFFFFEF7, lr;
	s5 =	simm.s32 $0xFFFFFFFF;
	p2 =	slt.u32 s8, $0xFFFFF086  }
0x1c: {  	p1 =	slt.u32 s9, $0xF7A;
	s5 =	simm.s32 @!p2 $0x0  }
0x1d: {  	s5 =	simm.s32 @p1 $0x1;
	p0 =	seq.s32 s7, s2  }
0x1e: {  	s7 =	smul.u32 @!p0 $0xF7A, s2;
	p2 =	seq.s32 @!p0 s5, $0x0  }
0x1f: {  	s9 =	smul.u32 $0xF7A, s1;
	s8 =	simm.s32 @!p0 $0x1BF5;
	p2 =	por !p2, p0  }
0x20: {  	[sflag:s8] =	ssyncset.s32 @!p0 $0xFFFFF086;
	s6 =	sadd.s32 @!p0 s3, s7;
	s7 =	simm.s32 @!p0 $0x108  }
0x21: {  	s3 =	sadd.s32 s3, s9;
	s6 =	sadd.s32 @!p0 $0x88, s6;
	s7 =	simm.s32 @p2 $0x1082  }
0x22: {  	[simem:s7], [sflag:s8] =	dma.local @!p0 [hbm:s6], $0xF7A  }
0x23: {  	s9 =	sor.u32 $0xD0000000, s2;
	s6 =	simm.s32 $0x108;
	_ =	swait.ge @!p0 [sflag:s8], $0x0  }
0x24: {  	s3 =	sadd.s32 $0x88, s3;
	s6 =	simm.s32 @!p1 $0x1082;
	[sflag:s4] =	ssyncset.s32 $0xFFFFF086  }
0x25: {  	[simem:s6], [sflag:s4] =	dma.local [hbm:s3], $0xF7A  }
0x26: {  	[smem:$0x3F89] =	sst s1;
	(tag) =	ssettag s2;
	_ =	strace s9  }
0x27: {  	s1 =	sld [smem:$0x3F99]  }
0x28: {  	s2 =	sld [smem:$0x3F9A]  }
0x29: {  	s4 =	sld [smem:$0x3F9C]  }
0x2a: {  	p0 =	seq.s32 s5, $0x0;
	s5 =	sld [smem:$0x3F9D]  }
0x2b: {  	s6 =	sld [smem:$0x3F9E]  }
0x2c: {  	s7 =	sld [smem:$0x3F9F]  }
0x2d: {  	s3 =	simm.s32 $0x108;
	s8 =	sld [smem:$0x3FA0]  }
0x2e: {  	s3 =	simm.s32 @!p0 $0x1082;
	s9 =	sld [smem:$0x3FA1]  }
0x2f: {  	lr =	sadd.s32 s0, s3;
	s0 =	sld [smem:$0x3F98]  }
0x30: {  	s3 =	sld [smem:$0x3F9B]  }
0x31: {  	[smem:$0x3FA4] =	sst s10  }
0x32: {  	s10 =	sld [smem:$0x3FA2];
	_ =	sdelay $0x3  }
0x33: {  	p0 =	seq.s32 s10, $0x1;
	s10 =	sld [smem:$0x3FA4];
	_ =	sdelay $0x3  }
0x34: {  	[smem:$0x3FA4] =	sst s10  }
0x35: {  	s10 =	sld [smem:$0x3FA3];
	_ =	sdelay $0x3  }
0x36: {  	p1 =	seq.s32 s10, $0x1;
	s10 =	sld [smem:$0x3FA4];
	_ =	sdelay $0x3  }
0x37: {  	[smem:$0x3FA4] =	sst s10  }
0x38: {  	s10 =	sld [smem:$0x3FA5]  }
0x39: {  	_ = 	snop;
	(pc) =	sbr.ind lr, $3  }
0x3a: {  	_ = 	snop  }
0x3b: {  	_ = 	snop  }
0x3c: {  	p2 =	seq.s32 s10, $0x1;
	s10 =	sld [smem:$0x3FA4]  }
0x3d: {  	_ =	shalt  }
0x3e: {  	_ =	shalt  }
0x3f: {  	_ =	shalt  }
0x40: {  	_ =	shalt  }
0x41: {  	_ =	shalt  }
0x42: {  	_ =	shalt  }
0x43: {  	_ =	shalt  }
0x44: {  	_ =	shalt  }
0x45: {  	_ =	shalt  }
0x46: {  	_ =	shalt  }
0x47: {  	_ =	shalt  }
0x48: {  	_ =	shalt  }
0x49: {  	_ =	shalt  }
0x4a: {  	_ =	shalt  }
0x4b: {  	_ =	shalt  }
0x4c: {  	_ =	shalt  }
0x4d: {  	_ =	shalt  }
0x4e: {  	_ =	shalt  }
0x4f: {  	_ =	shalt  }
0x50: {  	_ =	shalt  }
0x51: {  	_ =	shalt  }
0x52: {  	_ =	shalt  }
0x53: {  	_ =	shalt  }
0x54: {  	_ =	shalt  }
0x55: {  	_ =	shalt  }
0x56: {  	_ =	shalt  }
0x57: {  	_ =	shalt  }
0x58: {  	_ =	shalt  }
0x59: {  	_ =	shalt  }
0x5a: {  	_ =	shalt  }
0x5b: {  	_ =	shalt  }
0x5c: {  	_ =	shalt  }
0x5d: {  	_ =	shalt  }
0x5e: {  	_ =	shalt  }
0x5f: {  	_ =	shalt  }
0x60: {  	_ =	shalt  }
0x61: {  	_ =	shalt  }
0x62: {  	_ =	shalt  }
0x63: {  	_ =	shalt  }
0x64: {  	_ =	shalt  }
0x65: {  	_ =	shalt  }
0x66: {  	_ =	shalt  }
0x67: {  	_ =	shalt  }
0x68: {  	_ =	shalt  }
0x69: {  	_ =	shalt  }
0x6a: {  	_ =	shalt  }
0x6b: {  	_ =	shalt  }
0x6c: {  	_ =	shalt  }
0x6d: {  	_ =	shalt  }
0x6e: {  	_ =	shalt  }
0x6f: {  	_ =	shalt  }
0x70: {  	_ =	shalt  }
0x71: {  	_ =	shalt  }
0x72: {  	_ =	shalt  }
0x73: {  	_ =	shalt  }
0x74: {  	_ =	shalt  }
0x75: {  	_ =	shalt  }
0x76: {  	_ =	shalt  }
0x77: {  	_ =	shalt  }
0x78: {  	_ =	shalt  }
0x79: {  	_ =	shalt  }
0x7a: {  	_ =	shalt  }
0x7b: {  	_ =	shalt  }
0x7c: {  	_ =	shalt  }
0x7d: {  	_ =	shalt  }
0x7e: {  	_ =	shalt  }
0x7f: {  	_ =	shalt  }
0x80: {  	_ =	shalt  }
0x81: {  	_ =	shalt  }
0x82: {  	_ =	shalt  }
0x83: {  	_ =	shalt  }
0x84: {  	_ =	shalt  }
0x85: {  	_ =	shalt  }
0x86: {  	_ =	shalt  }
0x87: {  	_ =	shalt  }
.Lfunc_end0:
.L_simem_size_0:
called_computation.3_lowered:
.L_overlay_start_0:
0x88: {  	s2 =	sld [smem:$0x3FD9]  }
0x89: {  	s3 =	sld [smem:$0x3FFE];
	_ =	sdelay $0x1  }
0x8a: {  	s1 =	srdreg.scid  }
0x8b: {  	s0 =	sand.u32 $0x1, s1  }
0x8c: {  	s16 =	sshll.u32 s0, $0xA;
	s2 =	sadd.s32 s3, s2  }
0x8d: {  	s2 =	sadd.s32 s2, s16  }
0x8e: {  	[smem:$0x3FB0] =	sst s2  }
0x8f: {  	_ = 	snop  }
0x90: {  	(tm) =	ssettm $0x1  }
0x91: {  	s17 =	sld [smem:$0x3FFB];
	_ =	sdelay $0x3  }
0x92: {  	_ =	strace s17  }
0x93: {  	s2 =	sld [smem:$0x3FFC];
	_ =	sdelay $0x3  }
0x94: {  	_ =	strace s2  }
0x95: {  	s2 =	sld [smem:$0x3FFD];
	_ =	sdelay $0x3  }
0x96: {  	_ =	strace s2  }
0x97: {  	_ =	strace $0x8FFFFFFF  }
0x98: {  	s18 =	sld [smem:$0x3FDB];
	_ =	sdelay $0x1  }
0x99: {  	s19 =	simm.s32 $_scs_section_size  }
0x9a: {  	s4 =	simm.s32 $_size__tile_overlayer_lowered;
	s5 =	simm.s32 $_tile_overlayer_lowered  }
0x9b: {  	s22 =	simm.s32 $0x1BFF;
	s21 =	sshll.u32 s5, $0x1;
	s2 =	sadd.s32 s19, s18  }
0x9c: {  	s6 =	simm.s32 $0x0;
	s20 =	sshll.u32 s4, $0x1;
	s4 =	sadd.s32 s21, s2  }
0x9d: {  	[timem:s6], [sflag:s22] =	dma.local [hbm:s4], s20  }
0x9e: {  	_ =	swait.ge [sflag:s22], s20  }
0x9f: {  	s3 =	ssub.s32 $0x0, s20;
	[sflag:s22] =	ssyncset.done $0x0  }
0xa0: {  	[sflag:s22] =	ssyncadd.s32 s3;
	_ =	sdelay $0x1  }
0xa1: {  	s23 =	simm.s32 $0x1B8B  }
0xa2: {  	_ =	swait.ge [sflag:s23], $0x1  }
0xa3: {  	[sflag:s23] =	ssyncset.done $0x0  }
0xa4: {  	s25 =	simm.s32 $0x1B8E;
	s24 =	sld [smem:$0x3FFE];
	[sflag:s23] =	ssyncadd.s32 $0xFFFFFFFF  }
0xa5: {  	s26 =	simm.s32 $execute0_lowered;
	[smem:$0x3FD2] =	sst s25  }
0xa6: {  	s4 =	sshll.u32 s26, $0x1;
	_ =	strace $0x8000004F;
	[dreg:$0x1] =	wrdreg $0xFFFFFFFF  }
0xa7: {  	s28 =	simm.s32 $_size_execute0_lowered;
	s2 =	sadd.s32 s2, s4;
	[dreg:$0x0] =	wrdreg $0x0  }
0xa8: {  	s4 =	sshll.u32 s28, $0x1;
	[dreg:$0x2] =	wrdreg s2  }
0xa9: {  	[dreg:$0x3] =	wrdreg s4  }
0xaa: {  	[dreg:$0x4] =	wrdreg $0xC0  }
0xab: {  	_ =	task [dreg:s6], $0x5FFFF  }
0xac: {  	[dreg:$0x1] =	wrdreg $0xFFFFFFFF  }
0xad: {  	[dreg:$0x0] =	wrdreg $0x60  }
0xae: {  	[dreg:$0x2] =	wrdreg s24  }
0xaf: {  	[dreg:$0x3] =	wrdreg $0xAA000  }
0xb0: {  	[dreg:$0x4] =	wrdreg $0x9  }
0xb1: {  	_ =	task.clear_ibuf [dreg:s6], $0x5FFFF;
	_ =	strace $0x9000004F  }
0xb2: {  	s29 =	simm.s32 $0x9;
	_ =	strace $0x80000051  }
0xb3: {  	_ =	swait.ge [sflag:s29], $0x1  }
0xb4: {  	[sflag:s29] =	ssyncadd.s32 $0xFFFFFFFF  }
0xb5: {  	_ =	strace $0x90000051  }
0xb6: {  	_ =	sfence  }
0xb7: {  	s30 =	sld [smem:$0x0];
	_ =	sdelay $0x2  }
0xb8: {  	s31 =	sshll.u32 s1, $0xD;
	s1 =	sshrl.u32 s1, $0x2  }
0xb9: {  	s3 =	sand.u32 $0x4000, s31;
	s1 =	sadd.s32 s1, s30  }
0xba: {  	s0 =	sor.u32 s3, s0;
	s1 =	sshll.u32 s1, $0x11  }
0xbb: {  	s0 =	sor.u32 s1, s0  }
0xbc: {  	s0 =	sadd.s32 $0x8F2B, s0  }
0xbd: {  	[sflag:s0] =	ssyncadd.remote.s32 $0x1  }
0xbe: {  	_ =	sfence.sel $0xFFFF  }
0xbf: {  	[dreg:$0x0] =	wrdreg $0xFFFFFFFF;
	(pc) =	sbr.abs _section_cstart, $3  }
0xc0: {  	[dreg:$0x1] =	wrdreg $0xFFFFFFFF  }
0xc1: {  	_ =	task.clear_ibuf [dreg:s6], $0x2FFFF;
	_ =	strace $0x9FFFFFFF  }
0xc2: {  	(tm) =	ssettm $0x7FFFFFFF  }
0xc3: {  	_ =	shalt  }
tec
execute0_lowered:
.L_overlay_start_1:
0x0: {  	(tag) =	ssettag $0x1  }
0x1: {  	s1 =	srdreg.scid  }
0x2: {  	s0 =	stileid.u32;
	s6 =	rddreg [dreg:$0x0]  }
0x3: {  	s2 =	rddreg [dreg:$0x1];
	s3 =	simm.s32 $0x0;
	s13 =	simm.s32 $0x7D  }
0x4: {  	s14 =	simm.s32 $0x2A00;
	s15 =	simm.s32 $0x5;
	s16 =	simm.s32 $0x180  }
0x5: {  	s17 =	simm.s32 $0x80;
	s18 =	simm.s32 $0x6A00;
	s19 =	simm.s32 $0x6  }
0x6: {  	s20 =	simm.s32 $0x7;
	s21 =	simm.s32 $0x3;
	s22 =	simm.s32 $0x100  }
0x7: {  	s23 =	simm.s32 $0x8;
	s28 =	simm.s32 $0x0;
	s7 =	sand.u32 $0x1, s1  }
0x8: {  	s25 =	sshll.u32 s0, $0x1;
	[smem:$0x7FF] =	sst s3;
	s10 =	smul.u32 $0x4F000, s0  }
0x9: {  	s5 =	sadd.s32 $0x43000, s6;
	s31 =	sshll.u32 s0, $0x6;
	s8 =	smul.u32 $0x27800, s7  }
0xa: {  	s4 =	sor.u32 s7, s25;
	s7 =	ssub.s32 $0x2, s7;
	s25 =	smul.u32 $0x2780, s0  }
0xb: {  	_ =	strace $0x80000050;
	s4 =	smul.u32 $0x500, s4;
	s26 =	sshrl.u32 s7, $0x1  }
0xc: {  	s29 =	sshrl.u32 s10, $0x2;
	s11 =	sadd.s32 s8, s6;
	s30 =	ssub.s32 s7, s26  }
.Ltmp0:
0xd: {  	s12 =	sadd.s32 s29, s2;
	s26 =	simm.s32 $0x1;
	(pc) =	sbr.rel .LBB2_1-.Ltmp0, $4  }
0xe: {  	s9 =	sadd.s32 s4, s6;
	s4 =	sadd.s32 $0x1B600, s6;
	s6 =	sor.u32 $0x1C09, s31  }
0xf: {  	s24 =	sadd.s32 $0x45800, s11;
	s10 =	sshrl.u32 s12, $0x3;
	s11 =	simm.s32 $0x9  }
0x10: {  	s12 =	simm.s32 $0x200;
	s7 =	sadd.s32 $0x11600, s9;
	s8 =	sadd.s32 $0x7600, s9  }
0x11: {  	s9 =	smax.u32 s30, $0x1;
	s24 =	sadd.s32 s25, s24;
	s25 =	simm.s32 $0x4  }
.LBB2_8:
0x12: {  	_ =	swait.ge [sflag:s20], $0x3E80  }
0x13: {  	[sflag:s20] =	ssyncset.done $0x0  }
0x14: {  	[sflag:s20] =	ssyncadd.s32 $0xFFFFC180  }
0x15: {  	_ =	swait.ge [sflag:s23], $0x3E80  }
0x16: {  	s28 =	sadd.s32 $0x1, s28;
	[sflag:s23] =	ssyncset.done $0x0  }
0x17: {  	p0 =	sne.s32 s28, s9;
	[sflag:s23] =	ssyncadd.s32 $0xFFFFC180  }
.Ltmp1:
0x18: {  	[bflag:$0x0] =	sbarrier.arrive $0xFFFF;
	(pc) =	sbr.rel @!p0 .LBB2_9-.Ltmp1, $4  }
0x19: {  	[hbm:s24], [sflag:s6] =	dma.local [spmem:s10], $0x2780  }
0x1a: {  	_ =	swait.ge [sflag:s11], $0x2780  }
0x1b: {  	[sflag:s11] =	ssyncset.done $0x0  }
0x1c: {  	[sflag:s11] =	ssyncadd.s32 $0xFFFFD880  }
.LBB2_1:
0x1d: {  	[spmem:s10], [sflag:s6] =	dma.local [hbm:s5], $0x2780  }
0x1e: {  	_ =	swait.ge [sflag:s11], $0x2780  }
0x1f: {  	[sflag:s11] =	ssyncset.done $0x0  }
0x20: {  	[sflag:s11] =	ssyncadd.s32 $0xFFFFD880  }
0x21: {  	[tilespmem:s12], [sflag:$0x9] =	stream.linear.gather [hbm4b:s7+s3], $0x2800, $0x38;
	[tilespmem:$0x1E600] =	vst v63  }
0x22: {  	_ =	swait.ge [sflag:s11], $0x2800  }
0x23: {  	[sflag:s11] =	ssyncset.done $0x0  }
0x24: {  	[sflag:s11] =	ssyncadd.s32 $0xFFFFD800  }
0x25: {  	[tilespmem:s3], [sflag:$0x9] =	stream.linear.gather [hbm4b:s8+s3], $0x180, $0x38;
	[tilespmem:$0x1E600] =	vst v63  }
0x26: {  	_ =	swait.ge [sflag:s11], $0x180  }
0x27: {  	[sflag:s11] =	ssyncset.done $0x0  }
0x28: {  	[sflag:s11] =	ssyncadd.s32 $0xFFFFFE80  }
0x29: {  	s29 =	simm.s32 $0x300;
	s30 =	simm.s32 $0x0;
	[bflag:$0x0] =	sbarrier.arrive $0xFFFF  }
0x2a: {  	[tilespmem:s14], [sflag:$0x5] =	stream.indirect.gather [hbm4b:s4+s13], $0x80, s3, s13, $0xb8;
	[tilespmem:$0x1E600] =	vst v63  }
.LBB2_2:
0x2b: {  	_ =	swait.ge [sflag:s15], $0x3E80  }
0x2c: {  	s31 =	sadd.s32 $0xFFFFFF00, s29;
	[sflag:s15] =	ssyncset.done $0x0  }
0x2d: {  	s0 =	sand.u32 $0x780, s30;
	s1 =	sadd.s32 $0x30, s30;
	[sflag:s15] =	ssyncadd.s32 $0xFFFFC180  }
0x2e: {  	[spmem:s2] =	stream.indirect.scatter.add.f32 [tilespmem:s14], [sflag:$0x7], $0x80, s31, s13, $0xb8;
	[tilespmem:$0x1E600] =	vst v63  }
0x2f: {  	s1 =	sand.u32 $0x70, s1;
	s31 =	sadd.s32 s8, s0  }
0x30: {  	p0 =	seq.s32 s30, $0x0;
	s1 =	sadd.s32 s1, s31  }
0x31: {  	[tilespmem:s16], [sflag:$0x4] =	stream.linear.gather [hbm4b:s1+s3], $0x80, $0x38;
	[tilespmem:$0x1E600] =	vst v63  }
0x32: {  	s1 =	simm.s32 @!p0 $0x8  }
0x33: {  	_ =	swait.ge @!p0 [sflag:s1], $0x3E80  }
0x34: {  	[sflag:s1] =	ssyncset.done @!p0 $0x0  }
0x35: {  	[sflag:s1] =	ssyncadd.s32 @!p0 $0xFFFFC180;
	s1 =	simm.s32 @!p0 $0x2  }
0x36: {  	_ =	swait.ge @!p0 [sflag:s1], $0x80  }
0x37: {  	[sflag:s1] =	ssyncset.done @!p0 $0x0  }
0x38: {  	p1 =	sne.s32 s30, $0x4C0;
	[sflag:s1] =	ssyncadd.s32 @!p0 $0xFFFFFF80  }
0x39: {  	[tilespmem:s18], [sflag:$0x6] =	stream.indirect.gather [hbm4b:s4+s13], $0x80, s17, s13, $0xb8;
	[tilespmem:$0x1E600] =	vst v63  }
.Ltmp2:
0x3a: {  	_ = 	snop;
	(pc) =	sbr.rel @p1 .LBB2_4-.Ltmp2, $4  }
0x3b: {  	_ =	swait.ge [sflag:s19], $0x3E80  }
0x3c: {  	[sflag:s19] =	ssyncset.done $0x0  }
0x3d: {  	s31 =	sadd.s32 $0xFFFFFF80, s29;
	[sflag:s19] =	ssyncadd.s32 $0xFFFFC180  }
0x3e: {  	[spmem:s2] =	stream.indirect.scatter.add.f32 [tilespmem:s18], [sflag:$0x8], $0x80, s31, s13, $0xb8;
	[tilespmem:$0x1E600] =	vst v63  }
.Ltmp3:
0x3f: {  	(pc) =	sbr.rel .LBB2_5-.Ltmp3, $4  }
0x40: {  	_ = 	snop  }
0x41: {  	_ =	swait.ge [sflag:s20], $0x3E80  }
0x42: {  	[sflag:s20] =	ssyncset.done $0x0  }
0x43: {  	[sflag:s20] =	ssyncadd.s32 $0xFFFFC180  }
.LBB2_4:
0x44: {  	s1 =	sadd.s32 s30, s8  }
.Ltmp4:
0x45: {  	s1 =	sadd.s32 $0x40, s1;
	(pc) =	sbr.rel @p0 .LBB2_6-.Ltmp4, $4  }
0x46: {  	[tilespmem:s3], [sflag:$0x1] =	stream.linear.gather [hbm4b:s1+s3], $0x80, $0x38;
	[tilespmem:$0x1E600] =	vst v63  }
0x47: {  	_ =	swait.ge [sflag:s20], $0x3E80  }
0x48: {  	[sflag:s20] =	ssyncset.done $0x0  }
0x49: {  	[sflag:s20] =	ssyncadd.s32 $0xFFFFC180  }
.LBB2_5:
0x4a: {  	_ =	swait.ge [sflag:s21], $0x80  }
0x4b: {  	[sflag:s21] =	ssyncset.done $0x0  }
0x4c: {  	[sflag:s21] =	ssyncadd.s32 $0xFFFFFF80  }
.LBB2_6:
0x4d: {  	[tilespmem:s14], [sflag:$0x5] =	stream.indirect.gather [hbm4b:s4+s13], $0x80, s22, s13, $0xb8;
	[tilespmem:$0x1E600] =	vst v63  }
0x4e: {  	_ =	swait.ge [sflag:s15], $0x3E80  }
0x4f: {  	p0 =	seq.s32 s30, $0x4C0;
	[sflag:s15] =	ssyncset.done $0x0  }
0x50: {  	s1 =	sadd.s32 @!p0 s30, s8;
	[sflag:s15] =	ssyncadd.s32 $0xFFFFC180  }
0x51: {  	[spmem:s2] =	stream.indirect.scatter.add.f32 [tilespmem:s14], [sflag:$0x7], $0x80, s29, s13, $0xb8;
	[tilespmem:$0x1E600] =	vst v63  }
0x52: {  	s31 =	simm.s32 @!p0 $0x0;
	s0 =	simm.s32 @!p0 $0x80;
	s1 =	sadd.s32 @!p0 $0x50, s1  }
0x53: {  	[tilespmem:s0], [sflag:$0x2] =	stream.linear.gather @!p0 [hbm4b:s1+s31], $0x80, $0x38;
	[tilespmem:$0x1E600] =	vst v63  }
0x54: {  	_ =	swait.ge [sflag:s23], $0x3E80  }
0x55: {  	[sflag:s23] =	ssyncset.done $0x0  }
0x56: {  	[sflag:s23] =	ssyncadd.s32 $0xFFFFC180  }
0x57: {  	_ =	swait.ge [sflag:s25], $0x80  }
0x58: {  	[sflag:s25] =	ssyncset.done $0x0  }
0x59: {  	[sflag:s25] =	ssyncadd.s32 $0xFFFFFF80  }
0x5a: {  	[tilespmem:s18], [sflag:$0x6] =	stream.indirect.gather [hbm4b:s4+s13], $0x80, s16, s13, $0xb8;
	[tilespmem:$0x1E600] =	vst v63  }
.Ltmp5:
0x5b: {  	_ = 	snop;
	(pc) =	sbr.rel @p0 .LBB2_8-.Ltmp5, $4  }
0x5c: {  	_ =	swait.ge [sflag:s19], $0x3E80  }
0x5d: {  	[sflag:s19] =	ssyncset.done $0x0  }
0x5e: {  	s31 =	sadd.s32 $0x80, s29;
	[sflag:s19] =	ssyncadd.s32 $0xFFFFC180  }
0x5f: {  	[spmem:s2] =	stream.indirect.scatter.add.f32 [tilespmem:s18], [sflag:$0x8], $0x80, s31, s13, $0xb8;
	[tilespmem:$0x1E600] =	vst v63  }
0x60: {  	s0 =	sadd.s32 s30, s8  }
0x61: {  	s0 =	sadd.s32 $0x60, s0  }
0x62: {  	[tilespmem:s22], [sflag:$0x3] =	stream.linear.gather [hbm4b:s0+s3], $0x80, $0x38;
	[tilespmem:$0x1E600] =	vst v63  }
0x63: {  	_ =	swait.ge [sflag:s20], $0x3E80  }
0x64: {  	[sflag:s20] =	ssyncset.done $0x0  }
.Ltmp6:
0x65: {  	[sflag:s20] =	ssyncadd.s32 $0xFFFFC180;
	(pc) =	sbr.rel .LBB2_2-.Ltmp6, $4  }
0x66: {  	_ =	swait.ge [sflag:s26], $0x80  }
0x67: {  	[sflag:s26] =	ssyncset.done $0x0  }
0x68: {  	s30 =	sadd.s32 $0x40, s30;
	s29 =	sadd.s32 $0x200, s29;
	[sflag:s26] =	ssyncadd.s32 $0xFFFFFF80  }
0x69: {  	[tilespmem:s14], [sflag:$0x5] =	stream.indirect.gather [hbm4b:s4+s13], $0x80, s3, s13, $0xb8;
	[tilespmem:$0x1E600] =	vst v63  }
.LBB2_9:
0x6a: {  	_ =	sfence.sel $0x180000  }
0x6b: {  	[bflag:$0x0] =	sbarrier.arrive $0xFFFF  }
0x6c: {  	_ =	strace $0x90000050  }
0x6d: {  	s0 =	stileid.u32;
	[bflag:$0x2] =	sbarrier.arrive $0xFFFF  }
0x6e: {  	p0 =	sne.s32 s0, $0x0;
	s0 =	rddreg [dreg:$0x2]  }
0x6f: {  	s0 =	sadd.s32 @!p0 $0x100000, s0  }
0x70: {  	[sflag:s0] =	ssyncadd.tile.s32 @!p0 $0x1;
	_ =	shalt  }
.Lfunc_end2:
_tile_overlayer_lowered:
.L_overlay_start_2:
0x71: {  	(tag) =	ssettag $0x2  }
0x72: {  	s0 =	rddreg [dreg:$0x0];
	s2 =	stileid.u32  }
0x73: {  	s1 =	rddreg [dreg:$0x1];
	p0 =	sne.s32 s2, $0x0  }
0x74: {  	s3 =	rddreg [dreg:$0x2];
	[bflag:$0x3] =	sbarrier.arrive $0xFFFF;
	s2 =	simm.s32 @!p0 $0x1C09  }
0x75: {  	[timem:s3], [sflag:s2] =	dma.local @!p0 [hbm:s0], s1  }
0x76: {  	s0 =	simm.s32 @!p0 $0x9  }
0x77: {  	_ =	swait.ge @!p0 [sflag:s0], s1  }
0x78: {  	s1 =	ssub.s32 @!p0 $0x0, s1;
	[sflag:s0] =	ssyncset.done @!p0 $0x0  }
0x79: {  	[sflag:s0] =	ssyncadd.s32 @!p0 s1  }
0x7a: {  	[bflag:$0x3] =	sbarrier.arrive $0xFFFF  }
0x7b: {  	_ =	shalt  }

// kernel: kernel.25.cloned.1.call-start
scs
__scs_entry_jumppad:
0x0: {  	(pc) =	sbr.rel $0x88, $3  }
0x1: {  	(tag) =	ssettag $0x0;
	lr =	simm.s32 $0x1  }
0x2: {  	[smem:$0x3F89] =	sst lr;
	_ =	strace $0xD0000000  }
0x3: {  	_ = 	snop  }
0x4: {  	_ = 	snop  }
0x5: {  	_ = 	snop  }
0x6: {  	_ = 	snop  }
0x7: {  	_ = 	snop  }
__scs_overlays_trampoline_lowered:
0x8: {  	[smem:$0x3F98] =	sst s0  }
0x9: {  	[smem:$0x3F99] =	sst s1  }
0xa: {  	[smem:$0x3F9A] =	sst s2  }
0xb: {  	[smem:$0x3F9B] =	sst s3  }
0xc: {  	[smem:$0x3F9C] =	sst s4  }
0xd: {  	[smem:$0x3F9D] =	sst s5  }
0xe: {  	[smem:$0x3F9E] =	sst s6  }
0xf: {  	[smem:$0x3F9F] =	sst s7  }
0x10: {  	[smem:$0x3FA0] =	sst s8  }
0x11: {  	[smem:$0x3FA1] =	sst s9;
	s0 =	simm.s32 @!p0 $0x0  }
0x12: {  	s1 =	sld [smem:$0x3F87];
	s0 =	simm.s32 @p0 $0x1  }
0x13: {  	[smem:$0x3FA2] =	sst s0;
	s0 =	simm.s32 @!p1 $0x0  }
0x14: {  	s2 =	sld [smem:$0x3F86];
	s0 =	simm.s32 @p1 $0x1  }
0x15: {  	[smem:$0x3FA3] =	sst s0;
	s0 =	simm.s32 @!p2 $0x0  }
0x16: {  	s3 =	sld [smem:$0x3FDB];
	s0 =	simm.s32 @p2 $0x1  }
0x17: {  	s4 =	simm.s32 $0x1BF5;
	[smem:$0x3FA5] =	sst s0  }
0x18: {  	s0 =	sld [smem:$0x3F88];
	_ =	swait.ge [sflag:s4], $0x0  }
0x19: {  	s7 =	sld [smem:$0x3F89]  }
0x1a: {  	s8 =	sadd.s32 $0xFFFFE003, lr  }
0x1b: {  	s9 =	sadd.s32 $0xFFFFFEF7, lr;
	s5 =	simm.s32 $0xFFFFFFFF;
	p2 =	slt.u32 s8, $0xFFFFF086  }
0x1c: {  	p1 =	slt.u32 s9, $0xF7A;
	s5 =	simm.s32 @!p2 $0x0  }
0x1d: {  	s5 =	simm.s32 @p1 $0x1;
	p0 =	seq.s32 s7, s2  }
0x1e: {  	s7 =	smul.u32 @!p0 $0xF7A, s2;
	p2 =	seq.s32 @!p0 s5, $0x0  }
0x1f: {  	s9 =	smul.u32 $0xF7A, s1;
	s8 =	simm.s32 @!p0 $0x1BF5;
	p2 =	por !p2, p0  }
0x20: {  	[sflag:s8] =	ssyncset.s32 @!p0 $0xFFFFF086;
	s6 =	sadd.s32 @!p0 s3, s7;
	s7 =	simm.s32 @!p0 $0x108  }
0x21: {  	s3 =	sadd.s32 s3, s9;
	s6 =	sadd.s32 @!p0 $0x88, s6;
	s7 =	simm.s32 @p2 $0x1082  }
0x22: {  	[simem:s7], [sflag:s8] =	dma.local @!p0 [hbm:s6], $0xF7A  }
0x23: {  	s9 =	sor.u32 $0xD0000000, s2;
	s6 =	simm.s32 $0x108;
	_ =	swait.ge @!p0 [sflag:s8], $0x0  }
0x24: {  	s3 =	sadd.s32 $0x88, s3;
	s6 =	simm.s32 @!p1 $0x1082;
	[sflag:s4] =	ssyncset.s32 $0xFFFFF086  }
0x25: {  	[simem:s6], [sflag:s4] =	dma.local [hbm:s3], $0xF7A  }
0x26: {  	[smem:$0x3F89] =	sst s1;
	(tag) =	ssettag s2;
	_ =	strace s9  }
0x27: {  	s1 =	sld [smem:$0x3F99]  }
0x28: {  	s2 =	sld [smem:$0x3F9A]  }
0x29: {  	s4 =	sld [smem:$0x3F9C]  }
0x2a: {  	p0 =	seq.s32 s5, $0x0;
	s5 =	sld [smem:$0x3F9D]  }
0x2b: {  	s6 =	sld [smem:$0x3F9E]  }
0x2c: {  	s7 =	sld [smem:$0x3F9F]  }
0x2d: {  	s3 =	simm.s32 $0x108;
	s8 =	sld [smem:$0x3FA0]  }
0x2e: {  	s3 =	simm.s32 @!p0 $0x1082;
	s9 =	sld [smem:$0x3FA1]  }
0x2f: {  	lr =	sadd.s32 s0, s3;
	s0 =	sld [smem:$0x3F98]  }
0x30: {  	s3 =	sld [smem:$0x3F9B]  }
0x31: {  	[smem:$0x3FA4] =	sst s10  }
0x32: {  	s10 =	sld [smem:$0x3FA2];
	_ =	sdelay $0x3  }
0x33: {  	p0 =	seq.s32 s10, $0x1;
	s10 =	sld [smem:$0x3FA4];
	_ =	sdelay $0x3  }
0x34: {  	[smem:$0x3FA4] =	sst s10  }
0x35: {  	s10 =	sld [smem:$0x3FA3];
	_ =	sdelay $0x3  }
0x36: {  	p1 =	seq.s32 s10, $0x1;
	s10 =	sld [smem:$0x3FA4];
	_ =	sdelay $0x3  }
0x37: {  	[smem:$0x3FA4] =	sst s10  }
0x38: {  	s10 =	sld [smem:$0x3FA5]  }
0x39: {  	_ = 	snop;
	(pc) =	sbr.ind lr, $3  }
0x3a: {  	_ = 	snop  }
0x3b: {  	_ = 	snop  }
0x3c: {  	p2 =	seq.s32 s10, $0x1;
	s10 =	sld [smem:$0x3FA4]  }
0x3d: {  	_ =	shalt  }
0x3e: {  	_ =	shalt  }
0x3f: {  	_ =	shalt  }
0x40: {  	_ =	shalt  }
0x41: {  	_ =	shalt  }
0x42: {  	_ =	shalt  }
0x43: {  	_ =	shalt  }
0x44: {  	_ =	shalt  }
0x45: {  	_ =	shalt  }
0x46: {  	_ =	shalt  }
0x47: {  	_ =	shalt  }
0x48: {  	_ =	shalt  }
0x49: {  	_ =	shalt  }
0x4a: {  	_ =	shalt  }
0x4b: {  	_ =	shalt  }
0x4c: {  	_ =	shalt  }
0x4d: {  	_ =	shalt  }
0x4e: {  	_ =	shalt  }
0x4f: {  	_ =	shalt  }
0x50: {  	_ =	shalt  }
0x51: {  	_ =	shalt  }
0x52: {  	_ =	shalt  }
0x53: {  	_ =	shalt  }
0x54: {  	_ =	shalt  }
0x55: {  	_ =	shalt  }
0x56: {  	_ =	shalt  }
0x57: {  	_ =	shalt  }
0x58: {  	_ =	shalt  }
0x59: {  	_ =	shalt  }
0x5a: {  	_ =	shalt  }
0x5b: {  	_ =	shalt  }
0x5c: {  	_ =	shalt  }
0x5d: {  	_ =	shalt  }
0x5e: {  	_ =	shalt  }
0x5f: {  	_ =	shalt  }
0x60: {  	_ =	shalt  }
0x61: {  	_ =	shalt  }
0x62: {  	_ =	shalt  }
0x63: {  	_ =	shalt  }
0x64: {  	_ =	shalt  }
0x65: {  	_ =	shalt  }
0x66: {  	_ =	shalt  }
0x67: {  	_ =	shalt  }
0x68: {  	_ =	shalt  }
0x69: {  	_ =	shalt  }
0x6a: {  	_ =	shalt  }
0x6b: {  	_ =	shalt  }
0x6c: {  	_ =	shalt  }
0x6d: {  	_ =	shalt  }
0x6e: {  	_ =	shalt  }
0x6f: {  	_ =	shalt  }
0x70: {  	_ =	shalt  }
0x71: {  	_ =	shalt  }
0x72: {  	_ =	shalt  }
0x73: {  	_ =	shalt  }
0x74: {  	_ =	shalt  }
0x75: {  	_ =	shalt  }
0x76: {  	_ =	shalt  }
0x77: {  	_ =	shalt  }
0x78: {  	_ =	shalt  }
0x79: {  	_ =	shalt  }
0x7a: {  	_ =	shalt  }
0x7b: {  	_ =	shalt  }
0x7c: {  	_ =	shalt  }
0x7d: {  	_ =	shalt  }
0x7e: {  	_ =	shalt  }
0x7f: {  	_ =	shalt  }
0x80: {  	_ =	shalt  }
0x81: {  	_ =	shalt  }
0x82: {  	_ =	shalt  }
0x83: {  	_ =	shalt  }
0x84: {  	_ =	shalt  }
0x85: {  	_ =	shalt  }
0x86: {  	_ =	shalt  }
0x87: {  	_ =	shalt  }
.Lfunc_end0:
.L_simem_size_0:
called_computation.4_lowered:
.L_overlay_start_0:
0x88: {  	s2 =	sld [smem:$0x3FD9]  }
0x89: {  	s3 =	sld [smem:$0x3FFE];
	_ =	sdelay $0x1  }
0x8a: {  	s1 =	srdreg.scid  }
0x8b: {  	s0 =	sand.u32 $0x1, s1  }
0x8c: {  	s16 =	sshll.u32 s0, $0xA;
	s2 =	sadd.s32 s3, s2  }
0x8d: {  	s2 =	sadd.s32 s2, s16  }
0x8e: {  	[smem:$0x3FB0] =	sst s2  }
0x8f: {  	_ = 	snop  }
0x90: {  	(tm) =	ssettm $0x1  }
0x91: {  	s17 =	sld [smem:$0x3FFB];
	_ =	sdelay $0x3  }
0x92: {  	_ =	strace s17  }
0x93: {  	s2 =	sld [smem:$0x3FFC];
	_ =	sdelay $0x3  }
0x94: {  	_ =	strace s2  }
0x95: {  	s2 =	sld [smem:$0x3FFD];
	_ =	sdelay $0x3  }
0x96: {  	_ =	strace s2  }
0x97: {  	_ =	strace $0x8FFFFFFF  }
0x98: {  	s18 =	sld [smem:$0x3FDB];
	_ =	sdelay $0x1  }
0x99: {  	s19 =	simm.s32 $_scs_section_size  }
0x9a: {  	s4 =	simm.s32 $_size__tile_overlayer_lowered;
	s5 =	simm.s32 $_tile_overlayer_lowered  }
0x9b: {  	s22 =	simm.s32 $0x1BFF;
	s21 =	sshll.u32 s5, $0x1;
	s2 =	sadd.s32 s19, s18  }
0x9c: {  	s6 =	simm.s32 $0x0;
	s20 =	sshll.u32 s4, $0x1;
	s4 =	sadd.s32 s21, s2  }
0x9d: {  	[timem:s6], [sflag:s22] =	dma.local [hbm:s4], s20  }
0x9e: {  	_ =	swait.ge [sflag:s22], s20  }
0x9f: {  	s3 =	ssub.s32 $0x0, s20;
	[sflag:s22] =	ssyncset.done $0x0  }
0xa0: {  	[sflag:s22] =	ssyncadd.s32 s3;
	_ =	sdelay $0x1  }
0xa1: {  	s23 =	simm.s32 $0x1B8B  }
0xa2: {  	_ =	swait.ge [sflag:s23], $0x1  }
0xa3: {  	[sflag:s23] =	ssyncset.done $0x0  }
0xa4: {  	s25 =	simm.s32 $0x1B8E;
	s24 =	sld [smem:$0x3FFE];
	[sflag:s23] =	ssyncadd.s32 $0xFFFFFFFF  }
0xa5: {  	s26 =	simm.s32 $execute0_lowered;
	[smem:$0x3FD2] =	sst s25  }
0xa6: {  	s4 =	sshll.u32 s26, $0x1;
	_ =	strace $0x80000052;
	[dreg:$0x1] =	wrdreg $0xFFFFFFFF  }
0xa7: {  	s28 =	simm.s32 $_size_execute0_lowered;
	s2 =	sadd.s32 s2, s4;
	[dreg:$0x0] =	wrdreg $0x0  }
0xa8: {  	s4 =	sshll.u32 s28, $0x1;
	[dreg:$0x2] =	wrdreg s2  }
0xa9: {  	[dreg:$0x3] =	wrdreg s4  }
0xaa: {  	[dreg:$0x4] =	wrdreg $0xC0  }
0xab: {  	_ =	task [dreg:s6], $0x5FFFF  }
0xac: {  	[dreg:$0x1] =	wrdreg $0xFFFFFFFF  }
0xad: {  	[dreg:$0x0] =	wrdreg $0x60  }
0xae: {  	[dreg:$0x2] =	wrdreg s24  }
0xaf: {  	[dreg:$0x3] =	wrdreg $0xAA000  }
0xb0: {  	[dreg:$0x4] =	wrdreg $0x9  }
0xb1: {  	_ =	task.clear_ibuf [dreg:s6], $0x5FFFF;
	_ =	strace $0x90000052  }
0xb2: {  	s29 =	simm.s32 $0x9;
	_ =	strace $0x80000054  }
0xb3: {  	_ =	swait.ge [sflag:s29], $0x1  }
0xb4: {  	[sflag:s29] =	ssyncadd.s32 $0xFFFFFFFF  }
0xb5: {  	_ =	strace $0x90000054  }
0xb6: {  	_ =	sfence  }
0xb7: {  	s30 =	sld [smem:$0x0];
	_ =	sdelay $0x2  }
0xb8: {  	s31 =	sshll.u32 s1, $0xD;
	s1 =	sshrl.u32 s1, $0x2  }
0xb9: {  	s3 =	sand.u32 $0x4000, s31;
	s1 =	sadd.s32 s1, s30  }
0xba: {  	s0 =	sor.u32 s3, s0;
	s1 =	sshll.u32 s1, $0x11  }
0xbb: {  	s0 =	sor.u32 s1, s0  }
0xbc: {  	s0 =	sadd.s32 $0x8F2B, s0  }
0xbd: {  	[sflag:s0] =	ssyncadd.remote.s32 $0x1  }
0xbe: {  	_ =	sfence.sel $0xFFFF  }
0xbf: {  	[dreg:$0x0] =	wrdreg $0xFFFFFFFF;
	(pc) =	sbr.abs _section_cstart, $3  }
0xc0: {  	[dreg:$0x1] =	wrdreg $0xFFFFFFFF  }
0xc1: {  	_ =	task.clear_ibuf [dreg:s6], $0x2FFFF;
	_ =	strace $0x9FFFFFFF  }
0xc2: {  	(tm) =	ssettm $0x7FFFFFFF  }
0xc3: {  	_ =	shalt  }
tec
execute0_lowered:
.L_overlay_start_1:
0x0: {  	(tag) =	ssettag $0x1  }
0x1: {  	s1 =	srdreg.scid  }
0x2: {  	s0 =	stileid.u32;
	s6 =	rddreg [dreg:$0x0]  }
0x3: {  	s2 =	rddreg [dreg:$0x1];
	s3 =	simm.s32 $0x0;
	s13 =	simm.s32 $0x7D  }
0x4: {  	s14 =	simm.s32 $0x2A00;
	s15 =	simm.s32 $0x5;
	s16 =	simm.s32 $0x180  }
0x5: {  	s17 =	simm.s32 $0x80;
	s18 =	simm.s32 $0x6A00;
	s19 =	simm.s32 $0x6  }
0x6: {  	s20 =	simm.s32 $0x7;
	s21 =	simm.s32 $0x3;
	s22 =	simm.s32 $0x100  }
0x7: {  	s23 =	simm.s32 $0x8;
	s28 =	simm.s32 $0x0;
	s7 =	sand.u32 $0x1, s1  }
0x8: {  	s25 =	sshll.u32 s0, $0x1;
	[smem:$0x7FF] =	sst s3;
	s10 =	smul.u32 $0x4F000, s0  }
0x9: {  	s5 =	sadd.s32 $0x43000, s6;
	s31 =	sshll.u32 s0, $0x6;
	s8 =	smul.u32 $0x27800, s7  }
0xa: {  	s4 =	sor.u32 s7, s25;
	s7 =	ssub.s32 $0x2, s7;
	s25 =	smul.u32 $0x2780, s0  }
0xb: {  	_ =	strace $0x80000053;
	s4 =	smul.u32 $0x500, s4;
	s26 =	sshrl.u32 s7, $0x1  }
0xc: {  	s29 =	sshrl.u32 s10, $0x2;
	s11 =	sadd.s32 s8, s6;
	s30 =	ssub.s32 s7, s26  }
.Ltmp0:
0xd: {  	s12 =	sadd.s32 s29, s2;
	s26 =	simm.s32 $0x1;
	(pc) =	sbr.rel .LBB2_1-.Ltmp0, $4  }
0xe: {  	s9 =	sadd.s32 s4, s6;
	s4 =	sadd.s32 $0x1B600, s6;
	s6 =	sor.u32 $0x1C09, s31  }
0xf: {  	s24 =	sadd.s32 $0x45800, s11;
	s10 =	sshrl.u32 s12, $0x3;
	s11 =	simm.s32 $0x9  }
0x10: {  	s12 =	simm.s32 $0x200;
	s7 =	sadd.s32 $0x11600, s9;
	s8 =	sadd.s32 $0x7600, s9  }
0x11: {  	s9 =	smax.u32 s30, $0x1;
	s24 =	sadd.s32 s25, s24;
	s25 =	simm.s32 $0x4  }
.LBB2_8:
0x12: {  	_ =	swait.ge [sflag:s20], $0x3E80  }
0x13: {  	[sflag:s20] =	ssyncset.done $0x0  }
0x14: {  	[sflag:s20] =	ssyncadd.s32 $0xFFFFC180  }
0x15: {  	_ =	swait.ge [sflag:s23], $0x3E80  }
0x16: {  	s28 =	sadd.s32 $0x1, s28;
	[sflag:s23] =	ssyncset.done $0x0  }
0x17: {  	p0 =	sne.s32 s28, s9;
	[sflag:s23] =	ssyncadd.s32 $0xFFFFC180  }
.Ltmp1:
0x18: {  	[bflag:$0x0] =	sbarrier.arrive $0xFFFF;
	(pc) =	sbr.rel @!p0 .LBB2_9-.Ltmp1, $4  }
0x19: {  	[hbm:s24], [sflag:s6] =	dma.local [spmem:s10], $0x2780  }
0x1a: {  	_ =	swait.ge [sflag:s11], $0x2780  }
0x1b: {  	[sflag:s11] =	ssyncset.done $0x0  }
0x1c: {  	[sflag:s11] =	ssyncadd.s32 $0xFFFFD880  }
.LBB2_1:
0x1d: {  	[spmem:s10], [sflag:s6] =	dma.local [hbm:s5], $0x2780  }
0x1e: {  	_ =	swait.ge [sflag:s11], $0x2780  }
0x1f: {  	[sflag:s11] =	ssyncset.done $0x0  }
0x20: {  	[sflag:s11] =	ssyncadd.s32 $0xFFFFD880  }
0x21: {  	[tilespmem:s12], [sflag:$0x9] =	stream.linear.gather [hbm4b:s7+s3], $0x2800, $0x38;
	[tilespmem:$0x1E600] =	vst v63  }
0x22: {  	_ =	swait.ge [sflag:s11], $0x2800  }
0x23: {  	[sflag:s11] =	ssyncset.done $0x0  }
0x24: {  	[sflag:s11] =	ssyncadd.s32 $0xFFFFD800  }
0x25: {  	[tilespmem:s3], [sflag:$0x9] =	stream.linear.gather [hbm4b:s8+s3], $0x180, $0x38;
	[tilespmem:$0x1E600] =	vst v63  }
0x26: {  	_ =	swait.ge [sflag:s11], $0x180  }
0x27: {  	[sflag:s11] =	ssyncset.done $0x0  }
0x28: {  	[sflag:s11] =	ssyncadd.s32 $0xFFFFFE80  }
0x29: {  	s29 =	simm.s32 $0x300;
	s30 =	simm.s32 $0x0;
	[bflag:$0x0] =	sbarrier.arrive $0xFFFF  }
0x2a: {  	[tilespmem:s14], [sflag:$0x5] =	stream.indirect.gather [hbm4b:s4+s13], $0x80, s3, s13, $0xb8;
	[tilespmem:$0x1E600] =	vst v63  }
.LBB2_2:
0x2b: {  	_ =	swait.ge [sflag:s15], $0x3E80  }
0x2c: {  	s31 =	sadd.s32 $0xFFFFFF00, s29;
	[sflag:s15] =	ssyncset.done $0x0  }
0x2d: {  	s0 =	sand.u32 $0x780, s30;
	s1 =	sadd.s32 $0x30, s30;
	[sflag:s15] =	ssyncadd.s32 $0xFFFFC180  }
0x2e: {  	[spmem:s2] =	stream.indirect.scatter.add.f32 [tilespmem:s14], [sflag:$0x7], $0x80, s31, s13, $0xb8;
	[tilespmem:$0x1E600] =	vst v63  }
0x2f: {  	s1 =	sand.u32 $0x70, s1;
	s31 =	sadd.s32 s8, s0  }
0x30: {  	p0 =	seq.s32 s30, $0x0;
	s1 =	sadd.s32 s1, s31  }
0x31: {  	[tilespmem:s16], [sflag:$0x4] =	stream.linear.gather [hbm4b:s1+s3], $0x80, $0x38;
	[tilespmem:$0x1E600] =	vst v63  }
0x32: {  	s1 =	simm.s32 @!p0 $0x8  }
0x33: {  	_ =	swait.ge @!p0 [sflag:s1], $0x3E80  }
0x34: {  	[sflag:s1] =	ssyncset.done @!p0 $0x0  }
0x35: {  	[sflag:s1] =	ssyncadd.s32 @!p0 $0xFFFFC180;
	s1 =	simm.s32 @!p0 $0x2  }
0x36: {  	_ =	swait.ge @!p0 [sflag:s1], $0x80  }
0x37: {  	[sflag:s1] =	ssyncset.done @!p0 $0x0  }
0x38: {  	p1 =	sne.s32 s30, $0x4C0;
	[sflag:s1] =	ssyncadd.s32 @!p0 $0xFFFFFF80  }
0x39: {  	[tilespmem:s18], [sflag:$0x6] =	stream.indirect.gather [hbm4b:s4+s13], $0x80, s17, s13, $0xb8;
	[tilespmem:$0x1E600] =	vst v63  }
.Ltmp2:
0x3a: {  	_ = 	snop;
	(pc) =	sbr.rel @p1 .LBB2_4-.Ltmp2, $4  }
0x3b: {  	_ =	swait.ge [sflag:s19], $0x3E80  }
0x3c: {  	[sflag:s19] =	ssyncset.done $0x0  }
0x3d: {  	s31 =	sadd.s32 $0xFFFFFF80, s29;
	[sflag:s19] =	ssyncadd.s32 $0xFFFFC180  }
0x3e: {  	[spmem:s2] =	stream.indirect.scatter.add.f32 [tilespmem:s18], [sflag:$0x8], $0x80, s31, s13, $0xb8;
	[tilespmem:$0x1E600] =	vst v63  }
.Ltmp3:
0x3f: {  	(pc) =	sbr.rel .LBB2_5-.Ltmp3, $4  }
0x40: {  	_ = 	snop  }
0x41: {  	_ =	swait.ge [sflag:s20], $0x3E80  }
0x42: {  	[sflag:s20] =	ssyncset.done $0x0  }
0x43: {  	[sflag:s20] =	ssyncadd.s32 $0xFFFFC180  }
.LBB2_4:
0x44: {  	s1 =	sadd.s32 s30, s8  }
.Ltmp4:
0x45: {  	s1 =	sadd.s32 $0x40, s1;
	(pc) =	sbr.rel @p0 .LBB2_6-.Ltmp4, $4  }
0x46: {  	[tilespmem:s3], [sflag:$0x1] =	stream.linear.gather [hbm4b:s1+s3], $0x80, $0x38;
	[tilespmem:$0x1E600] =	vst v63  }
0x47: {  	_ =	swait.ge [sflag:s20], $0x3E80  }
0x48: {  	[sflag:s20] =	ssyncset.done $0x0  }
0x49: {  	[sflag:s20] =	ssyncadd.s32 $0xFFFFC180  }
.LBB2_5:
0x4a: {  	_ =	swait.ge [sflag:s21], $0x80  }
0x4b: {  	[sflag:s21] =	ssyncset.done $0x0  }
0x4c: {  	[sflag:s21] =	ssyncadd.s32 $0xFFFFFF80  }
.LBB2_6:
0x4d: {  	[tilespmem:s14], [sflag:$0x5] =	stream.indirect.gather [hbm4b:s4+s13], $0x80, s22, s13, $0xb8;
	[tilespmem:$0x1E600] =	vst v63  }
0x4e: {  	_ =	swait.ge [sflag:s15], $0x3E80  }
0x4f: {  	p0 =	seq.s32 s30, $0x4C0;
	[sflag:s15] =	ssyncset.done $0x0  }
0x50: {  	s1 =	sadd.s32 @!p0 s30, s8;
	[sflag:s15] =	ssyncadd.s32 $0xFFFFC180  }
0x51: {  	[spmem:s2] =	stream.indirect.scatter.add.f32 [tilespmem:s14], [sflag:$0x7], $0x80, s29, s13, $0xb8;
	[tilespmem:$0x1E600] =	vst v63  }
0x52: {  	s31 =	simm.s32 @!p0 $0x0;
	s0 =	simm.s32 @!p0 $0x80;
	s1 =	sadd.s32 @!p0 $0x50, s1  }
0x53: {  	[tilespmem:s0], [sflag:$0x2] =	stream.linear.gather @!p0 [hbm4b:s1+s31], $0x80, $0x38;
	[tilespmem:$0x1E600] =	vst v63  }
0x54: {  	_ =	swait.ge [sflag:s23], $0x3E80  }
0x55: {  	[sflag:s23] =	ssyncset.done $0x0  }
0x56: {  	[sflag:s23] =	ssyncadd.s32 $0xFFFFC180  }
0x57: {  	_ =	swait.ge [sflag:s25], $0x80  }
0x58: {  	[sflag:s25] =	ssyncset.done $0x0  }
0x59: {  	[sflag:s25] =	ssyncadd.s32 $0xFFFFFF80  }
0x5a: {  	[tilespmem:s18], [sflag:$0x6] =	stream.indirect.gather [hbm4b:s4+s13], $0x80, s16, s13, $0xb8;
	[tilespmem:$0x1E600] =	vst v63  }
.Ltmp5:
0x5b: {  	_ = 	snop;
	(pc) =	sbr.rel @p0 .LBB2_8-.Ltmp5, $4  }
0x5c: {  	_ =	swait.ge [sflag:s19], $0x3E80  }
0x5d: {  	[sflag:s19] =	ssyncset.done $0x0  }
0x5e: {  	s31 =	sadd.s32 $0x80, s29;
	[sflag:s19] =	ssyncadd.s32 $0xFFFFC180  }
0x5f: {  	[spmem:s2] =	stream.indirect.scatter.add.f32 [tilespmem:s18], [sflag:$0x8], $0x80, s31, s13, $0xb8;
	[tilespmem:$0x1E600] =	vst v63  }
0x60: {  	s0 =	sadd.s32 s30, s8  }
0x61: {  	s0 =	sadd.s32 $0x60, s0  }
0x62: {  	[tilespmem:s22], [sflag:$0x3] =	stream.linear.gather [hbm4b:s0+s3], $0x80, $0x38;
	[tilespmem:$0x1E600] =	vst v63  }
0x63: {  	_ =	swait.ge [sflag:s20], $0x3E80  }
0x64: {  	[sflag:s20] =	ssyncset.done $0x0  }
.Ltmp6:
0x65: {  	[sflag:s20] =	ssyncadd.s32 $0xFFFFC180;
	(pc) =	sbr.rel .LBB2_2-.Ltmp6, $4  }
0x66: {  	_ =	swait.ge [sflag:s26], $0x80  }
0x67: {  	[sflag:s26] =	ssyncset.done $0x0  }
0x68: {  	s30 =	sadd.s32 $0x40, s30;
	s29 =	sadd.s32 $0x200, s29;
	[sflag:s26] =	ssyncadd.s32 $0xFFFFFF80  }
0x69: {  	[tilespmem:s14], [sflag:$0x5] =	stream.indirect.gather [hbm4b:s4+s13], $0x80, s3, s13, $0xb8;
	[tilespmem:$0x1E600] =	vst v63  }
.LBB2_9:
0x6a: {  	_ =	sfence.sel $0x180000  }
0x6b: {  	[bflag:$0x0] =	sbarrier.arrive $0xFFFF  }
0x6c: {  	_ =	strace $0x90000053  }
0x6d: {  	s0 =	stileid.u32;
	[bflag:$0x2] =	sbarrier.arrive $0xFFFF  }
0x6e: {  	p0 =	sne.s32 s0, $0x0;
	s0 =	rddreg [dreg:$0x2]  }
0x6f: {  	s0 =	sadd.s32 @!p0 $0x100000, s0  }
0x70: {  	[sflag:s0] =	ssyncadd.tile.s32 @!p0 $0x1;
	_ =	shalt  }
.Lfunc_end2:
_tile_overlayer_lowered:
.L_overlay_start_2:
0x71: {  	(tag) =	ssettag $0x2  }
0x72: {  	s0 =	rddreg [dreg:$0x0];
	s2 =	stileid.u32  }
0x73: {  	s1 =	rddreg [dreg:$0x1];
	p0 =	sne.s32 s2, $0x0  }
0x74: {  	s3 =	rddreg [dreg:$0x2];
	[bflag:$0x3] =	sbarrier.arrive $0xFFFF;
	s2 =	simm.s32 @!p0 $0x1C09  }
0x75: {  	[timem:s3], [sflag:s2] =	dma.local @!p0 [hbm:s0], s1  }
0x76: {  	s0 =	simm.s32 @!p0 $0x9  }
0x77: {  	_ =	swait.ge @!p0 [sflag:s0], s1  }
0x78: {  	s1 =	ssub.s32 @!p0 $0x0, s1;
	[sflag:s0] =	ssyncset.done @!p0 $0x0  }
0x79: {  	[sflag:s0] =	ssyncadd.s32 @!p0 s1  }
0x7a: {  	[bflag:$0x3] =	sbarrier.arrive $0xFFFF  }
0x7b: {  	_ =	shalt  }

</sc_bundles>
